<compile_context>
chip_gen: v7x
topology: tpu7x:2x2x1
jax: 0.10.2.dev20260603
libtpu: 0.0.44.dev20260713+nightly
codegen_flags: <defaults>
</compile_context>

<pallas_src>
import functools

import jax
import jax.numpy as jnp
from jax import lax
from jax.experimental import pallas as pl
from jax.experimental.pallas import tpu as pltpu
from jax.experimental.pallas import tpu_sc as plsc

N = 100000
E = 6400000
NC, NS = 2, 16
NW = NC * NS
NP = 100352
PW = NP // NW
SW = NP // NS
EW = E // NW
C = 2000
K = EW // C
FP = 8

_CP = pltpu.CompilerParams(use_tc_tiling_on_sc=False, needs_layout_passes=False)


def _mesh():
  return plsc.VectorSubcoreMesh(core_axis_name="c", subcore_axis_name="s")


def _wid():
  return lax.axis_index("s") * NC + lax.axis_index("c")


def _rsqrt(d):
  y = plsc.bitcast(
      jnp.int32(0x5F3759DF)
      - lax.shift_right_logical(plsc.bitcast(d, jnp.int32), 1),
      jnp.float32,
  )
  for _ in range(3):
    y = y * (1.5 - 0.5 * d * y * y)
  return y


def _tanh(o):
  e = jnp.exp(2.0 * o)
  return 1.0 - 2.0 / (e + 1.0)


@functools.lru_cache(None)
def _edge_call():

  @functools.partial(
      pl.kernel,
      out_type=jax.ShapeDtypeStruct((NC, NP, FP), jnp.float32),
      mesh=_mesh(),
      compiler_params=_CP,
      scratch_types=[
          pltpu.VMEM_SHARED((NP, FP), jnp.float32),
          pltpu.VMEM((C,), jnp.int32),
          pltpu.VMEM((C,), jnp.int32),
          pltpu.VMEM((C,), jnp.int32),
          pltpu.VMEM((C,), jnp.int32),
          pltpu.VMEM((C, FP), jnp.float32),
          pltpu.VMEM((C, FP), jnp.float32),
          pltpu.SemaphoreType.DMA,
          pltpu.SemaphoreType.DMA,
          pltpu.SemaphoreType.DMA,
      ],
  )
  def edge_kernel(u_hbm, src_hbm, dst_hbm, z_hbm, out_hbm,
                  accsh, sbuf0, sbuf1, dbuf0, dbuf1, rows0, rows1,
                  gsem, ssem0, ssem1):
    c = lax.axis_index("c")
    s = lax.axis_index("s")
    w = s * NC + c
    r0 = s * SW
    pltpu.sync_copy(z_hbm.at[pl.ds(r0, SW)], accsh.at[pl.ds(r0, SW)])
    plsc.subcore_barrier()
    base = w * EW
    bufs = ((sbuf0, dbuf0, rows0, ssem0), (sbuf1, dbuf1, rows1, ssem1))

    @pl.loop(0, K, step=2)
    def _chunk(k):
      for b, (sb, db, rows, ssem) in enumerate(bufs):
        @pl.when(k >= 2)
        def _():
          pltpu.make_async_copy(rows, accsh.at[db], ssem).wait()
        off = base + (k + b) * C
        pltpu.sync_copy(src_hbm.at[pl.ds(off, C)], sb)
        pltpu.sync_copy(dst_hbm.at[pl.ds(off, C)], db)
        pltpu.async_copy(u_hbm.at[sb], rows, gsem).wait()
        pltpu.async_copy(rows, accsh.at[db], ssem, add=True)

    for (sb, db, rows, ssem) in bufs:
      pltpu.make_async_copy(rows, accsh.at[db], ssem).wait()
    plsc.subcore_barrier()
    pltpu.sync_copy(accsh.at[pl.ds(r0, SW)], out_hbm.at[c, pl.ds(r0, SW)])

  return edge_kernel


@functools.lru_cache(None)
def _deg_call():

  @functools.partial(
      pl.kernel,
      out_type=jax.ShapeDtypeStruct((NC, NP, FP), jnp.float32),
      mesh=_mesh(),
      compiler_params=_CP,
      scratch_types=[
          pltpu.VMEM_SHARED((NP, FP), jnp.float32),
          pltpu.VMEM((C,), jnp.int32),
          pltpu.VMEM((C,), jnp.int32),
          pltpu.VMEM((C, FP), jnp.float32),
          pltpu.SemaphoreType.DMA,
          pltpu.SemaphoreType.DMA,
      ],
  )
  def deg_kernel(ones_hbm, dst_hbm, z_hbm, out_hbm,
                 accsh, dbuf0, dbuf1, ones, ssem0, ssem1):
    c = lax.axis_index("c")
    s = lax.axis_index("s")
    w = s * NC + c
    r0 = s * SW
    pltpu.sync_copy(z_hbm.at[pl.ds(r0, SW)], accsh.at[pl.ds(r0, SW)])
    pltpu.sync_copy(ones_hbm.at[pl.ds(0, C)], ones)
    plsc.subcore_barrier()
    base = w * EW
    bufs = ((dbuf0, ssem0), (dbuf1, ssem1))

    @pl.loop(0, K, step=2)
    def _chunk(k):
      for b, (db, ssem) in enumerate(bufs):
        @pl.when(k >= 2)
        def _():
          pltpu.make_async_copy(ones, accsh.at[db], ssem).wait()
        off = base + (k + b) * C
        pltpu.sync_copy(dst_hbm.at[pl.ds(off, C)], db)
        pltpu.async_copy(ones, accsh.at[db], ssem, add=True)

    for (db, ssem) in bufs:
      pltpu.make_async_copy(ones, accsh.at[db], ssem).wait()
    plsc.subcore_barrier()
    pltpu.sync_copy(accsh.at[pl.ds(r0, SW)], out_hbm.at[c, pl.ds(r0, SW)])

  return deg_kernel


@functools.lru_cache(None)
def _glue0_call():

  @functools.partial(
      pl.kernel,
      out_type=(jax.ShapeDtypeStruct((NP,), jnp.float32),
                jax.ShapeDtypeStruct((NP * FP,), jnp.float32)),
      mesh=_mesh(),
      compiler_params=_CP,
      scratch_types=[
          pltpu.VMEM((FP * PW,), jnp.float32),
          pltpu.VMEM((FP * PW,), jnp.float32),
          pltpu.VMEM((2 * PW,), jnp.float32),
          pltpu.VMEM((PW,), jnp.float32),
          pltpu.VMEM((FP * PW,), jnp.float32),
          pltpu.VMEM((16,), jnp.float32),
      ],
  )
  def glue0(part_hbm, x_hbm, w_hbm, dis_hbm, u_hbm, p0b, p1b, xb, db, ub, wv):
    w = _wid()
    nb = w * PW
    pltpu.sync_copy(part_hbm.at[0, pl.ds(FP * nb, FP * PW)], p0b)
    pltpu.sync_copy(part_hbm.at[1, pl.ds(FP * nb, FP * PW)], p1b)
    pltpu.sync_copy(x_hbm.at[pl.ds(2 * nb, 2 * PW)], xb)
    pltpu.sync_copy(w_hbm, wv)
    iota = lax.iota(jnp.int32, 16)
    col = lax.bitwise_and(iota, FP - 1)
    w0t = plsc.load_gather(wv, [col])
    w1t = plsc.load_gather(wv, [col + FP])

    @pl.loop(0, PW // 16)
    def _i(i):
      d = (plsc.load_gather(p0b, [i * 128 + iota * FP])
           + plsc.load_gather(p1b, [i * 128 + iota * FP]) + 1.0)
      db[pl.ds(i * 16, 16)] = _rsqrt(d)

    @pl.loop(0, PW // 2)
    def _i2(i):
      node = i * 2 + lax.shift_right_logical(iota, 3)
      d = (plsc.load_gather(p0b, [node * FP])
           + plsc.load_gather(p1b, [node * FP]) + 1.0)
      r = _rsqrt(d)
      x0 = plsc.load_gather(xb, [node * 2])
      x1 = plsc.load_gather(xb, [node * 2 + 1])
      ub[pl.ds(i * 16, 16)] = r * (x0 * w0t + x1 * w1t)

    pltpu.sync_copy(db, dis_hbm.at[pl.ds(nb, PW)])
    pltpu.sync_copy(ub, u_hbm.at[pl.ds(FP * nb, FP * PW)])

  return glue0


@functools.lru_cache(None)
def _glueN_call(Fout):
  Fin = 4

  @functools.partial(
      pl.kernel,
      out_type=jax.ShapeDtypeStruct((NP * FP,), jnp.float32),
      mesh=_mesh(),
      compiler_params=_CP,
      scratch_types=[
          pltpu.VMEM((FP * PW,), jnp.float32),
          pltpu.VMEM((FP * PW,), jnp.float32),
          pltpu.VMEM((FP * PW,), jnp.float32),
          pltpu.VMEM((PW,), jnp.float32),
          pltpu.VMEM((32,), jnp.float32),
          pltpu.VMEM((16,), jnp.float32),
      ],
  )
  def glueN(part_hbm, u_hbm, dis_hbm, w_hbm, b_hbm, un_hbm,
            p0b, p1b, ub, db, wv, bv):
    w = _wid()
    nb = w * PW
    fb = FP * nb
    pltpu.sync_copy(part_hbm.at[0, pl.ds(fb, FP * PW)], p0b)
    pltpu.sync_copy(part_hbm.at[1, pl.ds(fb, FP * PW)], p1b)
    pltpu.sync_copy(u_hbm.at[pl.ds(fb, FP * PW)], ub)
    pltpu.sync_copy(dis_hbm.at[pl.ds(nb, PW)], db)
    pltpu.sync_copy(w_hbm, wv)
    pltpu.sync_copy(b_hbm, bv)
    iota = lax.iota(jnp.int32, 16)
    col = lax.bitwise_and(iota, FP - 1)
    lane_node = lax.shift_right_logical(iota, 3)
    bt = plsc.load_gather(bv, [col])
    wkt = [plsc.load_gather(wv, [k * FP + col]) for k in range(Fin)]

    @pl.loop(0, PW // 2)
    def _i(i):
      sl = pl.ds(i * 16, 16)
      s16 = p0b[sl] + p1b[sl] + ub[sl]
      d2 = plsc.load_gather(db, [i * 2 + lane_node])
      h16 = _tanh(d2 * s16 + bt)
      acc = jnp.zeros((16,), jnp.float32)
      for k in range(Fin):
        hk = jnp.take_along_axis(h16, lane_node * FP + k, axis=0)
        acc = acc + hk * wkt[k]
      ub[sl] = d2 * acc

    pltpu.sync_copy(ub, un_hbm.at[pl.ds(fb, FP * PW)])

  return glueN


@functools.lru_cache(None)
def _glueF_call():
  Fo = 2

  @functools.partial(
      pl.kernel,
      out_type=jax.ShapeDtypeStruct((NP * Fo,), jnp.float32),
      mesh=_mesh(),
      compiler_params=_CP,
      scratch_types=[
          pltpu.VMEM((FP * PW,), jnp.float32),
          pltpu.VMEM((FP * PW,), jnp.float32),
          pltpu.VMEM((FP * PW,), jnp.float32),
          pltpu.VMEM((PW,), jnp.float32),
          pltpu.VMEM((Fo * PW,), jnp.float32),
          pltpu.VMEM((16,), jnp.float32),
      ],
  )
  def glueF(part_hbm, u_hbm, dis_hbm, b_hbm, o_hbm, p0b, p1b, ub, db, ob, bv):
    w = _wid()
    nb = w * PW
    fb = FP * nb
    pltpu.sync_copy(part_hbm.at[0, pl.ds(fb, FP * PW)], p0b)
    pltpu.sync_copy(part_hbm.at[1, pl.ds(fb, FP * PW)], p1b)
    pltpu.sync_copy(u_hbm.at[pl.ds(fb, FP * PW)], ub)
    pltpu.sync_copy(dis_hbm.at[pl.ds(nb, PW)], db)
    pltpu.sync_copy(b_hbm, bv)
    iota = lax.iota(jnp.int32, 16)
    bt = plsc.load_gather(bv, [lax.bitwise_and(iota, Fo - 1)])

    @pl.loop(0, Fo * PW // 16)
    def _i(i):
      fidx = ((i * 8 + lax.shift_right_logical(iota, 1)) * FP
              + lax.bitwise_and(iota, Fo - 1))
      s16 = (plsc.load_gather(p0b, [fidx]) + plsc.load_gather(p1b, [fidx])
             + plsc.load_gather(ub, [fidx]))
      d2 = plsc.load_gather(db, [i * 8 + lax.shift_right_logical(iota, 1)])
      ob[pl.ds(i * 16, 16)] = d2 * s16 + bt

    pltpu.sync_copy(ob, o_hbm.at[pl.ds(Fo * nb, Fo * PW)])

  return glueF


def _pad16(a):
  return jnp.zeros((16,), jnp.float32).at[: a.size].set(
      a.reshape(-1).astype(jnp.float32))


def _pad_w(a, rows):
  out = jnp.zeros((rows, FP), jnp.float32)
  return out.at[: a.shape[0], : a.shape[1]].set(
      a.astype(jnp.float32)).reshape(-1)


def kernel(x, edge_index, W1, b1, W2, b2, W3, b3):
  f32 = jnp.float32
  src = edge_index[0].astype(jnp.int32)
  dst = edge_index[1].astype(jnp.int32)
  xp = jnp.zeros((NP, 2), f32).at[:N].set(x.astype(f32)).reshape(-1)
  ones8 = jnp.ones((NP, FP), f32)
  z8 = jnp.zeros((NP, FP), f32)
  w1p = _pad_w(W1, 2)
  w2p, w3p = _pad_w(W2, 4), _pad_w(W3, 4)
  b1p, b2p, b3p = _pad16(b1), _pad16(b2), _pad16(b3)

  edge = _edge_call()
  degp = _deg_call()(ones8, dst, z8)
  dis, u1 = _glue0_call()(degp.reshape(NC, NP * FP), xp, w1p)
  p1_ = edge(u1.reshape(NP, FP), src, dst, z8)
  u2 = _glueN_call(4)(p1_.reshape(NC, NP * FP), u1, dis, w2p, b1p)
  p2_ = edge(u2.reshape(NP, FP), src, dst, z8)
  u3 = _glueN_call(2)(p2_.reshape(NC, NP * FP), u2, dis, w3p, b2p)
  p3_ = edge(u3.reshape(NP, FP), src, dst, z8)
  out = _glueF_call()(p3_.reshape(NC, NP * FP), u3, dis, b3p)
  return out.reshape(NP, 2)[:N]

# --- scband reference (transcript-rebuilt; emitter-appended) ---
"""Pipeline reference for scband-gcn-47287589929768 (READ-ONLY COPY).

The authoritative reference and input builder live on the scoring server;
editing this copy changes nothing except your own understanding.
"""

import jax, jax.numpy as jnp
import numpy as np

N_NODES = 100000
N_EDGES = 6400000


def gcn_conv(x, edge_index, W, b):
    n = x.shape[0]
    src = jnp.concatenate([edge_index[0], jnp.arange(n, dtype=edge_index.dtype)])
    dst = jnp.concatenate([edge_index[1], jnp.arange(n, dtype=edge_index.dtype)])
    # degree computed on destination nodes (with self-loops, weight 1)
    deg = jnp.zeros((n,), dtype=x.dtype).at[dst].add(jnp.ones_like(dst, dtype=x.dtype))
    deg_inv_sqrt = jnp.where(deg > 0, jax.lax.rsqrt(jnp.where(deg > 0, deg, 1.0)), 0.0)
    norm = deg_inv_sqrt[src] * deg_inv_sqrt[dst]
    xw = x @ W
    msg = xw[src] * norm[:, None]
    out = jnp.zeros((n, W.shape[1]), dtype=x.dtype).at[dst].add(msg)
    return out + b


def setup_inputs(seed: int = 0) -> dict:
    key = jax.random.key(seed)
    k_x, k_e, k1, k2, k3 = jax.random.split(key, 5)
    x = jax.random.normal(k_x, (N_NODES, 2), dtype=jnp.float32)
    edge_index = jax.random.randint(k_e, (2, N_EDGES), 0, N_NODES, dtype=jnp.int64)
    # glorot-style init for GCNConv weights
    W1 = jax.random.normal(k1, (2, 4), dtype=jnp.float32) * (1.0 / np.sqrt(2))
    b1 = jnp.zeros((4,), dtype=jnp.float32)
    W2 = jax.random.normal(k2, (4, 4), dtype=jnp.float32) * (1.0 / np.sqrt(4))
    b2 = jnp.zeros((4,), dtype=jnp.float32)
    W3 = jax.random.normal(k3, (4, 2), dtype=jnp.float32) * (1.0 / np.sqrt(4))
    b3 = jnp.zeros((2,), dtype=jnp.float32)
    return {"x": x, "edge_index": edge_index, "W1": W1, "b1": b1, "W2": W2, "b2": b2, "W3": W3, "b3": b3}


def reference(x, edge_index, W1, b1, W2, b2, W3, b3):
    h = gcn_conv(x, edge_index, W1, b1)
    h = jnp.tanh(h)
    h = gcn_conv(h, edge_index, W2, b2)
    h = jnp.tanh(h)
    h = gcn_conv(h, edge_index, W3, b3)
    return h

if __name__ == "__main__":
    import jax
    _d = setup_inputs()
    print(jax.jit(kernel)(*tuple(_d.values())))

</pallas_src>

<mosaic_0001>
#map = affine_map<(d0, d1) -> (0, 0)>
#map1 = affine_map<(d0, d1) -> (0)>
#map2 = affine_map<(d0, d1) -> (0, 0, 0)>
module attributes {stable_mosaic.version = 14 : i64} {
  func.func @deg_kernel(%arg0: i32, %arg1: i32, %arg2: memref<100352x8xf32, #tpu.memory_space<hbm>>, %arg3: memref<6400000xi32, #tpu.memory_space<hbm>>, %arg4: memref<100352x8xf32, #tpu.memory_space<hbm>>, %arg5: memref<2x100352x8xf32, #tpu.memory_space<hbm>>, %arg6: memref<100352x8xf32, #tpu.memory_space<vmem_shared>>, %arg7: memref<2000xi32, #tpu.memory_space<vmem>>, %arg8: memref<2000xi32, #tpu.memory_space<vmem>>, %arg9: memref<2000x8xf32, #tpu.memory_space<vmem>>, %arg10: memref<!tpu.dma_semaphore, #tpu.memory_space<semaphore_mem>>, %arg11: memref<!tpu.dma_semaphore, #tpu.memory_space<semaphore_mem>>) attributes {dimension_semantics = [#tpu.dimension_semantics<core_parallel>, #tpu.dimension_semantics<subcore_parallel>], iteration_bounds = array<i64: 2, 16>, scalar_prefetch = 0 : i64, scratch_operands = 6 : i64, tpu.core_type = #tpu.core_type<sc_vector_subcore>, window_params = [{transform_indices = #map}, {transform_indices = #map1}, {transform_indices = #map}, {transform_indices = #map2}]} {
    %mul3A = arith.constant 2 : i32
    %mul3A_0 = arith.muli %arg1, %mul3A : i32
    %add3A = arith.addi %mul3A_0, %arg0 : i32
    %mul3A_1 = arith.constant 6272 : i32
    %mul3A_2 = arith.muli %arg1, %mul3A_1 : i32
    "tpu.region"() ({
      %run_scoped3A = tpu.sem_alloc : memref<!tpu.dma_semaphore, #tpu.memory_space<semaphore_mem>>
      %dma_start3A = arith.constant 0 : i32
      %dma_start3A_15 = tpu.memref_slice %arg6[%mul3A_2, %dma_start3A] : memref<100352x8xf32, #tpu.memory_space<vmem_shared>> -> memref<6272x8xf32, #tpu.memory_space<vmem_shared>>
      %dma_start3A_16 = arith.constant 0 : i32
      %dma_start3A_17 = tpu.memref_slice %arg4[%mul3A_2, %dma_start3A_16] : memref<100352x8xf32, #tpu.memory_space<hbm>> -> memref<6272x8xf32, #tpu.memory_space<hbm>>
      tpu.enqueue_dma source(%dma_start3A_17 : memref<6272x8xf32, #tpu.memory_space<hbm>>) target(%dma_start3A_15 : memref<6272x8xf32, #tpu.memory_space<vmem_shared>>) target_semaphore(%run_scoped3A : memref<!tpu.dma_semaphore, #tpu.memory_space<semaphore_mem>>)
      %dma_wait3A_18 = arith.constant 0 : i32
      %dma_wait3A_19 = tpu.memref_slice %arg6[%mul3A_2, %dma_wait3A_18] : memref<100352x8xf32, #tpu.memory_space<vmem_shared>> -> memref<6272x8xf32, #tpu.memory_space<vmem_shared>>
      %dma_wait3A_20 = arith.constant 0 : i32
      %dma_wait3A_21 = tpu.memref_slice %arg4[%mul3A_2, %dma_wait3A_20] : memref<100352x8xf32, #tpu.memory_space<hbm>> -> memref<6272x8xf32, #tpu.memory_space<hbm>>
      tpu.wait_dma2 semaphore(%run_scoped3A : memref<!tpu.dma_semaphore, #tpu.memory_space<semaphore_mem>>) src(%dma_wait3A_21 : memref<6272x8xf32, #tpu.memory_space<hbm>>) dst(%dma_wait3A_19 : memref<6272x8xf32, #tpu.memory_space<vmem_shared>>)
      tpu.yield
    }) : () -> ()
    "tpu.region"() ({
      %run_scoped3A = tpu.sem_alloc : memref<!tpu.dma_semaphore, #tpu.memory_space<semaphore_mem>>
      %dma_start3A = arith.constant 0 : i32
      %dma_start3A_15 = arith.constant 0 : i32
      %dma_start3A_16 = tpu.memref_slice %arg2[%dma_start3A, %dma_start3A_15] : memref<100352x8xf32, #tpu.memory_space<hbm>> -> memref<2000x8xf32, #tpu.memory_space<hbm>>
      %dma_start3A_17 = arith.constant 0 : i32
      %dma_start3A_18 = arith.constant 0 : i32
      %dma_start3A_19 = tpu.memref_slice %arg2[%dma_start3A_17, %dma_start3A_18] : memref<100352x8xf32, #tpu.memory_space<hbm>> -> memref<2000x8xf32, #tpu.memory_space<hbm>>
      tpu.enqueue_dma source(%dma_start3A_19 : memref<2000x8xf32, #tpu.memory_space<hbm>>) target(%arg9 : memref<2000x8xf32, #tpu.memory_space<vmem>>) target_semaphore(%run_scoped3A : memref<!tpu.dma_semaphore, #tpu.memory_space<semaphore_mem>>)
      %dma_wait3A_20 = arith.constant 0 : i32
      %dma_wait3A_21 = arith.constant 0 : i32
      %dma_wait3A_22 = tpu.memref_slice %arg2[%dma_wait3A_20, %dma_wait3A_21] : memref<100352x8xf32, #tpu.memory_space<hbm>> -> memref<2000x8xf32, #tpu.memory_space<hbm>>
      %dma_wait3A_23 = arith.constant 0 : i32
      %dma_wait3A_24 = arith.constant 0 : i32
      %dma_wait3A_25 = tpu.memref_slice %arg2[%dma_wait3A_23, %dma_wait3A_24] : memref<100352x8xf32, #tpu.memory_space<hbm>> -> memref<2000x8xf32, #tpu.memory_space<hbm>>
      tpu.wait_dma2 semaphore(%run_scoped3A : memref<!tpu.dma_semaphore, #tpu.memory_space<semaphore_mem>>) src(%dma_wait3A_25 : memref<2000x8xf32, #tpu.memory_space<hbm>>) dst(%arg9 : memref<2000x8xf32, #tpu.memory_space<vmem>>)
      tpu.yield
    }) : () -> ()
    %barrier3A = arith.constant 0 : index
    tpu.barrier barrier_id(%barrier3A)
    %mul3A_3 = arith.constant 200000 : i32
    %mul3A_4 = arith.muli %add3A, %mul3A_3 : i32
    %scan3A = arith.constant 0 : i32
    %scan3A_5 = arith.constant 50 : i32
    %scan3A_6 = arith.addi %scan3A, %scan3A_5 : i32
    %scan3A_7 = arith.constant 1 : i32
    scf.for %scan3A_15 = %scan3A to %scan3A_6 step %scan3A_7  : i32 {
      %mul3A_16 = arith.constant 2 : i32
      %mul3A_17 = arith.muli %scan3A_15, %mul3A_16 : i32
      %add3A_18 = arith.constant 0 : i32
      %add3A_19 = arith.addi %add3A_18, %mul3A_17 : i32
      %ge3A = arith.constant 2 : i32
      %ge3A_20 = arith.cmpi sge, %add3A_19, %ge3A : i32
      %convert_element_type3A = arith.extui %ge3A_20 : i1 to i32
      %cond3A = arith.constant 0 : i32
      %cond3A_21 = arith.cmpi ne, %convert_element_type3A, %cond3A : i32
      scf.if %cond3A_21 {
        %dma_wait3A_42 = arith.constant 0 : i32
        %dma_wait3A_43 = arith.constant 0 : i32
        %dma_wait3A_44 = tpu.memref_slice %arg6[%dma_wait3A_42, %dma_wait3A_43] : memref<100352x8xf32, #tpu.memory_space<vmem_shared>> -> memref<100352x8xf32, #tpu.memory_space<vmem_shared>>
        tpu.wait_indirect_dma semaphore(%arg10 : memref<!tpu.dma_semaphore, #tpu.memory_space<semaphore_mem>>) src(%arg9 : memref<2000x8xf32, #tpu.memory_space<vmem>>) dst(%dma_wait3A_44 : memref<100352x8xf32, #tpu.memory_space<vmem_shared>>)
      } else {
      }
      %add3A_22 = arith.constant 0 : i32
      %add3A_23 = arith.addi %add3A_19, %add3A_22 : i32
      %mul3A_24 = arith.constant 2000 : i32
      %mul3A_25 = arith.muli %add3A_23, %mul3A_24 : i32
      %add3A_26 = arith.addi %mul3A_4, %mul3A_25 : i32
      "tpu.region"() ({
        %run_scoped3A = tpu.sem_alloc : memref<!tpu.dma_semaphore, #tpu.memory_space<semaphore_mem>>
        %dma_start3A_42 = tpu.memref_slice %arg3[%add3A_26] : memref<6400000xi32, #tpu.memory_space<hbm>> -> memref<2000xi32, #tpu.memory_space<hbm>>
        %dma_start3A_43 = tpu.memref_slice %arg3[%add3A_26] : memref<6400000xi32, #tpu.memory_space<hbm>> -> memref<2000xi32, #tpu.memory_space<hbm>>
        tpu.enqueue_dma source(%dma_start3A_43 : memref<2000xi32, #tpu.memory_space<hbm>>) target(%arg7 : memref<2000xi32, #tpu.memory_space<vmem>>) target_semaphore(%run_scoped3A : memref<!tpu.dma_semaphore, #tpu.memory_space<semaphore_mem>>)
        %dma_wait3A_44 = tpu.memref_slice %arg3[%add3A_26] : memref<6400000xi32, #tpu.memory_space<hbm>> -> memref<2000xi32, #tpu.memory_space<hbm>>
        %dma_wait3A_45 = tpu.memref_slice %arg3[%add3A_26] : memref<6400000xi32, #tpu.memory_space<hbm>> -> memref<2000xi32, #tpu.memory_space<hbm>>
        tpu.wait_dma2 semaphore(%run_scoped3A : memref<!tpu.dma_semaphore, #tpu.memory_space<semaphore_mem>>) src(%dma_wait3A_45 : memref<2000xi32, #tpu.memory_space<hbm>>) dst(%arg7 : memref<2000xi32, #tpu.memory_space<vmem>>)
        tpu.yield
      }) : () -> ()
      %dma_start3A = arith.constant 0 : i32
      %dma_start3A_27 = arith.constant 0 : i32
      %dma_start3A_28 = tpu.memref_slice %arg6[%dma_start3A, %dma_start3A_27] : memref<100352x8xf32, #tpu.memory_space<vmem_shared>> -> memref<100352x8xf32, #tpu.memory_space<vmem_shared>>
      tpu.enqueue_indirect_dma source(%arg9 : memref<2000x8xf32, #tpu.memory_space<vmem>>) target(%dma_start3A_28 : memref<100352x8xf32, #tpu.memory_space<vmem_shared>>) offsets(%arg7 : memref<2000xi32, #tpu.memory_space<vmem>>) semaphore(%arg10 : memref<!tpu.dma_semaphore, #tpu.memory_space<semaphore_mem>>) {add = true}
      %ge3A_29 = arith.constant 2 : i32
      %ge3A_30 = arith.cmpi sge, %add3A_19, %ge3A_29 : i32
      %convert_element_type3A_31 = arith.extui %ge3A_30 : i1 to i32
      %cond3A_32 = arith.constant 0 : i32
      %cond3A_33 = arith.cmpi ne, %convert_element_type3A_31, %cond3A_32 : i32
      scf.if %cond3A_33 {
        %dma_wait3A_42 = arith.constant 0 : i32
        %dma_wait3A_43 = arith.constant 0 : i32
        %dma_wait3A_44 = tpu.memref_slice %arg6[%dma_wait3A_42, %dma_wait3A_43] : memref<100352x8xf32, #tpu.memory_space<vmem_shared>> -> memref<100352x8xf32, #tpu.memory_space<vmem_shared>>
        tpu.wait_indirect_dma semaphore(%arg11 : memref<!tpu.dma_semaphore, #tpu.memory_space<semaphore_mem>>) src(%arg9 : memref<2000x8xf32, #tpu.memory_space<vmem>>) dst(%dma_wait3A_44 : memref<100352x8xf32, #tpu.memory_space<vmem_shared>>)
      } else {
      }
      %add3A_34 = arith.constant 1 : i32
      %add3A_35 = arith.addi %add3A_19, %add3A_34 : i32
      %mul3A_36 = arith.constant 2000 : i32
      %mul3A_37 = arith.muli %add3A_35, %mul3A_36 : i32
      %add3A_38 = arith.addi %mul3A_4, %mul3A_37 : i32
      "tpu.region"() ({
        %run_scoped3A = tpu.sem_alloc : memref<!tpu.dma_semaphore, #tpu.memory_space<semaphore_mem>>
        %dma_start3A_42 = tpu.memref_slice %arg3[%add3A_38] : memref<6400000xi32, #tpu.memory_space<hbm>> -> memref<2000xi32, #tpu.memory_space<hbm>>
        %dma_start3A_43 = tpu.memref_slice %arg3[%add3A_38] : memref<6400000xi32, #tpu.memory_space<hbm>> -> memref<2000xi32, #tpu.memory_space<hbm>>
        tpu.enqueue_dma source(%dma_start3A_43 : memref<2000xi32, #tpu.memory_space<hbm>>) target(%arg8 : memref<2000xi32, #tpu.memory_space<vmem>>) target_semaphore(%run_scoped3A : memref<!tpu.dma_semaphore, #tpu.memory_space<semaphore_mem>>)
        %dma_wait3A_44 = tpu.memref_slice %arg3[%add3A_38] : memref<6400000xi32, #tpu.memory_space<hbm>> -> memref<2000xi32, #tpu.memory_space<hbm>>
        %dma_wait3A_45 = tpu.memref_slice %arg3[%add3A_38] : memref<6400000xi32, #tpu.memory_space<hbm>> -> memref<2000xi32, #tpu.memory_space<hbm>>
        tpu.wait_dma2 semaphore(%run_scoped3A : memref<!tpu.dma_semaphore, #tpu.memory_space<semaphore_mem>>) src(%dma_wait3A_45 : memref<2000xi32, #tpu.memory_space<hbm>>) dst(%arg8 : memref<2000xi32, #tpu.memory_space<vmem>>)
        tpu.yield
      }) : () -> ()
      %dma_start3A_39 = arith.constant 0 : i32
      %dma_start3A_40 = arith.constant 0 : i32
      %dma_start3A_41 = tpu.memref_slice %arg6[%dma_start3A_39, %dma_start3A_40] : memref<100352x8xf32, #tpu.memory_space<vmem_shared>> -> memref<100352x8xf32, #tpu.memory_space<vmem_shared>>
      tpu.enqueue_indirect_dma source(%arg9 : memref<2000x8xf32, #tpu.memory_space<vmem>>) target(%dma_start3A_41 : memref<100352x8xf32, #tpu.memory_space<vmem_shared>>) offsets(%arg8 : memref<2000xi32, #tpu.memory_space<vmem>>) semaphore(%arg11 : memref<!tpu.dma_semaphore, #tpu.memory_space<semaphore_mem>>) {add = true}
    }
    %scan3A_8 = arith.constant 50 : i32
    %dma_wait3A = arith.constant 0 : i32
    %dma_wait3A_9 = arith.constant 0 : i32
    %dma_wait3A_10 = tpu.memref_slice %arg6[%dma_wait3A, %dma_wait3A_9] : memref<100352x8xf32, #tpu.memory_space<vmem_shared>> -> memref<100352x8xf32, #tpu.memory_space<vmem_shared>>
    tpu.wait_indirect_dma semaphore(%arg10 : memref<!tpu.dma_semaphore, #tpu.memory_space<semaphore_mem>>) src(%arg9 : memref<2000x8xf32, #tpu.memory_space<vmem>>) dst(%dma_wait3A_10 : memref<100352x8xf32, #tpu.memory_space<vmem_shared>>)
    %dma_wait3A_11 = arith.constant 0 : i32
    %dma_wait3A_12 = arith.constant 0 : i32
    %dma_wait3A_13 = tpu.memref_slice %arg6[%dma_wait3A_11, %dma_wait3A_12] : memref<100352x8xf32, #tpu.memory_space<vmem_shared>> -> memref<100352x8xf32, #tpu.memory_space<vmem_shared>>
    tpu.wait_indirect_dma semaphore(%arg11 : memref<!tpu.dma_semaphore, #tpu.memory_space<semaphore_mem>>) src(%arg9 : memref<2000x8xf32, #tpu.memory_space<vmem>>) dst(%dma_wait3A_13 : memref<100352x8xf32, #tpu.memory_space<vmem_shared>>)
    %barrier3A_14 = arith.constant 0 : index
    tpu.barrier barrier_id(%barrier3A_14)
    "tpu.region"() ({
      %run_scoped3A = tpu.sem_alloc : memref<!tpu.dma_semaphore, #tpu.memory_space<semaphore_mem>>
      %dma_start3A = arith.constant 0 : i32
      %dma_start3A_15 = tpu.memref_slice %arg5[%arg0, %mul3A_2, %dma_start3A] : memref<2x100352x8xf32, #tpu.memory_space<hbm>> -> memref<1x6272x8xf32, #tpu.memory_space<hbm>>
      %dma_start3A_16 = tpu.memref_squeeze %dma_start3A_15 : memref<1x6272x8xf32, #tpu.memory_space<hbm>> -> memref<6272x8xf32, #tpu.memory_space<hbm>>
      %dma_start3A_17 = arith.constant 0 : i32
      %dma_start3A_18 = tpu.memref_slice %arg6[%mul3A_2, %dma_start3A_17] : memref<100352x8xf32, #tpu.memory_space<vmem_shared>> -> memref<6272x8xf32, #tpu.memory_space<vmem_shared>>
      tpu.enqueue_dma source(%dma_start3A_18 : memref<6272x8xf32, #tpu.memory_space<vmem_shared>>) target(%dma_start3A_16 : memref<6272x8xf32, #tpu.memory_space<hbm>>) target_semaphore(%run_scoped3A : memref<!tpu.dma_semaphore, #tpu.memory_space<semaphore_mem>>)
      %dma_wait3A_19 = arith.constant 0 : i32
      %dma_wait3A_20 = tpu.memref_slice %arg5[%arg0, %mul3A_2, %dma_wait3A_19] : memref<2x100352x8xf32, #tpu.memory_space<hbm>> -> memref<1x6272x8xf32, #tpu.memory_space<hbm>>
      %dma_wait3A_21 = tpu.memref_squeeze %dma_wait3A_20 : memref<1x6272x8xf32, #tpu.memory_space<hbm>> -> memref<6272x8xf32, #tpu.memory_space<hbm>>
      %dma_wait3A_22 = arith.constant 0 : i32
      %dma_wait3A_23 = tpu.memref_slice %arg6[%mul3A_2, %dma_wait3A_22] : memref<100352x8xf32, #tpu.memory_space<vmem_shared>> -> memref<6272x8xf32, #tpu.memory_space<vmem_shared>>
      tpu.wait_dma2 semaphore(%run_scoped3A : memref<!tpu.dma_semaphore, #tpu.memory_space<semaphore_mem>>) src(%dma_wait3A_23 : memref<6272x8xf32, #tpu.memory_space<vmem_shared>>) dst(%dma_wait3A_21 : memref<6272x8xf32, #tpu.memory_space<hbm>>)
      tpu.yield
    }) : () -> ()
    return
  }
}

#map = affine_map<(d0, d1) -> (0, 0)>
#map1 = affine_map<(d0, d1) -> (0)>
module attributes {stable_mosaic.version = 14 : i64} {
  func.func @glue0(%arg0: i32, %arg1: i32, %arg2: memref<2x802816xf32, #tpu.memory_space<hbm>>, %arg3: memref<200704xf32, #tpu.memory_space<hbm>>, %arg4: memref<16xf32, #tpu.memory_space<hbm>>, %arg5: memref<100352xf32, #tpu.memory_space<hbm>>, %arg6: memref<802816xf32, #tpu.memory_space<hbm>>, %arg7: memref<25088xf32, #tpu.memory_space<vmem>>, %arg8: memref<25088xf32, #tpu.memory_space<vmem>>, %arg9: memref<6272xf32, #tpu.memory_space<vmem>>, %arg10: memref<3136xf32, #tpu.memory_space<vmem>>, %arg11: memref<25088xf32, #tpu.memory_space<vmem>>, %arg12: memref<16xf32, #tpu.memory_space<vmem>>) attributes {dimension_semantics = [#tpu.dimension_semantics<core_parallel>, #tpu.dimension_semantics<subcore_parallel>], iteration_bounds = array<i64: 2, 16>, scalar_prefetch = 0 : i64, scratch_operands = 6 : i64, tpu.core_type = #tpu.core_type<sc_vector_subcore>, window_params = [{transform_indices = #map}, {transform_indices = #map1}, {transform_indices = #map1}, {transform_indices = #map1}, {transform_indices = #map1}]} {
    %mul3A = arith.constant 2 : i32
    %mul3A_0 = arith.muli %arg1, %mul3A : i32
    %add3A = arith.addi %mul3A_0, %arg0 : i32
    %mul3A_1 = arith.constant 3136 : i32
    %mul3A_2 = arith.muli %add3A, %mul3A_1 : i32
    %mul3A_3 = arith.constant 8 : i32
    %mul3A_4 = arith.muli %mul3A_3, %mul3A_2 : i32
    %run_scoped3A = arith.constant 0 : i32
    "tpu.region"() ({
      %run_scoped3A_27 = tpu.sem_alloc : memref<!tpu.dma_semaphore, #tpu.memory_space<semaphore_mem>>
      %dma_start3A = tpu.memref_slice %arg2[%run_scoped3A, %mul3A_4] : memref<2x802816xf32, #tpu.memory_space<hbm>> -> memref<1x25088xf32, #tpu.memory_space<hbm>>
      %dma_start3A_28 = tpu.memref_squeeze %dma_start3A : memref<1x25088xf32, #tpu.memory_space<hbm>> -> memref<25088xf32, #tpu.memory_space<hbm>>
      %dma_start3A_29 = tpu.memref_slice %arg2[%run_scoped3A, %mul3A_4] : memref<2x802816xf32, #tpu.memory_space<hbm>> -> memref<1x25088xf32, #tpu.memory_space<hbm>>
      %dma_start3A_30 = tpu.memref_squeeze %dma_start3A_29 : memref<1x25088xf32, #tpu.memory_space<hbm>> -> memref<25088xf32, #tpu.memory_space<hbm>>
      tpu.enqueue_dma source(%dma_start3A_30 : memref<25088xf32, #tpu.memory_space<hbm>>) target(%arg7 : memref<25088xf32, #tpu.memory_space<vmem>>) target_semaphore(%run_scoped3A_27 : memref<!tpu.dma_semaphore, #tpu.memory_space<semaphore_mem>>)
      %dma_wait3A = tpu.memref_slice %arg2[%run_scoped3A, %mul3A_4] : memref<2x802816xf32, #tpu.memory_space<hbm>> -> memref<1x25088xf32, #tpu.memory_space<hbm>>
      %dma_wait3A_31 = tpu.memref_squeeze %dma_wait3A : memref<1x25088xf32, #tpu.memory_space<hbm>> -> memref<25088xf32, #tpu.memory_space<hbm>>
      %dma_wait3A_32 = tpu.memref_slice %arg2[%run_scoped3A, %mul3A_4] : memref<2x802816xf32, #tpu.memory_space<hbm>> -> memref<1x25088xf32, #tpu.memory_space<hbm>>
      %dma_wait3A_33 = tpu.memref_squeeze %dma_wait3A_32 : memref<1x25088xf32, #tpu.memory_space<hbm>> -> memref<25088xf32, #tpu.memory_space<hbm>>
      tpu.wait_dma2 semaphore(%run_scoped3A_27 : memref<!tpu.dma_semaphore, #tpu.memory_space<semaphore_mem>>) src(%dma_wait3A_33 : memref<25088xf32, #tpu.memory_space<hbm>>) dst(%arg7 : memref<25088xf32, #tpu.memory_space<vmem>>)
      tpu.yield
    }) : () -> ()
    %mul3A_5 = arith.constant 8 : i32
    %mul3A_6 = arith.muli %mul3A_5, %mul3A_2 : i32
    %run_scoped3A_7 = arith.constant 1 : i32
    "tpu.region"() ({
      %run_scoped3A_27 = tpu.sem_alloc : memref<!tpu.dma_semaphore, #tpu.memory_space<semaphore_mem>>
      %dma_start3A = tpu.memref_slice %arg2[%run_scoped3A_7, %mul3A_6] : memref<2x802816xf32, #tpu.memory_space<hbm>> -> memref<1x25088xf32, #tpu.memory_space<hbm>>
      %dma_start3A_28 = tpu.memref_squeeze %dma_start3A : memref<1x25088xf32, #tpu.memory_space<hbm>> -> memref<25088xf32, #tpu.memory_space<hbm>>
      %dma_start3A_29 = tpu.memref_slice %arg2[%run_scoped3A_7, %mul3A_6] : memref<2x802816xf32, #tpu.memory_space<hbm>> -> memref<1x25088xf32, #tpu.memory_space<hbm>>
      %dma_start3A_30 = tpu.memref_squeeze %dma_start3A_29 : memref<1x25088xf32, #tpu.memory_space<hbm>> -> memref<25088xf32, #tpu.memory_space<hbm>>
      tpu.enqueue_dma source(%dma_start3A_30 : memref<25088xf32, #tpu.memory_space<hbm>>) target(%arg8 : memref<25088xf32, #tpu.memory_space<vmem>>) target_semaphore(%run_scoped3A_27 : memref<!tpu.dma_semaphore, #tpu.memory_space<semaphore_mem>>)
      %dma_wait3A = tpu.memref_slice %arg2[%run_scoped3A_7, %mul3A_6] : memref<2x802816xf32, #tpu.memory_space<hbm>> -> memref<1x25088xf32, #tpu.memory_space<hbm>>
      %dma_wait3A_31 = tpu.memref_squeeze %dma_wait3A : memref<1x25088xf32, #tpu.memory_space<hbm>> -> memref<25088xf32, #tpu.memory_space<hbm>>
      %dma_wait3A_32 = tpu.memref_slice %arg2[%run_scoped3A_7, %mul3A_6] : memref<2x802816xf32, #tpu.memory_space<hbm>> -> memref<1x25088xf32, #tpu.memory_space<hbm>>
      %dma_wait3A_33 = tpu.memref_squeeze %dma_wait3A_32 : memref<1x25088xf32, #tpu.memory_space<hbm>> -> memref<25088xf32, #tpu.memory_space<hbm>>
      tpu.wait_dma2 semaphore(%run_scoped3A_27 : memref<!tpu.dma_semaphore, #tpu.memory_space<semaphore_mem>>) src(%dma_wait3A_33 : memref<25088xf32, #tpu.memory_space<hbm>>) dst(%arg8 : memref<25088xf32, #tpu.memory_space<vmem>>)
      tpu.yield
    }) : () -> ()
    %mul3A_8 = arith.constant 2 : i32
    %mul3A_9 = arith.muli %mul3A_8, %mul3A_2 : i32
    "tpu.region"() ({
      %run_scoped3A_27 = tpu.sem_alloc : memref<!tpu.dma_semaphore, #tpu.memory_space<semaphore_mem>>
      %dma_start3A = tpu.memref_slice %arg3[%mul3A_9] : memref<200704xf32, #tpu.memory_space<hbm>> -> memref<6272xf32, #tpu.memory_space<hbm>>
      %dma_start3A_28 = tpu.memref_slice %arg3[%mul3A_9] : memref<200704xf32, #tpu.memory_space<hbm>> -> memref<6272xf32, #tpu.memory_space<hbm>>
      tpu.enqueue_dma source(%dma_start3A_28 : memref<6272xf32, #tpu.memory_space<hbm>>) target(%arg9 : memref<6272xf32, #tpu.memory_space<vmem>>) target_semaphore(%run_scoped3A_27 : memref<!tpu.dma_semaphore, #tpu.memory_space<semaphore_mem>>)
      %dma_wait3A = tpu.memref_slice %arg3[%mul3A_9] : memref<200704xf32, #tpu.memory_space<hbm>> -> memref<6272xf32, #tpu.memory_space<hbm>>
      %dma_wait3A_29 = tpu.memref_slice %arg3[%mul3A_9] : memref<200704xf32, #tpu.memory_space<hbm>> -> memref<6272xf32, #tpu.memory_space<hbm>>
      tpu.wait_dma2 semaphore(%run_scoped3A_27 : memref<!tpu.dma_semaphore, #tpu.memory_space<semaphore_mem>>) src(%dma_wait3A_29 : memref<6272xf32, #tpu.memory_space<hbm>>) dst(%arg9 : memref<6272xf32, #tpu.memory_space<vmem>>)
      tpu.yield
    }) : () -> ()
    "tpu.region"() ({
      %run_scoped3A_27 = tpu.sem_alloc : memref<!tpu.dma_semaphore, #tpu.memory_space<semaphore_mem>>
      tpu.enqueue_dma source(%arg4 : memref<16xf32, #tpu.memory_space<hbm>>) target(%arg12 : memref<16xf32, #tpu.memory_space<vmem>>) target_semaphore(%run_scoped3A_27 : memref<!tpu.dma_semaphore, #tpu.memory_space<semaphore_mem>>)
      tpu.wait_dma2 semaphore(%run_scoped3A_27 : memref<!tpu.dma_semaphore, #tpu.memory_space<semaphore_mem>>) src(%arg4 : memref<16xf32, #tpu.memory_space<hbm>>) dst(%arg12 : memref<16xf32, #tpu.memory_space<vmem>>)
      tpu.yield
    }) : () -> ()
    %iota3A = tpu.iota {dimensions = array<i32: 0>} : vector<16xi32>
    %and3A = arith.constant 7 : i32
    %and3A_10 = vector.broadcast %and3A : i32 to vector<16xi32>
    %and3A_11 = arith.andi %iota3A, %and3A_10 : vector<16xi32>
    %gather3A = tpu.vector_load_idx %arg12[%and3A_11] : memref<16xf32, #tpu.memory_space<vmem>>[vector<16xi32>], vector<16xf32>,
    %add3A_12 = arith.constant 8 : i32
    %add3A_13 = vector.broadcast %add3A_12 : i32 to vector<16xi32>
    %add3A_14 = arith.addi %and3A_11, %add3A_13 : vector<16xi32>
    %gather3A_15 = tpu.vector_load_idx %arg12[%add3A_14] : memref<16xf32, #tpu.memory_space<vmem>>[vector<16xi32>], vector<16xf32>,
    %scan3A = arith.constant 0 : i32
    %scan3A_16 = arith.constant 196 : i32
    %scan3A_17 = arith.addi %scan3A, %scan3A_16 : i32
    %scan3A_18 = arith.constant 1 : i32
    scf.for %scan3A_27 = %scan3A to %scan3A_17 step %scan3A_18  : i32 {
      %mul3A_28 = arith.constant 1 : i32
      %mul3A_29 = arith.muli %scan3A_27, %mul3A_28 : i32
      %add3A_30 = arith.constant 0 : i32
      %add3A_31 = arith.addi %add3A_30, %mul3A_29 : i32
      %mul3A_32 = arith.constant 128 : i32
      %mul3A_33 = arith.muli %add3A_31, %mul3A_32 : i32
      %mul3A_34 = arith.constant 8 : i32
      %mul3A_35 = vector.broadcast %mul3A_34 : i32 to vector<16xi32>
      %mul3A_36 = arith.muli %iota3A, %mul3A_35 : vector<16xi32>
      %add3A_37 = vector.broadcast %mul3A_33 : i32 to vector<16xi32>
      %add3A_38 = arith.addi %add3A_37, %mul3A_36 : vector<16xi32>
      %gather3A_39 = tpu.vector_load_idx %arg7[%add3A_38] : memref<25088xf32, #tpu.memory_space<vmem>>[vector<16xi32>], vector<16xf32>,
      %mul3A_40 = arith.constant 128 : i32
      %mul3A_41 = arith.muli %add3A_31, %mul3A_40 : i32
      %mul3A_42 = arith.constant 8 : i32
      %mul3A_43 = vector.broadcast %mul3A_42 : i32 to vector<16xi32>
      %mul3A_44 = arith.muli %iota3A, %mul3A_43 : vector<16xi32>
      %add3A_45 = vector.broadcast %mul3A_41 : i32 to vector<16xi32>
      %add3A_46 = arith.addi %add3A_45, %mul3A_44 : vector<16xi32>
      %gather3A_47 = tpu.vector_load_idx %arg8[%add3A_46] : memref<25088xf32, #tpu.memory_space<vmem>>[vector<16xi32>], vector<16xf32>,
      %add3A_48 = arith.addf %gather3A_39, %gather3A_47 : vector<16xf32>
      %add3A_49 = arith.constant 1.000000e+00 : f32
      %add3A_50 = vector.broadcast %add3A_49 : f32 to vector<16xf32>
      %add3A_51 = arith.addf %add3A_48, %add3A_50 : vector<16xf32>
      %bitcast3A = vector.bitcast %add3A_51 : vector<16xf32> to vector<16xi32>
      %shift_right_logical3A = arith.constant 1 : i32
      %shift_right_logical3A_52 = vector.broadcast %shift_right_logical3A : i32 to vector<16xi32>
      %shift_right_logical3A_53 = arith.shrui %bitcast3A, %shift_right_logical3A_52 : vector<16xi32>
      %sub3A = arith.constant 1597463007 : i32
      %sub3A_54 = vector.broadcast %sub3A : i32 to vector<16xi32>
      %sub3A_55 = arith.subi %sub3A_54, %shift_right_logical3A_53 : vector<16xi32>
      %bitcast3A_56 = vector.bitcast %sub3A_55 : vector<16xi32> to vector<16xf32>
      %mul3A_57 = arith.constant 5.000000e-01 : f32
      %mul3A_58 = vector.broadcast %mul3A_57 : f32 to vector<16xf32>
      %mul3A_59 = arith.mulf %mul3A_58, %add3A_51 : vector<16xf32>
      %mul3A_60 = arith.mulf %mul3A_59, %bitcast3A_56 : vector<16xf32>
      %mul3A_61 = arith.mulf %mul3A_60, %bitcast3A_56 : vector<16xf32>
      %sub3A_62 = arith.constant 1.500000e+00 : f32
      %sub3A_63 = vector.broadcast %sub3A_62 : f32 to vector<16xf32>
      %sub3A_64 = arith.subf %sub3A_63, %mul3A_61 : vector<16xf32>
      %mul3A_65 = arith.mulf %bitcast3A_56, %sub3A_64 : vector<16xf32>
      %mul3A_66 = arith.constant 5.000000e-01 : f32
      %mul3A_67 = vector.broadcast %mul3A_66 : f32 to vector<16xf32>
      %mul3A_68 = arith.mulf %mul3A_67, %add3A_51 : vector<16xf32>
      %mul3A_69 = arith.mulf %mul3A_68, %mul3A_65 : vector<16xf32>
      %mul3A_70 = arith.mulf %mul3A_69, %mul3A_65 : vector<16xf32>
      %sub3A_71 = arith.constant 1.500000e+00 : f32
      %sub3A_72 = vector.broadcast %sub3A_71 : f32 to vector<16xf32>
      %sub3A_73 = arith.subf %sub3A_72, %mul3A_70 : vector<16xf32>
      %mul3A_74 = arith.mulf %mul3A_65, %sub3A_73 : vector<16xf32>
      %mul3A_75 = arith.constant 5.000000e-01 : f32
      %mul3A_76 = vector.broadcast %mul3A_75 : f32 to vector<16xf32>
      %mul3A_77 = arith.mulf %mul3A_76, %add3A_51 : vector<16xf32>
      %mul3A_78 = arith.mulf %mul3A_77, %mul3A_74 : vector<16xf32>
      %mul3A_79 = arith.mulf %mul3A_78, %mul3A_74 : vector<16xf32>
      %sub3A_80 = arith.constant 1.500000e+00 : f32
      %sub3A_81 = vector.broadcast %sub3A_80 : f32 to vector<16xf32>
      %sub3A_82 = arith.subf %sub3A_81, %mul3A_79 : vector<16xf32>
      %mul3A_83 = arith.mulf %mul3A_74, %sub3A_82 : vector<16xf32>
      %mul3A_84 = arith.constant 16 : i32
      %mul3A_85 = arith.muli %add3A_31, %mul3A_84 : i32
      %swap3A = arith.index_cast %mul3A_85 : i32 to index
      %swap3A_86 = tpu.vector_load %arg10[%swap3A] {strides = array<i32>} : memref<3136xf32, #tpu.memory_space<vmem>>, vector<16xf32>,
      tpu.vector_store %arg10[%swap3A], %mul3A_83 {strides = array<i32>} : memref<3136xf32, #tpu.memory_space<vmem>>, vector<16xf32>,
    }
    %scan3A_19 = arith.constant 196 : i32
    %scan3A_20 = arith.constant 0 : i32
    %scan3A_21 = arith.constant 1568 : i32
    %scan3A_22 = arith.addi %scan3A_20, %scan3A_21 : i32
    %scan3A_23 = arith.constant 1 : i32
    scf.for %scan3A_27 = %scan3A_20 to %scan3A_22 step %scan3A_23  : i32 {
      %mul3A_28 = arith.constant 1 : i32
      %mul3A_29 = arith.muli %scan3A_27, %mul3A_28 : i32
      %add3A_30 = arith.constant 0 : i32
      %add3A_31 = arith.addi %add3A_30, %mul3A_29 : i32
      %mul3A_32 = arith.constant 2 : i32
      %mul3A_33 = arith.muli %add3A_31, %mul3A_32 : i32
      %shift_right_logical3A = arith.constant 3 : i32
      %shift_right_logical3A_34 = vector.broadcast %shift_right_logical3A : i32 to vector<16xi32>
      %shift_right_logical3A_35 = arith.shrui %iota3A, %shift_right_logical3A_34 : vector<16xi32>
      %add3A_36 = vector.broadcast %mul3A_33 : i32 to vector<16xi32>
      %add3A_37 = arith.addi %add3A_36, %shift_right_logical3A_35 : vector<16xi32>
      %mul3A_38 = arith.constant 8 : i32
      %mul3A_39 = vector.broadcast %mul3A_38 : i32 to vector<16xi32>
      %mul3A_40 = arith.muli %add3A_37, %mul3A_39 : vector<16xi32>
      %gather3A_41 = tpu.vector_load_idx %arg7[%mul3A_40] : memref<25088xf32, #tpu.memory_space<vmem>>[vector<16xi32>], vector<16xf32>,
      %mul3A_42 = arith.constant 8 : i32
      %mul3A_43 = vector.broadcast %mul3A_42 : i32 to vector<16xi32>
      %mul3A_44 = arith.muli %add3A_37, %mul3A_43 : vector<16xi32>
      %gather3A_45 = tpu.vector_load_idx %arg8[%mul3A_44] : memref<25088xf32, #tpu.memory_space<vmem>>[vector<16xi32>], vector<16xf32>,
      %add3A_46 = arith.addf %gather3A_41, %gather3A_45 : vector<16xf32>
      %add3A_47 = arith.constant 1.000000e+00 : f32
      %add3A_48 = vector.broadcast %add3A_47 : f32 to vector<16xf32>
      %add3A_49 = arith.addf %add3A_46, %add3A_48 : vector<16xf32>
      %bitcast3A = vector.bitcast %add3A_49 : vector<16xf32> to vector<16xi32>
      %shift_right_logical3A_50 = arith.constant 1 : i32
      %shift_right_logical3A_51 = vector.broadcast %shift_right_logical3A_50 : i32 to vector<16xi32>
      %shift_right_logical3A_52 = arith.shrui %bitcast3A, %shift_right_logical3A_51 : vector<16xi32>
      %sub3A = arith.constant 1597463007 : i32
      %sub3A_53 = vector.broadcast %sub3A : i32 to vector<16xi32>
      %sub3A_54 = arith.subi %sub3A_53, %shift_right_logical3A_52 : vector<16xi32>
      %bitcast3A_55 = vector.bitcast %sub3A_54 : vector<16xi32> to vector<16xf32>
      %mul3A_56 = arith.constant 5.000000e-01 : f32
      %mul3A_57 = vector.broadcast %mul3A_56 : f32 to vector<16xf32>
      %mul3A_58 = arith.mulf %mul3A_57, %add3A_49 : vector<16xf32>
      %mul3A_59 = arith.mulf %mul3A_58, %bitcast3A_55 : vector<16xf32>
      %mul3A_60 = arith.mulf %mul3A_59, %bitcast3A_55 : vector<16xf32>
      %sub3A_61 = arith.constant 1.500000e+00 : f32
      %sub3A_62 = vector.broadcast %sub3A_61 : f32 to vector<16xf32>
      %sub3A_63 = arith.subf %sub3A_62, %mul3A_60 : vector<16xf32>
      %mul3A_64 = arith.mulf %bitcast3A_55, %sub3A_63 : vector<16xf32>
      %mul3A_65 = arith.constant 5.000000e-01 : f32
      %mul3A_66 = vector.broadcast %mul3A_65 : f32 to vector<16xf32>
      %mul3A_67 = arith.mulf %mul3A_66, %add3A_49 : vector<16xf32>
      %mul3A_68 = arith.mulf %mul3A_67, %mul3A_64 : vector<16xf32>
      %mul3A_69 = arith.mulf %mul3A_68, %mul3A_64 : vector<16xf32>
      %sub3A_70 = arith.constant 1.500000e+00 : f32
      %sub3A_71 = vector.broadcast %sub3A_70 : f32 to vector<16xf32>
      %sub3A_72 = arith.subf %sub3A_71, %mul3A_69 : vector<16xf32>
      %mul3A_73 = arith.mulf %mul3A_64, %sub3A_72 : vector<16xf32>
      %mul3A_74 = arith.constant 5.000000e-01 : f32
      %mul3A_75 = vector.broadcast %mul3A_74 : f32 to vector<16xf32>
      %mul3A_76 = arith.mulf %mul3A_75, %add3A_49 : vector<16xf32>
      %mul3A_77 = arith.mulf %mul3A_76, %mul3A_73 : vector<16xf32>
      %mul3A_78 = arith.mulf %mul3A_77, %mul3A_73 : vector<16xf32>
      %sub3A_79 = arith.constant 1.500000e+00 : f32
      %sub3A_80 = vector.broadcast %sub3A_79 : f32 to vector<16xf32>
      %sub3A_81 = arith.subf %sub3A_80, %mul3A_78 : vector<16xf32>
      %mul3A_82 = arith.mulf %mul3A_73, %sub3A_81 : vector<16xf32>
      %mul3A_83 = arith.constant 2 : i32
      %mul3A_84 = vector.broadcast %mul3A_83 : i32 to vector<16xi32>
      %mul3A_85 = arith.muli %add3A_37, %mul3A_84 : vector<16xi32>
      %gather3A_86 = tpu.vector_load_idx %arg9[%mul3A_85] : memref<6272xf32, #tpu.memory_space<vmem>>[vector<16xi32>], vector<16xf32>,
      %mul3A_87 = arith.constant 2 : i32
      %mul3A_88 = vector.broadcast %mul3A_87 : i32 to vector<16xi32>
      %mul3A_89 = arith.muli %add3A_37, %mul3A_88 : vector<16xi32>
      %add3A_90 = arith.constant 1 : i32
      %add3A_91 = vector.broadcast %add3A_90 : i32 to vector<16xi32>
      %add3A_92 = arith.addi %mul3A_89, %add3A_91 : vector<16xi32>
      %gather3A_93 = tpu.vector_load_idx %arg9[%add3A_92] : memref<6272xf32, #tpu.memory_space<vmem>>[vector<16xi32>], vector<16xf32>,
      %mul3A_94 = arith.mulf %gather3A_86, %gather3A : vector<16xf32>
      %mul3A_95 = arith.mulf %gather3A_93, %gather3A_15 : vector<16xf32>
      %add3A_96 = arith.addf %mul3A_94, %mul3A_95 : vector<16xf32>
      %mul3A_97 = arith.mulf %mul3A_82, %add3A_96 : vector<16xf32>
      %mul3A_98 = arith.constant 16 : i32
      %mul3A_99 = arith.muli %add3A_31, %mul3A_98 : i32
      %swap3A = arith.index_cast %mul3A_99 : i32 to index
      %swap3A_100 = tpu.vector_load %arg11[%swap3A] {strides = array<i32>} : memref<25088xf32, #tpu.memory_space<vmem>>, vector<16xf32>,
      tpu.vector_store %arg11[%swap3A], %mul3A_97 {strides = array<i32>} : memref<25088xf32, #tpu.memory_space<vmem>>, vector<16xf32>,
    }
    %scan3A_24 = arith.constant 1568 : i32
    "tpu.region"() ({
      %run_scoped3A_27 = tpu.sem_alloc : memref<!tpu.dma_semaphore, #tpu.memory_space<semaphore_mem>>
      %dma_start3A = tpu.memref_slice %arg5[%mul3A_2] : memref<100352xf32, #tpu.memory_space<hbm>> -> memref<3136xf32, #tpu.memory_space<hbm>>
      %dma_start3A_28 = tpu.memref_slice %arg5[%mul3A_2] : memref<100352xf32, #tpu.memory_space<hbm>> -> memref<3136xf32, #tpu.memory_space<hbm>>
      tpu.enqueue_dma source(%arg10 : memref<3136xf32, #tpu.memory_space<vmem>>) target(%dma_start3A_28 : memref<3136xf32, #tpu.memory_space<hbm>>) target_semaphore(%run_scoped3A_27 : memref<!tpu.dma_semaphore, #tpu.memory_space<semaphore_mem>>)
      %dma_wait3A = tpu.memref_slice %arg5[%mul3A_2] : memref<100352xf32, #tpu.memory_space<hbm>> -> memref<3136xf32, #tpu.memory_space<hbm>>
      %dma_wait3A_29 = tpu.memref_slice %arg5[%mul3A_2] : memref<100352xf32, #tpu.memory_space<hbm>> -> memref<3136xf32, #tpu.memory_space<hbm>>
      tpu.wait_dma2 semaphore(%run_scoped3A_27 : memref<!tpu.dma_semaphore, #tpu.memory_space<semaphore_mem>>) src(%arg10 : memref<3136xf32, #tpu.memory_space<vmem>>) dst(%dma_wait3A_29 : memref<3136xf32, #tpu.memory_space<hbm>>)
      tpu.yield
    }) : () -> ()
    %mul3A_25 = arith.constant 8 : i32
    %mul3A_26 = arith.muli %mul3A_25, %mul3A_2 : i32
    "tpu.region"() ({
      %run_scoped3A_27 = tpu.sem_alloc : memref<!tpu.dma_semaphore, #tpu.memory_space<semaphore_mem>>
      %dma_start3A = tpu.memref_slice %arg6[%mul3A_26] : memref<802816xf32, #tpu.memory_space<hbm>> -> memref<25088xf32, #tpu.memory_space<hbm>>
      %dma_start3A_28 = tpu.memref_slice %arg6[%mul3A_26] : memref<802816xf32, #tpu.memory_space<hbm>> -> memref<25088xf32, #tpu.memory_space<hbm>>
      tpu.enqueue_dma source(%arg11 : memref<25088xf32, #tpu.memory_space<vmem>>) target(%dma_start3A_28 : memref<25088xf32, #tpu.memory_space<hbm>>) target_semaphore(%run_scoped3A_27 : memref<!tpu.dma_semaphore, #tpu.memory_space<semaphore_mem>>)
      %dma_wait3A = tpu.memref_slice %arg6[%mul3A_26] : memref<802816xf32, #tpu.memory_space<hbm>> -> memref<25088xf32, #tpu.memory_space<hbm>>
      %dma_wait3A_29 = tpu.memref_slice %arg6[%mul3A_26] : memref<802816xf32, #tpu.memory_space<hbm>> -> memref<25088xf32, #tpu.memory_space<hbm>>
      tpu.wait_dma2 semaphore(%run_scoped3A_27 : memref<!tpu.dma_semaphore, #tpu.memory_space<semaphore_mem>>) src(%arg11 : memref<25088xf32, #tpu.memory_space<vmem>>) dst(%dma_wait3A_29 : memref<25088xf32, #tpu.memory_space<hbm>>)
      tpu.yield
    }) : () -> ()
    return
  }
}

#map = affine_map<(d0, d1) -> (0, 0)>
#map1 = affine_map<(d0, d1) -> (0)>
#map2 = affine_map<(d0, d1) -> (0, 0, 0)>
module attributes {stable_mosaic.version = 14 : i64} {
  func.func @edge_kernel(%arg0: i32, %arg1: i32, %arg2: memref<100352x8xf32, #tpu.memory_space<hbm>>, %arg3: memref<6400000xi32, #tpu.memory_space<hbm>>, %arg4: memref<6400000xi32, #tpu.memory_space<hbm>>, %arg5: memref<100352x8xf32, #tpu.memory_space<hbm>>, %arg6: memref<2x100352x8xf32, #tpu.memory_space<hbm>>, %arg7: memref<100352x8xf32, #tpu.memory_space<vmem_shared>>, %arg8: memref<2000xi32, #tpu.memory_space<vmem>>, %arg9: memref<2000xi32, #tpu.memory_space<vmem>>, %arg10: memref<2000xi32, #tpu.memory_space<vmem>>, %arg11: memref<2000xi32, #tpu.memory_space<vmem>>, %arg12: memref<2000x8xf32, #tpu.memory_space<vmem>>, %arg13: memref<2000x8xf32, #tpu.memory_space<vmem>>, %arg14: memref<!tpu.dma_semaphore, #tpu.memory_space<semaphore_mem>>, %arg15: memref<!tpu.dma_semaphore, #tpu.memory_space<semaphore_mem>>, %arg16: memref<!tpu.dma_semaphore, #tpu.memory_space<semaphore_mem>>) attributes {dimension_semantics = [#tpu.dimension_semantics<core_parallel>, #tpu.dimension_semantics<subcore_parallel>], iteration_bounds = array<i64: 2, 16>, scalar_prefetch = 0 : i64, scratch_operands = 10 : i64, tpu.core_type = #tpu.core_type<sc_vector_subcore>, window_params = [{transform_indices = #map}, {transform_indices = #map1}, {transform_indices = #map1}, {transform_indices = #map}, {transform_indices = #map2}]} {
    %mul3A = arith.constant 2 : i32
    %mul3A_0 = arith.muli %arg1, %mul3A : i32
    %add3A = arith.addi %mul3A_0, %arg0 : i32
    %mul3A_1 = arith.constant 6272 : i32
    %mul3A_2 = arith.muli %arg1, %mul3A_1 : i32
    "tpu.region"() ({
      %run_scoped3A = tpu.sem_alloc : memref<!tpu.dma_semaphore, #tpu.memory_space<semaphore_mem>>
      %dma_start3A = arith.constant 0 : i32
      %dma_start3A_15 = tpu.memref_slice %arg7[%mul3A_2, %dma_start3A] : memref<100352x8xf32, #tpu.memory_space<vmem_shared>> -> memref<6272x8xf32, #tpu.memory_space<vmem_shared>>
      %dma_start3A_16 = arith.constant 0 : i32
      %dma_start3A_17 = tpu.memref_slice %arg5[%mul3A_2, %dma_start3A_16] : memref<100352x8xf32, #tpu.memory_space<hbm>> -> memref<6272x8xf32, #tpu.memory_space<hbm>>
      tpu.enqueue_dma source(%dma_start3A_17 : memref<6272x8xf32, #tpu.memory_space<hbm>>) target(%dma_start3A_15 : memref<6272x8xf32, #tpu.memory_space<vmem_shared>>) target_semaphore(%run_scoped3A : memref<!tpu.dma_semaphore, #tpu.memory_space<semaphore_mem>>)
      %dma_wait3A_18 = arith.constant 0 : i32
      %dma_wait3A_19 = tpu.memref_slice %arg7[%mul3A_2, %dma_wait3A_18] : memref<100352x8xf32, #tpu.memory_space<vmem_shared>> -> memref<6272x8xf32, #tpu.memory_space<vmem_shared>>
      %dma_wait3A_20 = arith.constant 0 : i32
      %dma_wait3A_21 = tpu.memref_slice %arg5[%mul3A_2, %dma_wait3A_20] : memref<100352x8xf32, #tpu.memory_space<hbm>> -> memref<6272x8xf32, #tpu.memory_space<hbm>>
      tpu.wait_dma2 semaphore(%run_scoped3A : memref<!tpu.dma_semaphore, #tpu.memory_space<semaphore_mem>>) src(%dma_wait3A_21 : memref<6272x8xf32, #tpu.memory_space<hbm>>) dst(%dma_wait3A_19 : memref<6272x8xf32, #tpu.memory_space<vmem_shared>>)
      tpu.yield
    }) : () -> ()
    %barrier3A = arith.constant 0 : index
    tpu.barrier barrier_id(%barrier3A)
    %mul3A_3 = arith.constant 200000 : i32
    %mul3A_4 = arith.muli %add3A, %mul3A_3 : i32
    %scan3A = arith.constant 0 : i32
    %scan3A_5 = arith.constant 50 : i32
    %scan3A_6 = arith.addi %scan3A, %scan3A_5 : i32
    %scan3A_7 = arith.constant 1 : i32
    scf.for %scan3A_15 = %scan3A to %scan3A_6 step %scan3A_7  : i32 {
      %mul3A_16 = arith.constant 2 : i32
      %mul3A_17 = arith.muli %scan3A_15, %mul3A_16 : i32
      %add3A_18 = arith.constant 0 : i32
      %add3A_19 = arith.addi %add3A_18, %mul3A_17 : i32
      %ge3A = arith.constant 2 : i32
      %ge3A_20 = arith.cmpi sge, %add3A_19, %ge3A : i32
      %convert_element_type3A = arith.extui %ge3A_20 : i1 to i32
      %cond3A = arith.constant 0 : i32
      %cond3A_21 = arith.cmpi ne, %convert_element_type3A, %cond3A : i32
      scf.if %cond3A_21 {
        %dma_wait3A_54 = arith.constant 0 : i32
        %dma_wait3A_55 = arith.constant 0 : i32
        %dma_wait3A_56 = tpu.memref_slice %arg7[%dma_wait3A_54, %dma_wait3A_55] : memref<100352x8xf32, #tpu.memory_space<vmem_shared>> -> memref<100352x8xf32, #tpu.memory_space<vmem_shared>>
        tpu.wait_indirect_dma semaphore(%arg15 : memref<!tpu.dma_semaphore, #tpu.memory_space<semaphore_mem>>) src(%arg12 : memref<2000x8xf32, #tpu.memory_space<vmem>>) dst(%dma_wait3A_56 : memref<100352x8xf32, #tpu.memory_space<vmem_shared>>)
      } else {
      }
      %add3A_22 = arith.constant 0 : i32
      %add3A_23 = arith.addi %add3A_19, %add3A_22 : i32
      %mul3A_24 = arith.constant 2000 : i32
      %mul3A_25 = arith.muli %add3A_23, %mul3A_24 : i32
      %add3A_26 = arith.addi %mul3A_4, %mul3A_25 : i32
      "tpu.region"() ({
        %run_scoped3A = tpu.sem_alloc : memref<!tpu.dma_semaphore, #tpu.memory_space<semaphore_mem>>
        %dma_start3A_54 = tpu.memref_slice %arg3[%add3A_26] : memref<6400000xi32, #tpu.memory_space<hbm>> -> memref<2000xi32, #tpu.memory_space<hbm>>
        %dma_start3A_55 = tpu.memref_slice %arg3[%add3A_26] : memref<6400000xi32, #tpu.memory_space<hbm>> -> memref<2000xi32, #tpu.memory_space<hbm>>
        tpu.enqueue_dma source(%dma_start3A_55 : memref<2000xi32, #tpu.memory_space<hbm>>) target(%arg8 : memref<2000xi32, #tpu.memory_space<vmem>>) target_semaphore(%run_scoped3A : memref<!tpu.dma_semaphore, #tpu.memory_space<semaphore_mem>>)
        %dma_wait3A_56 = tpu.memref_slice %arg3[%add3A_26] : memref<6400000xi32, #tpu.memory_space<hbm>> -> memref<2000xi32, #tpu.memory_space<hbm>>
        %dma_wait3A_57 = tpu.memref_slice %arg3[%add3A_26] : memref<6400000xi32, #tpu.memory_space<hbm>> -> memref<2000xi32, #tpu.memory_space<hbm>>
        tpu.wait_dma2 semaphore(%run_scoped3A : memref<!tpu.dma_semaphore, #tpu.memory_space<semaphore_mem>>) src(%dma_wait3A_57 : memref<2000xi32, #tpu.memory_space<hbm>>) dst(%arg8 : memref<2000xi32, #tpu.memory_space<vmem>>)
        tpu.yield
      }) : () -> ()
      "tpu.region"() ({
        %run_scoped3A = tpu.sem_alloc : memref<!tpu.dma_semaphore, #tpu.memory_space<semaphore_mem>>
        %dma_start3A_54 = tpu.memref_slice %arg4[%add3A_26] : memref<6400000xi32, #tpu.memory_space<hbm>> -> memref<2000xi32, #tpu.memory_space<hbm>>
        %dma_start3A_55 = tpu.memref_slice %arg4[%add3A_26] : memref<6400000xi32, #tpu.memory_space<hbm>> -> memref<2000xi32, #tpu.memory_space<hbm>>
        tpu.enqueue_dma source(%dma_start3A_55 : memref<2000xi32, #tpu.memory_space<hbm>>) target(%arg10 : memref<2000xi32, #tpu.memory_space<vmem>>) target_semaphore(%run_scoped3A : memref<!tpu.dma_semaphore, #tpu.memory_space<semaphore_mem>>)
        %dma_wait3A_56 = tpu.memref_slice %arg4[%add3A_26] : memref<6400000xi32, #tpu.memory_space<hbm>> -> memref<2000xi32, #tpu.memory_space<hbm>>
        %dma_wait3A_57 = tpu.memref_slice %arg4[%add3A_26] : memref<6400000xi32, #tpu.memory_space<hbm>> -> memref<2000xi32, #tpu.memory_space<hbm>>
        tpu.wait_dma2 semaphore(%run_scoped3A : memref<!tpu.dma_semaphore, #tpu.memory_space<semaphore_mem>>) src(%dma_wait3A_57 : memref<2000xi32, #tpu.memory_space<hbm>>) dst(%arg10 : memref<2000xi32, #tpu.memory_space<vmem>>)
        tpu.yield
      }) : () -> ()
      %dma_start3A = arith.constant 0 : i32
      %dma_start3A_27 = arith.constant 0 : i32
      %dma_start3A_28 = tpu.memref_slice %arg2[%dma_start3A, %dma_start3A_27] : memref<100352x8xf32, #tpu.memory_space<hbm>> -> memref<100352x8xf32, #tpu.memory_space<hbm>>
      tpu.enqueue_indirect_dma source(%dma_start3A_28 : memref<100352x8xf32, #tpu.memory_space<hbm>>) target(%arg12 : memref<2000x8xf32, #tpu.memory_space<vmem>>) offsets(%arg8 : memref<2000xi32, #tpu.memory_space<vmem>>) semaphore(%arg14 : memref<!tpu.dma_semaphore, #tpu.memory_space<semaphore_mem>>)
      %dma_wait3A_29 = arith.constant 0 : i32
      %dma_wait3A_30 = arith.constant 0 : i32
      %dma_wait3A_31 = tpu.memref_slice %arg2[%dma_wait3A_29, %dma_wait3A_30] : memref<100352x8xf32, #tpu.memory_space<hbm>> -> memref<100352x8xf32, #tpu.memory_space<hbm>>
      tpu.wait_indirect_dma semaphore(%arg14 : memref<!tpu.dma_semaphore, #tpu.memory_space<semaphore_mem>>) src(%dma_wait3A_31 : memref<100352x8xf32, #tpu.memory_space<hbm>>) dst(%arg12 : memref<2000x8xf32, #tpu.memory_space<vmem>>)
      %dma_start3A_32 = arith.constant 0 : i32
      %dma_start3A_33 = arith.constant 0 : i32
      %dma_start3A_34 = tpu.memref_slice %arg7[%dma_start3A_32, %dma_start3A_33] : memref<100352x8xf32, #tpu.memory_space<vmem_shared>> -> memref<100352x8xf32, #tpu.memory_space<vmem_shared>>
      tpu.enqueue_indirect_dma source(%arg12 : memref<2000x8xf32, #tpu.memory_space<vmem>>) target(%dma_start3A_34 : memref<100352x8xf32, #tpu.memory_space<vmem_shared>>) offsets(%arg10 : memref<2000xi32, #tpu.memory_space<vmem>>) semaphore(%arg15 : memref<!tpu.dma_semaphore, #tpu.memory_space<semaphore_mem>>) {add = true}
      %ge3A_35 = arith.constant 2 : i32
      %ge3A_36 = arith.cmpi sge, %add3A_19, %ge3A_35 : i32
      %convert_element_type3A_37 = arith.extui %ge3A_36 : i1 to i32
      %cond3A_38 = arith.constant 0 : i32
      %cond3A_39 = arith.cmpi ne, %convert_element_type3A_37, %cond3A_38 : i32
      scf.if %cond3A_39 {
        %dma_wait3A_54 = arith.constant 0 : i32
        %dma_wait3A_55 = arith.constant 0 : i32
        %dma_wait3A_56 = tpu.memref_slice %arg7[%dma_wait3A_54, %dma_wait3A_55] : memref<100352x8xf32, #tpu.memory_space<vmem_shared>> -> memref<100352x8xf32, #tpu.memory_space<vmem_shared>>
        tpu.wait_indirect_dma semaphore(%arg16 : memref<!tpu.dma_semaphore, #tpu.memory_space<semaphore_mem>>) src(%arg13 : memref<2000x8xf32, #tpu.memory_space<vmem>>) dst(%dma_wait3A_56 : memref<100352x8xf32, #tpu.memory_space<vmem_shared>>)
      } else {
      }
      %add3A_40 = arith.constant 1 : i32
      %add3A_41 = arith.addi %add3A_19, %add3A_40 : i32
      %mul3A_42 = arith.constant 2000 : i32
      %mul3A_43 = arith.muli %add3A_41, %mul3A_42 : i32
      %add3A_44 = arith.addi %mul3A_4, %mul3A_43 : i32
      "tpu.region"() ({
        %run_scoped3A = tpu.sem_alloc : memref<!tpu.dma_semaphore, #tpu.memory_space<semaphore_mem>>
        %dma_start3A_54 = tpu.memref_slice %arg3[%add3A_44] : memref<6400000xi32, #tpu.memory_space<hbm>> -> memref<2000xi32, #tpu.memory_space<hbm>>
        %dma_start3A_55 = tpu.memref_slice %arg3[%add3A_44] : memref<6400000xi32, #tpu.memory_space<hbm>> -> memref<2000xi32, #tpu.memory_space<hbm>>
        tpu.enqueue_dma source(%dma_start3A_55 : memref<2000xi32, #tpu.memory_space<hbm>>) target(%arg9 : memref<2000xi32, #tpu.memory_space<vmem>>) target_semaphore(%run_scoped3A : memref<!tpu.dma_semaphore, #tpu.memory_space<semaphore_mem>>)
        %dma_wait3A_56 = tpu.memref_slice %arg3[%add3A_44] : memref<6400000xi32, #tpu.memory_space<hbm>> -> memref<2000xi32, #tpu.memory_space<hbm>>
        %dma_wait3A_57 = tpu.memref_slice %arg3[%add3A_44] : memref<6400000xi32, #tpu.memory_space<hbm>> -> memref<2000xi32, #tpu.memory_space<hbm>>
        tpu.wait_dma2 semaphore(%run_scoped3A : memref<!tpu.dma_semaphore, #tpu.memory_space<semaphore_mem>>) src(%dma_wait3A_57 : memref<2000xi32, #tpu.memory_space<hbm>>) dst(%arg9 : memref<2000xi32, #tpu.memory_space<vmem>>)
        tpu.yield
      }) : () -> ()
      "tpu.region"() ({
        %run_scoped3A = tpu.sem_alloc : memref<!tpu.dma_semaphore, #tpu.memory_space<semaphore_mem>>
        %dma_start3A_54 = tpu.memref_slice %arg4[%add3A_44] : memref<6400000xi32, #tpu.memory_space<hbm>> -> memref<2000xi32, #tpu.memory_space<hbm>>
        %dma_start3A_55 = tpu.memref_slice %arg4[%add3A_44] : memref<6400000xi32, #tpu.memory_space<hbm>> -> memref<2000xi32, #tpu.memory_space<hbm>>
        tpu.enqueue_dma source(%dma_start3A_55 : memref<2000xi32, #tpu.memory_space<hbm>>) target(%arg11 : memref<2000xi32, #tpu.memory_space<vmem>>) target_semaphore(%run_scoped3A : memref<!tpu.dma_semaphore, #tpu.memory_space<semaphore_mem>>)
        %dma_wait3A_56 = tpu.memref_slice %arg4[%add3A_44] : memref<6400000xi32, #tpu.memory_space<hbm>> -> memref<2000xi32, #tpu.memory_space<hbm>>
        %dma_wait3A_57 = tpu.memref_slice %arg4[%add3A_44] : memref<6400000xi32, #tpu.memory_space<hbm>> -> memref<2000xi32, #tpu.memory_space<hbm>>
        tpu.wait_dma2 semaphore(%run_scoped3A : memref<!tpu.dma_semaphore, #tpu.memory_space<semaphore_mem>>) src(%dma_wait3A_57 : memref<2000xi32, #tpu.memory_space<hbm>>) dst(%arg11 : memref<2000xi32, #tpu.memory_space<vmem>>)
        tpu.yield
      }) : () -> ()
      %dma_start3A_45 = arith.constant 0 : i32
      %dma_start3A_46 = arith.constant 0 : i32
      %dma_start3A_47 = tpu.memref_slice %arg2[%dma_start3A_45, %dma_start3A_46] : memref<100352x8xf32, #tpu.memory_space<hbm>> -> memref<100352x8xf32, #tpu.memory_space<hbm>>
      tpu.enqueue_indirect_dma source(%dma_start3A_47 : memref<100352x8xf32, #tpu.memory_space<hbm>>) target(%arg13 : memref<2000x8xf32, #tpu.memory_space<vmem>>) offsets(%arg9 : memref<2000xi32, #tpu.memory_space<vmem>>) semaphore(%arg14 : memref<!tpu.dma_semaphore, #tpu.memory_space<semaphore_mem>>)
      %dma_wait3A_48 = arith.constant 0 : i32
      %dma_wait3A_49 = arith.constant 0 : i32
      %dma_wait3A_50 = tpu.memref_slice %arg2[%dma_wait3A_48, %dma_wait3A_49] : memref<100352x8xf32, #tpu.memory_space<hbm>> -> memref<100352x8xf32, #tpu.memory_space<hbm>>
      tpu.wait_indirect_dma semaphore(%arg14 : memref<!tpu.dma_semaphore, #tpu.memory_space<semaphore_mem>>) src(%dma_wait3A_50 : memref<100352x8xf32, #tpu.memory_space<hbm>>) dst(%arg13 : memref<2000x8xf32, #tpu.memory_space<vmem>>)
      %dma_start3A_51 = arith.constant 0 : i32
      %dma_start3A_52 = arith.constant 0 : i32
      %dma_start3A_53 = tpu.memref_slice %arg7[%dma_start3A_51, %dma_start3A_52] : memref<100352x8xf32, #tpu.memory_space<vmem_shared>> -> memref<100352x8xf32, #tpu.memory_space<vmem_shared>>
      tpu.enqueue_indirect_dma source(%arg13 : memref<2000x8xf32, #tpu.memory_space<vmem>>) target(%dma_start3A_53 : memref<100352x8xf32, #tpu.memory_space<vmem_shared>>) offsets(%arg11 : memref<2000xi32, #tpu.memory_space<vmem>>) semaphore(%arg16 : memref<!tpu.dma_semaphore, #tpu.memory_space<semaphore_mem>>) {add = true}
    }
    %scan3A_8 = arith.constant 50 : i32
    %dma_wait3A = arith.constant 0 : i32
    %dma_wait3A_9 = arith.constant 0 : i32
    %dma_wait3A_10 = tpu.memref_slice %arg7[%dma_wait3A, %dma_wait3A_9] : memref<100352x8xf32, #tpu.memory_space<vmem_shared>> -> memref<100352x8xf32, #tpu.memory_space<vmem_shared>>
    tpu.wait_indirect_dma semaphore(%arg15 : memref<!tpu.dma_semaphore, #tpu.memory_space<semaphore_mem>>) src(%arg12 : memref<2000x8xf32, #tpu.memory_space<vmem>>) dst(%dma_wait3A_10 : memref<100352x8xf32, #tpu.memory_space<vmem_shared>>)
    %dma_wait3A_11 = arith.constant 0 : i32
    %dma_wait3A_12 = arith.constant 0 : i32
    %dma_wait3A_13 = tpu.memref_slice %arg7[%dma_wait3A_11, %dma_wait3A_12] : memref<100352x8xf32, #tpu.memory_space<vmem_shared>> -> memref<100352x8xf32, #tpu.memory_space<vmem_shared>>
    tpu.wait_indirect_dma semaphore(%arg16 : memref<!tpu.dma_semaphore, #tpu.memory_space<semaphore_mem>>) src(%arg13 : memref<2000x8xf32, #tpu.memory_space<vmem>>) dst(%dma_wait3A_13 : memref<100352x8xf32, #tpu.memory_space<vmem_shared>>)
    %barrier3A_14 = arith.constant 0 : index
    tpu.barrier barrier_id(%barrier3A_14)
    "tpu.region"() ({
      %run_scoped3A = tpu.sem_alloc : memref<!tpu.dma_semaphore, #tpu.memory_space<semaphore_mem>>
      %dma_start3A = arith.constant 0 : i32
      %dma_start3A_15 = tpu.memref_slice %arg6[%arg0, %mul3A_2, %dma_start3A] : memref<2x100352x8xf32, #tpu.memory_space<hbm>> -> memref<1x6272x8xf32, #tpu.memory_space<hbm>>
      %dma_start3A_16 = tpu.memref_squeeze %dma_start3A_15 : memref<1x6272x8xf32, #tpu.memory_space<hbm>> -> memref<6272x8xf32, #tpu.memory_space<hbm>>
      %dma_start3A_17 = arith.constant 0 : i32
      %dma_start3A_18 = tpu.memref_slice %arg7[%mul3A_2, %dma_start3A_17] : memref<100352x8xf32, #tpu.memory_space<vmem_shared>> -> memref<6272x8xf32, #tpu.memory_space<vmem_shared>>
      tpu.enqueue_dma source(%dma_start3A_18 : memref<6272x8xf32, #tpu.memory_space<vmem_shared>>) target(%dma_start3A_16 : memref<6272x8xf32, #tpu.memory_space<hbm>>) target_semaphore(%run_scoped3A : memref<!tpu.dma_semaphore, #tpu.memory_space<semaphore_mem>>)
      %dma_wait3A_19 = arith.constant 0 : i32
      %dma_wait3A_20 = tpu.memref_slice %arg6[%arg0, %mul3A_2, %dma_wait3A_19] : memref<2x100352x8xf32, #tpu.memory_space<hbm>> -> memref<1x6272x8xf32, #tpu.memory_space<hbm>>
      %dma_wait3A_21 = tpu.memref_squeeze %dma_wait3A_20 : memref<1x6272x8xf32, #tpu.memory_space<hbm>> -> memref<6272x8xf32, #tpu.memory_space<hbm>>
      %dma_wait3A_22 = arith.constant 0 : i32
      %dma_wait3A_23 = tpu.memref_slice %arg7[%mul3A_2, %dma_wait3A_22] : memref<100352x8xf32, #tpu.memory_space<vmem_shared>> -> memref<6272x8xf32, #tpu.memory_space<vmem_shared>>
      tpu.wait_dma2 semaphore(%run_scoped3A : memref<!tpu.dma_semaphore, #tpu.memory_space<semaphore_mem>>) src(%dma_wait3A_23 : memref<6272x8xf32, #tpu.memory_space<vmem_shared>>) dst(%dma_wait3A_21 : memref<6272x8xf32, #tpu.memory_space<hbm>>)
      tpu.yield
    }) : () -> ()
    return
  }
}

#map = affine_map<(d0, d1) -> (0, 0)>
#map1 = affine_map<(d0, d1) -> (0)>
module attributes {stable_mosaic.version = 14 : i64} {
  func.func @glueN(%arg0: i32, %arg1: i32, %arg2: memref<2x802816xf32, #tpu.memory_space<hbm>>, %arg3: memref<802816xf32, #tpu.memory_space<hbm>>, %arg4: memref<100352xf32, #tpu.memory_space<hbm>>, %arg5: memref<32xf32, #tpu.memory_space<hbm>>, %arg6: memref<16xf32, #tpu.memory_space<hbm>>, %arg7: memref<802816xf32, #tpu.memory_space<hbm>>, %arg8: memref<25088xf32, #tpu.memory_space<vmem>>, %arg9: memref<25088xf32, #tpu.memory_space<vmem>>, %arg10: memref<25088xf32, #tpu.memory_space<vmem>>, %arg11: memref<3136xf32, #tpu.memory_space<vmem>>, %arg12: memref<32xf32, #tpu.memory_space<vmem>>, %arg13: memref<16xf32, #tpu.memory_space<vmem>>) attributes {dimension_semantics = [#tpu.dimension_semantics<core_parallel>, #tpu.dimension_semantics<subcore_parallel>], iteration_bounds = array<i64: 2, 16>, scalar_prefetch = 0 : i64, scratch_operands = 6 : i64, tpu.core_type = #tpu.core_type<sc_vector_subcore>, window_params = [{transform_indices = #map}, {transform_indices = #map1}, {transform_indices = #map1}, {transform_indices = #map1}, {transform_indices = #map1}, {transform_indices = #map1}]} {
    %mul3A = arith.constant 2 : i32
    %mul3A_0 = arith.muli %arg1, %mul3A : i32
    %add3A = arith.addi %mul3A_0, %arg0 : i32
    %mul3A_1 = arith.constant 3136 : i32
    %mul3A_2 = arith.muli %add3A, %mul3A_1 : i32
    %mul3A_3 = arith.constant 8 : i32
    %mul3A_4 = arith.muli %mul3A_3, %mul3A_2 : i32
    %run_scoped3A = arith.constant 0 : i32
    "tpu.region"() ({
      %run_scoped3A_30 = tpu.sem_alloc : memref<!tpu.dma_semaphore, #tpu.memory_space<semaphore_mem>>
      %dma_start3A = tpu.memref_slice %arg2[%run_scoped3A, %mul3A_4] : memref<2x802816xf32, #tpu.memory_space<hbm>> -> memref<1x25088xf32, #tpu.memory_space<hbm>>
      %dma_start3A_31 = tpu.memref_squeeze %dma_start3A : memref<1x25088xf32, #tpu.memory_space<hbm>> -> memref<25088xf32, #tpu.memory_space<hbm>>
      %dma_start3A_32 = tpu.memref_slice %arg2[%run_scoped3A, %mul3A_4] : memref<2x802816xf32, #tpu.memory_space<hbm>> -> memref<1x25088xf32, #tpu.memory_space<hbm>>
      %dma_start3A_33 = tpu.memref_squeeze %dma_start3A_32 : memref<1x25088xf32, #tpu.memory_space<hbm>> -> memref<25088xf32, #tpu.memory_space<hbm>>
      tpu.enqueue_dma source(%dma_start3A_33 : memref<25088xf32, #tpu.memory_space<hbm>>) target(%arg8 : memref<25088xf32, #tpu.memory_space<vmem>>) target_semaphore(%run_scoped3A_30 : memref<!tpu.dma_semaphore, #tpu.memory_space<semaphore_mem>>)
      %dma_wait3A = tpu.memref_slice %arg2[%run_scoped3A, %mul3A_4] : memref<2x802816xf32, #tpu.memory_space<hbm>> -> memref<1x25088xf32, #tpu.memory_space<hbm>>
      %dma_wait3A_34 = tpu.memref_squeeze %dma_wait3A : memref<1x25088xf32, #tpu.memory_space<hbm>> -> memref<25088xf32, #tpu.memory_space<hbm>>
      %dma_wait3A_35 = tpu.memref_slice %arg2[%run_scoped3A, %mul3A_4] : memref<2x802816xf32, #tpu.memory_space<hbm>> -> memref<1x25088xf32, #tpu.memory_space<hbm>>
      %dma_wait3A_36 = tpu.memref_squeeze %dma_wait3A_35 : memref<1x25088xf32, #tpu.memory_space<hbm>> -> memref<25088xf32, #tpu.memory_space<hbm>>
      tpu.wait_dma2 semaphore(%run_scoped3A_30 : memref<!tpu.dma_semaphore, #tpu.memory_space<semaphore_mem>>) src(%dma_wait3A_36 : memref<25088xf32, #tpu.memory_space<hbm>>) dst(%arg8 : memref<25088xf32, #tpu.memory_space<vmem>>)
      tpu.yield
    }) : () -> ()
    %run_scoped3A_5 = arith.constant 1 : i32
    "tpu.region"() ({
      %run_scoped3A_30 = tpu.sem_alloc : memref<!tpu.dma_semaphore, #tpu.memory_space<semaphore_mem>>
      %dma_start3A = tpu.memref_slice %arg2[%run_scoped3A_5, %mul3A_4] : memref<2x802816xf32, #tpu.memory_space<hbm>> -> memref<1x25088xf32, #tpu.memory_space<hbm>>
      %dma_start3A_31 = tpu.memref_squeeze %dma_start3A : memref<1x25088xf32, #tpu.memory_space<hbm>> -> memref<25088xf32, #tpu.memory_space<hbm>>
      %dma_start3A_32 = tpu.memref_slice %arg2[%run_scoped3A_5, %mul3A_4] : memref<2x802816xf32, #tpu.memory_space<hbm>> -> memref<1x25088xf32, #tpu.memory_space<hbm>>
      %dma_start3A_33 = tpu.memref_squeeze %dma_start3A_32 : memref<1x25088xf32, #tpu.memory_space<hbm>> -> memref<25088xf32, #tpu.memory_space<hbm>>
      tpu.enqueue_dma source(%dma_start3A_33 : memref<25088xf32, #tpu.memory_space<hbm>>) target(%arg9 : memref<25088xf32, #tpu.memory_space<vmem>>) target_semaphore(%run_scoped3A_30 : memref<!tpu.dma_semaphore, #tpu.memory_space<semaphore_mem>>)
      %dma_wait3A = tpu.memref_slice %arg2[%run_scoped3A_5, %mul3A_4] : memref<2x802816xf32, #tpu.memory_space<hbm>> -> memref<1x25088xf32, #tpu.memory_space<hbm>>
      %dma_wait3A_34 = tpu.memref_squeeze %dma_wait3A : memref<1x25088xf32, #tpu.memory_space<hbm>> -> memref<25088xf32, #tpu.memory_space<hbm>>
      %dma_wait3A_35 = tpu.memref_slice %arg2[%run_scoped3A_5, %mul3A_4] : memref<2x802816xf32, #tpu.memory_space<hbm>> -> memref<1x25088xf32, #tpu.memory_space<hbm>>
      %dma_wait3A_36 = tpu.memref_squeeze %dma_wait3A_35 : memref<1x25088xf32, #tpu.memory_space<hbm>> -> memref<25088xf32, #tpu.memory_space<hbm>>
      tpu.wait_dma2 semaphore(%run_scoped3A_30 : memref<!tpu.dma_semaphore, #tpu.memory_space<semaphore_mem>>) src(%dma_wait3A_36 : memref<25088xf32, #tpu.memory_space<hbm>>) dst(%arg9 : memref<25088xf32, #tpu.memory_space<vmem>>)
      tpu.yield
    }) : () -> ()
    "tpu.region"() ({
      %run_scoped3A_30 = tpu.sem_alloc : memref<!tpu.dma_semaphore, #tpu.memory_space<semaphore_mem>>
      %dma_start3A = tpu.memref_slice %arg3[%mul3A_4] : memref<802816xf32, #tpu.memory_space<hbm>> -> memref<25088xf32, #tpu.memory_space<hbm>>
      %dma_start3A_31 = tpu.memref_slice %arg3[%mul3A_4] : memref<802816xf32, #tpu.memory_space<hbm>> -> memref<25088xf32, #tpu.memory_space<hbm>>
      tpu.enqueue_dma source(%dma_start3A_31 : memref<25088xf32, #tpu.memory_space<hbm>>) target(%arg10 : memref<25088xf32, #tpu.memory_space<vmem>>) target_semaphore(%run_scoped3A_30 : memref<!tpu.dma_semaphore, #tpu.memory_space<semaphore_mem>>)
      %dma_wait3A = tpu.memref_slice %arg3[%mul3A_4] : memref<802816xf32, #tpu.memory_space<hbm>> -> memref<25088xf32, #tpu.memory_space<hbm>>
      %dma_wait3A_32 = tpu.memref_slice %arg3[%mul3A_4] : memref<802816xf32, #tpu.memory_space<hbm>> -> memref<25088xf32, #tpu.memory_space<hbm>>
      tpu.wait_dma2 semaphore(%run_scoped3A_30 : memref<!tpu.dma_semaphore, #tpu.memory_space<semaphore_mem>>) src(%dma_wait3A_32 : memref<25088xf32, #tpu.memory_space<hbm>>) dst(%arg10 : memref<25088xf32, #tpu.memory_space<vmem>>)
      tpu.yield
    }) : () -> ()
    "tpu.region"() ({
      %run_scoped3A_30 = tpu.sem_alloc : memref<!tpu.dma_semaphore, #tpu.memory_space<semaphore_mem>>
      %dma_start3A = tpu.memref_slice %arg4[%mul3A_2] : memref<100352xf32, #tpu.memory_space<hbm>> -> memref<3136xf32, #tpu.memory_space<hbm>>
      %dma_start3A_31 = tpu.memref_slice %arg4[%mul3A_2] : memref<100352xf32, #tpu.memory_space<hbm>> -> memref<3136xf32, #tpu.memory_space<hbm>>
      tpu.enqueue_dma source(%dma_start3A_31 : memref<3136xf32, #tpu.memory_space<hbm>>) target(%arg11 : memref<3136xf32, #tpu.memory_space<vmem>>) target_semaphore(%run_scoped3A_30 : memref<!tpu.dma_semaphore, #tpu.memory_space<semaphore_mem>>)
      %dma_wait3A = tpu.memref_slice %arg4[%mul3A_2] : memref<100352xf32, #tpu.memory_space<hbm>> -> memref<3136xf32, #tpu.memory_space<hbm>>
      %dma_wait3A_32 = tpu.memref_slice %arg4[%mul3A_2] : memref<100352xf32, #tpu.memory_space<hbm>> -> memref<3136xf32, #tpu.memory_space<hbm>>
      tpu.wait_dma2 semaphore(%run_scoped3A_30 : memref<!tpu.dma_semaphore, #tpu.memory_space<semaphore_mem>>) src(%dma_wait3A_32 : memref<3136xf32, #tpu.memory_space<hbm>>) dst(%arg11 : memref<3136xf32, #tpu.memory_space<vmem>>)
      tpu.yield
    }) : () -> ()
    "tpu.region"() ({
      %run_scoped3A_30 = tpu.sem_alloc : memref<!tpu.dma_semaphore, #tpu.memory_space<semaphore_mem>>
      tpu.enqueue_dma source(%arg5 : memref<32xf32, #tpu.memory_space<hbm>>) target(%arg12 : memref<32xf32, #tpu.memory_space<vmem>>) target_semaphore(%run_scoped3A_30 : memref<!tpu.dma_semaphore, #tpu.memory_space<semaphore_mem>>)
      tpu.wait_dma2 semaphore(%run_scoped3A_30 : memref<!tpu.dma_semaphore, #tpu.memory_space<semaphore_mem>>) src(%arg5 : memref<32xf32, #tpu.memory_space<hbm>>) dst(%arg12 : memref<32xf32, #tpu.memory_space<vmem>>)
      tpu.yield
    }) : () -> ()
    "tpu.region"() ({
      %run_scoped3A_30 = tpu.sem_alloc : memref<!tpu.dma_semaphore, #tpu.memory_space<semaphore_mem>>
      tpu.enqueue_dma source(%arg6 : memref<16xf32, #tpu.memory_space<hbm>>) target(%arg13 : memref<16xf32, #tpu.memory_space<vmem>>) target_semaphore(%run_scoped3A_30 : memref<!tpu.dma_semaphore, #tpu.memory_space<semaphore_mem>>)
      tpu.wait_dma2 semaphore(%run_scoped3A_30 : memref<!tpu.dma_semaphore, #tpu.memory_space<semaphore_mem>>) src(%arg6 : memref<16xf32, #tpu.memory_space<hbm>>) dst(%arg13 : memref<16xf32, #tpu.memory_space<vmem>>)
      tpu.yield
    }) : () -> ()
    %iota3A = tpu.iota {dimensions = array<i32: 0>} : vector<16xi32>
    %and3A = arith.constant 7 : i32
    %and3A_6 = vector.broadcast %and3A : i32 to vector<16xi32>
    %and3A_7 = arith.andi %iota3A, %and3A_6 : vector<16xi32>
    %shift_right_logical3A = arith.constant 3 : i32
    %shift_right_logical3A_8 = vector.broadcast %shift_right_logical3A : i32 to vector<16xi32>
    %shift_right_logical3A_9 = arith.shrui %iota3A, %shift_right_logical3A_8 : vector<16xi32>
    %gather3A = tpu.vector_load_idx %arg13[%and3A_7] : memref<16xf32, #tpu.memory_space<vmem>>[vector<16xi32>], vector<16xf32>,
    %add3A_10 = arith.constant 0 : i32
    %add3A_11 = vector.broadcast %add3A_10 : i32 to vector<16xi32>
    %add3A_12 = arith.addi %add3A_11, %and3A_7 : vector<16xi32>
    %gather3A_13 = tpu.vector_load_idx %arg12[%add3A_12] : memref<32xf32, #tpu.memory_space<vmem>>[vector<16xi32>], vector<16xf32>,
    %add3A_14 = arith.constant 8 : i32
    %add3A_15 = vector.broadcast %add3A_14 : i32 to vector<16xi32>
    %add3A_16 = arith.addi %add3A_15, %and3A_7 : vector<16xi32>
    %gather3A_17 = tpu.vector_load_idx %arg12[%add3A_16] : memref<32xf32, #tpu.memory_space<vmem>>[vector<16xi32>], vector<16xf32>,
    %add3A_18 = arith.constant 16 : i32
    %add3A_19 = vector.broadcast %add3A_18 : i32 to vector<16xi32>
    %add3A_20 = arith.addi %add3A_19, %and3A_7 : vector<16xi32>
    %gather3A_21 = tpu.vector_load_idx %arg12[%add3A_20] : memref<32xf32, #tpu.memory_space<vmem>>[vector<16xi32>], vector<16xf32>,
    %add3A_22 = arith.constant 24 : i32
    %add3A_23 = vector.broadcast %add3A_22 : i32 to vector<16xi32>
    %add3A_24 = arith.addi %add3A_23, %and3A_7 : vector<16xi32>
    %gather3A_25 = tpu.vector_load_idx %arg12[%add3A_24] : memref<32xf32, #tpu.memory_space<vmem>>[vector<16xi32>], vector<16xf32>,
    %scan3A = arith.constant 0 : i32
    %scan3A_26 = arith.constant 1568 : i32
    %scan3A_27 = arith.addi %scan3A, %scan3A_26 : i32
    %scan3A_28 = arith.constant 1 : i32
    scf.for %scan3A_30 = %scan3A to %scan3A_27 step %scan3A_28  : i32 {
      %mul3A_31 = arith.constant 1 : i32
      %mul3A_32 = arith.muli %scan3A_30, %mul3A_31 : i32
      %add3A_33 = arith.constant 0 : i32
      %add3A_34 = arith.addi %add3A_33, %mul3A_32 : i32
      %mul3A_35 = arith.constant 16 : i32
      %mul3A_36 = arith.muli %add3A_34, %mul3A_35 : i32
      %get3A = arith.index_cast %mul3A_36 : i32 to index
      %get3A_37 = tpu.vector_load %arg8[%get3A] {strides = array<i32>} : memref<25088xf32, #tpu.memory_space<vmem>>, vector<16xf32>,
      %get3A_38 = arith.index_cast %mul3A_36 : i32 to index
      %get3A_39 = tpu.vector_load %arg9[%get3A_38] {strides = array<i32>} : memref<25088xf32, #tpu.memory_space<vmem>>, vector<16xf32>,
      %add3A_40 = arith.addf %get3A_37, %get3A_39 : vector<16xf32>
      %get3A_41 = arith.index_cast %mul3A_36 : i32 to index
      %get3A_42 = tpu.vector_load %arg10[%get3A_41] {strides = array<i32>} : memref<25088xf32, #tpu.memory_space<vmem>>, vector<16xf32>,
      %add3A_43 = arith.addf %add3A_40, %get3A_42 : vector<16xf32>
      %mul3A_44 = arith.constant 2 : i32
      %mul3A_45 = arith.muli %add3A_34, %mul3A_44 : i32
      %add3A_46 = vector.broadcast %mul3A_45 : i32 to vector<16xi32>
      %add3A_47 = arith.addi %add3A_46, %shift_right_logical3A_9 : vector<16xi32>
      %gather3A_48 = tpu.vector_load_idx %arg11[%add3A_47] : memref<3136xf32, #tpu.memory_space<vmem>>[vector<16xi32>], vector<16xf32>,
      %mul3A_49 = arith.mulf %gather3A_48, %add3A_43 : vector<16xf32>
      %add3A_50 = arith.addf %mul3A_49, %gather3A : vector<16xf32>
      %mul3A_51 = arith.constant 2.000000e+00 : f32
      %mul3A_52 = vector.broadcast %mul3A_51 : f32 to vector<16xf32>
      %mul3A_53 = arith.mulf %mul3A_52, %add3A_50 : vector<16xf32>
      %exp3A = math.exp %mul3A_53 : vector<16xf32>
      %add3A_54 = arith.constant 1.000000e+00 : f32
      %add3A_55 = vector.broadcast %add3A_54 : f32 to vector<16xf32>
      %add3A_56 = arith.addf %exp3A, %add3A_55 : vector<16xf32>
      %div3A = arith.constant 2.000000e+00 : f32
      %div3A_57 = vector.broadcast %div3A : f32 to vector<16xf32>
      %div3A_58 = arith.divf %div3A_57, %add3A_56 : vector<16xf32>
      %sub3A = arith.constant 1.000000e+00 : f32
      %sub3A_59 = vector.broadcast %sub3A : f32 to vector<16xf32>
      %sub3A_60 = arith.subf %sub3A_59, %div3A_58 : vector<16xf32>
      %broadcast_in_dim3A = arith.constant 0.000000e+00 : f32
      %broadcast_in_dim3A_61 = vector.broadcast %broadcast_in_dim3A : f32 to vector<16xf32>
      %mul3A_62 = arith.constant 8 : i32
      %mul3A_63 = vector.broadcast %mul3A_62 : i32 to vector<16xi32>
      %mul3A_64 = arith.muli %shift_right_logical3A_9, %mul3A_63 : vector<16xi32>
      %add3A_65 = arith.constant 0 : i32
      %add3A_66 = vector.broadcast %add3A_65 : i32 to vector<16xi32>
      %add3A_67 = arith.addi %mul3A_64, %add3A_66 : vector<16xi32>
      %lt3A = arith.constant 0 : i32
      %lt3A_68 = vector.broadcast %lt3A : i32 to vector<16xi32>
      %lt3A_69 = arith.cmpi slt, %add3A_67, %lt3A_68 : vector<16xi32>
      %add3A_70 = arith.constant 16 : i32
      %add3A_71 = vector.broadcast %add3A_70 : i32 to vector<16xi32>
      %add3A_72 = arith.addi %add3A_67, %add3A_71 : vector<16xi32>
      %select_n3A = arith.select %lt3A_69, %add3A_72, %add3A_67 : vector<16xi1>, vector<16xi32>
      %reshape3A = vector.shape_cast %select_n3A : vector<16xi32> to vector<16x1xi32>
      %gather3A_73 = vector.shape_cast %reshape3A : vector<16x1xi32> to vector<16xi32>
      %gather3A_74 = tpu.dynamic_gather %sub3A_60[%gather3A_73] in [0] : vector<16xf32>, vector<16xi32> -> vector<16xf32>
      %mul3A_75 = arith.mulf %gather3A_74, %gather3A_13 : vector<16xf32>
      %add3A_76 = arith.addf %broadcast_in_dim3A_61, %mul3A_75 : vector<16xf32>
      %mul3A_77 = arith.constant 8 : i32
      %mul3A_78 = vector.broadcast %mul3A_77 : i32 to vector<16xi32>
      %mul3A_79 = arith.muli %shift_right_logical3A_9, %mul3A_78 : vector<16xi32>
      %add3A_80 = arith.constant 1 : i32
      %add3A_81 = vector.broadcast %add3A_80 : i32 to vector<16xi32>
      %add3A_82 = arith.addi %mul3A_79, %add3A_81 : vector<16xi32>
      %lt3A_83 = arith.constant 0 : i32
      %lt3A_84 = vector.broadcast %lt3A_83 : i32 to vector<16xi32>
      %lt3A_85 = arith.cmpi slt, %add3A_82, %lt3A_84 : vector<16xi32>
      %add3A_86 = arith.constant 16 : i32
      %add3A_87 = vector.broadcast %add3A_86 : i32 to vector<16xi32>
      %add3A_88 = arith.addi %add3A_82, %add3A_87 : vector<16xi32>
      %select_n3A_89 = arith.select %lt3A_85, %add3A_88, %add3A_82 : vector<16xi1>, vector<16xi32>
      %reshape3A_90 = vector.shape_cast %select_n3A_89 : vector<16xi32> to vector<16x1xi32>
      %gather3A_91 = vector.shape_cast %reshape3A_90 : vector<16x1xi32> to vector<16xi32>
      %gather3A_92 = tpu.dynamic_gather %sub3A_60[%gather3A_91] in [0] : vector<16xf32>, vector<16xi32> -> vector<16xf32>
      %mul3A_93 = arith.mulf %gather3A_92, %gather3A_17 : vector<16xf32>
      %add3A_94 = arith.addf %add3A_76, %mul3A_93 : vector<16xf32>
      %mul3A_95 = arith.constant 8 : i32
      %mul3A_96 = vector.broadcast %mul3A_95 : i32 to vector<16xi32>
      %mul3A_97 = arith.muli %shift_right_logical3A_9, %mul3A_96 : vector<16xi32>
      %add3A_98 = arith.constant 2 : i32
      %add3A_99 = vector.broadcast %add3A_98 : i32 to vector<16xi32>
      %add3A_100 = arith.addi %mul3A_97, %add3A_99 : vector<16xi32>
      %lt3A_101 = arith.constant 0 : i32
      %lt3A_102 = vector.broadcast %lt3A_101 : i32 to vector<16xi32>
      %lt3A_103 = arith.cmpi slt, %add3A_100, %lt3A_102 : vector<16xi32>
      %add3A_104 = arith.constant 16 : i32
      %add3A_105 = vector.broadcast %add3A_104 : i32 to vector<16xi32>
      %add3A_106 = arith.addi %add3A_100, %add3A_105 : vector<16xi32>
      %select_n3A_107 = arith.select %lt3A_103, %add3A_106, %add3A_100 : vector<16xi1>, vector<16xi32>
      %reshape3A_108 = vector.shape_cast %select_n3A_107 : vector<16xi32> to vector<16x1xi32>
      %gather3A_109 = vector.shape_cast %reshape3A_108 : vector<16x1xi32> to vector<16xi32>
      %gather3A_110 = tpu.dynamic_gather %sub3A_60[%gather3A_109] in [0] : vector<16xf32>, vector<16xi32> -> vector<16xf32>
      %mul3A_111 = arith.mulf %gather3A_110, %gather3A_21 : vector<16xf32>
      %add3A_112 = arith.addf %add3A_94, %mul3A_111 : vector<16xf32>
      %mul3A_113 = arith.constant 8 : i32
      %mul3A_114 = vector.broadcast %mul3A_113 : i32 to vector<16xi32>
      %mul3A_115 = arith.muli %shift_right_logical3A_9, %mul3A_114 : vector<16xi32>
      %add3A_116 = arith.constant 3 : i32
      %add3A_117 = vector.broadcast %add3A_116 : i32 to vector<16xi32>
      %add3A_118 = arith.addi %mul3A_115, %add3A_117 : vector<16xi32>
      %lt3A_119 = arith.constant 0 : i32
      %lt3A_120 = vector.broadcast %lt3A_119 : i32 to vector<16xi32>
      %lt3A_121 = arith.cmpi slt, %add3A_118, %lt3A_120 : vector<16xi32>
      %add3A_122 = arith.constant 16 : i32
      %add3A_123 = vector.broadcast %add3A_122 : i32 to vector<16xi32>
      %add3A_124 = arith.addi %add3A_118, %add3A_123 : vector<16xi32>
      %select_n3A_125 = arith.select %lt3A_121, %add3A_124, %add3A_118 : vector<16xi1>, vector<16xi32>
      %reshape3A_126 = vector.shape_cast %select_n3A_125 : vector<16xi32> to vector<16x1xi32>
      %gather3A_127 = vector.shape_cast %reshape3A_126 : vector<16x1xi32> to vector<16xi32>
      %gather3A_128 = tpu.dynamic_gather %sub3A_60[%gather3A_127] in [0] : vector<16xf32>, vector<16xi32> -> vector<16xf32>
      %mul3A_129 = arith.mulf %gather3A_128, %gather3A_25 : vector<16xf32>
      %add3A_130 = arith.addf %add3A_112, %mul3A_129 : vector<16xf32>
      %mul3A_131 = arith.mulf %gather3A_48, %add3A_130 : vector<16xf32>
      %swap3A = arith.index_cast %mul3A_36 : i32 to index
      %swap3A_132 = tpu.vector_load %arg10[%swap3A] {strides = array<i32>} : memref<25088xf32, #tpu.memory_space<vmem>>, vector<16xf32>,
      tpu.vector_store %arg10[%swap3A], %mul3A_131 {strides = array<i32>} : memref<25088xf32, #tpu.memory_space<vmem>>, vector<16xf32>,
    }
    %scan3A_29 = arith.constant 1568 : i32
    "tpu.region"() ({
      %run_scoped3A_30 = tpu.sem_alloc : memref<!tpu.dma_semaphore, #tpu.memory_space<semaphore_mem>>
      %dma_start3A = tpu.memref_slice %arg7[%mul3A_4] : memref<802816xf32, #tpu.memory_space<hbm>> -> memref<25088xf32, #tpu.memory_space<hbm>>
      %dma_start3A_31 = tpu.memref_slice %arg7[%mul3A_4] : memref<802816xf32, #tpu.memory_space<hbm>> -> memref<25088xf32, #tpu.memory_space<hbm>>
      tpu.enqueue_dma source(%arg10 : memref<25088xf32, #tpu.memory_space<vmem>>) target(%dma_start3A_31 : memref<25088xf32, #tpu.memory_space<hbm>>) target_semaphore(%run_scoped3A_30 : memref<!tpu.dma_semaphore, #tpu.memory_space<semaphore_mem>>)
      %dma_wait3A = tpu.memref_slice %arg7[%mul3A_4] : memref<802816xf32, #tpu.memory_space<hbm>> -> memref<25088xf32, #tpu.memory_space<hbm>>
      %dma_wait3A_32 = tpu.memref_slice %arg7[%mul3A_4] : memref<802816xf32, #tpu.memory_space<hbm>> -> memref<25088xf32, #tpu.memory_space<hbm>>
      tpu.wait_dma2 semaphore(%run_scoped3A_30 : memref<!tpu.dma_semaphore, #tpu.memory_space<semaphore_mem>>) src(%arg10 : memref<25088xf32, #tpu.memory_space<vmem>>) dst(%dma_wait3A_32 : memref<25088xf32, #tpu.memory_space<hbm>>)
      tpu.yield
    }) : () -> ()
    return
  }
}

#map = affine_map<(d0, d1) -> (0, 0)>
#map1 = affine_map<(d0, d1) -> (0)>
#map2 = affine_map<(d0, d1) -> (0, 0, 0)>
module attributes {stable_mosaic.version = 14 : i64} {
  func.func @edge_kernel(%arg0: i32, %arg1: i32, %arg2: memref<100352x8xf32, #tpu.memory_space<hbm>>, %arg3: memref<6400000xi32, #tpu.memory_space<hbm>>, %arg4: memref<6400000xi32, #tpu.memory_space<hbm>>, %arg5: memref<100352x8xf32, #tpu.memory_space<hbm>>, %arg6: memref<2x100352x8xf32, #tpu.memory_space<hbm>>, %arg7: memref<100352x8xf32, #tpu.memory_space<vmem_shared>>, %arg8: memref<2000xi32, #tpu.memory_space<vmem>>, %arg9: memref<2000xi32, #tpu.memory_space<vmem>>, %arg10: memref<2000xi32, #tpu.memory_space<vmem>>, %arg11: memref<2000xi32, #tpu.memory_space<vmem>>, %arg12: memref<2000x8xf32, #tpu.memory_space<vmem>>, %arg13: memref<2000x8xf32, #tpu.memory_space<vmem>>, %arg14: memref<!tpu.dma_semaphore, #tpu.memory_space<semaphore_mem>>, %arg15: memref<!tpu.dma_semaphore, #tpu.memory_space<semaphore_mem>>, %arg16: memref<!tpu.dma_semaphore, #tpu.memory_space<semaphore_mem>>) attributes {dimension_semantics = [#tpu.dimension_semantics<core_parallel>, #tpu.dimension_semantics<subcore_parallel>], iteration_bounds = array<i64: 2, 16>, scalar_prefetch = 0 : i64, scratch_operands = 10 : i64, tpu.core_type = #tpu.core_type<sc_vector_subcore>, window_params = [{transform_indices = #map}, {transform_indices = #map1}, {transform_indices = #map1}, {transform_indices = #map}, {transform_indices = #map2}]} {
    %mul3A = arith.constant 2 : i32
    %mul3A_0 = arith.muli %arg1, %mul3A : i32
    %add3A = arith.addi %mul3A_0, %arg0 : i32
    %mul3A_1 = arith.constant 6272 : i32
    %mul3A_2 = arith.muli %arg1, %mul3A_1 : i32
    "tpu.region"() ({
      %run_scoped3A = tpu.sem_alloc : memref<!tpu.dma_semaphore, #tpu.memory_space<semaphore_mem>>
      %dma_start3A = arith.constant 0 : i32
      %dma_start3A_15 = tpu.memref_slice %arg7[%mul3A_2, %dma_start3A] : memref<100352x8xf32, #tpu.memory_space<vmem_shared>> -> memref<6272x8xf32, #tpu.memory_space<vmem_shared>>
      %dma_start3A_16 = arith.constant 0 : i32
      %dma_start3A_17 = tpu.memref_slice %arg5[%mul3A_2, %dma_start3A_16] : memref<100352x8xf32, #tpu.memory_space<hbm>> -> memref<6272x8xf32, #tpu.memory_space<hbm>>
      tpu.enqueue_dma source(%dma_start3A_17 : memref<6272x8xf32, #tpu.memory_space<hbm>>) target(%dma_start3A_15 : memref<6272x8xf32, #tpu.memory_space<vmem_shared>>) target_semaphore(%run_scoped3A : memref<!tpu.dma_semaphore, #tpu.memory_space<semaphore_mem>>)
      %dma_wait3A_18 = arith.constant 0 : i32
      %dma_wait3A_19 = tpu.memref_slice %arg7[%mul3A_2, %dma_wait3A_18] : memref<100352x8xf32, #tpu.memory_space<vmem_shared>> -> memref<6272x8xf32, #tpu.memory_space<vmem_shared>>
      %dma_wait3A_20 = arith.constant 0 : i32
      %dma_wait3A_21 = tpu.memref_slice %arg5[%mul3A_2, %dma_wait3A_20] : memref<100352x8xf32, #tpu.memory_space<hbm>> -> memref<6272x8xf32, #tpu.memory_space<hbm>>
      tpu.wait_dma2 semaphore(%run_scoped3A : memref<!tpu.dma_semaphore, #tpu.memory_space<semaphore_mem>>) src(%dma_wait3A_21 : memref<6272x8xf32, #tpu.memory_space<hbm>>) dst(%dma_wait3A_19 : memref<6272x8xf32, #tpu.memory_space<vmem_shared>>)
      tpu.yield
    }) : () -> ()
    %barrier3A = arith.constant 0 : index
    tpu.barrier barrier_id(%barrier3A)
    %mul3A_3 = arith.constant 200000 : i32
    %mul3A_4 = arith.muli %add3A, %mul3A_3 : i32
    %scan3A = arith.constant 0 : i32
    %scan3A_5 = arith.constant 50 : i32
    %scan3A_6 = arith.addi %scan3A, %scan3A_5 : i32
    %scan3A_7 = arith.constant 1 : i32
    scf.for %scan3A_15 = %scan3A to %scan3A_6 step %scan3A_7  : i32 {
      %mul3A_16 = arith.constant 2 : i32
      %mul3A_17 = arith.muli %scan3A_15, %mul3A_16 : i32
      %add3A_18 = arith.constant 0 : i32
      %add3A_19 = arith.addi %add3A_18, %mul3A_17 : i32
      %ge3A = arith.constant 2 : i32
      %ge3A_20 = arith.cmpi sge, %add3A_19, %ge3A : i32
      %convert_element_type3A = arith.extui %ge3A_20 : i1 to i32
      %cond3A = arith.constant 0 : i32
      %cond3A_21 = arith.cmpi ne, %convert_element_type3A, %cond3A : i32
      scf.if %cond3A_21 {
        %dma_wait3A_54 = arith.constant 0 : i32
        %dma_wait3A_55 = arith.constant 0 : i32
        %dma_wait3A_56 = tpu.memref_slice %arg7[%dma_wait3A_54, %dma_wait3A_55] : memref<100352x8xf32, #tpu.memory_space<vmem_shared>> -> memref<100352x8xf32, #tpu.memory_space<vmem_shared>>
        tpu.wait_indirect_dma semaphore(%arg15 : memref<!tpu.dma_semaphore, #tpu.memory_space<semaphore_mem>>) src(%arg12 : memref<2000x8xf32, #tpu.memory_space<vmem>>) dst(%dma_wait3A_56 : memref<100352x8xf32, #tpu.memory_space<vmem_shared>>)
      } else {
      }
      %add3A_22 = arith.constant 0 : i32
      %add3A_23 = arith.addi %add3A_19, %add3A_22 : i32
      %mul3A_24 = arith.constant 2000 : i32
      %mul3A_25 = arith.muli %add3A_23, %mul3A_24 : i32
      %add3A_26 = arith.addi %mul3A_4, %mul3A_25 : i32
      "tpu.region"() ({
        %run_scoped3A = tpu.sem_alloc : memref<!tpu.dma_semaphore, #tpu.memory_space<semaphore_mem>>
        %dma_start3A_54 = tpu.memref_slice %arg3[%add3A_26] : memref<6400000xi32, #tpu.memory_space<hbm>> -> memref<2000xi32, #tpu.memory_space<hbm>>
        %dma_start3A_55 = tpu.memref_slice %arg3[%add3A_26] : memref<6400000xi32, #tpu.memory_space<hbm>> -> memref<2000xi32, #tpu.memory_space<hbm>>
        tpu.enqueue_dma source(%dma_start3A_55 : memref<2000xi32, #tpu.memory_space<hbm>>) target(%arg8 : memref<2000xi32, #tpu.memory_space<vmem>>) target_semaphore(%run_scoped3A : memref<!tpu.dma_semaphore, #tpu.memory_space<semaphore_mem>>)
        %dma_wait3A_56 = tpu.memref_slice %arg3[%add3A_26] : memref<6400000xi32, #tpu.memory_space<hbm>> -> memref<2000xi32, #tpu.memory_space<hbm>>
        %dma_wait3A_57 = tpu.memref_slice %arg3[%add3A_26] : memref<6400000xi32, #tpu.memory_space<hbm>> -> memref<2000xi32, #tpu.memory_space<hbm>>
        tpu.wait_dma2 semaphore(%run_scoped3A : memref<!tpu.dma_semaphore, #tpu.memory_space<semaphore_mem>>) src(%dma_wait3A_57 : memref<2000xi32, #tpu.memory_space<hbm>>) dst(%arg8 : memref<2000xi32, #tpu.memory_space<vmem>>)
        tpu.yield
      }) : () -> ()
      "tpu.region"() ({
        %run_scoped3A = tpu.sem_alloc : memref<!tpu.dma_semaphore, #tpu.memory_space<semaphore_mem>>
        %dma_start3A_54 = tpu.memref_slice %arg4[%add3A_26] : memref<6400000xi32, #tpu.memory_space<hbm>> -> memref<2000xi32, #tpu.memory_space<hbm>>
        %dma_start3A_55 = tpu.memref_slice %arg4[%add3A_26] : memref<6400000xi32, #tpu.memory_space<hbm>> -> memref<2000xi32, #tpu.memory_space<hbm>>
        tpu.enqueue_dma source(%dma_start3A_55 : memref<2000xi32, #tpu.memory_space<hbm>>) target(%arg10 : memref<2000xi32, #tpu.memory_space<vmem>>) target_semaphore(%run_scoped3A : memref<!tpu.dma_semaphore, #tpu.memory_space<semaphore_mem>>)
        %dma_wait3A_56 = tpu.memref_slice %arg4[%add3A_26] : memref<6400000xi32, #tpu.memory_space<hbm>> -> memref<2000xi32, #tpu.memory_space<hbm>>
        %dma_wait3A_57 = tpu.memref_slice %arg4[%add3A_26] : memref<6400000xi32, #tpu.memory_space<hbm>> -> memref<2000xi32, #tpu.memory_space<hbm>>
        tpu.wait_dma2 semaphore(%run_scoped3A : memref<!tpu.dma_semaphore, #tpu.memory_space<semaphore_mem>>) src(%dma_wait3A_57 : memref<2000xi32, #tpu.memory_space<hbm>>) dst(%arg10 : memref<2000xi32, #tpu.memory_space<vmem>>)
        tpu.yield
      }) : () -> ()
      %dma_start3A = arith.constant 0 : i32
      %dma_start3A_27 = arith.constant 0 : i32
      %dma_start3A_28 = tpu.memref_slice %arg2[%dma_start3A, %dma_start3A_27] : memref<100352x8xf32, #tpu.memory_space<hbm>> -> memref<100352x8xf32, #tpu.memory_space<hbm>>
      tpu.enqueue_indirect_dma source(%dma_start3A_28 : memref<100352x8xf32, #tpu.memory_space<hbm>>) target(%arg12 : memref<2000x8xf32, #tpu.memory_space<vmem>>) offsets(%arg8 : memref<2000xi32, #tpu.memory_space<vmem>>) semaphore(%arg14 : memref<!tpu.dma_semaphore, #tpu.memory_space<semaphore_mem>>)
      %dma_wait3A_29 = arith.constant 0 : i32
      %dma_wait3A_30 = arith.constant 0 : i32
      %dma_wait3A_31 = tpu.memref_slice %arg2[%dma_wait3A_29, %dma_wait3A_30] : memref<100352x8xf32, #tpu.memory_space<hbm>> -> memref<100352x8xf32, #tpu.memory_space<hbm>>
      tpu.wait_indirect_dma semaphore(%arg14 : memref<!tpu.dma_semaphore, #tpu.memory_space<semaphore_mem>>) src(%dma_wait3A_31 : memref<100352x8xf32, #tpu.memory_space<hbm>>) dst(%arg12 : memref<2000x8xf32, #tpu.memory_space<vmem>>)
      %dma_start3A_32 = arith.constant 0 : i32
      %dma_start3A_33 = arith.constant 0 : i32
      %dma_start3A_34 = tpu.memref_slice %arg7[%dma_start3A_32, %dma_start3A_33] : memref<100352x8xf32, #tpu.memory_space<vmem_shared>> -> memref<100352x8xf32, #tpu.memory_space<vmem_shared>>
      tpu.enqueue_indirect_dma source(%arg12 : memref<2000x8xf32, #tpu.memory_space<vmem>>) target(%dma_start3A_34 : memref<100352x8xf32, #tpu.memory_space<vmem_shared>>) offsets(%arg10 : memref<2000xi32, #tpu.memory_space<vmem>>) semaphore(%arg15 : memref<!tpu.dma_semaphore, #tpu.memory_space<semaphore_mem>>) {add = true}
      %ge3A_35 = arith.constant 2 : i32
      %ge3A_36 = arith.cmpi sge, %add3A_19, %ge3A_35 : i32
      %convert_element_type3A_37 = arith.extui %ge3A_36 : i1 to i32
      %cond3A_38 = arith.constant 0 : i32
      %cond3A_39 = arith.cmpi ne, %convert_element_type3A_37, %cond3A_38 : i32
      scf.if %cond3A_39 {
        %dma_wait3A_54 = arith.constant 0 : i32
        %dma_wait3A_55 = arith.constant 0 : i32
        %dma_wait3A_56 = tpu.memref_slice %arg7[%dma_wait3A_54, %dma_wait3A_55] : memref<100352x8xf32, #tpu.memory_space<vmem_shared>> -> memref<100352x8xf32, #tpu.memory_space<vmem_shared>>
        tpu.wait_indirect_dma semaphore(%arg16 : memref<!tpu.dma_semaphore, #tpu.memory_space<semaphore_mem>>) src(%arg13 : memref<2000x8xf32, #tpu.memory_space<vmem>>) dst(%dma_wait3A_56 : memref<100352x8xf32, #tpu.memory_space<vmem_shared>>)
      } else {
      }
      %add3A_40 = arith.constant 1 : i32
      %add3A_41 = arith.addi %add3A_19, %add3A_40 : i32
      %mul3A_42 = arith.constant 2000 : i32
      %mul3A_43 = arith.muli %add3A_41, %mul3A_42 : i32
      %add3A_44 = arith.addi %mul3A_4, %mul3A_43 : i32
      "tpu.region"() ({
        %run_scoped3A = tpu.sem_alloc : memref<!tpu.dma_semaphore, #tpu.memory_space<semaphore_mem>>
        %dma_start3A_54 = tpu.memref_slice %arg3[%add3A_44] : memref<6400000xi32, #tpu.memory_space<hbm>> -> memref<2000xi32, #tpu.memory_space<hbm>>
        %dma_start3A_55 = tpu.memref_slice %arg3[%add3A_44] : memref<6400000xi32, #tpu.memory_space<hbm>> -> memref<2000xi32, #tpu.memory_space<hbm>>
        tpu.enqueue_dma source(%dma_start3A_55 : memref<2000xi32, #tpu.memory_space<hbm>>) target(%arg9 : memref<2000xi32, #tpu.memory_space<vmem>>) target_semaphore(%run_scoped3A : memref<!tpu.dma_semaphore, #tpu.memory_space<semaphore_mem>>)
        %dma_wait3A_56 = tpu.memref_slice %arg3[%add3A_44] : memref<6400000xi32, #tpu.memory_space<hbm>> -> memref<2000xi32, #tpu.memory_space<hbm>>
        %dma_wait3A_57 = tpu.memref_slice %arg3[%add3A_44] : memref<6400000xi32, #tpu.memory_space<hbm>> -> memref<2000xi32, #tpu.memory_space<hbm>>
        tpu.wait_dma2 semaphore(%run_scoped3A : memref<!tpu.dma_semaphore, #tpu.memory_space<semaphore_mem>>) src(%dma_wait3A_57 : memref<2000xi32, #tpu.memory_space<hbm>>) dst(%arg9 : memref<2000xi32, #tpu.memory_space<vmem>>)
        tpu.yield
      }) : () -> ()
      "tpu.region"() ({
        %run_scoped3A = tpu.sem_alloc : memref<!tpu.dma_semaphore, #tpu.memory_space<semaphore_mem>>
        %dma_start3A_54 = tpu.memref_slice %arg4[%add3A_44] : memref<6400000xi32, #tpu.memory_space<hbm>> -> memref<2000xi32, #tpu.memory_space<hbm>>
        %dma_start3A_55 = tpu.memref_slice %arg4[%add3A_44] : memref<6400000xi32, #tpu.memory_space<hbm>> -> memref<2000xi32, #tpu.memory_space<hbm>>
        tpu.enqueue_dma source(%dma_start3A_55 : memref<2000xi32, #tpu.memory_space<hbm>>) target(%arg11 : memref<2000xi32, #tpu.memory_space<vmem>>) target_semaphore(%run_scoped3A : memref<!tpu.dma_semaphore, #tpu.memory_space<semaphore_mem>>)
        %dma_wait3A_56 = tpu.memref_slice %arg4[%add3A_44] : memref<6400000xi32, #tpu.memory_space<hbm>> -> memref<2000xi32, #tpu.memory_space<hbm>>
        %dma_wait3A_57 = tpu.memref_slice %arg4[%add3A_44] : memref<6400000xi32, #tpu.memory_space<hbm>> -> memref<2000xi32, #tpu.memory_space<hbm>>
        tpu.wait_dma2 semaphore(%run_scoped3A : memref<!tpu.dma_semaphore, #tpu.memory_space<semaphore_mem>>) src(%dma_wait3A_57 : memref<2000xi32, #tpu.memory_space<hbm>>) dst(%arg11 : memref<2000xi32, #tpu.memory_space<vmem>>)
        tpu.yield
      }) : () -> ()
      %dma_start3A_45 = arith.constant 0 : i32
      %dma_start3A_46 = arith.constant 0 : i32
      %dma_start3A_47 = tpu.memref_slice %arg2[%dma_start3A_45, %dma_start3A_46] : memref<100352x8xf32, #tpu.memory_space<hbm>> -> memref<100352x8xf32, #tpu.memory_space<hbm>>
      tpu.enqueue_indirect_dma source(%dma_start3A_47 : memref<100352x8xf32, #tpu.memory_space<hbm>>) target(%arg13 : memref<2000x8xf32, #tpu.memory_space<vmem>>) offsets(%arg9 : memref<2000xi32, #tpu.memory_space<vmem>>) semaphore(%arg14 : memref<!tpu.dma_semaphore, #tpu.memory_space<semaphore_mem>>)
      %dma_wait3A_48 = arith.constant 0 : i32
      %dma_wait3A_49 = arith.constant 0 : i32
      %dma_wait3A_50 = tpu.memref_slice %arg2[%dma_wait3A_48, %dma_wait3A_49] : memref<100352x8xf32, #tpu.memory_space<hbm>> -> memref<100352x8xf32, #tpu.memory_space<hbm>>
      tpu.wait_indirect_dma semaphore(%arg14 : memref<!tpu.dma_semaphore, #tpu.memory_space<semaphore_mem>>) src(%dma_wait3A_50 : memref<100352x8xf32, #tpu.memory_space<hbm>>) dst(%arg13 : memref<2000x8xf32, #tpu.memory_space<vmem>>)
      %dma_start3A_51 = arith.constant 0 : i32
      %dma_start3A_52 = arith.constant 0 : i32
      %dma_start3A_53 = tpu.memref_slice %arg7[%dma_start3A_51, %dma_start3A_52] : memref<100352x8xf32, #tpu.memory_space<vmem_shared>> -> memref<100352x8xf32, #tpu.memory_space<vmem_shared>>
      tpu.enqueue_indirect_dma source(%arg13 : memref<2000x8xf32, #tpu.memory_space<vmem>>) target(%dma_start3A_53 : memref<100352x8xf32, #tpu.memory_space<vmem_shared>>) offsets(%arg11 : memref<2000xi32, #tpu.memory_space<vmem>>) semaphore(%arg16 : memref<!tpu.dma_semaphore, #tpu.memory_space<semaphore_mem>>) {add = true}
    }
    %scan3A_8 = arith.constant 50 : i32
    %dma_wait3A = arith.constant 0 : i32
    %dma_wait3A_9 = arith.constant 0 : i32
    %dma_wait3A_10 = tpu.memref_slice %arg7[%dma_wait3A, %dma_wait3A_9] : memref<100352x8xf32, #tpu.memory_space<vmem_shared>> -> memref<100352x8xf32, #tpu.memory_space<vmem_shared>>
    tpu.wait_indirect_dma semaphore(%arg15 : memref<!tpu.dma_semaphore, #tpu.memory_space<semaphore_mem>>) src(%arg12 : memref<2000x8xf32, #tpu.memory_space<vmem>>) dst(%dma_wait3A_10 : memref<100352x8xf32, #tpu.memory_space<vmem_shared>>)
    %dma_wait3A_11 = arith.constant 0 : i32
    %dma_wait3A_12 = arith.constant 0 : i32
    %dma_wait3A_13 = tpu.memref_slice %arg7[%dma_wait3A_11, %dma_wait3A_12] : memref<100352x8xf32, #tpu.memory_space<vmem_shared>> -> memref<100352x8xf32, #tpu.memory_space<vmem_shared>>
    tpu.wait_indirect_dma semaphore(%arg16 : memref<!tpu.dma_semaphore, #tpu.memory_space<semaphore_mem>>) src(%arg13 : memref<2000x8xf32, #tpu.memory_space<vmem>>) dst(%dma_wait3A_13 : memref<100352x8xf32, #tpu.memory_space<vmem_shared>>)
    %barrier3A_14 = arith.constant 0 : index
    tpu.barrier barrier_id(%barrier3A_14)
    "tpu.region"() ({
      %run_scoped3A = tpu.sem_alloc : memref<!tpu.dma_semaphore, #tpu.memory_space<semaphore_mem>>
      %dma_start3A = arith.constant 0 : i32
      %dma_start3A_15 = tpu.memref_slice %arg6[%arg0, %mul3A_2, %dma_start3A] : memref<2x100352x8xf32, #tpu.memory_space<hbm>> -> memref<1x6272x8xf32, #tpu.memory_space<hbm>>
      %dma_start3A_16 = tpu.memref_squeeze %dma_start3A_15 : memref<1x6272x8xf32, #tpu.memory_space<hbm>> -> memref<6272x8xf32, #tpu.memory_space<hbm>>
      %dma_start3A_17 = arith.constant 0 : i32
      %dma_start3A_18 = tpu.memref_slice %arg7[%mul3A_2, %dma_start3A_17] : memref<100352x8xf32, #tpu.memory_space<vmem_shared>> -> memref<6272x8xf32, #tpu.memory_space<vmem_shared>>
      tpu.enqueue_dma source(%dma_start3A_18 : memref<6272x8xf32, #tpu.memory_space<vmem_shared>>) target(%dma_start3A_16 : memref<6272x8xf32, #tpu.memory_space<hbm>>) target_semaphore(%run_scoped3A : memref<!tpu.dma_semaphore, #tpu.memory_space<semaphore_mem>>)
      %dma_wait3A_19 = arith.constant 0 : i32
      %dma_wait3A_20 = tpu.memref_slice %arg6[%arg0, %mul3A_2, %dma_wait3A_19] : memref<2x100352x8xf32, #tpu.memory_space<hbm>> -> memref<1x6272x8xf32, #tpu.memory_space<hbm>>
      %dma_wait3A_21 = tpu.memref_squeeze %dma_wait3A_20 : memref<1x6272x8xf32, #tpu.memory_space<hbm>> -> memref<6272x8xf32, #tpu.memory_space<hbm>>
      %dma_wait3A_22 = arith.constant 0 : i32
      %dma_wait3A_23 = tpu.memref_slice %arg7[%mul3A_2, %dma_wait3A_22] : memref<100352x8xf32, #tpu.memory_space<vmem_shared>> -> memref<6272x8xf32, #tpu.memory_space<vmem_shared>>
      tpu.wait_dma2 semaphore(%run_scoped3A : memref<!tpu.dma_semaphore, #tpu.memory_space<semaphore_mem>>) src(%dma_wait3A_23 : memref<6272x8xf32, #tpu.memory_space<vmem_shared>>) dst(%dma_wait3A_21 : memref<6272x8xf32, #tpu.memory_space<hbm>>)
      tpu.yield
    }) : () -> ()
    return
  }
}

#map = affine_map<(d0, d1) -> (0, 0)>
#map1 = affine_map<(d0, d1) -> (0)>
module attributes {stable_mosaic.version = 14 : i64} {
  func.func @glueN(%arg0: i32, %arg1: i32, %arg2: memref<2x802816xf32, #tpu.memory_space<hbm>>, %arg3: memref<802816xf32, #tpu.memory_space<hbm>>, %arg4: memref<100352xf32, #tpu.memory_space<hbm>>, %arg5: memref<32xf32, #tpu.memory_space<hbm>>, %arg6: memref<16xf32, #tpu.memory_space<hbm>>, %arg7: memref<802816xf32, #tpu.memory_space<hbm>>, %arg8: memref<25088xf32, #tpu.memory_space<vmem>>, %arg9: memref<25088xf32, #tpu.memory_space<vmem>>, %arg10: memref<25088xf32, #tpu.memory_space<vmem>>, %arg11: memref<3136xf32, #tpu.memory_space<vmem>>, %arg12: memref<32xf32, #tpu.memory_space<vmem>>, %arg13: memref<16xf32, #tpu.memory_space<vmem>>) attributes {dimension_semantics = [#tpu.dimension_semantics<core_parallel>, #tpu.dimension_semantics<subcore_parallel>], iteration_bounds = array<i64: 2, 16>, scalar_prefetch = 0 : i64, scratch_operands = 6 : i64, tpu.core_type = #tpu.core_type<sc_vector_subcore>, window_params = [{transform_indices = #map}, {transform_indices = #map1}, {transform_indices = #map1}, {transform_indices = #map1}, {transform_indices = #map1}, {transform_indices = #map1}]} {
    %mul3A = arith.constant 2 : i32
    %mul3A_0 = arith.muli %arg1, %mul3A : i32
    %add3A = arith.addi %mul3A_0, %arg0 : i32
    %mul3A_1 = arith.constant 3136 : i32
    %mul3A_2 = arith.muli %add3A, %mul3A_1 : i32
    %mul3A_3 = arith.constant 8 : i32
    %mul3A_4 = arith.muli %mul3A_3, %mul3A_2 : i32
    %run_scoped3A = arith.constant 0 : i32
    "tpu.region"() ({
      %run_scoped3A_30 = tpu.sem_alloc : memref<!tpu.dma_semaphore, #tpu.memory_space<semaphore_mem>>
      %dma_start3A = tpu.memref_slice %arg2[%run_scoped3A, %mul3A_4] : memref<2x802816xf32, #tpu.memory_space<hbm>> -> memref<1x25088xf32, #tpu.memory_space<hbm>>
      %dma_start3A_31 = tpu.memref_squeeze %dma_start3A : memref<1x25088xf32, #tpu.memory_space<hbm>> -> memref<25088xf32, #tpu.memory_space<hbm>>
      %dma_start3A_32 = tpu.memref_slice %arg2[%run_scoped3A, %mul3A_4] : memref<2x802816xf32, #tpu.memory_space<hbm>> -> memref<1x25088xf32, #tpu.memory_space<hbm>>
      %dma_start3A_33 = tpu.memref_squeeze %dma_start3A_32 : memref<1x25088xf32, #tpu.memory_space<hbm>> -> memref<25088xf32, #tpu.memory_space<hbm>>
      tpu.enqueue_dma source(%dma_start3A_33 : memref<25088xf32, #tpu.memory_space<hbm>>) target(%arg8 : memref<25088xf32, #tpu.memory_space<vmem>>) target_semaphore(%run_scoped3A_30 : memref<!tpu.dma_semaphore, #tpu.memory_space<semaphore_mem>>)
      %dma_wait3A = tpu.memref_slice %arg2[%run_scoped3A, %mul3A_4] : memref<2x802816xf32, #tpu.memory_space<hbm>> -> memref<1x25088xf32, #tpu.memory_space<hbm>>
      %dma_wait3A_34 = tpu.memref_squeeze %dma_wait3A : memref<1x25088xf32, #tpu.memory_space<hbm>> -> memref<25088xf32, #tpu.memory_space<hbm>>
      %dma_wait3A_35 = tpu.memref_slice %arg2[%run_scoped3A, %mul3A_4] : memref<2x802816xf32, #tpu.memory_space<hbm>> -> memref<1x25088xf32, #tpu.memory_space<hbm>>
      %dma_wait3A_36 = tpu.memref_squeeze %dma_wait3A_35 : memref<1x25088xf32, #tpu.memory_space<hbm>> -> memref<25088xf32, #tpu.memory_space<hbm>>
      tpu.wait_dma2 semaphore(%run_scoped3A_30 : memref<!tpu.dma_semaphore, #tpu.memory_space<semaphore_mem>>) src(%dma_wait3A_36 : memref<25088xf32, #tpu.memory_space<hbm>>) dst(%arg8 : memref<25088xf32, #tpu.memory_space<vmem>>)
      tpu.yield
    }) : () -> ()
    %run_scoped3A_5 = arith.constant 1 : i32
    "tpu.region"() ({
      %run_scoped3A_30 = tpu.sem_alloc : memref<!tpu.dma_semaphore, #tpu.memory_space<semaphore_mem>>
      %dma_start3A = tpu.memref_slice %arg2[%run_scoped3A_5, %mul3A_4] : memref<2x802816xf32, #tpu.memory_space<hbm>> -> memref<1x25088xf32, #tpu.memory_space<hbm>>
      %dma_start3A_31 = tpu.memref_squeeze %dma_start3A : memref<1x25088xf32, #tpu.memory_space<hbm>> -> memref<25088xf32, #tpu.memory_space<hbm>>
      %dma_start3A_32 = tpu.memref_slice %arg2[%run_scoped3A_5, %mul3A_4] : memref<2x802816xf32, #tpu.memory_space<hbm>> -> memref<1x25088xf32, #tpu.memory_space<hbm>>
      %dma_start3A_33 = tpu.memref_squeeze %dma_start3A_32 : memref<1x25088xf32, #tpu.memory_space<hbm>> -> memref<25088xf32, #tpu.memory_space<hbm>>
      tpu.enqueue_dma source(%dma_start3A_33 : memref<25088xf32, #tpu.memory_space<hbm>>) target(%arg9 : memref<25088xf32, #tpu.memory_space<vmem>>) target_semaphore(%run_scoped3A_30 : memref<!tpu.dma_semaphore, #tpu.memory_space<semaphore_mem>>)
      %dma_wait3A = tpu.memref_slice %arg2[%run_scoped3A_5, %mul3A_4] : memref<2x802816xf32, #tpu.memory_space<hbm>> -> memref<1x25088xf32, #tpu.memory_space<hbm>>
      %dma_wait3A_34 = tpu.memref_squeeze %dma_wait3A : memref<1x25088xf32, #tpu.memory_space<hbm>> -> memref<25088xf32, #tpu.memory_space<hbm>>
      %dma_wait3A_35 = tpu.memref_slice %arg2[%run_scoped3A_5, %mul3A_4] : memref<2x802816xf32, #tpu.memory_space<hbm>> -> memref<1x25088xf32, #tpu.memory_space<hbm>>
      %dma_wait3A_36 = tpu.memref_squeeze %dma_wait3A_35 : memref<1x25088xf32, #tpu.memory_space<hbm>> -> memref<25088xf32, #tpu.memory_space<hbm>>
      tpu.wait_dma2 semaphore(%run_scoped3A_30 : memref<!tpu.dma_semaphore, #tpu.memory_space<semaphore_mem>>) src(%dma_wait3A_36 : memref<25088xf32, #tpu.memory_space<hbm>>) dst(%arg9 : memref<25088xf32, #tpu.memory_space<vmem>>)
      tpu.yield
    }) : () -> ()
    "tpu.region"() ({
      %run_scoped3A_30 = tpu.sem_alloc : memref<!tpu.dma_semaphore, #tpu.memory_space<semaphore_mem>>
      %dma_start3A = tpu.memref_slice %arg3[%mul3A_4] : memref<802816xf32, #tpu.memory_space<hbm>> -> memref<25088xf32, #tpu.memory_space<hbm>>
      %dma_start3A_31 = tpu.memref_slice %arg3[%mul3A_4] : memref<802816xf32, #tpu.memory_space<hbm>> -> memref<25088xf32, #tpu.memory_space<hbm>>
      tpu.enqueue_dma source(%dma_start3A_31 : memref<25088xf32, #tpu.memory_space<hbm>>) target(%arg10 : memref<25088xf32, #tpu.memory_space<vmem>>) target_semaphore(%run_scoped3A_30 : memref<!tpu.dma_semaphore, #tpu.memory_space<semaphore_mem>>)
      %dma_wait3A = tpu.memref_slice %arg3[%mul3A_4] : memref<802816xf32, #tpu.memory_space<hbm>> -> memref<25088xf32, #tpu.memory_space<hbm>>
      %dma_wait3A_32 = tpu.memref_slice %arg3[%mul3A_4] : memref<802816xf32, #tpu.memory_space<hbm>> -> memref<25088xf32, #tpu.memory_space<hbm>>
      tpu.wait_dma2 semaphore(%run_scoped3A_30 : memref<!tpu.dma_semaphore, #tpu.memory_space<semaphore_mem>>) src(%dma_wait3A_32 : memref<25088xf32, #tpu.memory_space<hbm>>) dst(%arg10 : memref<25088xf32, #tpu.memory_space<vmem>>)
      tpu.yield
    }) : () -> ()
    "tpu.region"() ({
      %run_scoped3A_30 = tpu.sem_alloc : memref<!tpu.dma_semaphore, #tpu.memory_space<semaphore_mem>>
      %dma_start3A = tpu.memref_slice %arg4[%mul3A_2] : memref<100352xf32, #tpu.memory_space<hbm>> -> memref<3136xf32, #tpu.memory_space<hbm>>
      %dma_start3A_31 = tpu.memref_slice %arg4[%mul3A_2] : memref<100352xf32, #tpu.memory_space<hbm>> -> memref<3136xf32, #tpu.memory_space<hbm>>
      tpu.enqueue_dma source(%dma_start3A_31 : memref<3136xf32, #tpu.memory_space<hbm>>) target(%arg11 : memref<3136xf32, #tpu.memory_space<vmem>>) target_semaphore(%run_scoped3A_30 : memref<!tpu.dma_semaphore, #tpu.memory_space<semaphore_mem>>)
      %dma_wait3A = tpu.memref_slice %arg4[%mul3A_2] : memref<100352xf32, #tpu.memory_space<hbm>> -> memref<3136xf32, #tpu.memory_space<hbm>>
      %dma_wait3A_32 = tpu.memref_slice %arg4[%mul3A_2] : memref<100352xf32, #tpu.memory_space<hbm>> -> memref<3136xf32, #tpu.memory_space<hbm>>
      tpu.wait_dma2 semaphore(%run_scoped3A_30 : memref<!tpu.dma_semaphore, #tpu.memory_space<semaphore_mem>>) src(%dma_wait3A_32 : memref<3136xf32, #tpu.memory_space<hbm>>) dst(%arg11 : memref<3136xf32, #tpu.memory_space<vmem>>)
      tpu.yield
    }) : () -> ()
    "tpu.region"() ({
      %run_scoped3A_30 = tpu.sem_alloc : memref<!tpu.dma_semaphore, #tpu.memory_space<semaphore_mem>>
      tpu.enqueue_dma source(%arg5 : memref<32xf32, #tpu.memory_space<hbm>>) target(%arg12 : memref<32xf32, #tpu.memory_space<vmem>>) target_semaphore(%run_scoped3A_30 : memref<!tpu.dma_semaphore, #tpu.memory_space<semaphore_mem>>)
      tpu.wait_dma2 semaphore(%run_scoped3A_30 : memref<!tpu.dma_semaphore, #tpu.memory_space<semaphore_mem>>) src(%arg5 : memref<32xf32, #tpu.memory_space<hbm>>) dst(%arg12 : memref<32xf32, #tpu.memory_space<vmem>>)
      tpu.yield
    }) : () -> ()
    "tpu.region"() ({
      %run_scoped3A_30 = tpu.sem_alloc : memref<!tpu.dma_semaphore, #tpu.memory_space<semaphore_mem>>
      tpu.enqueue_dma source(%arg6 : memref<16xf32, #tpu.memory_space<hbm>>) target(%arg13 : memref<16xf32, #tpu.memory_space<vmem>>) target_semaphore(%run_scoped3A_30 : memref<!tpu.dma_semaphore, #tpu.memory_space<semaphore_mem>>)
      tpu.wait_dma2 semaphore(%run_scoped3A_30 : memref<!tpu.dma_semaphore, #tpu.memory_space<semaphore_mem>>) src(%arg6 : memref<16xf32, #tpu.memory_space<hbm>>) dst(%arg13 : memref<16xf32, #tpu.memory_space<vmem>>)
      tpu.yield
    }) : () -> ()
    %iota3A = tpu.iota {dimensions = array<i32: 0>} : vector<16xi32>
    %and3A = arith.constant 7 : i32
    %and3A_6 = vector.broadcast %and3A : i32 to vector<16xi32>
    %and3A_7 = arith.andi %iota3A, %and3A_6 : vector<16xi32>
    %shift_right_logical3A = arith.constant 3 : i32
    %shift_right_logical3A_8 = vector.broadcast %shift_right_logical3A : i32 to vector<16xi32>
    %shift_right_logical3A_9 = arith.shrui %iota3A, %shift_right_logical3A_8 : vector<16xi32>
    %gather3A = tpu.vector_load_idx %arg13[%and3A_7] : memref<16xf32, #tpu.memory_space<vmem>>[vector<16xi32>], vector<16xf32>,
    %add3A_10 = arith.constant 0 : i32
    %add3A_11 = vector.broadcast %add3A_10 : i32 to vector<16xi32>
    %add3A_12 = arith.addi %add3A_11, %and3A_7 : vector<16xi32>
    %gather3A_13 = tpu.vector_load_idx %arg12[%add3A_12] : memref<32xf32, #tpu.memory_space<vmem>>[vector<16xi32>], vector<16xf32>,
    %add3A_14 = arith.constant 8 : i32
    %add3A_15 = vector.broadcast %add3A_14 : i32 to vector<16xi32>
    %add3A_16 = arith.addi %add3A_15, %and3A_7 : vector<16xi32>
    %gather3A_17 = tpu.vector_load_idx %arg12[%add3A_16] : memref<32xf32, #tpu.memory_space<vmem>>[vector<16xi32>], vector<16xf32>,
    %add3A_18 = arith.constant 16 : i32
    %add3A_19 = vector.broadcast %add3A_18 : i32 to vector<16xi32>
    %add3A_20 = arith.addi %add3A_19, %and3A_7 : vector<16xi32>
    %gather3A_21 = tpu.vector_load_idx %arg12[%add3A_20] : memref<32xf32, #tpu.memory_space<vmem>>[vector<16xi32>], vector<16xf32>,
    %add3A_22 = arith.constant 24 : i32
    %add3A_23 = vector.broadcast %add3A_22 : i32 to vector<16xi32>
    %add3A_24 = arith.addi %add3A_23, %and3A_7 : vector<16xi32>
    %gather3A_25 = tpu.vector_load_idx %arg12[%add3A_24] : memref<32xf32, #tpu.memory_space<vmem>>[vector<16xi32>], vector<16xf32>,
    %scan3A = arith.constant 0 : i32
    %scan3A_26 = arith.constant 1568 : i32
    %scan3A_27 = arith.addi %scan3A, %scan3A_26 : i32
    %scan3A_28 = arith.constant 1 : i32
    scf.for %scan3A_30 = %scan3A to %scan3A_27 step %scan3A_28  : i32 {
      %mul3A_31 = arith.constant 1 : i32
      %mul3A_32 = arith.muli %scan3A_30, %mul3A_31 : i32
      %add3A_33 = arith.constant 0 : i32
      %add3A_34 = arith.addi %add3A_33, %mul3A_32 : i32
      %mul3A_35 = arith.constant 16 : i32
      %mul3A_36 = arith.muli %add3A_34, %mul3A_35 : i32
      %get3A = arith.index_cast %mul3A_36 : i32 to index
      %get3A_37 = tpu.vector_load %arg8[%get3A] {strides = array<i32>} : memref<25088xf32, #tpu.memory_space<vmem>>, vector<16xf32>,
      %get3A_38 = arith.index_cast %mul3A_36 : i32 to index
      %get3A_39 = tpu.vector_load %arg9[%get3A_38] {strides = array<i32>} : memref<25088xf32, #tpu.memory_space<vmem>>, vector<16xf32>,
      %add3A_40 = arith.addf %get3A_37, %get3A_39 : vector<16xf32>
      %get3A_41 = arith.index_cast %mul3A_36 : i32 to index
      %get3A_42 = tpu.vector_load %arg10[%get3A_41] {strides = array<i32>} : memref<25088xf32, #tpu.memory_space<vmem>>, vector<16xf32>,
      %add3A_43 = arith.addf %add3A_40, %get3A_42 : vector<16xf32>
      %mul3A_44 = arith.constant 2 : i32
      %mul3A_45 = arith.muli %add3A_34, %mul3A_44 : i32
      %add3A_46 = vector.broadcast %mul3A_45 : i32 to vector<16xi32>
      %add3A_47 = arith.addi %add3A_46, %shift_right_logical3A_9 : vector<16xi32>
      %gather3A_48 = tpu.vector_load_idx %arg11[%add3A_47] : memref<3136xf32, #tpu.memory_space<vmem>>[vector<16xi32>], vector<16xf32>,
      %mul3A_49 = arith.mulf %gather3A_48, %add3A_43 : vector<16xf32>
      %add3A_50 = arith.addf %mul3A_49, %gather3A : vector<16xf32>
      %mul3A_51 = arith.constant 2.000000e+00 : f32
      %mul3A_52 = vector.broadcast %mul3A_51 : f32 to vector<16xf32>
      %mul3A_53 = arith.mulf %mul3A_52, %add3A_50 : vector<16xf32>
      %exp3A = math.exp %mul3A_53 : vector<16xf32>
      %add3A_54 = arith.constant 1.000000e+00 : f32
      %add3A_55 = vector.broadcast %add3A_54 : f32 to vector<16xf32>
      %add3A_56 = arith.addf %exp3A, %add3A_55 : vector<16xf32>
      %div3A = arith.constant 2.000000e+00 : f32
      %div3A_57 = vector.broadcast %div3A : f32 to vector<16xf32>
      %div3A_58 = arith.divf %div3A_57, %add3A_56 : vector<16xf32>
      %sub3A = arith.constant 1.000000e+00 : f32
      %sub3A_59 = vector.broadcast %sub3A : f32 to vector<16xf32>
      %sub3A_60 = arith.subf %sub3A_59, %div3A_58 : vector<16xf32>
      %broadcast_in_dim3A = arith.constant 0.000000e+00 : f32
      %broadcast_in_dim3A_61 = vector.broadcast %broadcast_in_dim3A : f32 to vector<16xf32>
      %mul3A_62 = arith.constant 8 : i32
      %mul3A_63 = vector.broadcast %mul3A_62 : i32 to vector<16xi32>
      %mul3A_64 = arith.muli %shift_right_logical3A_9, %mul3A_63 : vector<16xi32>
      %add3A_65 = arith.constant 0 : i32
      %add3A_66 = vector.broadcast %add3A_65 : i32 to vector<16xi32>
      %add3A_67 = arith.addi %mul3A_64, %add3A_66 : vector<16xi32>
      %lt3A = arith.constant 0 : i32
      %lt3A_68 = vector.broadcast %lt3A : i32 to vector<16xi32>
      %lt3A_69 = arith.cmpi slt, %add3A_67, %lt3A_68 : vector<16xi32>
      %add3A_70 = arith.constant 16 : i32
      %add3A_71 = vector.broadcast %add3A_70 : i32 to vector<16xi32>
      %add3A_72 = arith.addi %add3A_67, %add3A_71 : vector<16xi32>
      %select_n3A = arith.select %lt3A_69, %add3A_72, %add3A_67 : vector<16xi1>, vector<16xi32>
      %reshape3A = vector.shape_cast %select_n3A : vector<16xi32> to vector<16x1xi32>
      %gather3A_73 = vector.shape_cast %reshape3A : vector<16x1xi32> to vector<16xi32>
      %gather3A_74 = tpu.dynamic_gather %sub3A_60[%gather3A_73] in [0] : vector<16xf32>, vector<16xi32> -> vector<16xf32>
      %mul3A_75 = arith.mulf %gather3A_74, %gather3A_13 : vector<16xf32>
      %add3A_76 = arith.addf %broadcast_in_dim3A_61, %mul3A_75 : vector<16xf32>
      %mul3A_77 = arith.constant 8 : i32
      %mul3A_78 = vector.broadcast %mul3A_77 : i32 to vector<16xi32>
      %mul3A_79 = arith.muli %shift_right_logical3A_9, %mul3A_78 : vector<16xi32>
      %add3A_80 = arith.constant 1 : i32
      %add3A_81 = vector.broadcast %add3A_80 : i32 to vector<16xi32>
      %add3A_82 = arith.addi %mul3A_79, %add3A_81 : vector<16xi32>
      %lt3A_83 = arith.constant 0 : i32
      %lt3A_84 = vector.broadcast %lt3A_83 : i32 to vector<16xi32>
      %lt3A_85 = arith.cmpi slt, %add3A_82, %lt3A_84 : vector<16xi32>
      %add3A_86 = arith.constant 16 : i32
      %add3A_87 = vector.broadcast %add3A_86 : i32 to vector<16xi32>
      %add3A_88 = arith.addi %add3A_82, %add3A_87 : vector<16xi32>
      %select_n3A_89 = arith.select %lt3A_85, %add3A_88, %add3A_82 : vector<16xi1>, vector<16xi32>
      %reshape3A_90 = vector.shape_cast %select_n3A_89 : vector<16xi32> to vector<16x1xi32>
      %gather3A_91 = vector.shape_cast %reshape3A_90 : vector<16x1xi32> to vector<16xi32>
      %gather3A_92 = tpu.dynamic_gather %sub3A_60[%gather3A_91] in [0] : vector<16xf32>, vector<16xi32> -> vector<16xf32>
      %mul3A_93 = arith.mulf %gather3A_92, %gather3A_17 : vector<16xf32>
      %add3A_94 = arith.addf %add3A_76, %mul3A_93 : vector<16xf32>
      %mul3A_95 = arith.constant 8 : i32
      %mul3A_96 = vector.broadcast %mul3A_95 : i32 to vector<16xi32>
      %mul3A_97 = arith.muli %shift_right_logical3A_9, %mul3A_96 : vector<16xi32>
      %add3A_98 = arith.constant 2 : i32
      %add3A_99 = vector.broadcast %add3A_98 : i32 to vector<16xi32>
      %add3A_100 = arith.addi %mul3A_97, %add3A_99 : vector<16xi32>
      %lt3A_101 = arith.constant 0 : i32
      %lt3A_102 = vector.broadcast %lt3A_101 : i32 to vector<16xi32>
      %lt3A_103 = arith.cmpi slt, %add3A_100, %lt3A_102 : vector<16xi32>
      %add3A_104 = arith.constant 16 : i32
      %add3A_105 = vector.broadcast %add3A_104 : i32 to vector<16xi32>
      %add3A_106 = arith.addi %add3A_100, %add3A_105 : vector<16xi32>
      %select_n3A_107 = arith.select %lt3A_103, %add3A_106, %add3A_100 : vector<16xi1>, vector<16xi32>
      %reshape3A_108 = vector.shape_cast %select_n3A_107 : vector<16xi32> to vector<16x1xi32>
      %gather3A_109 = vector.shape_cast %reshape3A_108 : vector<16x1xi32> to vector<16xi32>
      %gather3A_110 = tpu.dynamic_gather %sub3A_60[%gather3A_109] in [0] : vector<16xf32>, vector<16xi32> -> vector<16xf32>
      %mul3A_111 = arith.mulf %gather3A_110, %gather3A_21 : vector<16xf32>
      %add3A_112 = arith.addf %add3A_94, %mul3A_111 : vector<16xf32>
      %mul3A_113 = arith.constant 8 : i32
      %mul3A_114 = vector.broadcast %mul3A_113 : i32 to vector<16xi32>
      %mul3A_115 = arith.muli %shift_right_logical3A_9, %mul3A_114 : vector<16xi32>
      %add3A_116 = arith.constant 3 : i32
      %add3A_117 = vector.broadcast %add3A_116 : i32 to vector<16xi32>
      %add3A_118 = arith.addi %mul3A_115, %add3A_117 : vector<16xi32>
      %lt3A_119 = arith.constant 0 : i32
      %lt3A_120 = vector.broadcast %lt3A_119 : i32 to vector<16xi32>
      %lt3A_121 = arith.cmpi slt, %add3A_118, %lt3A_120 : vector<16xi32>
      %add3A_122 = arith.constant 16 : i32
      %add3A_123 = vector.broadcast %add3A_122 : i32 to vector<16xi32>
      %add3A_124 = arith.addi %add3A_118, %add3A_123 : vector<16xi32>
      %select_n3A_125 = arith.select %lt3A_121, %add3A_124, %add3A_118 : vector<16xi1>, vector<16xi32>
      %reshape3A_126 = vector.shape_cast %select_n3A_125 : vector<16xi32> to vector<16x1xi32>
      %gather3A_127 = vector.shape_cast %reshape3A_126 : vector<16x1xi32> to vector<16xi32>
      %gather3A_128 = tpu.dynamic_gather %sub3A_60[%gather3A_127] in [0] : vector<16xf32>, vector<16xi32> -> vector<16xf32>
      %mul3A_129 = arith.mulf %gather3A_128, %gather3A_25 : vector<16xf32>
      %add3A_130 = arith.addf %add3A_112, %mul3A_129 : vector<16xf32>
      %mul3A_131 = arith.mulf %gather3A_48, %add3A_130 : vector<16xf32>
      %swap3A = arith.index_cast %mul3A_36 : i32 to index
      %swap3A_132 = tpu.vector_load %arg10[%swap3A] {strides = array<i32>} : memref<25088xf32, #tpu.memory_space<vmem>>, vector<16xf32>,
      tpu.vector_store %arg10[%swap3A], %mul3A_131 {strides = array<i32>} : memref<25088xf32, #tpu.memory_space<vmem>>, vector<16xf32>,
    }
    %scan3A_29 = arith.constant 1568 : i32
    "tpu.region"() ({
      %run_scoped3A_30 = tpu.sem_alloc : memref<!tpu.dma_semaphore, #tpu.memory_space<semaphore_mem>>
      %dma_start3A = tpu.memref_slice %arg7[%mul3A_4] : memref<802816xf32, #tpu.memory_space<hbm>> -> memref<25088xf32, #tpu.memory_space<hbm>>
      %dma_start3A_31 = tpu.memref_slice %arg7[%mul3A_4] : memref<802816xf32, #tpu.memory_space<hbm>> -> memref<25088xf32, #tpu.memory_space<hbm>>
      tpu.enqueue_dma source(%arg10 : memref<25088xf32, #tpu.memory_space<vmem>>) target(%dma_start3A_31 : memref<25088xf32, #tpu.memory_space<hbm>>) target_semaphore(%run_scoped3A_30 : memref<!tpu.dma_semaphore, #tpu.memory_space<semaphore_mem>>)
      %dma_wait3A = tpu.memref_slice %arg7[%mul3A_4] : memref<802816xf32, #tpu.memory_space<hbm>> -> memref<25088xf32, #tpu.memory_space<hbm>>
      %dma_wait3A_32 = tpu.memref_slice %arg7[%mul3A_4] : memref<802816xf32, #tpu.memory_space<hbm>> -> memref<25088xf32, #tpu.memory_space<hbm>>
      tpu.wait_dma2 semaphore(%run_scoped3A_30 : memref<!tpu.dma_semaphore, #tpu.memory_space<semaphore_mem>>) src(%arg10 : memref<25088xf32, #tpu.memory_space<vmem>>) dst(%dma_wait3A_32 : memref<25088xf32, #tpu.memory_space<hbm>>)
      tpu.yield
    }) : () -> ()
    return
  }
}

#map = affine_map<(d0, d1) -> (0, 0)>
#map1 = affine_map<(d0, d1) -> (0)>
#map2 = affine_map<(d0, d1) -> (0, 0, 0)>
module attributes {stable_mosaic.version = 14 : i64} {
  func.func @edge_kernel(%arg0: i32, %arg1: i32, %arg2: memref<100352x8xf32, #tpu.memory_space<hbm>>, %arg3: memref<6400000xi32, #tpu.memory_space<hbm>>, %arg4: memref<6400000xi32, #tpu.memory_space<hbm>>, %arg5: memref<100352x8xf32, #tpu.memory_space<hbm>>, %arg6: memref<2x100352x8xf32, #tpu.memory_space<hbm>>, %arg7: memref<100352x8xf32, #tpu.memory_space<vmem_shared>>, %arg8: memref<2000xi32, #tpu.memory_space<vmem>>, %arg9: memref<2000xi32, #tpu.memory_space<vmem>>, %arg10: memref<2000xi32, #tpu.memory_space<vmem>>, %arg11: memref<2000xi32, #tpu.memory_space<vmem>>, %arg12: memref<2000x8xf32, #tpu.memory_space<vmem>>, %arg13: memref<2000x8xf32, #tpu.memory_space<vmem>>, %arg14: memref<!tpu.dma_semaphore, #tpu.memory_space<semaphore_mem>>, %arg15: memref<!tpu.dma_semaphore, #tpu.memory_space<semaphore_mem>>, %arg16: memref<!tpu.dma_semaphore, #tpu.memory_space<semaphore_mem>>) attributes {dimension_semantics = [#tpu.dimension_semantics<core_parallel>, #tpu.dimension_semantics<subcore_parallel>], iteration_bounds = array<i64: 2, 16>, scalar_prefetch = 0 : i64, scratch_operands = 10 : i64, tpu.core_type = #tpu.core_type<sc_vector_subcore>, window_params = [{transform_indices = #map}, {transform_indices = #map1}, {transform_indices = #map1}, {transform_indices = #map}, {transform_indices = #map2}]} {
    %mul3A = arith.constant 2 : i32
    %mul3A_0 = arith.muli %arg1, %mul3A : i32
    %add3A = arith.addi %mul3A_0, %arg0 : i32
    %mul3A_1 = arith.constant 6272 : i32
    %mul3A_2 = arith.muli %arg1, %mul3A_1 : i32
    "tpu.region"() ({
      %run_scoped3A = tpu.sem_alloc : memref<!tpu.dma_semaphore, #tpu.memory_space<semaphore_mem>>
      %dma_start3A = arith.constant 0 : i32
      %dma_start3A_15 = tpu.memref_slice %arg7[%mul3A_2, %dma_start3A] : memref<100352x8xf32, #tpu.memory_space<vmem_shared>> -> memref<6272x8xf32, #tpu.memory_space<vmem_shared>>
      %dma_start3A_16 = arith.constant 0 : i32
      %dma_start3A_17 = tpu.memref_slice %arg5[%mul3A_2, %dma_start3A_16] : memref<100352x8xf32, #tpu.memory_space<hbm>> -> memref<6272x8xf32, #tpu.memory_space<hbm>>
      tpu.enqueue_dma source(%dma_start3A_17 : memref<6272x8xf32, #tpu.memory_space<hbm>>) target(%dma_start3A_15 : memref<6272x8xf32, #tpu.memory_space<vmem_shared>>) target_semaphore(%run_scoped3A : memref<!tpu.dma_semaphore, #tpu.memory_space<semaphore_mem>>)
      %dma_wait3A_18 = arith.constant 0 : i32
      %dma_wait3A_19 = tpu.memref_slice %arg7[%mul3A_2, %dma_wait3A_18] : memref<100352x8xf32, #tpu.memory_space<vmem_shared>> -> memref<6272x8xf32, #tpu.memory_space<vmem_shared>>
      %dma_wait3A_20 = arith.constant 0 : i32
      %dma_wait3A_21 = tpu.memref_slice %arg5[%mul3A_2, %dma_wait3A_20] : memref<100352x8xf32, #tpu.memory_space<hbm>> -> memref<6272x8xf32, #tpu.memory_space<hbm>>
      tpu.wait_dma2 semaphore(%run_scoped3A : memref<!tpu.dma_semaphore, #tpu.memory_space<semaphore_mem>>) src(%dma_wait3A_21 : memref<6272x8xf32, #tpu.memory_space<hbm>>) dst(%dma_wait3A_19 : memref<6272x8xf32, #tpu.memory_space<vmem_shared>>)
      tpu.yield
    }) : () -> ()
    %barrier3A = arith.constant 0 : index
    tpu.barrier barrier_id(%barrier3A)
    %mul3A_3 = arith.constant 200000 : i32
    %mul3A_4 = arith.muli %add3A, %mul3A_3 : i32
    %scan3A = arith.constant 0 : i32
    %scan3A_5 = arith.constant 50 : i32
    %scan3A_6 = arith.addi %scan3A, %scan3A_5 : i32
    %scan3A_7 = arith.constant 1 : i32
    scf.for %scan3A_15 = %scan3A to %scan3A_6 step %scan3A_7  : i32 {
      %mul3A_16 = arith.constant 2 : i32
      %mul3A_17 = arith.muli %scan3A_15, %mul3A_16 : i32
      %add3A_18 = arith.constant 0 : i32
      %add3A_19 = arith.addi %add3A_18, %mul3A_17 : i32
      %ge3A = arith.constant 2 : i32
      %ge3A_20 = arith.cmpi sge, %add3A_19, %ge3A : i32
      %convert_element_type3A = arith.extui %ge3A_20 : i1 to i32
      %cond3A = arith.constant 0 : i32
      %cond3A_21 = arith.cmpi ne, %convert_element_type3A, %cond3A : i32
      scf.if %cond3A_21 {
        %dma_wait3A_54 = arith.constant 0 : i32
        %dma_wait3A_55 = arith.constant 0 : i32
        %dma_wait3A_56 = tpu.memref_slice %arg7[%dma_wait3A_54, %dma_wait3A_55] : memref<100352x8xf32, #tpu.memory_space<vmem_shared>> -> memref<100352x8xf32, #tpu.memory_space<vmem_shared>>
        tpu.wait_indirect_dma semaphore(%arg15 : memref<!tpu.dma_semaphore, #tpu.memory_space<semaphore_mem>>) src(%arg12 : memref<2000x8xf32, #tpu.memory_space<vmem>>) dst(%dma_wait3A_56 : memref<100352x8xf32, #tpu.memory_space<vmem_shared>>)
      } else {
      }
      %add3A_22 = arith.constant 0 : i32
      %add3A_23 = arith.addi %add3A_19, %add3A_22 : i32
      %mul3A_24 = arith.constant 2000 : i32
      %mul3A_25 = arith.muli %add3A_23, %mul3A_24 : i32
      %add3A_26 = arith.addi %mul3A_4, %mul3A_25 : i32
      "tpu.region"() ({
        %run_scoped3A = tpu.sem_alloc : memref<!tpu.dma_semaphore, #tpu.memory_space<semaphore_mem>>
        %dma_start3A_54 = tpu.memref_slice %arg3[%add3A_26] : memref<6400000xi32, #tpu.memory_space<hbm>> -> memref<2000xi32, #tpu.memory_space<hbm>>
        %dma_start3A_55 = tpu.memref_slice %arg3[%add3A_26] : memref<6400000xi32, #tpu.memory_space<hbm>> -> memref<2000xi32, #tpu.memory_space<hbm>>
        tpu.enqueue_dma source(%dma_start3A_55 : memref<2000xi32, #tpu.memory_space<hbm>>) target(%arg8 : memref<2000xi32, #tpu.memory_space<vmem>>) target_semaphore(%run_scoped3A : memref<!tpu.dma_semaphore, #tpu.memory_space<semaphore_mem>>)
        %dma_wait3A_56 = tpu.memref_slice %arg3[%add3A_26] : memref<6400000xi32, #tpu.memory_space<hbm>> -> memref<2000xi32, #tpu.memory_space<hbm>>
        %dma_wait3A_57 = tpu.memref_slice %arg3[%add3A_26] : memref<6400000xi32, #tpu.memory_space<hbm>> -> memref<2000xi32, #tpu.memory_space<hbm>>
        tpu.wait_dma2 semaphore(%run_scoped3A : memref<!tpu.dma_semaphore, #tpu.memory_space<semaphore_mem>>) src(%dma_wait3A_57 : memref<2000xi32, #tpu.memory_space<hbm>>) dst(%arg8 : memref<2000xi32, #tpu.memory_space<vmem>>)
        tpu.yield
      }) : () -> ()
      "tpu.region"() ({
        %run_scoped3A = tpu.sem_alloc : memref<!tpu.dma_semaphore, #tpu.memory_space<semaphore_mem>>
        %dma_start3A_54 = tpu.memref_slice %arg4[%add3A_26] : memref<6400000xi32, #tpu.memory_space<hbm>> -> memref<2000xi32, #tpu.memory_space<hbm>>
        %dma_start3A_55 = tpu.memref_slice %arg4[%add3A_26] : memref<6400000xi32, #tpu.memory_space<hbm>> -> memref<2000xi32, #tpu.memory_space<hbm>>
        tpu.enqueue_dma source(%dma_start3A_55 : memref<2000xi32, #tpu.memory_space<hbm>>) target(%arg10 : memref<2000xi32, #tpu.memory_space<vmem>>) target_semaphore(%run_scoped3A : memref<!tpu.dma_semaphore, #tpu.memory_space<semaphore_mem>>)
        %dma_wait3A_56 = tpu.memref_slice %arg4[%add3A_26] : memref<6400000xi32, #tpu.memory_space<hbm>> -> memref<2000xi32, #tpu.memory_space<hbm>>
        %dma_wait3A_57 = tpu.memref_slice %arg4[%add3A_26] : memref<6400000xi32, #tpu.memory_space<hbm>> -> memref<2000xi32, #tpu.memory_space<hbm>>
        tpu.wait_dma2 semaphore(%run_scoped3A : memref<!tpu.dma_semaphore, #tpu.memory_space<semaphore_mem>>) src(%dma_wait3A_57 : memref<2000xi32, #tpu.memory_space<hbm>>) dst(%arg10 : memref<2000xi32, #tpu.memory_space<vmem>>)
        tpu.yield
      }) : () -> ()
      %dma_start3A = arith.constant 0 : i32
      %dma_start3A_27 = arith.constant 0 : i32
      %dma_start3A_28 = tpu.memref_slice %arg2[%dma_start3A, %dma_start3A_27] : memref<100352x8xf32, #tpu.memory_space<hbm>> -> memref<100352x8xf32, #tpu.memory_space<hbm>>
      tpu.enqueue_indirect_dma source(%dma_start3A_28 : memref<100352x8xf32, #tpu.memory_space<hbm>>) target(%arg12 : memref<2000x8xf32, #tpu.memory_space<vmem>>) offsets(%arg8 : memref<2000xi32, #tpu.memory_space<vmem>>) semaphore(%arg14 : memref<!tpu.dma_semaphore, #tpu.memory_space<semaphore_mem>>)
      %dma_wait3A_29 = arith.constant 0 : i32
      %dma_wait3A_30 = arith.constant 0 : i32
      %dma_wait3A_31 = tpu.memref_slice %arg2[%dma_wait3A_29, %dma_wait3A_30] : memref<100352x8xf32, #tpu.memory_space<hbm>> -> memref<100352x8xf32, #tpu.memory_space<hbm>>
      tpu.wait_indirect_dma semaphore(%arg14 : memref<!tpu.dma_semaphore, #tpu.memory_space<semaphore_mem>>) src(%dma_wait3A_31 : memref<100352x8xf32, #tpu.memory_space<hbm>>) dst(%arg12 : memref<2000x8xf32, #tpu.memory_space<vmem>>)
      %dma_start3A_32 = arith.constant 0 : i32
      %dma_start3A_33 = arith.constant 0 : i32
      %dma_start3A_34 = tpu.memref_slice %arg7[%dma_start3A_32, %dma_start3A_33] : memref<100352x8xf32, #tpu.memory_space<vmem_shared>> -> memref<100352x8xf32, #tpu.memory_space<vmem_shared>>
      tpu.enqueue_indirect_dma source(%arg12 : memref<2000x8xf32, #tpu.memory_space<vmem>>) target(%dma_start3A_34 : memref<100352x8xf32, #tpu.memory_space<vmem_shared>>) offsets(%arg10 : memref<2000xi32, #tpu.memory_space<vmem>>) semaphore(%arg15 : memref<!tpu.dma_semaphore, #tpu.memory_space<semaphore_mem>>) {add = true}
      %ge3A_35 = arith.constant 2 : i32
      %ge3A_36 = arith.cmpi sge, %add3A_19, %ge3A_35 : i32
      %convert_element_type3A_37 = arith.extui %ge3A_36 : i1 to i32
      %cond3A_38 = arith.constant 0 : i32
      %cond3A_39 = arith.cmpi ne, %convert_element_type3A_37, %cond3A_38 : i32
      scf.if %cond3A_39 {
        %dma_wait3A_54 = arith.constant 0 : i32
        %dma_wait3A_55 = arith.constant 0 : i32
        %dma_wait3A_56 = tpu.memref_slice %arg7[%dma_wait3A_54, %dma_wait3A_55] : memref<100352x8xf32, #tpu.memory_space<vmem_shared>> -> memref<100352x8xf32, #tpu.memory_space<vmem_shared>>
        tpu.wait_indirect_dma semaphore(%arg16 : memref<!tpu.dma_semaphore, #tpu.memory_space<semaphore_mem>>) src(%arg13 : memref<2000x8xf32, #tpu.memory_space<vmem>>) dst(%dma_wait3A_56 : memref<100352x8xf32, #tpu.memory_space<vmem_shared>>)
      } else {
      }
      %add3A_40 = arith.constant 1 : i32
      %add3A_41 = arith.addi %add3A_19, %add3A_40 : i32
      %mul3A_42 = arith.constant 2000 : i32
      %mul3A_43 = arith.muli %add3A_41, %mul3A_42 : i32
      %add3A_44 = arith.addi %mul3A_4, %mul3A_43 : i32
      "tpu.region"() ({
        %run_scoped3A = tpu.sem_alloc : memref<!tpu.dma_semaphore, #tpu.memory_space<semaphore_mem>>
        %dma_start3A_54 = tpu.memref_slice %arg3[%add3A_44] : memref<6400000xi32, #tpu.memory_space<hbm>> -> memref<2000xi32, #tpu.memory_space<hbm>>
        %dma_start3A_55 = tpu.memref_slice %arg3[%add3A_44] : memref<6400000xi32, #tpu.memory_space<hbm>> -> memref<2000xi32, #tpu.memory_space<hbm>>
        tpu.enqueue_dma source(%dma_start3A_55 : memref<2000xi32, #tpu.memory_space<hbm>>) target(%arg9 : memref<2000xi32, #tpu.memory_space<vmem>>) target_semaphore(%run_scoped3A : memref<!tpu.dma_semaphore, #tpu.memory_space<semaphore_mem>>)
        %dma_wait3A_56 = tpu.memref_slice %arg3[%add3A_44] : memref<6400000xi32, #tpu.memory_space<hbm>> -> memref<2000xi32, #tpu.memory_space<hbm>>
        %dma_wait3A_57 = tpu.memref_slice %arg3[%add3A_44] : memref<6400000xi32, #tpu.memory_space<hbm>> -> memref<2000xi32, #tpu.memory_space<hbm>>
        tpu.wait_dma2 semaphore(%run_scoped3A : memref<!tpu.dma_semaphore, #tpu.memory_space<semaphore_mem>>) src(%dma_wait3A_57 : memref<2000xi32, #tpu.memory_space<hbm>>) dst(%arg9 : memref<2000xi32, #tpu.memory_space<vmem>>)
        tpu.yield
      }) : () -> ()
      "tpu.region"() ({
        %run_scoped3A = tpu.sem_alloc : memref<!tpu.dma_semaphore, #tpu.memory_space<semaphore_mem>>
        %dma_start3A_54 = tpu.memref_slice %arg4[%add3A_44] : memref<6400000xi32, #tpu.memory_space<hbm>> -> memref<2000xi32, #tpu.memory_space<hbm>>
        %dma_start3A_55 = tpu.memref_slice %arg4[%add3A_44] : memref<6400000xi32, #tpu.memory_space<hbm>> -> memref<2000xi32, #tpu.memory_space<hbm>>
        tpu.enqueue_dma source(%dma_start3A_55 : memref<2000xi32, #tpu.memory_space<hbm>>) target(%arg11 : memref<2000xi32, #tpu.memory_space<vmem>>) target_semaphore(%run_scoped3A : memref<!tpu.dma_semaphore, #tpu.memory_space<semaphore_mem>>)
        %dma_wait3A_56 = tpu.memref_slice %arg4[%add3A_44] : memref<6400000xi32, #tpu.memory_space<hbm>> -> memref<2000xi32, #tpu.memory_space<hbm>>
        %dma_wait3A_57 = tpu.memref_slice %arg4[%add3A_44] : memref<6400000xi32, #tpu.memory_space<hbm>> -> memref<2000xi32, #tpu.memory_space<hbm>>
        tpu.wait_dma2 semaphore(%run_scoped3A : memref<!tpu.dma_semaphore, #tpu.memory_space<semaphore_mem>>) src(%dma_wait3A_57 : memref<2000xi32, #tpu.memory_space<hbm>>) dst(%arg11 : memref<2000xi32, #tpu.memory_space<vmem>>)
        tpu.yield
      }) : () -> ()
      %dma_start3A_45 = arith.constant 0 : i32
      %dma_start3A_46 = arith.constant 0 : i32
      %dma_start3A_47 = tpu.memref_slice %arg2[%dma_start3A_45, %dma_start3A_46] : memref<100352x8xf32, #tpu.memory_space<hbm>> -> memref<100352x8xf32, #tpu.memory_space<hbm>>
      tpu.enqueue_indirect_dma source(%dma_start3A_47 : memref<100352x8xf32, #tpu.memory_space<hbm>>) target(%arg13 : memref<2000x8xf32, #tpu.memory_space<vmem>>) offsets(%arg9 : memref<2000xi32, #tpu.memory_space<vmem>>) semaphore(%arg14 : memref<!tpu.dma_semaphore, #tpu.memory_space<semaphore_mem>>)
      %dma_wait3A_48 = arith.constant 0 : i32
      %dma_wait3A_49 = arith.constant 0 : i32
      %dma_wait3A_50 = tpu.memref_slice %arg2[%dma_wait3A_48, %dma_wait3A_49] : memref<100352x8xf32, #tpu.memory_space<hbm>> -> memref<100352x8xf32, #tpu.memory_space<hbm>>
      tpu.wait_indirect_dma semaphore(%arg14 : memref<!tpu.dma_semaphore, #tpu.memory_space<semaphore_mem>>) src(%dma_wait3A_50 : memref<100352x8xf32, #tpu.memory_space<hbm>>) dst(%arg13 : memref<2000x8xf32, #tpu.memory_space<vmem>>)
      %dma_start3A_51 = arith.constant 0 : i32
      %dma_start3A_52 = arith.constant 0 : i32
      %dma_start3A_53 = tpu.memref_slice %arg7[%dma_start3A_51, %dma_start3A_52] : memref<100352x8xf32, #tpu.memory_space<vmem_shared>> -> memref<100352x8xf32, #tpu.memory_space<vmem_shared>>
      tpu.enqueue_indirect_dma source(%arg13 : memref<2000x8xf32, #tpu.memory_space<vmem>>) target(%dma_start3A_53 : memref<100352x8xf32, #tpu.memory_space<vmem_shared>>) offsets(%arg11 : memref<2000xi32, #tpu.memory_space<vmem>>) semaphore(%arg16 : memref<!tpu.dma_semaphore, #tpu.memory_space<semaphore_mem>>) {add = true}
    }
    %scan3A_8 = arith.constant 50 : i32
    %dma_wait3A = arith.constant 0 : i32
    %dma_wait3A_9 = arith.constant 0 : i32
    %dma_wait3A_10 = tpu.memref_slice %arg7[%dma_wait3A, %dma_wait3A_9] : memref<100352x8xf32, #tpu.memory_space<vmem_shared>> -> memref<100352x8xf32, #tpu.memory_space<vmem_shared>>
    tpu.wait_indirect_dma semaphore(%arg15 : memref<!tpu.dma_semaphore, #tpu.memory_space<semaphore_mem>>) src(%arg12 : memref<2000x8xf32, #tpu.memory_space<vmem>>) dst(%dma_wait3A_10 : memref<100352x8xf32, #tpu.memory_space<vmem_shared>>)
    %dma_wait3A_11 = arith.constant 0 : i32
    %dma_wait3A_12 = arith.constant 0 : i32
    %dma_wait3A_13 = tpu.memref_slice %arg7[%dma_wait3A_11, %dma_wait3A_12] : memref<100352x8xf32, #tpu.memory_space<vmem_shared>> -> memref<100352x8xf32, #tpu.memory_space<vmem_shared>>
    tpu.wait_indirect_dma semaphore(%arg16 : memref<!tpu.dma_semaphore, #tpu.memory_space<semaphore_mem>>) src(%arg13 : memref<2000x8xf32, #tpu.memory_space<vmem>>) dst(%dma_wait3A_13 : memref<100352x8xf32, #tpu.memory_space<vmem_shared>>)
    %barrier3A_14 = arith.constant 0 : index
    tpu.barrier barrier_id(%barrier3A_14)
    "tpu.region"() ({
      %run_scoped3A = tpu.sem_alloc : memref<!tpu.dma_semaphore, #tpu.memory_space<semaphore_mem>>
      %dma_start3A = arith.constant 0 : i32
      %dma_start3A_15 = tpu.memref_slice %arg6[%arg0, %mul3A_2, %dma_start3A] : memref<2x100352x8xf32, #tpu.memory_space<hbm>> -> memref<1x6272x8xf32, #tpu.memory_space<hbm>>
      %dma_start3A_16 = tpu.memref_squeeze %dma_start3A_15 : memref<1x6272x8xf32, #tpu.memory_space<hbm>> -> memref<6272x8xf32, #tpu.memory_space<hbm>>
      %dma_start3A_17 = arith.constant 0 : i32
      %dma_start3A_18 = tpu.memref_slice %arg7[%mul3A_2, %dma_start3A_17] : memref<100352x8xf32, #tpu.memory_space<vmem_shared>> -> memref<6272x8xf32, #tpu.memory_space<vmem_shared>>
      tpu.enqueue_dma source(%dma_start3A_18 : memref<6272x8xf32, #tpu.memory_space<vmem_shared>>) target(%dma_start3A_16 : memref<6272x8xf32, #tpu.memory_space<hbm>>) target_semaphore(%run_scoped3A : memref<!tpu.dma_semaphore, #tpu.memory_space<semaphore_mem>>)
      %dma_wait3A_19 = arith.constant 0 : i32
      %dma_wait3A_20 = tpu.memref_slice %arg6[%arg0, %mul3A_2, %dma_wait3A_19] : memref<2x100352x8xf32, #tpu.memory_space<hbm>> -> memref<1x6272x8xf32, #tpu.memory_space<hbm>>
      %dma_wait3A_21 = tpu.memref_squeeze %dma_wait3A_20 : memref<1x6272x8xf32, #tpu.memory_space<hbm>> -> memref<6272x8xf32, #tpu.memory_space<hbm>>
      %dma_wait3A_22 = arith.constant 0 : i32
      %dma_wait3A_23 = tpu.memref_slice %arg7[%mul3A_2, %dma_wait3A_22] : memref<100352x8xf32, #tpu.memory_space<vmem_shared>> -> memref<6272x8xf32, #tpu.memory_space<vmem_shared>>
      tpu.wait_dma2 semaphore(%run_scoped3A : memref<!tpu.dma_semaphore, #tpu.memory_space<semaphore_mem>>) src(%dma_wait3A_23 : memref<6272x8xf32, #tpu.memory_space<vmem_shared>>) dst(%dma_wait3A_21 : memref<6272x8xf32, #tpu.memory_space<hbm>>)
      tpu.yield
    }) : () -> ()
    return
  }
}

#map = affine_map<(d0, d1) -> (0, 0)>
#map1 = affine_map<(d0, d1) -> (0)>
module attributes {stable_mosaic.version = 14 : i64} {
  func.func @glueF(%arg0: i32, %arg1: i32, %arg2: memref<2x802816xf32, #tpu.memory_space<hbm>>, %arg3: memref<802816xf32, #tpu.memory_space<hbm>>, %arg4: memref<100352xf32, #tpu.memory_space<hbm>>, %arg5: memref<16xf32, #tpu.memory_space<hbm>>, %arg6: memref<200704xf32, #tpu.memory_space<hbm>>, %arg7: memref<25088xf32, #tpu.memory_space<vmem>>, %arg8: memref<25088xf32, #tpu.memory_space<vmem>>, %arg9: memref<25088xf32, #tpu.memory_space<vmem>>, %arg10: memref<3136xf32, #tpu.memory_space<vmem>>, %arg11: memref<6272xf32, #tpu.memory_space<vmem>>, %arg12: memref<16xf32, #tpu.memory_space<vmem>>) attributes {dimension_semantics = [#tpu.dimension_semantics<core_parallel>, #tpu.dimension_semantics<subcore_parallel>], iteration_bounds = array<i64: 2, 16>, scalar_prefetch = 0 : i64, scratch_operands = 6 : i64, tpu.core_type = #tpu.core_type<sc_vector_subcore>, window_params = [{transform_indices = #map}, {transform_indices = #map1}, {transform_indices = #map1}, {transform_indices = #map1}, {transform_indices = #map1}]} {
    %mul3A = arith.constant 2 : i32
    %mul3A_0 = arith.muli %arg1, %mul3A : i32
    %add3A = arith.addi %mul3A_0, %arg0 : i32
    %mul3A_1 = arith.constant 3136 : i32
    %mul3A_2 = arith.muli %add3A, %mul3A_1 : i32
    %mul3A_3 = arith.constant 8 : i32
    %mul3A_4 = arith.muli %mul3A_3, %mul3A_2 : i32
    %run_scoped3A = arith.constant 0 : i32
    "tpu.region"() ({
      %run_scoped3A_14 = tpu.sem_alloc : memref<!tpu.dma_semaphore, #tpu.memory_space<semaphore_mem>>
      %dma_start3A = tpu.memref_slice %arg2[%run_scoped3A, %mul3A_4] : memref<2x802816xf32, #tpu.memory_space<hbm>> -> memref<1x25088xf32, #tpu.memory_space<hbm>>
      %dma_start3A_15 = tpu.memref_squeeze %dma_start3A : memref<1x25088xf32, #tpu.memory_space<hbm>> -> memref<25088xf32, #tpu.memory_space<hbm>>
      %dma_start3A_16 = tpu.memref_slice %arg2[%run_scoped3A, %mul3A_4] : memref<2x802816xf32, #tpu.memory_space<hbm>> -> memref<1x25088xf32, #tpu.memory_space<hbm>>
      %dma_start3A_17 = tpu.memref_squeeze %dma_start3A_16 : memref<1x25088xf32, #tpu.memory_space<hbm>> -> memref<25088xf32, #tpu.memory_space<hbm>>
      tpu.enqueue_dma source(%dma_start3A_17 : memref<25088xf32, #tpu.memory_space<hbm>>) target(%arg7 : memref<25088xf32, #tpu.memory_space<vmem>>) target_semaphore(%run_scoped3A_14 : memref<!tpu.dma_semaphore, #tpu.memory_space<semaphore_mem>>)
      %dma_wait3A = tpu.memref_slice %arg2[%run_scoped3A, %mul3A_4] : memref<2x802816xf32, #tpu.memory_space<hbm>> -> memref<1x25088xf32, #tpu.memory_space<hbm>>
      %dma_wait3A_18 = tpu.memref_squeeze %dma_wait3A : memref<1x25088xf32, #tpu.memory_space<hbm>> -> memref<25088xf32, #tpu.memory_space<hbm>>
      %dma_wait3A_19 = tpu.memref_slice %arg2[%run_scoped3A, %mul3A_4] : memref<2x802816xf32, #tpu.memory_space<hbm>> -> memref<1x25088xf32, #tpu.memory_space<hbm>>
      %dma_wait3A_20 = tpu.memref_squeeze %dma_wait3A_19 : memref<1x25088xf32, #tpu.memory_space<hbm>> -> memref<25088xf32, #tpu.memory_space<hbm>>
      tpu.wait_dma2 semaphore(%run_scoped3A_14 : memref<!tpu.dma_semaphore, #tpu.memory_space<semaphore_mem>>) src(%dma_wait3A_20 : memref<25088xf32, #tpu.memory_space<hbm>>) dst(%arg7 : memref<25088xf32, #tpu.memory_space<vmem>>)
      tpu.yield
    }) : () -> ()
    %run_scoped3A_5 = arith.constant 1 : i32
    "tpu.region"() ({
      %run_scoped3A_14 = tpu.sem_alloc : memref<!tpu.dma_semaphore, #tpu.memory_space<semaphore_mem>>
      %dma_start3A = tpu.memref_slice %arg2[%run_scoped3A_5, %mul3A_4] : memref<2x802816xf32, #tpu.memory_space<hbm>> -> memref<1x25088xf32, #tpu.memory_space<hbm>>
      %dma_start3A_15 = tpu.memref_squeeze %dma_start3A : memref<1x25088xf32, #tpu.memory_space<hbm>> -> memref<25088xf32, #tpu.memory_space<hbm>>
      %dma_start3A_16 = tpu.memref_slice %arg2[%run_scoped3A_5, %mul3A_4] : memref<2x802816xf32, #tpu.memory_space<hbm>> -> memref<1x25088xf32, #tpu.memory_space<hbm>>
      %dma_start3A_17 = tpu.memref_squeeze %dma_start3A_16 : memref<1x25088xf32, #tpu.memory_space<hbm>> -> memref<25088xf32, #tpu.memory_space<hbm>>
      tpu.enqueue_dma source(%dma_start3A_17 : memref<25088xf32, #tpu.memory_space<hbm>>) target(%arg8 : memref<25088xf32, #tpu.memory_space<vmem>>) target_semaphore(%run_scoped3A_14 : memref<!tpu.dma_semaphore, #tpu.memory_space<semaphore_mem>>)
      %dma_wait3A = tpu.memref_slice %arg2[%run_scoped3A_5, %mul3A_4] : memref<2x802816xf32, #tpu.memory_space<hbm>> -> memref<1x25088xf32, #tpu.memory_space<hbm>>
      %dma_wait3A_18 = tpu.memref_squeeze %dma_wait3A : memref<1x25088xf32, #tpu.memory_space<hbm>> -> memref<25088xf32, #tpu.memory_space<hbm>>
      %dma_wait3A_19 = tpu.memref_slice %arg2[%run_scoped3A_5, %mul3A_4] : memref<2x802816xf32, #tpu.memory_space<hbm>> -> memref<1x25088xf32, #tpu.memory_space<hbm>>
      %dma_wait3A_20 = tpu.memref_squeeze %dma_wait3A_19 : memref<1x25088xf32, #tpu.memory_space<hbm>> -> memref<25088xf32, #tpu.memory_space<hbm>>
      tpu.wait_dma2 semaphore(%run_scoped3A_14 : memref<!tpu.dma_semaphore, #tpu.memory_space<semaphore_mem>>) src(%dma_wait3A_20 : memref<25088xf32, #tpu.memory_space<hbm>>) dst(%arg8 : memref<25088xf32, #tpu.memory_space<vmem>>)
      tpu.yield
    }) : () -> ()
    "tpu.region"() ({
      %run_scoped3A_14 = tpu.sem_alloc : memref<!tpu.dma_semaphore, #tpu.memory_space<semaphore_mem>>
      %dma_start3A = tpu.memref_slice %arg3[%mul3A_4] : memref<802816xf32, #tpu.memory_space<hbm>> -> memref<25088xf32, #tpu.memory_space<hbm>>
      %dma_start3A_15 = tpu.memref_slice %arg3[%mul3A_4] : memref<802816xf32, #tpu.memory_space<hbm>> -> memref<25088xf32, #tpu.memory_space<hbm>>
      tpu.enqueue_dma source(%dma_start3A_15 : memref<25088xf32, #tpu.memory_space<hbm>>) target(%arg9 : memref<25088xf32, #tpu.memory_space<vmem>>) target_semaphore(%run_scoped3A_14 : memref<!tpu.dma_semaphore, #tpu.memory_space<semaphore_mem>>)
      %dma_wait3A = tpu.memref_slice %arg3[%mul3A_4] : memref<802816xf32, #tpu.memory_space<hbm>> -> memref<25088xf32, #tpu.memory_space<hbm>>
      %dma_wait3A_16 = tpu.memref_slice %arg3[%mul3A_4] : memref<802816xf32, #tpu.memory_space<hbm>> -> memref<25088xf32, #tpu.memory_space<hbm>>
      tpu.wait_dma2 semaphore(%run_scoped3A_14 : memref<!tpu.dma_semaphore, #tpu.memory_space<semaphore_mem>>) src(%dma_wait3A_16 : memref<25088xf32, #tpu.memory_space<hbm>>) dst(%arg9 : memref<25088xf32, #tpu.memory_space<vmem>>)
      tpu.yield
    }) : () -> ()
    "tpu.region"() ({
      %run_scoped3A_14 = tpu.sem_alloc : memref<!tpu.dma_semaphore, #tpu.memory_space<semaphore_mem>>
      %dma_start3A = tpu.memref_slice %arg4[%mul3A_2] : memref<100352xf32, #tpu.memory_space<hbm>> -> memref<3136xf32, #tpu.memory_space<hbm>>
      %dma_start3A_15 = tpu.memref_slice %arg4[%mul3A_2] : memref<100352xf32, #tpu.memory_space<hbm>> -> memref<3136xf32, #tpu.memory_space<hbm>>
      tpu.enqueue_dma source(%dma_start3A_15 : memref<3136xf32, #tpu.memory_space<hbm>>) target(%arg10 : memref<3136xf32, #tpu.memory_space<vmem>>) target_semaphore(%run_scoped3A_14 : memref<!tpu.dma_semaphore, #tpu.memory_space<semaphore_mem>>)
      %dma_wait3A = tpu.memref_slice %arg4[%mul3A_2] : memref<100352xf32, #tpu.memory_space<hbm>> -> memref<3136xf32, #tpu.memory_space<hbm>>
      %dma_wait3A_16 = tpu.memref_slice %arg4[%mul3A_2] : memref<100352xf32, #tpu.memory_space<hbm>> -> memref<3136xf32, #tpu.memory_space<hbm>>
      tpu.wait_dma2 semaphore(%run_scoped3A_14 : memref<!tpu.dma_semaphore, #tpu.memory_space<semaphore_mem>>) src(%dma_wait3A_16 : memref<3136xf32, #tpu.memory_space<hbm>>) dst(%arg10 : memref<3136xf32, #tpu.memory_space<vmem>>)
      tpu.yield
    }) : () -> ()
    "tpu.region"() ({
      %run_scoped3A_14 = tpu.sem_alloc : memref<!tpu.dma_semaphore, #tpu.memory_space<semaphore_mem>>
      tpu.enqueue_dma source(%arg5 : memref<16xf32, #tpu.memory_space<hbm>>) target(%arg12 : memref<16xf32, #tpu.memory_space<vmem>>) target_semaphore(%run_scoped3A_14 : memref<!tpu.dma_semaphore, #tpu.memory_space<semaphore_mem>>)
      tpu.wait_dma2 semaphore(%run_scoped3A_14 : memref<!tpu.dma_semaphore, #tpu.memory_space<semaphore_mem>>) src(%arg5 : memref<16xf32, #tpu.memory_space<hbm>>) dst(%arg12 : memref<16xf32, #tpu.memory_space<vmem>>)
      tpu.yield
    }) : () -> ()
    %iota3A = tpu.iota {dimensions = array<i32: 0>} : vector<16xi32>
    %and3A = arith.constant 1 : i32
    %and3A_6 = vector.broadcast %and3A : i32 to vector<16xi32>
    %and3A_7 = arith.andi %iota3A, %and3A_6 : vector<16xi32>
    %gather3A = tpu.vector_load_idx %arg12[%and3A_7] : memref<16xf32, #tpu.memory_space<vmem>>[vector<16xi32>], vector<16xf32>,
    %scan3A = arith.constant 0 : i32
    %scan3A_8 = arith.constant 392 : i32
    %scan3A_9 = arith.addi %scan3A, %scan3A_8 : i32
    %scan3A_10 = arith.constant 1 : i32
    scf.for %scan3A_14 = %scan3A to %scan3A_9 step %scan3A_10  : i32 {
      %mul3A_15 = arith.constant 1 : i32
      %mul3A_16 = arith.muli %scan3A_14, %mul3A_15 : i32
      %add3A_17 = arith.constant 0 : i32
      %add3A_18 = arith.addi %add3A_17, %mul3A_16 : i32
      %mul3A_19 = arith.constant 8 : i32
      %mul3A_20 = arith.muli %add3A_18, %mul3A_19 : i32
      %shift_right_logical3A = arith.constant 1 : i32
      %shift_right_logical3A_21 = vector.broadcast %shift_right_logical3A : i32 to vector<16xi32>
      %shift_right_logical3A_22 = arith.shrui %iota3A, %shift_right_logical3A_21 : vector<16xi32>
      %add3A_23 = vector.broadcast %mul3A_20 : i32 to vector<16xi32>
      %add3A_24 = arith.addi %add3A_23, %shift_right_logical3A_22 : vector<16xi32>
      %mul3A_25 = arith.constant 8 : i32
      %mul3A_26 = vector.broadcast %mul3A_25 : i32 to vector<16xi32>
      %mul3A_27 = arith.muli %add3A_24, %mul3A_26 : vector<16xi32>
      %and3A_28 = arith.constant 1 : i32
      %and3A_29 = vector.broadcast %and3A_28 : i32 to vector<16xi32>
      %and3A_30 = arith.andi %iota3A, %and3A_29 : vector<16xi32>
      %add3A_31 = arith.addi %mul3A_27, %and3A_30 : vector<16xi32>
      %gather3A_32 = tpu.vector_load_idx %arg7[%add3A_31] : memref<25088xf32, #tpu.memory_space<vmem>>[vector<16xi32>], vector<16xf32>,
      %gather3A_33 = tpu.vector_load_idx %arg8[%add3A_31] : memref<25088xf32, #tpu.memory_space<vmem>>[vector<16xi32>], vector<16xf32>,
      %add3A_34 = arith.addf %gather3A_32, %gather3A_33 : vector<16xf32>
      %gather3A_35 = tpu.vector_load_idx %arg9[%add3A_31] : memref<25088xf32, #tpu.memory_space<vmem>>[vector<16xi32>], vector<16xf32>,
      %add3A_36 = arith.addf %add3A_34, %gather3A_35 : vector<16xf32>
      %mul3A_37 = arith.constant 8 : i32
      %mul3A_38 = arith.muli %add3A_18, %mul3A_37 : i32
      %shift_right_logical3A_39 = arith.constant 1 : i32
      %shift_right_logical3A_40 = vector.broadcast %shift_right_logical3A_39 : i32 to vector<16xi32>
      %shift_right_logical3A_41 = arith.shrui %iota3A, %shift_right_logical3A_40 : vector<16xi32>
      %add3A_42 = vector.broadcast %mul3A_38 : i32 to vector<16xi32>
      %add3A_43 = arith.addi %add3A_42, %shift_right_logical3A_41 : vector<16xi32>
      %gather3A_44 = tpu.vector_load_idx %arg10[%add3A_43] : memref<3136xf32, #tpu.memory_space<vmem>>[vector<16xi32>], vector<16xf32>,
      %mul3A_45 = arith.mulf %gather3A_44, %add3A_36 : vector<16xf32>
      %add3A_46 = arith.addf %mul3A_45, %gather3A : vector<16xf32>
      %mul3A_47 = arith.constant 16 : i32
      %mul3A_48 = arith.muli %add3A_18, %mul3A_47 : i32
      %swap3A = arith.index_cast %mul3A_48 : i32 to index
      %swap3A_49 = tpu.vector_load %arg11[%swap3A] {strides = array<i32>} : memref<6272xf32, #tpu.memory_space<vmem>>, vector<16xf32>,
      tpu.vector_store %arg11[%swap3A], %add3A_46 {strides = array<i32>} : memref<6272xf32, #tpu.memory_space<vmem>>, vector<16xf32>,
    }
    %scan3A_11 = arith.constant 392 : i32
    %mul3A_12 = arith.constant 2 : i32
    %mul3A_13 = arith.muli %mul3A_12, %mul3A_2 : i32
    "tpu.region"() ({
      %run_scoped3A_14 = tpu.sem_alloc : memref<!tpu.dma_semaphore, #tpu.memory_space<semaphore_mem>>
      %dma_start3A = tpu.memref_slice %arg6[%mul3A_13] : memref<200704xf32, #tpu.memory_space<hbm>> -> memref<6272xf32, #tpu.memory_space<hbm>>
      %dma_start3A_15 = tpu.memref_slice %arg6[%mul3A_13] : memref<200704xf32, #tpu.memory_space<hbm>> -> memref<6272xf32, #tpu.memory_space<hbm>>
      tpu.enqueue_dma source(%arg11 : memref<6272xf32, #tpu.memory_space<vmem>>) target(%dma_start3A_15 : memref<6272xf32, #tpu.memory_space<hbm>>) target_semaphore(%run_scoped3A_14 : memref<!tpu.dma_semaphore, #tpu.memory_space<semaphore_mem>>)
      %dma_wait3A = tpu.memref_slice %arg6[%mul3A_13] : memref<200704xf32, #tpu.memory_space<hbm>> -> memref<6272xf32, #tpu.memory_space<hbm>>
      %dma_wait3A_16 = tpu.memref_slice %arg6[%mul3A_13] : memref<200704xf32, #tpu.memory_space<hbm>> -> memref<6272xf32, #tpu.memory_space<hbm>>
      tpu.wait_dma2 semaphore(%run_scoped3A_14 : memref<!tpu.dma_semaphore, #tpu.memory_space<semaphore_mem>>) src(%arg11 : memref<6272xf32, #tpu.memory_space<vmem>>) dst(%dma_wait3A_16 : memref<6272xf32, #tpu.memory_space<hbm>>)
      tpu.yield
    }) : () -> ()
    return
  }
}

</mosaic_0001>

<sc_bundles>
// kernel: kernel.10.cloned.1.call-start
scs
__scs_entry_jumppad:
0x0: {  	(pc) =	sbr.rel $0x88, $3  }
0x1: {  	(tag) =	ssettag $0x0;
	lr =	simm.s32 $0x1  }
0x2: {  	[smem:$0x3F99] =	sst lr;
	_ =	strace $0xD0000000  }
0x3: {  	_ = 	snop  }
0x4: {  	_ = 	snop  }
0x5: {  	_ = 	snop  }
0x6: {  	_ = 	snop  }
0x7: {  	_ = 	snop  }
__scs_overlays_trampoline_lowered:
0x8: {  	[smem:$0x3FA8] =	sst s0  }
0x9: {  	[smem:$0x3FA9] =	sst s1  }
0xa: {  	[smem:$0x3FAA] =	sst s2  }
0xb: {  	[smem:$0x3FAB] =	sst s3  }
0xc: {  	[smem:$0x3FAC] =	sst s4  }
0xd: {  	[smem:$0x3FAD] =	sst s5  }
0xe: {  	[smem:$0x3FAE] =	sst s6  }
0xf: {  	[smem:$0x3FAF] =	sst s7  }
0x10: {  	[smem:$0x3FB0] =	sst s8  }
0x11: {  	[smem:$0x3FB1] =	sst s9;
	s0 =	simm.s32 @!p0 $0x0  }
0x12: {  	s1 =	sld [smem:$0x3F97];
	s0 =	simm.s32 @p0 $0x1  }
0x13: {  	[smem:$0x3FB2] =	sst s0;
	s0 =	simm.s32 @!p1 $0x0  }
0x14: {  	s2 =	sld [smem:$0x3F96];
	s0 =	simm.s32 @p1 $0x1  }
0x15: {  	[smem:$0x3FB3] =	sst s0;
	s0 =	simm.s32 @!p2 $0x0  }
0x16: {  	s3 =	sld [smem:$0x3FDB];
	s0 =	simm.s32 @p2 $0x1  }
0x17: {  	s4 =	simm.s32 $0x1BF5;
	[smem:$0x3FB5] =	sst s0  }
0x18: {  	s0 =	sld [smem:$0x3F98];
	_ =	swait.ge [sflag:s4], $0x0  }
0x19: {  	s7 =	sld [smem:$0x3F99]  }
0x1a: {  	s8 =	sadd.s32 $0xFFFFE003, lr  }
0x1b: {  	s9 =	sadd.s32 $0xFFFFFEF7, lr;
	s5 =	simm.s32 $0xFFFFFFFF;
	p2 =	slt.u32 s8, $0xFFFFF086  }
0x1c: {  	p1 =	slt.u32 s9, $0xF7A;
	s5 =	simm.s32 @!p2 $0x0  }
0x1d: {  	s5 =	simm.s32 @p1 $0x1;
	p0 =	seq.s32 s7, s2  }
0x1e: {  	s7 =	smul.u32 @!p0 $0xF7A, s2;
	p2 =	seq.s32 @!p0 s5, $0x0  }
0x1f: {  	s9 =	smul.u32 $0xF7A, s1;
	s8 =	simm.s32 @!p0 $0x1BF5;
	p2 =	por !p2, p0  }
0x20: {  	[sflag:s8] =	ssyncset.s32 @!p0 $0xFFFFF086;
	s6 =	sadd.s32 @!p0 s3, s7;
	s7 =	simm.s32 @!p0 $0x108  }
0x21: {  	s3 =	sadd.s32 s3, s9;
	s6 =	sadd.s32 @!p0 $0x88, s6;
	s7 =	simm.s32 @p2 $0x1082  }
0x22: {  	[simem:s7], [sflag:s8] =	dma.local @!p0 [hbm:s6], $0xF7A  }
0x23: {  	s9 =	sor.u32 $0xD0000000, s2;
	s6 =	simm.s32 $0x108;
	_ =	swait.ge @!p0 [sflag:s8], $0x0  }
0x24: {  	s3 =	sadd.s32 $0x88, s3;
	s6 =	simm.s32 @!p1 $0x1082;
	[sflag:s4] =	ssyncset.s32 $0xFFFFF086  }
0x25: {  	[simem:s6], [sflag:s4] =	dma.local [hbm:s3], $0xF7A  }
0x26: {  	[smem:$0x3F99] =	sst s1;
	(tag) =	ssettag s2;
	_ =	strace s9  }
0x27: {  	s1 =	sld [smem:$0x3FA9]  }
0x28: {  	s2 =	sld [smem:$0x3FAA]  }
0x29: {  	s4 =	sld [smem:$0x3FAC]  }
0x2a: {  	p0 =	seq.s32 s5, $0x0;
	s5 =	sld [smem:$0x3FAD]  }
0x2b: {  	s6 =	sld [smem:$0x3FAE]  }
0x2c: {  	s7 =	sld [smem:$0x3FAF]  }
0x2d: {  	s3 =	simm.s32 $0x108;
	s8 =	sld [smem:$0x3FB0]  }
0x2e: {  	s3 =	simm.s32 @!p0 $0x1082;
	s9 =	sld [smem:$0x3FB1]  }
0x2f: {  	lr =	sadd.s32 s0, s3;
	s0 =	sld [smem:$0x3FA8]  }
0x30: {  	s3 =	sld [smem:$0x3FAB]  }
0x31: {  	[smem:$0x3FB4] =	sst s10  }
0x32: {  	s10 =	sld [smem:$0x3FB2];
	_ =	sdelay $0x3  }
0x33: {  	p0 =	seq.s32 s10, $0x1;
	s10 =	sld [smem:$0x3FB4];
	_ =	sdelay $0x3  }
0x34: {  	[smem:$0x3FB4] =	sst s10  }
0x35: {  	s10 =	sld [smem:$0x3FB3];
	_ =	sdelay $0x3  }
0x36: {  	p1 =	seq.s32 s10, $0x1;
	s10 =	sld [smem:$0x3FB4];
	_ =	sdelay $0x3  }
0x37: {  	[smem:$0x3FB4] =	sst s10  }
0x38: {  	s10 =	sld [smem:$0x3FB5]  }
0x39: {  	_ = 	snop;
	(pc) =	sbr.ind lr, $3  }
0x3a: {  	_ = 	snop  }
0x3b: {  	_ = 	snop  }
0x3c: {  	p2 =	seq.s32 s10, $0x1;
	s10 =	sld [smem:$0x3FB4]  }
0x3d: {  	_ =	shalt  }
0x3e: {  	_ =	shalt  }
0x3f: {  	_ =	shalt  }
0x40: {  	_ =	shalt  }
0x41: {  	_ =	shalt  }
0x42: {  	_ =	shalt  }
0x43: {  	_ =	shalt  }
0x44: {  	_ =	shalt  }
0x45: {  	_ =	shalt  }
0x46: {  	_ =	shalt  }
0x47: {  	_ =	shalt  }
0x48: {  	_ =	shalt  }
0x49: {  	_ =	shalt  }
0x4a: {  	_ =	shalt  }
0x4b: {  	_ =	shalt  }
0x4c: {  	_ =	shalt  }
0x4d: {  	_ =	shalt  }
0x4e: {  	_ =	shalt  }
0x4f: {  	_ =	shalt  }
0x50: {  	_ =	shalt  }
0x51: {  	_ =	shalt  }
0x52: {  	_ =	shalt  }
0x53: {  	_ =	shalt  }
0x54: {  	_ =	shalt  }
0x55: {  	_ =	shalt  }
0x56: {  	_ =	shalt  }
0x57: {  	_ =	shalt  }
0x58: {  	_ =	shalt  }
0x59: {  	_ =	shalt  }
0x5a: {  	_ =	shalt  }
0x5b: {  	_ =	shalt  }
0x5c: {  	_ =	shalt  }
0x5d: {  	_ =	shalt  }
0x5e: {  	_ =	shalt  }
0x5f: {  	_ =	shalt  }
0x60: {  	_ =	shalt  }
0x61: {  	_ =	shalt  }
0x62: {  	_ =	shalt  }
0x63: {  	_ =	shalt  }
0x64: {  	_ =	shalt  }
0x65: {  	_ =	shalt  }
0x66: {  	_ =	shalt  }
0x67: {  	_ =	shalt  }
0x68: {  	_ =	shalt  }
0x69: {  	_ =	shalt  }
0x6a: {  	_ =	shalt  }
0x6b: {  	_ =	shalt  }
0x6c: {  	_ =	shalt  }
0x6d: {  	_ =	shalt  }
0x6e: {  	_ =	shalt  }
0x6f: {  	_ =	shalt  }
0x70: {  	_ =	shalt  }
0x71: {  	_ =	shalt  }
0x72: {  	_ =	shalt  }
0x73: {  	_ =	shalt  }
0x74: {  	_ =	shalt  }
0x75: {  	_ =	shalt  }
0x76: {  	_ =	shalt  }
0x77: {  	_ =	shalt  }
0x78: {  	_ =	shalt  }
0x79: {  	_ =	shalt  }
0x7a: {  	_ =	shalt  }
0x7b: {  	_ =	shalt  }
0x7c: {  	_ =	shalt  }
0x7d: {  	_ =	shalt  }
0x7e: {  	_ =	shalt  }
0x7f: {  	_ =	shalt  }
0x80: {  	_ =	shalt  }
0x81: {  	_ =	shalt  }
0x82: {  	_ =	shalt  }
0x83: {  	_ =	shalt  }
0x84: {  	_ =	shalt  }
0x85: {  	_ =	shalt  }
0x86: {  	_ =	shalt  }
0x87: {  	_ =	shalt  }
.Lfunc_end0:
.L_simem_size_0:
called_computation_lowered:
.L_overlay_start_0:
0x88: {  	s2 =	sld [smem:$0x3FD9]  }
0x89: {  	s3 =	sld [smem:$0x3FFE];
	_ =	sdelay $0x1  }
0x8a: {  	s1 =	srdreg.scid  }
0x8b: {  	s0 =	sand.u32 $0x1, s1  }
0x8c: {  	s16 =	sshll.u32 s0, $0xA;
	s2 =	sadd.s32 s3, s2  }
0x8d: {  	s2 =	sadd.s32 s2, s16  }
0x8e: {  	[smem:$0x3FC0] =	sst s2  }
0x8f: {  	_ = 	snop  }
0x90: {  	(tm) =	ssettm $0x1  }
0x91: {  	s17 =	sld [smem:$0x3FFB];
	_ =	sdelay $0x3  }
0x92: {  	_ =	strace s17  }
0x93: {  	s2 =	sld [smem:$0x3FFC];
	_ =	sdelay $0x3  }
0x94: {  	_ =	strace s2  }
0x95: {  	s2 =	sld [smem:$0x3FFD];
	_ =	sdelay $0x3  }
0x96: {  	_ =	strace s2  }
0x97: {  	_ =	strace $0x8FFFFFFF  }
0x98: {  	s18 =	sld [smem:$0x3FDB];
	_ =	sdelay $0x1  }
0x99: {  	s19 =	simm.s32 $_scs_section_size  }
0x9a: {  	s4 =	simm.s32 $_size__tile_overlayer_lowered;
	s5 =	simm.s32 $_tile_overlayer_lowered  }
0x9b: {  	s22 =	simm.s32 $0x1BFF;
	s21 =	sshll.u32 s5, $0x1;
	s2 =	sadd.s32 s19, s18  }
0x9c: {  	s6 =	simm.s32 $0x0;
	s20 =	sshll.u32 s4, $0x1;
	s4 =	sadd.s32 s21, s2  }
0x9d: {  	[timem:s6], [sflag:s22] =	dma.local [hbm:s4], s20  }
0x9e: {  	_ =	swait.ge [sflag:s22], s20  }
0x9f: {  	s3 =	ssub.s32 $0x0, s20;
	[sflag:s22] =	ssyncset.done $0x0  }
0xa0: {  	[sflag:s22] =	ssyncadd.s32 s3;
	_ =	sdelay $0x1  }
0xa1: {  	s23 =	simm.s32 $0x1B8B  }
0xa2: {  	_ =	swait.ge [sflag:s23], $0x1  }
0xa3: {  	[sflag:s23] =	ssyncset.done $0x0  }
0xa4: {  	s25 =	simm.s32 $0x1B8E;
	s24 =	sld [smem:$0x3FFE];
	[sflag:s23] =	ssyncadd.s32 $0xFFFFFFFF  }
0xa5: {  	s26 =	simm.s32 $execute0_lowered;
	[smem:$0x3FD2] =	sst s25  }
0xa6: {  	s4 =	sshll.u32 s26, $0x1;
	_ =	strace $0x80000046;
	[dreg:$0x1] =	wrdreg $0xFFFFFFFF  }
0xa7: {  	s28 =	simm.s32 $_size_execute0_lowered;
	s2 =	sadd.s32 s2, s4;
	[dreg:$0x0] =	wrdreg $0x0  }
0xa8: {  	s4 =	sshll.u32 s28, $0x1;
	[dreg:$0x2] =	wrdreg s2  }
0xa9: {  	[dreg:$0x3] =	wrdreg s4  }
0xaa: {  	[dreg:$0x4] =	wrdreg $0xC0  }
0xab: {  	_ =	task [dreg:s6], $0x5FFFF  }
0xac: {  	[dreg:$0x1] =	wrdreg $0xFFFFFFFF  }
0xad: {  	[dreg:$0x0] =	wrdreg $0x60  }
0xae: {  	[dreg:$0x2] =	wrdreg s24  }
0xaf: {  	[dreg:$0x3] =	wrdreg $0x0  }
0xb0: {  	[dreg:$0x4] =	wrdreg $0x9  }
0xb1: {  	_ =	task.clear_ibuf [dreg:s6], $0x5FFFF;
	_ =	strace $0x90000046  }
0xb2: {  	s29 =	simm.s32 $0x9;
	_ =	strace $0x80000048  }
0xb3: {  	_ =	swait.ge [sflag:s29], $0x1  }
0xb4: {  	[sflag:s29] =	ssyncadd.s32 $0xFFFFFFFF  }
0xb5: {  	_ =	strace $0x90000048  }
0xb6: {  	_ =	sfence  }
0xb7: {  	s30 =	sld [smem:$0x0];
	_ =	sdelay $0x2  }
0xb8: {  	s31 =	sshll.u32 s1, $0xD;
	s1 =	sshrl.u32 s1, $0x2  }
0xb9: {  	s3 =	sand.u32 $0x4000, s31;
	s1 =	sadd.s32 s1, s30  }
0xba: {  	s0 =	sor.u32 s3, s0;
	s1 =	sshll.u32 s1, $0x11  }
0xbb: {  	s0 =	sor.u32 s1, s0  }
0xbc: {  	s0 =	sadd.s32 $0x8F2B, s0  }
0xbd: {  	[sflag:s0] =	ssyncadd.remote.s32 $0x1  }
0xbe: {  	_ =	sfence.sel $0xFFFF  }
0xbf: {  	[dreg:$0x0] =	wrdreg $0xFFFFFFFF;
	(pc) =	sbr.abs _section_cstart, $3  }
0xc0: {  	[dreg:$0x1] =	wrdreg $0xFFFFFFFF  }
0xc1: {  	_ =	task.clear_ibuf [dreg:s6], $0x2FFFF;
	_ =	strace $0x9FFFFFFF  }
0xc2: {  	(tm) =	ssettm $0x7FFFFFFF  }
0xc3: {  	_ =	shalt  }
tec
execute0_lowered:
.L_overlay_start_1:
0x0: {  	(tag) =	ssettag $0x1  }
0x1: {  	s6 =	rddreg [dreg:$0x0];
	s0 =	stileid.u32  }
0x2: {  	s1 =	srdreg.scid;
	s2 =	rddreg [dreg:$0x1]  }
0x3: {  	s3 =	simm.s32 $0x0;
	s15 =	simm.s32 $0x3;
	s16 =	simm.s32 $0xD3A0  }
0x4: {  	s17 =	simm.s32 $0xC400;
	s18 =	simm.s32 $0x7D0;
	s19 =	simm.s32 $0xCBD0  }
0x5: {  	s20 =	simm.s32 $0x1;
	s21 =	simm.s32 $0x2;
	s22 =	simm.s32 $0x0  }
0x6: {  	s7 =	smul.u32 $0xC400, s0;
	s8 =	sand.u32 $0x1, s1;
	s1 =	rddreg [dreg:$0x2]  }
0x7: {  	[smem:$0x7FF] =	sst s3;
	s4 =	sadd.s32 $0x1A1E00, s6;
	s13 =	smul.u32 $0x61A80, s0  }
0x8: {  	s12 =	sshll.u32 s0, $0x1;
	s29 =	sshll.u32 s0, $0x6;
	s5 =	smul.u32 $0xC4000, s8  }
0x9: {  	_ =	strace $0x80000047;
	s26 =	ssub.s32 $0x2, s8;
	s28 =	sor.u32 s8, s12  }
0xa: {  	s8 =	smul.u32 $0x30D40, s8;
	s10 =	sshrl.u32 s7, $0x3;
	s11 =	sshrl.u32 s26, $0x1  }
0xb: {  	s14 =	sadd.s32 s7, s2;
	s12 =	smul.u32 $0x30D40, s28;
	s9 =	sadd.s32 s7, s5  }
0xc: {  	s5 =	sadd.s32 $0xC6000, s6;
	s10 =	sadd.s32 s10, s6;
	s11 =	ssub.s32 s26, s11  }
0xd: {  	s7 =	sor.u32 $0x1C03, s29;
	s13 =	sadd.s32 s8, s13;
	s14 =	sshrl.u32 s14, $0x3  }
0xe: {  	s9 =	sshrl.u32 s9, $0x3;
	s30 =	sshrl.u32 s12, $0x3;
	s31 =	sadd.s32 $0x1770, s13  }
0xf: {  	s13 =	sadd.s32 $0xFA0, s13;
	s9 =	sadd.s32 s9, s6;
	s6 =	sadd.s32 $0x189600, s10  }
0x10: {  	s10 =	sadd.s32 s5, s30;
	s12 =	sshrl.u32 s31, $0x3;
	s8 =	sadd.s32 $0x1BA600, s9  }
0x11: {  	s9 =	smax.u32 s11, $0x1;
	s11 =	sadd.s32 $0xFA, s10;
	s12 =	sadd.s32 s12, s5  }
.LBB2_1:
0x12: {  	[spmem:s14], [sflag:s7] =	dma.local [hbm:s6], $0x1880  }
0x13: {  	_ =	swait.ge [sflag:s15], $0x1880  }
0x14: {  	[sflag:s15] =	ssyncset.done $0x0  }
0x15: {  	[sflag:s15] =	ssyncadd.s32 $0xFFFFE780  }
0x16: {  	[tilespmem:s16], [sflag:$0x3] =	stream.linear.gather [hbm4b:s4+s3], $0x3E80, $0x38;
	[tilespmem:$0x11220] =	vst v63  }
0x17: {  	_ =	swait.ge [sflag:s15], $0x3E80  }
0x18: {  	[sflag:s15] =	ssyncset.done $0x0  }
0x19: {  	[sflag:s15] =	ssyncadd.s32 $0xFFFFC180  }
0x1a: {  	[bflag:$0x0] =	sbarrier.arrive $0xFFFF  }
0x1b: {  	[tilespmem:s17], [sflag:$0x3] =	stream.linear.gather [hbm4b:s10+s3], $0x7D0, $0x38;
	[tilespmem:$0x11220] =	vst v63  }
0x1c: {  	_ =	swait.ge [sflag:s15], $0x7D0  }
0x1d: {  	[sflag:s15] =	ssyncset.done $0x0  }
0x1e: {  	[sflag:s15] =	ssyncadd.s32 $0xFFFFF830  }
0x1f: {  	[spmem:s2] =	stream.indirect.scatter.add.f32 [tilespmem:s16], [sflag:$0x1], $0x8, s17, s18, $0xb8;
	[tilespmem:$0x11220] =	vst v63  }
0x20: {  	_ = 	snop  }
0x21: {  	[tilespmem:s19], [sflag:$0x3] =	stream.linear.gather [hbm4b:s11+s3], $0x7D0, $0x38;
	[tilespmem:$0x11220] =	vst v63  }
0x22: {  	_ =	swait.ge [sflag:s15], $0x7D0  }
0x23: {  	[sflag:s15] =	ssyncset.done $0x0  }
0x24: {  	[sflag:s15] =	ssyncadd.s32 $0xFFFFF830  }
0x25: {  	[spmem:s2] =	stream.indirect.scatter.add.f32 [tilespmem:s16], [sflag:$0x2], $0x8, s19, s18, $0xb8;
	[tilespmem:$0x11220] =	vst v63  }
0x26: {  	_ =	swait.ge [sflag:s20], $0x3E80  }
0x27: {  	s23 =	sshrl.u32 s13, $0x3;
	[sflag:s20] =	ssyncset.done $0x0  }
0x28: {  	s23 =	sadd.s32 s5, s23;
	[sflag:s20] =	ssyncadd.s32 $0xFFFFC180  }
0x29: {  	[tilespmem:s17], [sflag:$0x3] =	stream.linear.gather [hbm4b:s23+s3], $0x7D0, $0x38;
	[tilespmem:$0x11220] =	vst v63  }
0x2a: {  	_ =	swait.ge [sflag:s15], $0x7D0  }
0x2b: {  	[sflag:s15] =	ssyncset.done $0x0  }
0x2c: {  	[sflag:s15] =	ssyncadd.s32 $0xFFFFF830  }
0x2d: {  	[spmem:s2] =	stream.indirect.scatter.add.f32 [tilespmem:s16], [sflag:$0x1], $0x8, s17, s18, $0xb8;
	[tilespmem:$0x11220] =	vst v63  }
0x2e: {  	_ =	swait.ge [sflag:s21], $0x3E80  }
0x2f: {  	[sflag:s21] =	ssyncset.done $0x0  }
0x30: {  	s31 =	sadd.s32 $0x0, s12;
	[sflag:s21] =	ssyncadd.s32 $0xFFFFC180  }
0x31: {  	[tilespmem:s19], [sflag:$0x3] =	stream.linear.gather [hbm4b:s31+s3], $0x7D0, $0x38;
	[tilespmem:$0x11220] =	vst v63  }
0x32: {  	_ =	swait.ge [sflag:s15], $0x7D0  }
0x33: {  	[sflag:s15] =	ssyncset.done $0x0  }
0x34: {  	s24 =	sadd.s32 $0xFA0, s13;
	s23 =	simm.s32 $0x1F4;
	[sflag:s15] =	ssyncadd.s32 $0xFFFFF830  }
.LBB2_2:
0x35: {  	[spmem:s2] =	stream.indirect.scatter.add.f32 [tilespmem:s16], [sflag:$0x2], $0x8, s19, s18, $0xb8;
	[tilespmem:$0x11220] =	vst v63  }
0x36: {  	s25 =	smov.u32 s23  }
0x37: {  	p0 =	sne.s32 s23, $0x5DC0;
	s23 =	sadd.s32 $0x1F4, s23;
	_ =	swait.ge [sflag:s20], $0x3E80  }
0x38: {  	s26 =	sshrl.u32 s24, $0x3;
	[sflag:s20] =	ssyncset.done $0x0  }
0x39: {  	s26 =	sadd.s32 s5, s26;
	[sflag:s20] =	ssyncadd.s32 $0xFFFFC180  }
0x3a: {  	[tilespmem:s17], [sflag:$0x3] =	stream.linear.gather [hbm4b:s26+s3], $0x7D0, $0x38;
	[tilespmem:$0x11220] =	vst v63  }
0x3b: {  	_ =	swait.ge [sflag:s15], $0x7D0  }
0x3c: {  	[sflag:s15] =	ssyncset.done $0x0  }
0x3d: {  	[sflag:s15] =	ssyncadd.s32 $0xFFFFF830  }
0x3e: {  	[spmem:s2] =	stream.indirect.scatter.add.f32 [tilespmem:s16], [sflag:$0x1], $0x8, s17, s18, $0xb8;
	[tilespmem:$0x11220] =	vst v63  }
0x3f: {  	_ =	swait.ge [sflag:s21], $0x3E80  }
0x40: {  	[sflag:s21] =	ssyncset.done $0x0  }
.Ltmp0:
0x41: {  	s25 =	sadd.s32 s25, s12;
	[sflag:s21] =	ssyncadd.s32 $0xFFFFC180;
	(pc) =	sbr.rel @p0 .LBB2_2-.Ltmp0, $4  }
0x42: {  	[tilespmem:s19], [sflag:$0x3] =	stream.linear.gather [hbm4b:s25+s3], $0x7D0, $0x38;
	[tilespmem:$0x11220] =	vst v63  }
0x43: {  	_ =	swait.ge [sflag:s15], $0x7D0  }
0x44: {  	[sflag:s15] =	ssyncset.done $0x0  }
0x45: {  	s24 =	sadd.s32 $0xFA0, s24;
	[sflag:s15] =	ssyncadd.s32 $0xFFFFF830  }
0x46: {  	[spmem:s2] =	stream.indirect.scatter.add.f32 [tilespmem:s16], [sflag:$0x2], $0x8, s19, s18, $0xb8;
	[tilespmem:$0x11220] =	vst v63  }
0x47: {  	_ =	swait.ge [sflag:s20], $0x3E80  }
0x48: {  	[sflag:s20] =	ssyncset.done $0x0  }
0x49: {  	[sflag:s20] =	ssyncadd.s32 $0xFFFFC180  }
0x4a: {  	_ =	swait.ge [sflag:s21], $0x3E80  }
0x4b: {  	s22 =	sadd.s32 $0x1, s22;
	[sflag:s21] =	ssyncset.done $0x0  }
0x4c: {  	p0 =	sne.s32 s22, s9;
	[sflag:s21] =	ssyncadd.s32 $0xFFFFC180  }
.Ltmp1:
0x4d: {  	[bflag:$0x0] =	sbarrier.arrive $0xFFFF;
	(pc) =	sbr.rel @p0 .LBB2_1-.Ltmp1, $4  }
0x4e: {  	[hbm:s8], [sflag:s7] =	dma.local [spmem:s14], $0x1880  }
0x4f: {  	_ =	swait.ge [sflag:s15], $0x1880  }
0x50: {  	[sflag:s15] =	ssyncset.done $0x0  }
0x51: {  	[sflag:s15] =	ssyncadd.s32 $0xFFFFE780  }
0x52: {  	_ =	sfence.sel $0x180000  }
0x53: {  	[bflag:$0x0] =	sbarrier.arrive $0xFFFF  }
0x54: {  	p0 =	sne.s32 s0, $0x0;
	_ =	strace $0x90000047  }
0x55: {  	s0 =	sadd.s32 @!p0 $0x100000, s1;
	[bflag:$0x2] =	sbarrier.arrive $0xFFFF  }
0x56: {  	[sflag:s0] =	ssyncadd.tile.s32 @!p0 $0x1;
	_ =	shalt  }
.Lfunc_end2:
_tile_overlayer_lowered:
.L_overlay_start_2:
0x57: {  	(tag) =	ssettag $0x2  }
0x58: {  	s0 =	rddreg [dreg:$0x0];
	s2 =	stileid.u32  }
0x59: {  	s1 =	rddreg [dreg:$0x1];
	p0 =	sne.s32 s2, $0x0  }
0x5a: {  	s3 =	rddreg [dreg:$0x2];
	[bflag:$0x3] =	sbarrier.arrive $0xFFFF;
	s2 =	simm.s32 @!p0 $0x1C03  }
0x5b: {  	[timem:s3], [sflag:s2] =	dma.local @!p0 [hbm:s0], s1  }
0x5c: {  	s0 =	simm.s32 @!p0 $0x3  }
0x5d: {  	_ =	swait.ge @!p0 [sflag:s0], s1  }
0x5e: {  	s1 =	ssub.s32 @!p0 $0x0, s1;
	[sflag:s0] =	ssyncset.done @!p0 $0x0  }
0x5f: {  	[sflag:s0] =	ssyncadd.s32 @!p0 s1  }
0x60: {  	[bflag:$0x3] =	sbarrier.arrive $0xFFFF  }
0x61: {  	_ =	shalt  }

// kernel: kernel.13.cloned.1.call-start
scs
__scs_entry_jumppad:
0x0: {  	(pc) =	sbr.rel $0x88, $3  }
0x1: {  	(tag) =	ssettag $0x0;
	lr =	simm.s32 $0x1  }
0x2: {  	[smem:$0x3F99] =	sst lr;
	_ =	strace $0xD0000000  }
0x3: {  	_ = 	snop  }
0x4: {  	_ = 	snop  }
0x5: {  	_ = 	snop  }
0x6: {  	_ = 	snop  }
0x7: {  	_ = 	snop  }
__scs_overlays_trampoline_lowered:
0x8: {  	[smem:$0x3FA8] =	sst s0  }
0x9: {  	[smem:$0x3FA9] =	sst s1  }
0xa: {  	[smem:$0x3FAA] =	sst s2  }
0xb: {  	[smem:$0x3FAB] =	sst s3  }
0xc: {  	[smem:$0x3FAC] =	sst s4  }
0xd: {  	[smem:$0x3FAD] =	sst s5  }
0xe: {  	[smem:$0x3FAE] =	sst s6  }
0xf: {  	[smem:$0x3FAF] =	sst s7  }
0x10: {  	[smem:$0x3FB0] =	sst s8  }
0x11: {  	[smem:$0x3FB1] =	sst s9;
	s0 =	simm.s32 @!p0 $0x0  }
0x12: {  	s1 =	sld [smem:$0x3F97];
	s0 =	simm.s32 @p0 $0x1  }
0x13: {  	[smem:$0x3FB2] =	sst s0;
	s0 =	simm.s32 @!p1 $0x0  }
0x14: {  	s2 =	sld [smem:$0x3F96];
	s0 =	simm.s32 @p1 $0x1  }
0x15: {  	[smem:$0x3FB3] =	sst s0;
	s0 =	simm.s32 @!p2 $0x0  }
0x16: {  	s3 =	sld [smem:$0x3FDB];
	s0 =	simm.s32 @p2 $0x1  }
0x17: {  	s4 =	simm.s32 $0x1BF5;
	[smem:$0x3FB5] =	sst s0  }
0x18: {  	s0 =	sld [smem:$0x3F98];
	_ =	swait.ge [sflag:s4], $0x0  }
0x19: {  	s7 =	sld [smem:$0x3F99]  }
0x1a: {  	s8 =	sadd.s32 $0xFFFFE003, lr  }
0x1b: {  	s9 =	sadd.s32 $0xFFFFFEF7, lr;
	s5 =	simm.s32 $0xFFFFFFFF;
	p2 =	slt.u32 s8, $0xFFFFF086  }
0x1c: {  	p1 =	slt.u32 s9, $0xF7A;
	s5 =	simm.s32 @!p2 $0x0  }
0x1d: {  	s5 =	simm.s32 @p1 $0x1;
	p0 =	seq.s32 s7, s2  }
0x1e: {  	s7 =	smul.u32 @!p0 $0xF7A, s2;
	p2 =	seq.s32 @!p0 s5, $0x0  }
0x1f: {  	s9 =	smul.u32 $0xF7A, s1;
	s8 =	simm.s32 @!p0 $0x1BF5;
	p2 =	por !p2, p0  }
0x20: {  	[sflag:s8] =	ssyncset.s32 @!p0 $0xFFFFF086;
	s6 =	sadd.s32 @!p0 s3, s7;
	s7 =	simm.s32 @!p0 $0x108  }
0x21: {  	s3 =	sadd.s32 s3, s9;
	s6 =	sadd.s32 @!p0 $0x88, s6;
	s7 =	simm.s32 @p2 $0x1082  }
0x22: {  	[simem:s7], [sflag:s8] =	dma.local @!p0 [hbm:s6], $0xF7A  }
0x23: {  	s9 =	sor.u32 $0xD0000000, s2;
	s6 =	simm.s32 $0x108;
	_ =	swait.ge @!p0 [sflag:s8], $0x0  }
0x24: {  	s3 =	sadd.s32 $0x88, s3;
	s6 =	simm.s32 @!p1 $0x1082;
	[sflag:s4] =	ssyncset.s32 $0xFFFFF086  }
0x25: {  	[simem:s6], [sflag:s4] =	dma.local [hbm:s3], $0xF7A  }
0x26: {  	[smem:$0x3F99] =	sst s1;
	(tag) =	ssettag s2;
	_ =	strace s9  }
0x27: {  	s1 =	sld [smem:$0x3FA9]  }
0x28: {  	s2 =	sld [smem:$0x3FAA]  }
0x29: {  	s4 =	sld [smem:$0x3FAC]  }
0x2a: {  	p0 =	seq.s32 s5, $0x0;
	s5 =	sld [smem:$0x3FAD]  }
0x2b: {  	s6 =	sld [smem:$0x3FAE]  }
0x2c: {  	s7 =	sld [smem:$0x3FAF]  }
0x2d: {  	s3 =	simm.s32 $0x108;
	s8 =	sld [smem:$0x3FB0]  }
0x2e: {  	s3 =	simm.s32 @!p0 $0x1082;
	s9 =	sld [smem:$0x3FB1]  }
0x2f: {  	lr =	sadd.s32 s0, s3;
	s0 =	sld [smem:$0x3FA8]  }
0x30: {  	s3 =	sld [smem:$0x3FAB]  }
0x31: {  	[smem:$0x3FB4] =	sst s10  }
0x32: {  	s10 =	sld [smem:$0x3FB2];
	_ =	sdelay $0x3  }
0x33: {  	p0 =	seq.s32 s10, $0x1;
	s10 =	sld [smem:$0x3FB4];
	_ =	sdelay $0x3  }
0x34: {  	[smem:$0x3FB4] =	sst s10  }
0x35: {  	s10 =	sld [smem:$0x3FB3];
	_ =	sdelay $0x3  }
0x36: {  	p1 =	seq.s32 s10, $0x1;
	s10 =	sld [smem:$0x3FB4];
	_ =	sdelay $0x3  }
0x37: {  	[smem:$0x3FB4] =	sst s10  }
0x38: {  	s10 =	sld [smem:$0x3FB5]  }
0x39: {  	_ = 	snop;
	(pc) =	sbr.ind lr, $3  }
0x3a: {  	_ = 	snop  }
0x3b: {  	_ = 	snop  }
0x3c: {  	p2 =	seq.s32 s10, $0x1;
	s10 =	sld [smem:$0x3FB4]  }
0x3d: {  	_ =	shalt  }
0x3e: {  	_ =	shalt  }
0x3f: {  	_ =	shalt  }
0x40: {  	_ =	shalt  }
0x41: {  	_ =	shalt  }
0x42: {  	_ =	shalt  }
0x43: {  	_ =	shalt  }
0x44: {  	_ =	shalt  }
0x45: {  	_ =	shalt  }
0x46: {  	_ =	shalt  }
0x47: {  	_ =	shalt  }
0x48: {  	_ =	shalt  }
0x49: {  	_ =	shalt  }
0x4a: {  	_ =	shalt  }
0x4b: {  	_ =	shalt  }
0x4c: {  	_ =	shalt  }
0x4d: {  	_ =	shalt  }
0x4e: {  	_ =	shalt  }
0x4f: {  	_ =	shalt  }
0x50: {  	_ =	shalt  }
0x51: {  	_ =	shalt  }
0x52: {  	_ =	shalt  }
0x53: {  	_ =	shalt  }
0x54: {  	_ =	shalt  }
0x55: {  	_ =	shalt  }
0x56: {  	_ =	shalt  }
0x57: {  	_ =	shalt  }
0x58: {  	_ =	shalt  }
0x59: {  	_ =	shalt  }
0x5a: {  	_ =	shalt  }
0x5b: {  	_ =	shalt  }
0x5c: {  	_ =	shalt  }
0x5d: {  	_ =	shalt  }
0x5e: {  	_ =	shalt  }
0x5f: {  	_ =	shalt  }
0x60: {  	_ =	shalt  }
0x61: {  	_ =	shalt  }
0x62: {  	_ =	shalt  }
0x63: {  	_ =	shalt  }
0x64: {  	_ =	shalt  }
0x65: {  	_ =	shalt  }
0x66: {  	_ =	shalt  }
0x67: {  	_ =	shalt  }
0x68: {  	_ =	shalt  }
0x69: {  	_ =	shalt  }
0x6a: {  	_ =	shalt  }
0x6b: {  	_ =	shalt  }
0x6c: {  	_ =	shalt  }
0x6d: {  	_ =	shalt  }
0x6e: {  	_ =	shalt  }
0x6f: {  	_ =	shalt  }
0x70: {  	_ =	shalt  }
0x71: {  	_ =	shalt  }
0x72: {  	_ =	shalt  }
0x73: {  	_ =	shalt  }
0x74: {  	_ =	shalt  }
0x75: {  	_ =	shalt  }
0x76: {  	_ =	shalt  }
0x77: {  	_ =	shalt  }
0x78: {  	_ =	shalt  }
0x79: {  	_ =	shalt  }
0x7a: {  	_ =	shalt  }
0x7b: {  	_ =	shalt  }
0x7c: {  	_ =	shalt  }
0x7d: {  	_ =	shalt  }
0x7e: {  	_ =	shalt  }
0x7f: {  	_ =	shalt  }
0x80: {  	_ =	shalt  }
0x81: {  	_ =	shalt  }
0x82: {  	_ =	shalt  }
0x83: {  	_ =	shalt  }
0x84: {  	_ =	shalt  }
0x85: {  	_ =	shalt  }
0x86: {  	_ =	shalt  }
0x87: {  	_ =	shalt  }
.Lfunc_end0:
.L_simem_size_0:
called_computation.1_lowered:
.L_overlay_start_0:
0x88: {  	s2 =	sld [smem:$0x3FD9]  }
0x89: {  	s3 =	sld [smem:$0x3FFE];
	_ =	sdelay $0x1  }
0x8a: {  	s1 =	srdreg.scid  }
0x8b: {  	s0 =	sand.u32 $0x1, s1  }
0x8c: {  	s17 =	sshll.u32 s0, $0xA;
	s2 =	sadd.s32 s3, s2  }
0x8d: {  	s2 =	sadd.s32 s2, s17  }
0x8e: {  	[smem:$0x3FC0] =	sst s2  }
0x8f: {  	_ = 	snop  }
0x90: {  	s2 =	sld [smem:$0x3FD0];
	(tm) =	ssettm $0x1  }
0x91: {  	s18 =	sld [smem:$0x3FFB];
	_ =	sdelay $0x3  }
0x92: {  	_ =	strace s18  }
0x93: {  	s3 =	sld [smem:$0x3FFC];
	_ =	sdelay $0x3  }
0x94: {  	_ =	strace s3  }
0x95: {  	s3 =	sld [smem:$0x3FFD];
	_ =	sdelay $0x3  }
0x96: {  	_ =	strace s3  }
0x97: {  	_ =	strace $0x8FFFFFFF  }
0x98: {  	s19 =	sld [smem:$0x3FDB];
	_ =	sdelay $0x1  }
0x99: {  	s4 =	simm.s32 $_scs_section_size  }
0x9a: {  	s5 =	simm.s32 $_size__tile_overlayer_lowered;
	s6 =	simm.s32 $_tile_overlayer_lowered  }
0x9b: {  	s22 =	simm.s32 $0x1BFF;
	s21 =	sshll.u32 s6, $0x1;
	s3 =	sadd.s32 s4, s19  }
0x9c: {  	s7 =	simm.s32 $0x0;
	s20 =	sshll.u32 s5, $0x1;
	s5 =	sadd.s32 s21, s3  }
0x9d: {  	[timem:s7], [sflag:s22] =	dma.local [hbm:s5], s20  }
0x9e: {  	_ =	swait.ge [sflag:s22], s20  }
0x9f: {  	s4 =	ssub.s32 $0x0, s20;
	[sflag:s22] =	ssyncset.done $0x0  }
0xa0: {  	[sflag:s22] =	ssyncadd.s32 s4;
	_ =	sdelay $0x1  }
0xa1: {  	s23 =	simm.s32 $0x1B8B  }
0xa2: {  	_ =	swait.ge [sflag:s23], $0x1  }
0xa3: {  	[sflag:s23] =	ssyncset.done $0x0  }
0xa4: {  	s25 =	simm.s32 $0x1B8E;
	s24 =	sld [smem:$0x3FFE];
	[sflag:s23] =	ssyncadd.s32 $0xFFFFFFFF  }
0xa5: {  	s26 =	simm.s32 $execute0_lowered;
	[smem:$0x3FD2] =	sst s25  }
0xa6: {  	s5 =	sshll.u32 s26, $0x1;
	_ =	strace $0x80000049;
	[dreg:$0x1] =	wrdreg $0xFFFFFFFF  }
0xa7: {  	s28 =	simm.s32 $_size_execute0_lowered;
	s3 =	sadd.s32 s3, s5;
	[dreg:$0x0] =	wrdreg $0x0  }
0xa8: {  	s5 =	sshll.u32 s28, $0x1;
	[dreg:$0x2] =	wrdreg s3  }
0xa9: {  	[dreg:$0x3] =	wrdreg s5  }
0xaa: {  	[dreg:$0x4] =	wrdreg $0xC0  }
0xab: {  	_ =	task [dreg:s7], $0x5FFFF  }
0xac: {  	[dreg:$0x1] =	wrdreg $0xFFFFFFFF  }
0xad: {  	[dreg:$0x0] =	wrdreg $0x60  }
0xae: {  	[dreg:$0x2] =	wrdreg s24  }
0xaf: {  	[dreg:$0x3] =	wrdreg s2  }
0xb0: {  	[dreg:$0x4] =	wrdreg $0x9  }
0xb1: {  	_ =	task.clear_ibuf [dreg:s7], $0x5FFFF;
	_ =	strace $0x90000049  }
0xb2: {  	s29 =	simm.s32 $0x9;
	_ =	strace $0x8000004B  }
0xb3: {  	_ =	swait.ge [sflag:s29], $0x1  }
0xb4: {  	[sflag:s29] =	ssyncadd.s32 $0xFFFFFFFF  }
0xb5: {  	_ =	strace $0x9000004B  }
0xb6: {  	_ =	sfence  }
0xb7: {  	s30 =	sld [smem:$0x0];
	_ =	sdelay $0x2  }
0xb8: {  	s31 =	sshll.u32 s1, $0xD;
	s1 =	sshrl.u32 s1, $0x2  }
0xb9: {  	s3 =	sand.u32 $0x4000, s31;
	s1 =	sadd.s32 s1, s30  }
0xba: {  	s0 =	sor.u32 s3, s0;
	s1 =	sshll.u32 s1, $0x11  }
0xbb: {  	s0 =	sor.u32 s1, s0  }
0xbc: {  	s0 =	sadd.s32 $0x8F2B, s0  }
0xbd: {  	[sflag:s0] =	ssyncadd.remote.s32 $0x1  }
0xbe: {  	_ =	sfence.sel $0xFFFF  }
0xbf: {  	[dreg:$0x0] =	wrdreg $0xFFFFFFFF;
	(pc) =	sbr.abs _section_cstart, $3  }
0xc0: {  	[dreg:$0x1] =	wrdreg $0xFFFFFFFF  }
0xc1: {  	_ =	task.clear_ibuf [dreg:s7], $0x2FFFF;
	_ =	strace $0x9FFFFFFF  }
0xc2: {  	(tm) =	ssettm $0x7FFFFFFF  }
0xc3: {  	_ =	shalt  }
tec
execute0_lowered:
.L_overlay_start_1:
0x0: {  	(tag) =	ssettag $0x1  }
0x1: {  	s1 =	srdreg.scid;
	s3 =	rddreg [dreg:$0x0]  }
0x2: {  	s0 =	stileid.u32;
	s7 =	rddreg [dreg:$0x1]  }
0x3: {  	s2 =	simm.s32 $0x0;
	s11 =	simm.s32 $0x6200;
	s12 =	simm.s32 $0xC400  }
0x4: {  	s13 =	simm.s32 $0x14AC0;
	s4 =	sand.u32 $0x1, s1;
	s31 =	sshll.u32 s0, $0x1  }
0x5: {  	s14 =	simm.s32 $0xDC80;
	s15 =	simm.s32 $0xE8C0;
	s5 =	sor.u32 s4, s31  }
0x6: {  	s16 =	simm.s32 $0x0;
	s1 =	rddreg [dreg:$0x2];
	s6 =	smul.u32 $0x310, s5  }
0x7: {  	[smem:$0x7FF] =	sst s2;
	s4 =	ssub.s32 $0x2, s4;
	s8 =	smul.u32 $0x6200, s5  }
0x8: {  	_ =	strace $0x8000004A;
	s9 =	sshrl.u32 s4, $0x1;
	s10 =	smul.u32 $0x188, s5  }
0x9: {  	s9 =	ssub.s32 s4, s9;
	s6 =	sadd.s32 s6, s3;
	s8 =	sshrl.u32 s8, $0x3  }
0xa: {  	v3 =	vlaneseq.u32;
	s7 =	sadd.s32 s7, s10;
	s8 =	sadd.s32 s8, s3;
	s3 =	sadd.s32 $0x1EB800, s3  }
0xb: {  	v0 =	vand.u32 $0x7, v3;
	s9 =	smax.u32 s9, $0x1;
	s6 =	sadd.s32 $0x1EBA00, s6;
	s4 =	sadd.s32 $0x1BA600, s8  }
0xc: {  	v1 =	vor.u32 $0x8, v3;
	v2 =	vmul.u32 $0x8, v3;
	v3 =	vshrl.u32 v3, $0x3;
	s10 =	simm.s32 $0x1;
	s5 =	sadd.s32 $0x1D2E00, s8;
	s8 =	sadd.s32 $0x1A1E00, s8  }
.LBB2_1:
0xd: {  	[tilespmem:s2], [sflag:$0x1] =	stream.linear.gather [hbm4b:s4+s2], $0x6200, $0x38;
	[tilespmem:$0x14AD0] =	vst v63  }
0xe: {  	_ =	swait.ge [sflag:s10], $0x6200  }
0xf: {  	[sflag:s10] =	ssyncset.done $0x0  }
0x10: {  	[sflag:s10] =	ssyncadd.s32 $0xFFFF9E00  }
0x11: {  	[tilespmem:s11], [sflag:$0x1] =	stream.linear.gather [hbm4b:s5+s2], $0x6200, $0x38;
	[tilespmem:$0x14AD0] =	vst v63  }
0x12: {  	_ =	swait.ge [sflag:s10], $0x6200  }
0x13: {  	[sflag:s10] =	ssyncset.done $0x0  }
0x14: {  	[sflag:s10] =	ssyncadd.s32 $0xFFFF9E00  }
0x15: {  	[tilespmem:s12], [sflag:$0x1] =	stream.linear.gather [hbm4b:s6+s2], $0x1880, $0x38;
	[tilespmem:$0x14AD0] =	vst v63  }
0x16: {  	_ =	swait.ge [sflag:s10], $0x1880  }
0x17: {  	[sflag:s10] =	ssyncset.done $0x0  }
0x18: {  	v4 =	vor.u32 s2, v2;
	[sflag:s10] =	ssyncadd.s32 $0xFFFFE780  }
0x19: {  	[tilespmem:s13], [sflag:$0x1] =	stream.linear.gather [hbm4b:s3+s2], $0x10, $0x38;
	[tilespmem:$0x14AD0] =	vst v63  }
0x1a: {  	_ =	swait.ge [sflag:s10], $0x10  }
0x1b: {  	[sflag:s10] =	ssyncset.done $0x0  }
0x1c: {  	[sflag:s10] =	ssyncadd.s32 $0xFFFFFFF0  }
0x1d: {  	v5 =	vld.idx.msk [tilespmem:v4+s11+$0x0], $0xffff  }
0x1e: {  	v4 =	vld.idx.msk [tilespmem:v4+s2+$0x0], $0xffff;
	_ =	sdelay $0x4  }
0x1f: {  	v4 =	vadd.f32 v5, v4;
	_ =	sdelay $0x1  }
0x20: {  	v4 =	vadd.f32 $1.000000000e+00, v4;
	_ =	sdelay $0x1  }
0x21: {  	v5 =	vshrl.u32 v4, $0x1;
	v4 =	vmul.f32 $5.000000000e-01, v4  }
0x22: {  	v5 =	vsub.s32 $0x5F3759DF, v5  }
0x23: {  	v6 =	vmul.f32 v5, v4;
	_ =	sdelay $0x1  }
0x24: {  	v6 =	vmul.f32 v5, v6;
	_ =	sdelay $0x1  }
0x25: {  	v6 =	vsub.f32 $1.500000000e+00, v6;
	_ =	sdelay $0x1  }
0x26: {  	v5 =	vmul.f32 v5, v6;
	_ =	sdelay $0x1  }
0x27: {  	v6 =	vmul.f32 v5, v4;
	_ =	sdelay $0x1  }
0x28: {  	v6 =	vmul.f32 v6, v5;
	_ =	sdelay $0x1  }
0x29: {  	v6 =	vsub.f32 $1.500000000e+00, v6;
	_ =	sdelay $0x1  }
0x2a: {  	v5 =	vmul.f32 v6, v5;
	_ =	sdelay $0x1  }
0x2b: {  	v4 =	vmul.f32 v5, v4;
	_ =	sdelay $0x1  }
0x2c: {  	v4 =	vmul.f32 v4, v5  }
0x2d: {  	s17 =	simm.s32 $0x80  }
0x2e: {  	v6 =	vor.u32 s17, v2;
	v7 =	vsub.f32 $1.500000000e+00, v4;
	_ =	sdelay $0x1  }
0x2f: {  	v7 =	vmul.f32 v7, v5  }
0x30: {  	v4 =	vld.idx.msk [tilespmem:v0+s13+$0x0], $0xffff  }
0x31: {  	v5 =	vld.idx.msk [tilespmem:v1+s13+$0x0], $0xffff;
	[tilespmem:s14+$0x0] =	vst v7  }
0x32: {  	v7 =	vld.idx.msk [tilespmem:v6+s11+$0x0], $0xffff  }
0x33: {  	v6 =	vld.idx.msk [tilespmem:v6+s2+$0x0], $0xffff;
	_ =	sdelay $0x4  }
0x34: {  	v6 =	vadd.f32 v7, v6;
	_ =	sdelay $0x1  }
0x35: {  	v6 =	vadd.f32 $1.000000000e+00, v6;
	_ =	sdelay $0x1  }
0x36: {  	v7 =	vshrl.u32 v6, $0x1;
	v8 =	vmul.f32 $5.000000000e-01, v6  }
0x37: {  	v6 =	vsub.s32 $0x5F3759DF, v7  }
0x38: {  	v7 =	vmul.f32 v6, v8;
	_ =	sdelay $0x1  }
0x39: {  	v7 =	vmul.f32 v6, v7;
	_ =	sdelay $0x1  }
0x3a: {  	v7 =	vsub.f32 $1.500000000e+00, v7;
	_ =	sdelay $0x1  }
0x3b: {  	v6 =	vmul.f32 v6, v7;
	_ =	sdelay $0x1  }
0x3c: {  	v7 =	vmul.f32 v6, v8;
	_ =	sdelay $0x1  }
0x3d: {  	v7 =	vmul.f32 v7, v6;
	_ =	sdelay $0x1  }
0x3e: {  	v7 =	vsub.f32 $1.500000000e+00, v7;
	_ =	sdelay $0x1  }
0x3f: {  	v6 =	vmul.f32 v7, v6;
	_ =	sdelay $0x1  }
0x40: {  	v7 =	vmul.f32 v6, v8;
	_ =	sdelay $0x1  }
0x41: {  	v8 =	vmul.f32 v7, v6  }
0x42: {  	s31 =	simm.s32 $0x100  }
0x43: {  	v7 =	vor.u32 s31, v2;
	v8 =	vsub.f32 $1.500000000e+00, v8  }
0x44: {  	s19 =	simm.s32 $0x180;
	s18 =	simm.s32 $0xDC80  }
.LBB2_2:
0x45: {  	p0 =	sne.s32 s19, $0x6180;
	v6 =	vmul.f32 v8, v6  }
0x46: {  	s18 =	sadd.s32 $0x10, s18  }
0x47: {  	[tilespmem:s18+$0x0] =	vst v6  }
0x48: {  	s17 =	simm.s32 $0x0;
	v6 =	vld.idx.msk [tilespmem:v7+s11+$0x0], $0xffff  }
0x49: {  	v7 =	vld.idx.msk [tilespmem:v7+s17+$0x0], $0xffff;
	_ =	sdelay $0x5  }
0x4a: {  	v6 =	vadd.f32 v6, v7;
	_ =	sdelay $0x1  }
0x4b: {  	v6 =	vadd.f32 $1.000000000e+00, v6;
	_ =	sdelay $0x1  }
0x4c: {  	v7 =	vshrl.u32 v6, $0x1;
	v8 =	vmul.f32 $5.000000000e-01, v6  }
0x4d: {  	v6 =	vsub.s32 $0x5F3759DF, v7  }
0x4e: {  	v7 =	vmul.f32 v6, v8;
	_ =	sdelay $0x1  }
0x4f: {  	v7 =	vmul.f32 v6, v7;
	_ =	sdelay $0x1  }
0x50: {  	v7 =	vsub.f32 $1.500000000e+00, v7;
	_ =	sdelay $0x1  }
0x51: {  	v6 =	vmul.f32 v6, v7;
	_ =	sdelay $0x1  }
0x52: {  	v7 =	vmul.f32 v6, v8;
	_ =	sdelay $0x1  }
0x53: {  	v7 =	vmul.f32 v7, v6;
	_ =	sdelay $0x1  }
0x54: {  	v7 =	vsub.f32 $1.500000000e+00, v7;
	_ =	sdelay $0x1  }
0x55: {  	v6 =	vmul.f32 v7, v6;
	_ =	sdelay $0x1  }
0x56: {  	v7 =	vmul.f32 v6, v8  }
.Ltmp0:
0x57: {  	(pc) =	sbr.rel @p0 .LBB2_2-.Ltmp0, $3  }
0x58: {  	v8 =	vmul.f32 v7, v6;
	_ =	sdelay $0x1  }
0x59: {  	v7 =	vor.u32 s19, v2;
	v8 =	vsub.f32 $1.500000000e+00, v8  }
0x5a: {  	s19 =	sadd.s32 $0x80, s19  }
0x5b: {  	_ = 	snop  }
0x5c: {  	v6 =	vmul.f32 v8, v6  }
0x5d: {  	s18 =	sadd.s32 $0x10, s18  }
0x5e: {  	[tilespmem:s18+$0x0] =	vst v6  }
0x5f: {  	v6 =	vld.idx.msk [tilespmem:v7+s11+$0x0], $0xffff  }
0x60: {  	v7 =	vld.idx.msk [tilespmem:v7+s17+$0x0], $0xffff;
	_ =	sdelay $0x4  }
0x61: {  	v6 =	vadd.f32 v6, v7;
	_ =	sdelay $0x1  }
0x62: {  	v6 =	vadd.f32 $1.000000000e+00, v6;
	_ =	sdelay $0x1  }
0x63: {  	v7 =	vshrl.u32 v6, $0x1;
	v6 =	vmul.f32 $5.000000000e-01, v6  }
0x64: {  	v7 =	vsub.s32 $0x5F3759DF, v7  }
0x65: {  	v8 =	vmul.f32 v7, v6;
	_ =	sdelay $0x1  }
0x66: {  	v8 =	vmul.f32 v7, v8;
	_ =	sdelay $0x1  }
0x67: {  	v8 =	vsub.f32 $1.500000000e+00, v8;
	_ =	sdelay $0x1  }
0x68: {  	v7 =	vmul.f32 v7, v8;
	_ =	sdelay $0x1  }
0x69: {  	v8 =	vmul.f32 v7, v6;
	_ =	sdelay $0x1  }
0x6a: {  	v8 =	vmul.f32 v8, v7;
	_ =	sdelay $0x1  }
0x6b: {  	v8 =	vsub.f32 $1.500000000e+00, v8;
	_ =	sdelay $0x1  }
0x6c: {  	v7 =	vmul.f32 v8, v7;
	_ =	sdelay $0x1  }
0x6d: {  	v6 =	vmul.f32 v7, v6;
	_ =	sdelay $0x1  }
0x6e: {  	v6 =	vmul.f32 v6, v7  }
0x6f: {  	p2 =	por $0x1, $0x1  }
.Ltmp1:
0x70: {  	v6 =	vsub.f32 $1.500000000e+00, v6;
	(pc) =	sbr.rel @!p2 .LBB2_4-.Ltmp1, $4  }
0x71: {  	_ = 	snop  }
0x72: {  	v7 =	vmul.f32 v6, v7  }
0x73: {  	p0 =	por $0x0, $0x0;
	s18 =	sadd.s32 $0x10, s18;
	v6 =	vor.u32 s17, v3  }
0x74: {  	p1 =	por $0x0, $0x0;
	s17 =	simm.s32 $0xE8C0;
	[tilespmem:s18+$0x0] =	vst v7;
	v7 =	vshll.u32 v6, $0x3;
	s18 =	simm.s32 $0x2  }
0x75: {  	_ =	sdelay $0x3  }
0x76: {  	v8 =	vld.idx.msk [tilespmem:v7+s11+$0x0], $0xffff  }
0x77: {  	v7 =	vld.idx.msk [tilespmem:v7+s2+$0x0], $0xffff;
	_ =	sdelay $0x4  }
0x78: {  	v7 =	vadd.f32 v8, v7;
	_ =	sdelay $0x1  }
0x79: {  	v7 =	vadd.f32 $1.000000000e+00, v7;
	_ =	sdelay $0x1  }
0x7a: {  	v8 =	vshrl.u32 v7, $0x1;
	v7 =	vmul.f32 $5.000000000e-01, v7  }
0x7b: {  	v8 =	vsub.s32 $0x5F3759DF, v8  }
0x7c: {  	v9 =	vmul.f32 v8, v7;
	_ =	sdelay $0x1  }
0x7d: {  	v9 =	vmul.f32 v8, v9;
	_ =	sdelay $0x1  }
0x7e: {  	v9 =	vsub.f32 $1.500000000e+00, v9;
	_ =	sdelay $0x1  }
0x7f: {  	v8 =	vmul.f32 v8, v9;
	_ =	sdelay $0x1  }
0x80: {  	v9 =	vmul.f32 v8, v7  }
0x81: {  	v6 =	vshll.u32 v6, $0x1  }
0x82: {  	v10 =	vor.u32 $0x1, v6;
	v9 =	vmul.f32 v9, v8;
	_ =	sdelay $0x1  }
0x83: {  	v9 =	vsub.f32 $1.500000000e+00, v9;
	_ =	sdelay $0x1  }
0x84: {  	v6 =	vld.idx.msk [tilespmem:v6+s12+$0x0], $0xffff;
	v8 =	vmul.f32 v9, v8  }
0x85: {  	v9 =	vld.idx.msk [tilespmem:v10+s12+$0x0], $0xffff  }
0x86: {  	v7 =	vmul.f32 v8, v7  }
0x87: {  	p2 =	por $0x1, $0x1  }
.Ltmp2:
0x88: {  	v7 =	vmul.f32 v7, v8;
	(pc) =	sbr.rel @!p2 .LBB2_6-.Ltmp2, $4  }
0x89: {  	_ = 	snop  }
0x8a: {  	v11 =	vmul.f32 v6, v4;
	v9 =	vmul.f32 v9, v5;
	v10 =	vsub.f32 $1.500000000e+00, v7  }
0x8b: {  	v6 =	vor.u32 s18, v3  }
0x8c: {  	p0 =	por $0x1, $0x1;
	s18 =	simm.s32 $0x4;
	v7 =	vshll.u32 v6, $0x3;
	v9 =	vadd.f32 v9, v11;
	v8 =	vmul.f32 v10, v8  }
0x8d: {  	_ = 	snop  }
0x8e: {  	v8 =	vmul.f32 v8, v9;
	_ =	sdelay $0x1  }
0x8f: {  	[tilespmem:s17+$0x0] =	vst v8  }
0x90: {  	v8 =	vld.idx.msk [tilespmem:v7+s11+$0x0], $0xffff  }
0x91: {  	v7 =	vld.idx.msk [tilespmem:v7+s2+$0x0], $0xffff;
	_ =	sdelay $0x4  }
0x92: {  	v7 =	vadd.f32 v8, v7;
	_ =	sdelay $0x1  }
0x93: {  	v7 =	vadd.f32 $1.000000000e+00, v7;
	_ =	sdelay $0x1  }
0x94: {  	v8 =	vshrl.u32 v7, $0x1;
	v7 =	vmul.f32 $5.000000000e-01, v7  }
0x95: {  	v8 =	vsub.s32 $0x5F3759DF, v8  }
0x96: {  	v9 =	vmul.f32 v8, v7;
	_ =	sdelay $0x1  }
0x97: {  	v9 =	vmul.f32 v8, v9;
	_ =	sdelay $0x1  }
0x98: {  	v9 =	vsub.f32 $1.500000000e+00, v9;
	_ =	sdelay $0x1  }
0x99: {  	v8 =	vmul.f32 v8, v9;
	_ =	sdelay $0x1  }
0x9a: {  	v9 =	vmul.f32 v8, v7  }
0x9b: {  	v6 =	vshll.u32 v6, $0x1  }
0x9c: {  	v10 =	vor.u32 $0x1, v6;
	v9 =	vmul.f32 v9, v8;
	_ =	sdelay $0x1  }
0x9d: {  	v9 =	vsub.f32 $1.500000000e+00, v9;
	_ =	sdelay $0x1  }
0x9e: {  	v6 =	vld.idx.msk [tilespmem:v6+s12+$0x0], $0xffff;
	v8 =	vmul.f32 v9, v8  }
0x9f: {  	v9 =	vld.idx.msk [tilespmem:v10+s12+$0x0], $0xffff  }
0xa0: {  	v7 =	vmul.f32 v8, v7  }
0xa1: {  	p2 =	por $0x1, $0x1  }
.Ltmp3:
0xa2: {  	v7 =	vmul.f32 v7, v8;
	(pc) =	sbr.rel @!p2 .LBB2_8-.Ltmp3, $4  }
0xa3: {  	_ = 	snop  }
0xa4: {  	v11 =	vmul.f32 v6, v4;
	v9 =	vmul.f32 v9, v5;
	v10 =	vsub.f32 $1.500000000e+00, v7  }
0xa5: {  	v6 =	vor.u32 s18, v3  }
0xa6: {  	s19 =	simm.s32 $0x6;
	p1 =	por $0x1, $0x1;
	s18 =	simm.s32 $0xE8C0;
	v7 =	vshll.u32 v6, $0x3;
	v9 =	vadd.f32 v9, v11;
	v8 =	vmul.f32 v10, v8  }
.LBB2_9:
0xa7: {  	p2 =	sne.s32 s19, $0xC3E  }
0xa8: {  	v8 =	vmul.f32 v8, v9  }
0xa9: {  	s18 =	sadd.s32 $0x10, s18  }
0xaa: {  	[tilespmem:s18+$0x0] =	vst v8  }
0xab: {  	v8 =	vld.idx.msk [tilespmem:v7+s11+$0x0], $0xffff  }
0xac: {  	v7 =	vld.idx.msk [tilespmem:v7+s2+$0x0], $0xffff;
	_ =	sdelay $0x5  }
0xad: {  	v7 =	vadd.f32 v8, v7;
	_ =	sdelay $0x1  }
0xae: {  	v7 =	vadd.f32 $1.000000000e+00, v7;
	_ =	sdelay $0x1  }
0xaf: {  	v8 =	vshrl.u32 v7, $0x1;
	v7 =	vmul.f32 $5.000000000e-01, v7  }
0xb0: {  	v8 =	vsub.s32 $0x5F3759DF, v8  }
0xb1: {  	v9 =	vmul.f32 v8, v7;
	_ =	sdelay $0x1  }
0xb2: {  	v9 =	vmul.f32 v8, v9;
	_ =	sdelay $0x1  }
0xb3: {  	v9 =	vsub.f32 $1.500000000e+00, v9;
	_ =	sdelay $0x1  }
0xb4: {  	v8 =	vmul.f32 v8, v9;
	_ =	sdelay $0x1  }
0xb5: {  	v6 =	vshll.u32 v6, $0x1;
	v9 =	vmul.f32 v8, v7  }
0xb6: {  	v10 =	vor.u32 $0x1, v6  }
0xb7: {  	v9 =	vmul.f32 v9, v8;
	_ =	sdelay $0x1  }
0xb8: {  	v9 =	vsub.f32 $1.500000000e+00, v9  }
0xb9: {  	v6 =	vld.idx.msk [tilespmem:v6+s12+$0x0], $0xffff  }
0xba: {  	v8 =	vmul.f32 v9, v8;
	v9 =	vld.idx.msk [tilespmem:v10+s12+$0x0], $0xffff;
	_ =	sdelay $0x1  }
0xbb: {  	v7 =	vmul.f32 v8, v7;
	_ =	sdelay $0x1  }
.Ltmp4:
0xbc: {  	v7 =	vmul.f32 v7, v8;
	(pc) =	sbr.rel @p2 .LBB2_9-.Ltmp4, $4  }
0xbd: {  	_ = 	snop  }
0xbe: {  	v11 =	vmul.f32 v6, v4;
	v10 =	vsub.f32 $1.500000000e+00, v7;
	v9 =	vmul.f32 v9, v5  }
0xbf: {  	v6 =	vor.u32 s19, v3  }
0xc0: {  	s19 =	sadd.s32 $0x2, s19;
	v7 =	vshll.u32 v6, $0x3;
	v8 =	vmul.f32 v10, v8;
	v9 =	vadd.f32 v9, v11  }
.LBB2_10:
0xc1: {  	_ = 	snop  }
0xc2: {  	s18 =	sadd.s32 @p1 $0x10, s18;
	s19 =	simm.s32 $0xE8C0;
	v8 =	vmul.f32 @p0 v8, v9  }
0xc3: {  	s19 =	smov.u32 @p1 s18  }
0xc4: {  	[tilespmem:s19+$0x0] =	vst @p0 v8  }
0xc5: {  	v8 =	vld.idx.msk [tilespmem:v7+s11+$0x0], $0xffff  }
0xc6: {  	v59 =	vld.idx.msk [tilespmem:v7+s2+$0x0], $0xffff;
	_ =	sdelay $0x4  }
0xc7: {  	v7 =	vadd.f32 v8, v59;
	_ =	sdelay $0x1  }
0xc8: {  	v7 =	vadd.f32 $1.000000000e+00, v7;
	_ =	sdelay $0x1  }
0xc9: {  	v60 =	vshrl.u32 v7, $0x1;
	v7 =	vmul.f32 $5.000000000e-01, v7  }
0xca: {  	v8 =	vsub.s32 $0x5F3759DF, v60  }
0xcb: {  	v61 =	vmul.f32 v8, v7;
	_ =	sdelay $0x1  }
0xcc: {  	v9 =	vmul.f32 v8, v61;
	_ =	sdelay $0x1  }
0xcd: {  	v9 =	vsub.f32 $1.500000000e+00, v9;
	_ =	sdelay $0x1  }
0xce: {  	v8 =	vmul.f32 v8, v9;
	_ =	sdelay $0x1  }
0xcf: {  	v9 =	vmul.f32 v8, v7  }
0xd0: {  	v6 =	vshll.u32 v6, $0x1  }
0xd1: {  	v10 =	vor.u32 $0x1, v6;
	v9 =	vmul.f32 v9, v8;
	_ =	sdelay $0x1  }
0xd2: {  	v9 =	vsub.f32 $1.500000000e+00, v9;
	_ =	sdelay $0x1  }
0xd3: {  	v6 =	vld.idx.msk [tilespmem:v6+s12+$0x0], $0xffff;
	v8 =	vmul.f32 v9, v8  }
0xd4: {  	v62 =	vld.idx.msk [tilespmem:v10+s12+$0x0], $0xffff  }
0xd5: {  	v7 =	vmul.f32 v8, v7;
	_ =	sdelay $0x1  }
0xd6: {  	v7 =	vmul.f32 v7, v8;
	_ =	sdelay $0x1  }
0xd7: {  	v4 =	vmul.f32 v6, v4;
	v5 =	vmul.f32 v62, v5;
	v7 =	vsub.f32 $1.500000000e+00, v7;
	_ =	sdelay $0x1  }
0xd8: {  	v4 =	vadd.f32 v5, v4;
	v63 =	vmul.f32 v7, v8;
	_ =	sdelay $0x1  }
0xd9: {  	s18 =	sadd.s32 @p0 $0x10, s19;
	v4 =	vmul.f32 v63, v4  }
0xda: {  	s17 =	smov.u32 @p0 s18  }
0xdb: {  	[tilespmem:s17+$0x0] =	vst v4  }
0xdc: {  	[hbm4b:s7+s2] =	stream.linear.scatter [tilespmem:s14], [sflag:$0x1], $0xC40, $0x38;
	[tilespmem:$0x14AD0] =	vst v63  }
0xdd: {  	_ =	swait.ge [sflag:s10], $0xC40  }
0xde: {  	s16 =	sadd.s32 $0x1, s16;
	[sflag:s10] =	ssyncset.done $0x0  }
0xdf: {  	p0 =	sne.s32 s16, s9;
	[sflag:s10] =	ssyncadd.s32 $0xFFFFF3C0  }
0xe0: {  	[hbm4b:s8+s2] =	stream.linear.scatter [tilespmem:s15], [sflag:$0x1], $0x6200, $0x38;
	[tilespmem:$0x14AD0] =	vst v63  }
.Ltmp5:
0xe1: {  	_ = 	snop;
	(pc) =	sbr.rel @p0 .LBB2_1-.Ltmp5, $4  }
.Ltmp6:
0xe2: {  	_ = 	snop;
	(pc) =	sbr.rel @!p0 .LBB2_11-.Ltmp6, $4  }
0xe3: {  	_ =	swait.ge [sflag:s10], $0x6200  }
0xe4: {  	[sflag:s10] =	ssyncset.done $0x0  }
0xe5: {  	[sflag:s10] =	ssyncadd.s32 $0xFFFF9E00  }
0xe6: {  	_ = 	snop  }
.LBB2_4:
.Ltmp7:
0xe7: {  	(pc) =	sbr.rel .LBB2_10-.Ltmp7, $2  }
0xe8: {  	_ =	sdelay $0x2  }
0xe9: {  	s18 =	simm.s32 $0xE8C0  }
.LBB2_6:
.Ltmp8:
0xea: {  	(pc) =	sbr.rel .LBB2_10-.Ltmp8, $2  }
0xeb: {  	_ =	sdelay $0x2  }
0xec: {  	s18 =	simm.s32 $0xE8C0  }
.LBB2_8:
.Ltmp9:
0xed: {  	(pc) =	sbr.rel .LBB2_10-.Ltmp9, $2  }
0xee: {  	_ =	sdelay $0x2  }
0xef: {  	s18 =	simm.s32 $0xE8C0  }
.LBB2_11:
0xf0: {  	_ =	sfence.sel $0x180000  }
0xf1: {  	[bflag:$0x0] =	sbarrier.arrive $0xFFFF  }
0xf2: {  	p0 =	sne.s32 s0, $0x0;
	_ =	strace $0x9000004A  }
0xf3: {  	s0 =	sadd.s32 @!p0 $0x100000, s1;
	[bflag:$0x2] =	sbarrier.arrive $0xFFFF  }
0xf4: {  	[sflag:s0] =	ssyncadd.tile.s32 @!p0 $0x1;
	_ =	shalt  }
.Lfunc_end2:
_tile_overlayer_lowered:
.L_overlay_start_2:
0xf5: {  	(tag) =	ssettag $0x2  }
0xf6: {  	s0 =	rddreg [dreg:$0x0];
	s2 =	stileid.u32  }
0xf7: {  	s1 =	rddreg [dreg:$0x1];
	p0 =	sne.s32 s2, $0x0  }
0xf8: {  	s3 =	rddreg [dreg:$0x2];
	[bflag:$0x3] =	sbarrier.arrive $0xFFFF;
	s2 =	simm.s32 @!p0 $0x1C01  }
0xf9: {  	[timem:s3], [sflag:s2] =	dma.local @!p0 [hbm:s0], s1  }
0xfa: {  	s0 =	simm.s32 @!p0 $0x1  }
0xfb: {  	_ =	swait.ge @!p0 [sflag:s0], s1  }
0xfc: {  	s1 =	ssub.s32 @!p0 $0x0, s1;
	[sflag:s0] =	ssyncset.done @!p0 $0x0  }
0xfd: {  	[sflag:s0] =	ssyncadd.s32 @!p0 s1  }
0xfe: {  	[bflag:$0x3] =	sbarrier.arrive $0xFFFF  }
0xff: {  	_ =	shalt  }

// kernel: kernel.16.cloned.1.call-start
scs
__scs_entry_jumppad:
0x0: {  	(pc) =	sbr.rel $0x88, $3  }
0x1: {  	(tag) =	ssettag $0x0;
	lr =	simm.s32 $0x1  }
0x2: {  	[smem:$0x3F99] =	sst lr;
	_ =	strace $0xD0000000  }
0x3: {  	_ = 	snop  }
0x4: {  	_ = 	snop  }
0x5: {  	_ = 	snop  }
0x6: {  	_ = 	snop  }
0x7: {  	_ = 	snop  }
__scs_overlays_trampoline_lowered:
0x8: {  	[smem:$0x3FA8] =	sst s0  }
0x9: {  	[smem:$0x3FA9] =	sst s1  }
0xa: {  	[smem:$0x3FAA] =	sst s2  }
0xb: {  	[smem:$0x3FAB] =	sst s3  }
0xc: {  	[smem:$0x3FAC] =	sst s4  }
0xd: {  	[smem:$0x3FAD] =	sst s5  }
0xe: {  	[smem:$0x3FAE] =	sst s6  }
0xf: {  	[smem:$0x3FAF] =	sst s7  }
0x10: {  	[smem:$0x3FB0] =	sst s8  }
0x11: {  	[smem:$0x3FB1] =	sst s9;
	s0 =	simm.s32 @!p0 $0x0  }
0x12: {  	s1 =	sld [smem:$0x3F97];
	s0 =	simm.s32 @p0 $0x1  }
0x13: {  	[smem:$0x3FB2] =	sst s0;
	s0 =	simm.s32 @!p1 $0x0  }
0x14: {  	s2 =	sld [smem:$0x3F96];
	s0 =	simm.s32 @p1 $0x1  }
0x15: {  	[smem:$0x3FB3] =	sst s0;
	s0 =	simm.s32 @!p2 $0x0  }
0x16: {  	s3 =	sld [smem:$0x3FDB];
	s0 =	simm.s32 @p2 $0x1  }
0x17: {  	s4 =	simm.s32 $0x1BF5;
	[smem:$0x3FB5] =	sst s0  }
0x18: {  	s0 =	sld [smem:$0x3F98];
	_ =	swait.ge [sflag:s4], $0x0  }
0x19: {  	s7 =	sld [smem:$0x3F99]  }
0x1a: {  	s8 =	sadd.s32 $0xFFFFE003, lr  }
0x1b: {  	s9 =	sadd.s32 $0xFFFFFEF7, lr;
	s5 =	simm.s32 $0xFFFFFFFF;
	p2 =	slt.u32 s8, $0xFFFFF086  }
0x1c: {  	p1 =	slt.u32 s9, $0xF7A;
	s5 =	simm.s32 @!p2 $0x0  }
0x1d: {  	s5 =	simm.s32 @p1 $0x1;
	p0 =	seq.s32 s7, s2  }
0x1e: {  	s7 =	smul.u32 @!p0 $0xF7A, s2;
	p2 =	seq.s32 @!p0 s5, $0x0  }
0x1f: {  	s9 =	smul.u32 $0xF7A, s1;
	s8 =	simm.s32 @!p0 $0x1BF5;
	p2 =	por !p2, p0  }
0x20: {  	[sflag:s8] =	ssyncset.s32 @!p0 $0xFFFFF086;
	s6 =	sadd.s32 @!p0 s3, s7;
	s7 =	simm.s32 @!p0 $0x108  }
0x21: {  	s3 =	sadd.s32 s3, s9;
	s6 =	sadd.s32 @!p0 $0x88, s6;
	s7 =	simm.s32 @p2 $0x1082  }
0x22: {  	[simem:s7], [sflag:s8] =	dma.local @!p0 [hbm:s6], $0xF7A  }
0x23: {  	s9 =	sor.u32 $0xD0000000, s2;
	s6 =	simm.s32 $0x108;
	_ =	swait.ge @!p0 [sflag:s8], $0x0  }
0x24: {  	s3 =	sadd.s32 $0x88, s3;
	s6 =	simm.s32 @!p1 $0x1082;
	[sflag:s4] =	ssyncset.s32 $0xFFFFF086  }
0x25: {  	[simem:s6], [sflag:s4] =	dma.local [hbm:s3], $0xF7A  }
0x26: {  	[smem:$0x3F99] =	sst s1;
	(tag) =	ssettag s2;
	_ =	strace s9  }
0x27: {  	s1 =	sld [smem:$0x3FA9]  }
0x28: {  	s2 =	sld [smem:$0x3FAA]  }
0x29: {  	s4 =	sld [smem:$0x3FAC]  }
0x2a: {  	p0 =	seq.s32 s5, $0x0;
	s5 =	sld [smem:$0x3FAD]  }
0x2b: {  	s6 =	sld [smem:$0x3FAE]  }
0x2c: {  	s7 =	sld [smem:$0x3FAF]  }
0x2d: {  	s3 =	simm.s32 $0x108;
	s8 =	sld [smem:$0x3FB0]  }
0x2e: {  	s3 =	simm.s32 @!p0 $0x1082;
	s9 =	sld [smem:$0x3FB1]  }
0x2f: {  	lr =	sadd.s32 s0, s3;
	s0 =	sld [smem:$0x3FA8]  }
0x30: {  	s3 =	sld [smem:$0x3FAB]  }
0x31: {  	[smem:$0x3FB4] =	sst s10  }
0x32: {  	s10 =	sld [smem:$0x3FB2];
	_ =	sdelay $0x3  }
0x33: {  	p0 =	seq.s32 s10, $0x1;
	s10 =	sld [smem:$0x3FB4];
	_ =	sdelay $0x3  }
0x34: {  	[smem:$0x3FB4] =	sst s10  }
0x35: {  	s10 =	sld [smem:$0x3FB3];
	_ =	sdelay $0x3  }
0x36: {  	p1 =	seq.s32 s10, $0x1;
	s10 =	sld [smem:$0x3FB4];
	_ =	sdelay $0x3  }
0x37: {  	[smem:$0x3FB4] =	sst s10  }
0x38: {  	s10 =	sld [smem:$0x3FB5]  }
0x39: {  	_ = 	snop;
	(pc) =	sbr.ind lr, $3  }
0x3a: {  	_ = 	snop  }
0x3b: {  	_ = 	snop  }
0x3c: {  	p2 =	seq.s32 s10, $0x1;
	s10 =	sld [smem:$0x3FB4]  }
0x3d: {  	_ =	shalt  }
0x3e: {  	_ =	shalt  }
0x3f: {  	_ =	shalt  }
0x40: {  	_ =	shalt  }
0x41: {  	_ =	shalt  }
0x42: {  	_ =	shalt  }
0x43: {  	_ =	shalt  }
0x44: {  	_ =	shalt  }
0x45: {  	_ =	shalt  }
0x46: {  	_ =	shalt  }
0x47: {  	_ =	shalt  }
0x48: {  	_ =	shalt  }
0x49: {  	_ =	shalt  }
0x4a: {  	_ =	shalt  }
0x4b: {  	_ =	shalt  }
0x4c: {  	_ =	shalt  }
0x4d: {  	_ =	shalt  }
0x4e: {  	_ =	shalt  }
0x4f: {  	_ =	shalt  }
0x50: {  	_ =	shalt  }
0x51: {  	_ =	shalt  }
0x52: {  	_ =	shalt  }
0x53: {  	_ =	shalt  }
0x54: {  	_ =	shalt  }
0x55: {  	_ =	shalt  }
0x56: {  	_ =	shalt  }
0x57: {  	_ =	shalt  }
0x58: {  	_ =	shalt  }
0x59: {  	_ =	shalt  }
0x5a: {  	_ =	shalt  }
0x5b: {  	_ =	shalt  }
0x5c: {  	_ =	shalt  }
0x5d: {  	_ =	shalt  }
0x5e: {  	_ =	shalt  }
0x5f: {  	_ =	shalt  }
0x60: {  	_ =	shalt  }
0x61: {  	_ =	shalt  }
0x62: {  	_ =	shalt  }
0x63: {  	_ =	shalt  }
0x64: {  	_ =	shalt  }
0x65: {  	_ =	shalt  }
0x66: {  	_ =	shalt  }
0x67: {  	_ =	shalt  }
0x68: {  	_ =	shalt  }
0x69: {  	_ =	shalt  }
0x6a: {  	_ =	shalt  }
0x6b: {  	_ =	shalt  }
0x6c: {  	_ =	shalt  }
0x6d: {  	_ =	shalt  }
0x6e: {  	_ =	shalt  }
0x6f: {  	_ =	shalt  }
0x70: {  	_ =	shalt  }
0x71: {  	_ =	shalt  }
0x72: {  	_ =	shalt  }
0x73: {  	_ =	shalt  }
0x74: {  	_ =	shalt  }
0x75: {  	_ =	shalt  }
0x76: {  	_ =	shalt  }
0x77: {  	_ =	shalt  }
0x78: {  	_ =	shalt  }
0x79: {  	_ =	shalt  }
0x7a: {  	_ =	shalt  }
0x7b: {  	_ =	shalt  }
0x7c: {  	_ =	shalt  }
0x7d: {  	_ =	shalt  }
0x7e: {  	_ =	shalt  }
0x7f: {  	_ =	shalt  }
0x80: {  	_ =	shalt  }
0x81: {  	_ =	shalt  }
0x82: {  	_ =	shalt  }
0x83: {  	_ =	shalt  }
0x84: {  	_ =	shalt  }
0x85: {  	_ =	shalt  }
0x86: {  	_ =	shalt  }
0x87: {  	_ =	shalt  }
.Lfunc_end0:
.L_simem_size_0:
called_computation.2_lowered:
.L_overlay_start_0:
0x88: {  	s2 =	sld [smem:$0x3FD9]  }
0x89: {  	s3 =	sld [smem:$0x3FFE];
	_ =	sdelay $0x1  }
0x8a: {  	s1 =	srdreg.scid  }
0x8b: {  	s0 =	sand.u32 $0x1, s1  }
0x8c: {  	s16 =	sshll.u32 s0, $0xA;
	s2 =	sadd.s32 s3, s2  }
0x8d: {  	s2 =	sadd.s32 s2, s16  }
0x8e: {  	[smem:$0x3FC0] =	sst s2  }
0x8f: {  	_ = 	snop  }
0x90: {  	(tm) =	ssettm $0x1  }
0x91: {  	s17 =	sld [smem:$0x3FFB];
	_ =	sdelay $0x3  }
0x92: {  	_ =	strace s17  }
0x93: {  	s2 =	sld [smem:$0x3FFC];
	_ =	sdelay $0x3  }
0x94: {  	_ =	strace s2  }
0x95: {  	s2 =	sld [smem:$0x3FFD];
	_ =	sdelay $0x3  }
0x96: {  	_ =	strace s2  }
0x97: {  	_ =	strace $0x8FFFFFFF  }
0x98: {  	s18 =	sld [smem:$0x3FDB];
	_ =	sdelay $0x1  }
0x99: {  	s19 =	simm.s32 $_scs_section_size  }
0x9a: {  	s4 =	simm.s32 $_size__tile_overlayer_lowered;
	s5 =	simm.s32 $_tile_overlayer_lowered  }
0x9b: {  	s22 =	simm.s32 $0x1BFF;
	s21 =	sshll.u32 s5, $0x1;
	s2 =	sadd.s32 s19, s18  }
0x9c: {  	s6 =	simm.s32 $0x0;
	s20 =	sshll.u32 s4, $0x1;
	s4 =	sadd.s32 s21, s2  }
0x9d: {  	[timem:s6], [sflag:s22] =	dma.local [hbm:s4], s20  }
0x9e: {  	_ =	swait.ge [sflag:s22], s20  }
0x9f: {  	s3 =	ssub.s32 $0x0, s20;
	[sflag:s22] =	ssyncset.done $0x0  }
0xa0: {  	[sflag:s22] =	ssyncadd.s32 s3;
	_ =	sdelay $0x1  }
0xa1: {  	s23 =	simm.s32 $0x1B8B  }
0xa2: {  	_ =	swait.ge [sflag:s23], $0x1  }
0xa3: {  	[sflag:s23] =	ssyncset.done $0x0  }
0xa4: {  	s25 =	simm.s32 $0x1B8E;
	s24 =	sld [smem:$0x3FFE];
	[sflag:s23] =	ssyncadd.s32 $0xFFFFFFFF  }
0xa5: {  	s26 =	simm.s32 $execute0_lowered;
	[smem:$0x3FD2] =	sst s25  }
0xa6: {  	s4 =	sshll.u32 s26, $0x1;
	_ =	strace $0x8000004C;
	[dreg:$0x1] =	wrdreg $0xFFFFFFFF  }
0xa7: {  	s28 =	simm.s32 $_size_execute0_lowered;
	s2 =	sadd.s32 s2, s4;
	[dreg:$0x0] =	wrdreg $0x0  }
0xa8: {  	s4 =	sshll.u32 s28, $0x1;
	[dreg:$0x2] =	wrdreg s2  }
0xa9: {  	[dreg:$0x3] =	wrdreg s4  }
0xaa: {  	[dreg:$0x4] =	wrdreg $0xC0  }
0xab: {  	_ =	task [dreg:s6], $0x5FFFF  }
0xac: {  	[dreg:$0x1] =	wrdreg $0xFFFFFFFF  }
0xad: {  	[dreg:$0x0] =	wrdreg $0x60  }
0xae: {  	[dreg:$0x2] =	wrdreg s24  }
0xaf: {  	[dreg:$0x3] =	wrdreg $0x0  }
0xb0: {  	[dreg:$0x4] =	wrdreg $0x9  }
0xb1: {  	_ =	task.clear_ibuf [dreg:s6], $0x5FFFF;
	_ =	strace $0x9000004C  }
0xb2: {  	s29 =	simm.s32 $0x9;
	_ =	strace $0x8000004E  }
0xb3: {  	_ =	swait.ge [sflag:s29], $0x1  }
0xb4: {  	[sflag:s29] =	ssyncadd.s32 $0xFFFFFFFF  }
0xb5: {  	_ =	strace $0x9000004E  }
0xb6: {  	_ =	sfence  }
0xb7: {  	s30 =	sld [smem:$0x0];
	_ =	sdelay $0x2  }
0xb8: {  	s31 =	sshll.u32 s1, $0xD;
	s1 =	sshrl.u32 s1, $0x2  }
0xb9: {  	s3 =	sand.u32 $0x4000, s31;
	s1 =	sadd.s32 s1, s30  }
0xba: {  	s0 =	sor.u32 s3, s0;
	s1 =	sshll.u32 s1, $0x11  }
0xbb: {  	s0 =	sor.u32 s1, s0  }
0xbc: {  	s0 =	sadd.s32 $0x8F2B, s0  }
0xbd: {  	[sflag:s0] =	ssyncadd.remote.s32 $0x1  }
0xbe: {  	_ =	sfence.sel $0xFFFF  }
0xbf: {  	[dreg:$0x0] =	wrdreg $0xFFFFFFFF;
	(pc) =	sbr.abs _section_cstart, $3  }
0xc0: {  	[dreg:$0x1] =	wrdreg $0xFFFFFFFF  }
0xc1: {  	_ =	task.clear_ibuf [dreg:s6], $0x2FFFF;
	_ =	strace $0x9FFFFFFF  }
0xc2: {  	(tm) =	ssettm $0x7FFFFFFF  }
0xc3: {  	_ =	shalt  }
tec
execute0_lowered:
.L_overlay_start_1:
0x0: {  	(tag) =	ssettag $0x1  }
0x1: {  	s0 =	rddreg [dreg:$0x0]  }
0x2: {  	s2 =	rddreg [dreg:$0x1];
	s3 =	simm.s32 $0x0  }
0x3: {  	s13 =	stileid.u32;
	s1 =	srdreg.scid;
	s19 =	simm.s32 $0x4  }
0x4: {  	s20 =	simm.s32 $0xC400;
	s28 =	simm.s32 $0x121C0;
	s29 =	simm.s32 $0x2  }
0x5: {  	s30 =	simm.s32 $0x3;
	s31 =	simm.s32 $0x0;
	[smem:$0x7FF] =	sst s3  }
0x6: {  	s7 =	smul.u32 $0xC400, s13;
	s1 =	sand.u32 $0x1, s1;
	s4 =	sadd.s32 $0x1A1E00, s0  }
0x7: {  	s5 =	sadd.s32 $0x2A00, s0;
	s6 =	sadd.s32 $0xC6000, s0;
	s12 =	smul.u32 $0x61A80, s13  }
0x8: {  	s10 =	sshll.u32 s13, $0x1;
	s22 =	sshll.u32 s13, $0x6;
	s8 =	smul.u32 $0xC4000, s1  }
0x9: {  	s10 =	sor.u32 s1, s10;
	s11 =	ssub.s32 $0x2, s1;
	s1 =	smul.u32 $0x30D40, s1  }
0xa: {  	_ =	strace $0x8000004D;
	s9 =	sshrl.u32 s7, $0x3;
	s10 =	smul.u32 $0x30D40, s10  }
0xb: {  	s21 =	sshrl.u32 s11, $0x1;
	s18 =	sadd.s32 s7, s2;
	s9 =	sadd.s32 s9, s0  }
0xc: {  	s8 =	sadd.s32 s7, s8;
	s11 =	ssub.s32 s11, s21;
	s1 =	sadd.s32 s1, s12  }
0xd: {  	s18 =	sshrl.u32 s18, $0x3;
	s21 =	simm.s32 $0xD3A0;
	s8 =	sshrl.u32 s8, $0x3  }
0xe: {  	s23 =	sadd.s32 $0x189600, s9;
	s24 =	sshrl.u32 s10, $0x3;
	s25 =	smax.u32 s11, $0x1  }
0xf: {  	s26 =	sadd.s32 $0x1770, s1;
	s17 =	sadd.s32 $0xFA0, s1;
	[dreg:$0x3] =	wrdreg s23  }
0x10: {  	s0 =	sadd.s32 s8, s0;
	s8 =	sor.u32 $0x1C04, s22;
	[dreg:$0x5] =	wrdreg s25  }
0x11: {  	s11 =	sadd.s32 s5, s24;
	s12 =	sadd.s32 s6, s24;
	s16 =	sshrl.u32 s26, $0x3  }
0x12: {  	s22 =	simm.s32 $0x7D0;
	s23 =	simm.s32 $0xE340;
	s25 =	simm.s32 $0xCBD0  }
0x13: {  	s26 =	simm.s32 $0xDB70;
	s0 =	sadd.s32 $0x1BA600, s0;
	s15 =	sadd.s32 s16, s6  }
0x14: {  	s16 =	sadd.s32 s16, s5;
	[dreg:$0x4] =	wrdreg s0;
	s0 =	sadd.s32 $0xFA, s24  }
0x15: {  	s24 =	simm.s32 $0x1;
	s13 =	sadd.s32 s5, s0;
	s14 =	sadd.s32 s6, s0  }
.LBB2_1:
0x16: {  	s0 =	rddreg [dreg:$0x3]  }
0x17: {  	[spmem:s18], [sflag:s8] =	dma.local [hbm:s0], $0x1880  }
0x18: {  	_ =	swait.ge [sflag:s19], $0x1880  }
0x19: {  	[sflag:s19] =	ssyncset.done $0x0  }
0x1a: {  	[sflag:s19] =	ssyncadd.s32 $0xFFFFE780  }
0x1b: {  	[bflag:$0x0] =	sbarrier.arrive $0xFFFF  }
0x1c: {  	[tilespmem:s20], [sflag:$0x4] =	stream.linear.gather [hbm4b:s11+s3], $0x7D0, $0x38;
	[tilespmem:$0x16040] =	vst v63  }
0x1d: {  	_ =	swait.ge [sflag:s19], $0x7D0  }
0x1e: {  	[sflag:s19] =	ssyncset.done $0x0  }
0x1f: {  	[sflag:s19] =	ssyncadd.s32 $0xFFFFF830  }
0x20: {  	[tilespmem:s21], [sflag:$0x4] =	stream.linear.gather [hbm4b:s12+s3], $0x7D0, $0x38;
	[tilespmem:$0x16040] =	vst v63  }
0x21: {  	_ =	swait.ge [sflag:s19], $0x7D0  }
0x22: {  	[sflag:s19] =	ssyncset.done $0x0  }
0x23: {  	[sflag:s19] =	ssyncadd.s32 $0xFFFFF830  }
0x24: {  	[tilespmem:s23], [sflag:$0x1] =	stream.indirect.gather [hbm4b:s4+s22], $0x8, s20, s22, $0xb8;
	[tilespmem:$0x16040] =	vst v63  }
0x25: {  	_ =	swait.ge [sflag:s24], $0x3E80  }
0x26: {  	[sflag:s24] =	ssyncset.done $0x0  }
0x27: {  	[sflag:s24] =	ssyncadd.s32 $0xFFFFC180  }
0x28: {  	[spmem:s2] =	stream.indirect.scatter.add.f32 [tilespmem:s23], [sflag:$0x2], $0x8, s21, s22, $0xb8;
	[tilespmem:$0x16040] =	vst v63  }
0x29: {  	_ = 	snop  }
0x2a: {  	[tilespmem:s25], [sflag:$0x4] =	stream.linear.gather [hbm4b:s13+s3], $0x7D0, $0x38;
	[tilespmem:$0x16040] =	vst v63  }
0x2b: {  	_ =	swait.ge [sflag:s19], $0x7D0  }
0x2c: {  	[sflag:s19] =	ssyncset.done $0x0  }
0x2d: {  	[sflag:s19] =	ssyncadd.s32 $0xFFFFF830  }
0x2e: {  	[tilespmem:s26], [sflag:$0x4] =	stream.linear.gather [hbm4b:s14+s3], $0x7D0, $0x38;
	[tilespmem:$0x16040] =	vst v63  }
0x2f: {  	_ =	swait.ge [sflag:s19], $0x7D0  }
0x30: {  	[sflag:s19] =	ssyncset.done $0x0  }
0x31: {  	[sflag:s19] =	ssyncadd.s32 $0xFFFFF830  }
0x32: {  	[tilespmem:s28], [sflag:$0x1] =	stream.indirect.gather [hbm4b:s4+s22], $0x8, s25, s22, $0xb8;
	[tilespmem:$0x16040] =	vst v63  }
0x33: {  	_ =	swait.ge [sflag:s24], $0x3E80  }
0x34: {  	[sflag:s24] =	ssyncset.done $0x0  }
0x35: {  	[sflag:s24] =	ssyncadd.s32 $0xFFFFC180  }
0x36: {  	[spmem:s2] =	stream.indirect.scatter.add.f32 [tilespmem:s28], [sflag:$0x3], $0x8, s26, s22, $0xb8;
	[tilespmem:$0x16040] =	vst v63  }
0x37: {  	_ =	swait.ge [sflag:s29], $0x3E80  }
0x38: {  	s7 =	sshrl.u32 s17, $0x3;
	[sflag:s29] =	ssyncset.done $0x0  }
0x39: {  	s1 =	sadd.s32 s5, s7;
	[sflag:s29] =	ssyncadd.s32 $0xFFFFC180  }
0x3a: {  	[tilespmem:s20], [sflag:$0x4] =	stream.linear.gather [hbm4b:s1+s3], $0x7D0, $0x38;
	[tilespmem:$0x16040] =	vst v63  }
0x3b: {  	_ =	swait.ge [sflag:s19], $0x7D0  }
0x3c: {  	[sflag:s19] =	ssyncset.done $0x0  }
0x3d: {  	s0 =	sadd.s32 s6, s7;
	[sflag:s19] =	ssyncadd.s32 $0xFFFFF830  }
0x3e: {  	[tilespmem:s21], [sflag:$0x4] =	stream.linear.gather [hbm4b:s0+s3], $0x7D0, $0x38;
	[tilespmem:$0x16040] =	vst v63  }
0x3f: {  	_ =	swait.ge [sflag:s19], $0x7D0  }
0x40: {  	[sflag:s19] =	ssyncset.done $0x0  }
0x41: {  	[sflag:s19] =	ssyncadd.s32 $0xFFFFF830  }
0x42: {  	[tilespmem:s23], [sflag:$0x1] =	stream.indirect.gather [hbm4b:s4+s22], $0x8, s20, s22, $0xb8;
	[tilespmem:$0x16040] =	vst v63  }
0x43: {  	_ =	swait.ge [sflag:s24], $0x3E80  }
0x44: {  	[sflag:s24] =	ssyncset.done $0x0  }
0x45: {  	[sflag:s24] =	ssyncadd.s32 $0xFFFFC180  }
0x46: {  	[spmem:s2] =	stream.indirect.scatter.add.f32 [tilespmem:s23], [sflag:$0x2], $0x8, s21, s22, $0xb8;
	[tilespmem:$0x16040] =	vst v63  }
0x47: {  	_ =	swait.ge [sflag:s30], $0x3E80  }
0x48: {  	[sflag:s30] =	ssyncset.done $0x0  }
0x49: {  	s9 =	sadd.s32 $0x0, s16;
	[sflag:s30] =	ssyncadd.s32 $0xFFFFC180  }
0x4a: {  	[tilespmem:s25], [sflag:$0x4] =	stream.linear.gather [hbm4b:s9+s3], $0x7D0, $0x38;
	[tilespmem:$0x16040] =	vst v63  }
0x4b: {  	_ =	swait.ge [sflag:s19], $0x7D0  }
0x4c: {  	[sflag:s19] =	ssyncset.done $0x0  }
0x4d: {  	s10 =	sadd.s32 $0x0, s15;
	[sflag:s19] =	ssyncadd.s32 $0xFFFFF830  }
0x4e: {  	[tilespmem:s26], [sflag:$0x4] =	stream.linear.gather [hbm4b:s10+s3], $0x7D0, $0x38;
	[tilespmem:$0x16040] =	vst v63  }
0x4f: {  	_ =	swait.ge [sflag:s19], $0x7D0  }
0x50: {  	[sflag:s19] =	ssyncset.done $0x0  }
0x51: {  	[sflag:s19] =	ssyncadd.s32 $0xFFFFF830  }
0x52: {  	[tilespmem:s28], [sflag:$0x1] =	stream.indirect.gather [hbm4b:s4+s22], $0x8, s25, s22, $0xb8;
	[tilespmem:$0x16040] =	vst v63  }
0x53: {  	_ =	swait.ge [sflag:s24], $0x3E80  }
0x54: {  	[sflag:s24] =	ssyncset.done $0x0  }
0x55: {  	s1 =	sadd.s32 $0xFA0, s17;
	s0 =	simm.s32 $0x1F4;
	[sflag:s24] =	ssyncadd.s32 $0xFFFFC180  }
.LBB2_2:
0x56: {  	[spmem:s2] =	stream.indirect.scatter.add.f32 [tilespmem:s28], [sflag:$0x3], $0x8, s26, s22, $0xb8;
	[tilespmem:$0x16040] =	vst v63  }
0x57: {  	s7 =	smov.u32 s0  }
0x58: {  	p0 =	sne.s32 s0, $0x5DC0;
	s0 =	sadd.s32 $0x1F4, s0;
	_ =	swait.ge [sflag:s29], $0x3E80  }
0x59: {  	s9 =	sshrl.u32 s1, $0x3;
	[sflag:s29] =	ssyncset.done $0x0  }
0x5a: {  	s10 =	sadd.s32 s5, s9;
	[sflag:s29] =	ssyncadd.s32 $0xFFFFC180  }
0x5b: {  	[tilespmem:s20], [sflag:$0x4] =	stream.linear.gather [hbm4b:s10+s3], $0x7D0, $0x38;
	[tilespmem:$0x16040] =	vst v63  }
0x5c: {  	_ =	swait.ge [sflag:s19], $0x7D0  }
0x5d: {  	[sflag:s19] =	ssyncset.done $0x0  }
0x5e: {  	s9 =	sadd.s32 s6, s9;
	[sflag:s19] =	ssyncadd.s32 $0xFFFFF830  }
0x5f: {  	[tilespmem:s21], [sflag:$0x4] =	stream.linear.gather [hbm4b:s9+s3], $0x7D0, $0x38;
	[tilespmem:$0x16040] =	vst v63  }
0x60: {  	_ =	swait.ge [sflag:s19], $0x7D0  }
0x61: {  	[sflag:s19] =	ssyncset.done $0x0  }
0x62: {  	[sflag:s19] =	ssyncadd.s32 $0xFFFFF830  }
0x63: {  	[tilespmem:s23], [sflag:$0x1] =	stream.indirect.gather [hbm4b:s4+s22], $0x8, s20, s22, $0xb8;
	[tilespmem:$0x16040] =	vst v63  }
0x64: {  	_ =	swait.ge [sflag:s24], $0x3E80  }
0x65: {  	[sflag:s24] =	ssyncset.done $0x0  }
0x66: {  	[sflag:s24] =	ssyncadd.s32 $0xFFFFC180  }
0x67: {  	[spmem:s2] =	stream.indirect.scatter.add.f32 [tilespmem:s23], [sflag:$0x2], $0x8, s21, s22, $0xb8;
	[tilespmem:$0x16040] =	vst v63  }
0x68: {  	_ =	swait.ge [sflag:s30], $0x3E80  }
0x69: {  	[sflag:s30] =	ssyncset.done $0x0  }
0x6a: {  	s9 =	sadd.s32 s7, s16;
	[sflag:s30] =	ssyncadd.s32 $0xFFFFC180  }
0x6b: {  	[tilespmem:s25], [sflag:$0x4] =	stream.linear.gather [hbm4b:s9+s3], $0x7D0, $0x38;
	[tilespmem:$0x16040] =	vst v63  }
0x6c: {  	_ =	swait.ge [sflag:s19], $0x7D0  }
0x6d: {  	[sflag:s19] =	ssyncset.done $0x0  }
0x6e: {  	s7 =	sadd.s32 s7, s15;
	[sflag:s19] =	ssyncadd.s32 $0xFFFFF830  }
0x6f: {  	[tilespmem:s26], [sflag:$0x4] =	stream.linear.gather [hbm4b:s7+s3], $0x7D0, $0x38;
	[tilespmem:$0x16040] =	vst v63  }
0x70: {  	_ =	swait.ge [sflag:s19], $0x7D0  }
0x71: {  	[sflag:s19] =	ssyncset.done $0x0  }
.Ltmp0:
0x72: {  	[sflag:s19] =	ssyncadd.s32 $0xFFFFF830;
	(pc) =	sbr.rel @p0 .LBB2_2-.Ltmp0, $4  }
0x73: {  	[tilespmem:s28], [sflag:$0x1] =	stream.indirect.gather [hbm4b:s4+s22], $0x8, s25, s22, $0xb8;
	[tilespmem:$0x16040] =	vst v63  }
0x74: {  	_ =	swait.ge [sflag:s24], $0x3E80  }
0x75: {  	[sflag:s24] =	ssyncset.done $0x0  }
0x76: {  	s1 =	sadd.s32 $0xFA0, s1;
	[sflag:s24] =	ssyncadd.s32 $0xFFFFC180  }
0x77: {  	[spmem:s2] =	stream.indirect.scatter.add.f32 [tilespmem:s28], [sflag:$0x3], $0x8, s26, s22, $0xb8;
	[tilespmem:$0x16040] =	vst v63  }
0x78: {  	_ =	swait.ge [sflag:s29], $0x3E80  }
0x79: {  	[sflag:s29] =	ssyncset.done $0x0  }
0x7a: {  	[sflag:s29] =	ssyncadd.s32 $0xFFFFC180  }
0x7b: {  	_ =	swait.ge [sflag:s30], $0x3E80  }
0x7c: {  	[sflag:s30] =	ssyncset.done $0x0  }
0x7d: {  	[sflag:s30] =	ssyncadd.s32 $0xFFFFC180  }
0x7e: {  	[bflag:$0x0] =	sbarrier.arrive $0xFFFF  }
0x7f: {  	s0 =	rddreg [dreg:$0x4]  }
0x80: {  	[hbm:s0], [sflag:s8] =	dma.local [spmem:s18], $0x1880  }
0x81: {  	_ =	swait.ge [sflag:s19], $0x1880  }
0x82: {  	s31 =	sadd.s32 $0x1, s31;
	s10 =	rddreg [dreg:$0x5]  }
0x83: {  	p0 =	sne.s32 s31, s10  }
.Ltmp1:
0x84: {  	_ = 	snop;
	(pc) =	sbr.rel @p0 .LBB2_1-.Ltmp1, $3  }
0x85: {  	_ =	sdelay $0x1  }
0x86: {  	[sflag:s19] =	ssyncset.done $0x0  }
0x87: {  	[sflag:s19] =	ssyncadd.s32 $0xFFFFE780  }
0x88: {  	_ =	sfence.sel $0x180000  }
0x89: {  	[bflag:$0x0] =	sbarrier.arrive $0xFFFF  }
0x8a: {  	_ =	strace $0x9000004D  }
0x8b: {  	s0 =	stileid.u32;
	[bflag:$0x2] =	sbarrier.arrive $0xFFFF  }
0x8c: {  	p0 =	sne.s32 s0, $0x0;
	s0 =	rddreg [dreg:$0x2]  }
0x8d: {  	s0 =	sadd.s32 @!p0 $0x100000, s0  }
0x8e: {  	[sflag:s0] =	ssyncadd.tile.s32 @!p0 $0x1;
	_ =	shalt  }
.Lfunc_end2:
_tile_overlayer_lowered:
.L_overlay_start_2:
0x8f: {  	(tag) =	ssettag $0x2  }
0x90: {  	s0 =	rddreg [dreg:$0x0];
	s2 =	stileid.u32  }
0x91: {  	s1 =	rddreg [dreg:$0x1];
	p0 =	sne.s32 s2, $0x0  }
0x92: {  	s3 =	rddreg [dreg:$0x2];
	[bflag:$0x3] =	sbarrier.arrive $0xFFFF;
	s2 =	simm.s32 @!p0 $0x1C04  }
0x93: {  	[timem:s3], [sflag:s2] =	dma.local @!p0 [hbm:s0], s1  }
0x94: {  	s0 =	simm.s32 @!p0 $0x4  }
0x95: {  	_ =	swait.ge @!p0 [sflag:s0], s1  }
0x96: {  	s1 =	ssub.s32 @!p0 $0x0, s1;
	[sflag:s0] =	ssyncset.done @!p0 $0x0  }
0x97: {  	[sflag:s0] =	ssyncadd.s32 @!p0 s1  }
0x98: {  	[bflag:$0x3] =	sbarrier.arrive $0xFFFF  }
0x99: {  	_ =	shalt  }

// kernel: kernel.19.cloned.1.call-start
scs
__scs_entry_jumppad:
0x0: {  	(pc) =	sbr.rel $0x88, $3  }
0x1: {  	(tag) =	ssettag $0x0;
	lr =	simm.s32 $0x1  }
0x2: {  	[smem:$0x3F99] =	sst lr;
	_ =	strace $0xD0000000  }
0x3: {  	_ = 	snop  }
0x4: {  	_ = 	snop  }
0x5: {  	_ = 	snop  }
0x6: {  	_ = 	snop  }
0x7: {  	_ = 	snop  }
__scs_overlays_trampoline_lowered:
0x8: {  	[smem:$0x3FA8] =	sst s0  }
0x9: {  	[smem:$0x3FA9] =	sst s1  }
0xa: {  	[smem:$0x3FAA] =	sst s2  }
0xb: {  	[smem:$0x3FAB] =	sst s3  }
0xc: {  	[smem:$0x3FAC] =	sst s4  }
0xd: {  	[smem:$0x3FAD] =	sst s5  }
0xe: {  	[smem:$0x3FAE] =	sst s6  }
0xf: {  	[smem:$0x3FAF] =	sst s7  }
0x10: {  	[smem:$0x3FB0] =	sst s8  }
0x11: {  	[smem:$0x3FB1] =	sst s9;
	s0 =	simm.s32 @!p0 $0x0  }
0x12: {  	s1 =	sld [smem:$0x3F97];
	s0 =	simm.s32 @p0 $0x1  }
0x13: {  	[smem:$0x3FB2] =	sst s0;
	s0 =	simm.s32 @!p1 $0x0  }
0x14: {  	s2 =	sld [smem:$0x3F96];
	s0 =	simm.s32 @p1 $0x1  }
0x15: {  	[smem:$0x3FB3] =	sst s0;
	s0 =	simm.s32 @!p2 $0x0  }
0x16: {  	s3 =	sld [smem:$0x3FDB];
	s0 =	simm.s32 @p2 $0x1  }
0x17: {  	s4 =	simm.s32 $0x1BF5;
	[smem:$0x3FB5] =	sst s0  }
0x18: {  	s0 =	sld [smem:$0x3F98];
	_ =	swait.ge [sflag:s4], $0x0  }
0x19: {  	s7 =	sld [smem:$0x3F99]  }
0x1a: {  	s8 =	sadd.s32 $0xFFFFE003, lr  }
0x1b: {  	s9 =	sadd.s32 $0xFFFFFEF7, lr;
	s5 =	simm.s32 $0xFFFFFFFF;
	p2 =	slt.u32 s8, $0xFFFFF086  }
0x1c: {  	p1 =	slt.u32 s9, $0xF7A;
	s5 =	simm.s32 @!p2 $0x0  }
0x1d: {  	s5 =	simm.s32 @p1 $0x1;
	p0 =	seq.s32 s7, s2  }
0x1e: {  	s7 =	smul.u32 @!p0 $0xF7A, s2;
	p2 =	seq.s32 @!p0 s5, $0x0  }
0x1f: {  	s9 =	smul.u32 $0xF7A, s1;
	s8 =	simm.s32 @!p0 $0x1BF5;
	p2 =	por !p2, p0  }
0x20: {  	[sflag:s8] =	ssyncset.s32 @!p0 $0xFFFFF086;
	s6 =	sadd.s32 @!p0 s3, s7;
	s7 =	simm.s32 @!p0 $0x108  }
0x21: {  	s3 =	sadd.s32 s3, s9;
	s6 =	sadd.s32 @!p0 $0x88, s6;
	s7 =	simm.s32 @p2 $0x1082  }
0x22: {  	[simem:s7], [sflag:s8] =	dma.local @!p0 [hbm:s6], $0xF7A  }
0x23: {  	s9 =	sor.u32 $0xD0000000, s2;
	s6 =	simm.s32 $0x108;
	_ =	swait.ge @!p0 [sflag:s8], $0x0  }
0x24: {  	s3 =	sadd.s32 $0x88, s3;
	s6 =	simm.s32 @!p1 $0x1082;
	[sflag:s4] =	ssyncset.s32 $0xFFFFF086  }
0x25: {  	[simem:s6], [sflag:s4] =	dma.local [hbm:s3], $0xF7A  }
0x26: {  	[smem:$0x3F99] =	sst s1;
	(tag) =	ssettag s2;
	_ =	strace s9  }
0x27: {  	s1 =	sld [smem:$0x3FA9]  }
0x28: {  	s2 =	sld [smem:$0x3FAA]  }
0x29: {  	s4 =	sld [smem:$0x3FAC]  }
0x2a: {  	p0 =	seq.s32 s5, $0x0;
	s5 =	sld [smem:$0x3FAD]  }
0x2b: {  	s6 =	sld [smem:$0x3FAE]  }
0x2c: {  	s7 =	sld [smem:$0x3FAF]  }
0x2d: {  	s3 =	simm.s32 $0x108;
	s8 =	sld [smem:$0x3FB0]  }
0x2e: {  	s3 =	simm.s32 @!p0 $0x1082;
	s9 =	sld [smem:$0x3FB1]  }
0x2f: {  	lr =	sadd.s32 s0, s3;
	s0 =	sld [smem:$0x3FA8]  }
0x30: {  	s3 =	sld [smem:$0x3FAB]  }
0x31: {  	[smem:$0x3FB4] =	sst s10  }
0x32: {  	s10 =	sld [smem:$0x3FB2];
	_ =	sdelay $0x3  }
0x33: {  	p0 =	seq.s32 s10, $0x1;
	s10 =	sld [smem:$0x3FB4];
	_ =	sdelay $0x3  }
0x34: {  	[smem:$0x3FB4] =	sst s10  }
0x35: {  	s10 =	sld [smem:$0x3FB3];
	_ =	sdelay $0x3  }
0x36: {  	p1 =	seq.s32 s10, $0x1;
	s10 =	sld [smem:$0x3FB4];
	_ =	sdelay $0x3  }
0x37: {  	[smem:$0x3FB4] =	sst s10  }
0x38: {  	s10 =	sld [smem:$0x3FB5]  }
0x39: {  	_ = 	snop;
	(pc) =	sbr.ind lr, $3  }
0x3a: {  	_ = 	snop  }
0x3b: {  	_ = 	snop  }
0x3c: {  	p2 =	seq.s32 s10, $0x1;
	s10 =	sld [smem:$0x3FB4]  }
0x3d: {  	_ =	shalt  }
0x3e: {  	_ =	shalt  }
0x3f: {  	_ =	shalt  }
0x40: {  	_ =	shalt  }
0x41: {  	_ =	shalt  }
0x42: {  	_ =	shalt  }
0x43: {  	_ =	shalt  }
0x44: {  	_ =	shalt  }
0x45: {  	_ =	shalt  }
0x46: {  	_ =	shalt  }
0x47: {  	_ =	shalt  }
0x48: {  	_ =	shalt  }
0x49: {  	_ =	shalt  }
0x4a: {  	_ =	shalt  }
0x4b: {  	_ =	shalt  }
0x4c: {  	_ =	shalt  }
0x4d: {  	_ =	shalt  }
0x4e: {  	_ =	shalt  }
0x4f: {  	_ =	shalt  }
0x50: {  	_ =	shalt  }
0x51: {  	_ =	shalt  }
0x52: {  	_ =	shalt  }
0x53: {  	_ =	shalt  }
0x54: {  	_ =	shalt  }
0x55: {  	_ =	shalt  }
0x56: {  	_ =	shalt  }
0x57: {  	_ =	shalt  }
0x58: {  	_ =	shalt  }
0x59: {  	_ =	shalt  }
0x5a: {  	_ =	shalt  }
0x5b: {  	_ =	shalt  }
0x5c: {  	_ =	shalt  }
0x5d: {  	_ =	shalt  }
0x5e: {  	_ =	shalt  }
0x5f: {  	_ =	shalt  }
0x60: {  	_ =	shalt  }
0x61: {  	_ =	shalt  }
0x62: {  	_ =	shalt  }
0x63: {  	_ =	shalt  }
0x64: {  	_ =	shalt  }
0x65: {  	_ =	shalt  }
0x66: {  	_ =	shalt  }
0x67: {  	_ =	shalt  }
0x68: {  	_ =	shalt  }
0x69: {  	_ =	shalt  }
0x6a: {  	_ =	shalt  }
0x6b: {  	_ =	shalt  }
0x6c: {  	_ =	shalt  }
0x6d: {  	_ =	shalt  }
0x6e: {  	_ =	shalt  }
0x6f: {  	_ =	shalt  }
0x70: {  	_ =	shalt  }
0x71: {  	_ =	shalt  }
0x72: {  	_ =	shalt  }
0x73: {  	_ =	shalt  }
0x74: {  	_ =	shalt  }
0x75: {  	_ =	shalt  }
0x76: {  	_ =	shalt  }
0x77: {  	_ =	shalt  }
0x78: {  	_ =	shalt  }
0x79: {  	_ =	shalt  }
0x7a: {  	_ =	shalt  }
0x7b: {  	_ =	shalt  }
0x7c: {  	_ =	shalt  }
0x7d: {  	_ =	shalt  }
0x7e: {  	_ =	shalt  }
0x7f: {  	_ =	shalt  }
0x80: {  	_ =	shalt  }
0x81: {  	_ =	shalt  }
0x82: {  	_ =	shalt  }
0x83: {  	_ =	shalt  }
0x84: {  	_ =	shalt  }
0x85: {  	_ =	shalt  }
0x86: {  	_ =	shalt  }
0x87: {  	_ =	shalt  }
.Lfunc_end0:
.L_simem_size_0:
called_computation.3_lowered:
.L_overlay_start_0:
0x88: {  	s2 =	sld [smem:$0x3FD9]  }
0x89: {  	s3 =	sld [smem:$0x3FFE];
	_ =	sdelay $0x1  }
0x8a: {  	s1 =	srdreg.scid  }
0x8b: {  	s0 =	sand.u32 $0x1, s1  }
0x8c: {  	s17 =	sshll.u32 s0, $0xA;
	s2 =	sadd.s32 s3, s2  }
0x8d: {  	s2 =	sadd.s32 s2, s17  }
0x8e: {  	[smem:$0x3FC0] =	sst s2  }
0x8f: {  	_ = 	snop  }
0x90: {  	s2 =	sld [smem:$0x3FD0];
	(tm) =	ssettm $0x1  }
0x91: {  	s18 =	sld [smem:$0x3FFB];
	_ =	sdelay $0x3  }
0x92: {  	_ =	strace s18  }
0x93: {  	s3 =	sld [smem:$0x3FFC];
	_ =	sdelay $0x3  }
0x94: {  	_ =	strace s3  }
0x95: {  	s3 =	sld [smem:$0x3FFD];
	_ =	sdelay $0x3  }
0x96: {  	_ =	strace s3  }
0x97: {  	_ =	strace $0x8FFFFFFF  }
0x98: {  	s19 =	sld [smem:$0x3FDB];
	_ =	sdelay $0x1  }
0x99: {  	s4 =	simm.s32 $_scs_section_size  }
0x9a: {  	s5 =	simm.s32 $_size__tile_overlayer_lowered;
	s6 =	simm.s32 $_tile_overlayer_lowered  }
0x9b: {  	s22 =	simm.s32 $0x1BFF;
	s21 =	sshll.u32 s6, $0x1;
	s3 =	sadd.s32 s4, s19  }
0x9c: {  	s7 =	simm.s32 $0x0;
	s20 =	sshll.u32 s5, $0x1;
	s5 =	sadd.s32 s21, s3  }
0x9d: {  	[timem:s7], [sflag:s22] =	dma.local [hbm:s5], s20  }
0x9e: {  	_ =	swait.ge [sflag:s22], s20  }
0x9f: {  	s4 =	ssub.s32 $0x0, s20;
	[sflag:s22] =	ssyncset.done $0x0  }
0xa0: {  	[sflag:s22] =	ssyncadd.s32 s4;
	_ =	sdelay $0x1  }
0xa1: {  	s23 =	simm.s32 $0x1B8B  }
0xa2: {  	_ =	swait.ge [sflag:s23], $0x1  }
0xa3: {  	[sflag:s23] =	ssyncset.done $0x0  }
0xa4: {  	s25 =	simm.s32 $0x1B8E;
	s24 =	sld [smem:$0x3FFE];
	[sflag:s23] =	ssyncadd.s32 $0xFFFFFFFF  }
0xa5: {  	s26 =	simm.s32 $execute0_lowered;
	[smem:$0x3FD2] =	sst s25  }
0xa6: {  	s5 =	sshll.u32 s26, $0x1;
	_ =	strace $0x8000004F;
	[dreg:$0x1] =	wrdreg $0xFFFFFFFF  }
0xa7: {  	s28 =	simm.s32 $_size_execute0_lowered;
	s3 =	sadd.s32 s3, s5;
	[dreg:$0x0] =	wrdreg $0x0  }
0xa8: {  	s5 =	sshll.u32 s28, $0x1;
	[dreg:$0x2] =	wrdreg s3  }
0xa9: {  	[dreg:$0x3] =	wrdreg s5  }
0xaa: {  	[dreg:$0x4] =	wrdreg $0xC0  }
0xab: {  	_ =	task [dreg:s7], $0x5FFFF  }
0xac: {  	[dreg:$0x1] =	wrdreg $0xFFFFFFFF  }
0xad: {  	[dreg:$0x0] =	wrdreg $0x60  }
0xae: {  	[dreg:$0x2] =	wrdreg s24  }
0xaf: {  	[dreg:$0x3] =	wrdreg s2  }
0xb0: {  	[dreg:$0x4] =	wrdreg $0x9  }
0xb1: {  	_ =	task.clear_ibuf [dreg:s7], $0x5FFFF;
	_ =	strace $0x9000004F  }
0xb2: {  	s29 =	simm.s32 $0x9;
	_ =	strace $0x80000051  }
0xb3: {  	_ =	swait.ge [sflag:s29], $0x1  }
0xb4: {  	[sflag:s29] =	ssyncadd.s32 $0xFFFFFFFF  }
0xb5: {  	_ =	strace $0x90000051  }
0xb6: {  	_ =	sfence  }
0xb7: {  	s30 =	sld [smem:$0x0];
	_ =	sdelay $0x2  }
0xb8: {  	s31 =	sshll.u32 s1, $0xD;
	s1 =	sshrl.u32 s1, $0x2  }
0xb9: {  	s3 =	sand.u32 $0x4000, s31;
	s1 =	sadd.s32 s1, s30  }
0xba: {  	s0 =	sor.u32 s3, s0;
	s1 =	sshll.u32 s1, $0x11  }
0xbb: {  	s0 =	sor.u32 s1, s0  }
0xbc: {  	s0 =	sadd.s32 $0x8F2B, s0  }
0xbd: {  	[sflag:s0] =	ssyncadd.remote.s32 $0x1  }
0xbe: {  	_ =	sfence.sel $0xFFFF  }
0xbf: {  	[dreg:$0x0] =	wrdreg $0xFFFFFFFF;
	(pc) =	sbr.abs _section_cstart, $3  }
0xc0: {  	[dreg:$0x1] =	wrdreg $0xFFFFFFFF  }
0xc1: {  	_ =	task.clear_ibuf [dreg:s7], $0x2FFFF;
	_ =	strace $0x9FFFFFFF  }
0xc2: {  	(tm) =	ssettm $0x7FFFFFFF  }
0xc3: {  	_ =	shalt  }
tec
execute0_lowered:
.L_overlay_start_1:
0x0: {  	(tag) =	ssettag $0x1  }
0x1: {  	s1 =	srdreg.scid;
	s5 =	rddreg [dreg:$0x0]  }
0x2: {  	s0 =	stileid.u32;
	s8 =	rddreg [dreg:$0x1];
	s2 =	simm.s32 $0x0  }
0x3: {  	s12 =	simm.s32 $0x12600;
	s13 =	simm.s32 $0x13240;
	s14 =	simm.s32 $0x13260  }
0x4: {  	s15 =	simm.s32 $0xC400;
	s6 =	sand.u32 $0x1, s1;
	s31 =	sshll.u32 s0, $0x1  }
0x5: {  	s16 =	simm.s32 $0x0;
	s1 =	rddreg [dreg:$0x2];
	s7 =	sor.u32 s6, s31  }
0x6: {  	[smem:$0x7FF] =	sst s2;
	s6 =	ssub.s32 $0x2, s6;
	s4 =	smul.u32 $0x6200, s7  }
0x7: {  	v5 =	vlaneseq.u32;
	s3 =	sadd.s32 $0x1EB600, s5;
	s10 =	sshrl.u32 s6, $0x1;
	s11 =	smul.u32 $0x188, s7  }
0x8: {  	v0 =	vshrl.u32 v5, $0x3;
	_ =	strace $0x80000050;
	s10 =	ssub.s32 s6, s10;
	s9 =	sshrl.u32 s4, $0x3  }
0x9: {  	v1 =	vand.u32 $0x7, v5;
	v2 =	vmul.u32 $0x8, v0;
	s4 =	sadd.s32 $0x1EB800, s5;
	s8 =	sadd.s32 s8, s11;
	s9 =	sadd.s32 s9, s5  }
0xa: {  	v5 =	vor.u32 $0x18, v5;
	v3 =	vor.u32 $0x8, v1;
	v4 =	vor.u32 $0x10, v1;
	s10 =	smax.u32 s10, $0x1;
	s5 =	sadd.s32 $0x1BA600, s9;
	s6 =	sadd.s32 $0x1D2E00, s9  }
0xb: {  	v6 =	vor.u32 $0x1, v2;
	v7 =	vor.u32 $0x2, v2;
	v8 =	vor.u32 $0x3, v2;
	s11 =	simm.s32 $0x1;
	s7 =	sadd.s32 $0x1A1E00, s9;
	s9 =	sadd.s32 $0x1EBA00, s9  }
.LBB2_1:
0xc: {  	[tilespmem:s2], [sflag:$0x1] =	stream.linear.gather [hbm4b:s5+s2], $0x6200, $0x38;
	[tilespmem:$0x13270] =	vst v63  }
0xd: {  	_ =	swait.ge [sflag:s11], $0x6200  }
0xe: {  	[sflag:s11] =	ssyncset.done $0x0  }
0xf: {  	s17 =	simm.s32 $0x6200;
	[sflag:s11] =	ssyncadd.s32 $0xFFFF9E00  }
0x10: {  	[tilespmem:s17], [sflag:$0x1] =	stream.linear.gather [hbm4b:s6+s2], $0x6200, $0x38;
	[tilespmem:$0x13270] =	vst v63  }
0x11: {  	_ =	swait.ge [sflag:s11], $0x6200  }
0x12: {  	[sflag:s11] =	ssyncset.done $0x0  }
0x13: {  	[sflag:s11] =	ssyncadd.s32 $0xFFFF9E00  }
0x14: {  	[tilespmem:s15], [sflag:$0x1] =	stream.linear.gather [hbm4b:s7+s2], $0x6200, $0x38;
	[tilespmem:$0x13270] =	vst v63  }
0x15: {  	_ =	swait.ge [sflag:s11], $0x6200  }
0x16: {  	[sflag:s11] =	ssyncset.done $0x0  }
0x17: {  	[sflag:s11] =	ssyncadd.s32 $0xFFFF9E00  }
0x18: {  	[tilespmem:s12], [sflag:$0x1] =	stream.linear.gather [hbm4b:s8+s2], $0xC40, $0x38;
	[tilespmem:$0x13270] =	vst v63  }
0x19: {  	_ =	swait.ge [sflag:s11], $0xC40  }
0x1a: {  	[sflag:s11] =	ssyncset.done $0x0  }
0x1b: {  	[sflag:s11] =	ssyncadd.s32 $0xFFFFF3C0  }
0x1c: {  	[tilespmem:s13], [sflag:$0x1] =	stream.linear.gather [hbm4b:s3+s2], $0x20, $0x38;
	[tilespmem:$0x13270] =	vst v63  }
0x1d: {  	_ =	swait.ge [sflag:s11], $0x20  }
0x1e: {  	[sflag:s11] =	ssyncset.done $0x0  }
0x1f: {  	[sflag:s11] =	ssyncadd.s32 $0xFFFFFFE0  }
0x20: {  	[tilespmem:s14], [sflag:$0x1] =	stream.linear.gather [hbm4b:s4+s2], $0x10, $0x38;
	[tilespmem:$0x13270] =	vst v63  }
0x21: {  	_ =	swait.ge [sflag:s11], $0x10  }
0x22: {  	[sflag:s11] =	ssyncset.done $0x0  }
0x23: {  	[sflag:s11] =	ssyncadd.s32 $0xFFFFFFF0  }
0x24: {  	v9 =	vor.u32 s2, v0;
	v10 =	vld [tilespmem:s17+$0x0]  }
0x25: {  	v11 =	vld [tilespmem:s2+$0x0];
	_ =	sdelay $0x1  }
0x26: {  	v12 =	vld [tilespmem:s15+$0x0];
	_ =	sdelay $0x1  }
0x27: {  	v14 =	vld.idx.msk [tilespmem:v9+s12+$0x0], $0xffff  }
0x28: {  	v9 =	vadd.f32 v10, v11  }
0x29: {  	v11 =	vld.idx.msk [tilespmem:v1+s14+$0x0], $0xffff  }
0x2a: {  	v9 =	vadd.f32 v12, v9;
	_ =	sdelay $0x1  }
0x2b: {  	v9 =	vmul.f32 v9, v14;
	_ =	sdelay $0x1  }
0x2c: {  	v9 =	vadd.f32 v9, v11;
	_ =	sdelay $0x1  }
0x2d: {  	v9 =	vadd.f32 v9, v9;
	_ =	sdelay $0x1  }
0x2e: {  	v9 =	vmul.f32 $1.442695020e+00, v9;
	_ =	sdelay $0x1  }
0x2f: {  	(erf) = vpow2.f32 v9;
	_ =	sdelay $0x8  }
0x30: {  	v9 =	vpop (erf)  }
0x31: {  	v9 =	vadd.f32 $1.000000000e+00, v9;
	_ =	sdelay $0x1  }
0x32: {  	(erf) = vrcp.f32 v9;
	_ =	sdelay $0x8  }
0x33: {  	v9 =	vpop (erf)  }
0x34: {  	v9 =	vadd.f32 v9, v9  }
0x35: {  	v13 =	vld.idx.msk [tilespmem:v1+s13+$0x0], $0xffff  }
0x36: {  	v15 =	vsub.f32 $1.000000000e+00, v9  }
0x37: {  	v12 =	vld.idx.msk [tilespmem:v3+s13+$0x0], $0xffff  }
0x38: {  	v10 =	vperm.xlane v15, v2  }
0x39: {  	v9 =	vld.idx.msk [tilespmem:v4+s13+$0x0], $0xffff  }
0x3a: {  	v17 =	vperm.xlane v15, v6;
	v16 =	vmul.f32 v10, v13  }
0x3b: {  	v10 =	vld.idx.msk [tilespmem:v5+s13+$0x0], $0xffff  }
0x3c: {  	v18 =	vperm.xlane v15, v7;
	v17 =	vmul.f32 v17, v12;
	v16 =	vadd.f32 $0.0e+00, v16;
	_ =	sdelay $0x1  }
0x3d: {  	v15 =	vperm.xlane v15, v8;
	v63 =	vmul.f32 v18, v9;
	v16 =	vadd.f32 v17, v16;
	_ =	sdelay $0x1  }
0x3e: {  	v15 =	vmul.f32 v15, v10;
	v16 =	vadd.f32 v63, v16;
	_ =	sdelay $0x1  }
0x3f: {  	v15 =	vadd.f32 v15, v16;
	_ =	sdelay $0x1  }
0x40: {  	v15 =	vmul.f32 v15, v14  }
0x41: {  	s18 =	simm.s32 $0x2;
	s19 =	simm.s32 $0x6210  }
0x42: {  	s20 =	simm.s32 $0x0;
	s17 =	simm.s32 $0x4;
	v14 =	vor.u32 s18, v0;
	s18 =	simm.s32 $0xC400;
	[tilespmem:s15+$0x0] =	vst v15  }
.LBB2_2:
0x43: {  	p0 =	sne.s32 s17, $0xC3E;
	v15 =	vld [tilespmem:s19+$0x0];
	s20 =	sadd.s32 $0x10, s20  }
0x44: {  	v16 =	vld [tilespmem:s20+$0x0]  }
0x45: {  	s18 =	sadd.s32 $0x10, s18  }
0x46: {  	v17 =	vld [tilespmem:s18+$0x0]  }
0x47: {  	v14 =	vld.idx.msk [tilespmem:v14+s12+$0x0], $0xffff;
	_ =	sdelay $0x1  }
0x48: {  	v15 =	vadd.f32 v15, v16;
	_ =	sdelay $0x1  }
0x49: {  	v15 =	vadd.f32 v17, v15;
	_ =	sdelay $0x1  }
0x4a: {  	v15 =	vmul.f32 v15, v14;
	_ =	sdelay $0x1  }
0x4b: {  	v15 =	vadd.f32 v15, v11;
	_ =	sdelay $0x1  }
0x4c: {  	v15 =	vadd.f32 v15, v15;
	_ =	sdelay $0x1  }
0x4d: {  	v15 =	vmul.f32 $1.442695020e+00, v15;
	_ =	sdelay $0x1  }
0x4e: {  	(erf) = vpow2.f32 v15;
	_ =	sdelay $0x8  }
0x4f: {  	v15 =	vpop (erf)  }
0x50: {  	v15 =	vadd.f32 $1.000000000e+00, v15;
	_ =	sdelay $0x1  }
0x51: {  	(erf) = vrcp.f32 v15;
	_ =	sdelay $0x8  }
0x52: {  	v15 =	vpop (erf)  }
0x53: {  	v15 =	vadd.f32 v15, v15;
	_ =	sdelay $0x1  }
0x54: {  	v15 =	vsub.f32 $1.000000000e+00, v15;
	_ =	sdelay $0x1  }
0x55: {  	v16 =	vperm.xlane v15, v2;
	_ =	sdelay $0x1  }
0x56: {  	v17 =	vperm.xlane v15, v6;
	v16 =	vmul.f32 v16, v13;
	_ =	sdelay $0x1  }
0x57: {  	v18 =	vperm.xlane v15, v7;
	v17 =	vmul.f32 v17, v12;
	v16 =	vadd.f32 $0.0e+00, v16;
	_ =	sdelay $0x1  }
0x58: {  	v15 =	vperm.xlane v15, v8;
	v16 =	vadd.f32 v17, v16;
	v17 =	vmul.f32 v18, v9;
	_ =	sdelay $0x1  }
0x59: {  	v15 =	vmul.f32 v15, v10;
	v16 =	vadd.f32 v17, v16;
	_ =	sdelay $0x1  }
.Ltmp0:
0x5a: {  	v15 =	vadd.f32 v15, v16;
	(pc) =	sbr.rel @p0 .LBB2_2-.Ltmp0, $3  }
0x5b: {  	_ = 	snop  }
0x5c: {  	v15 =	vmul.f32 v15, v14;
	_ =	sdelay $0x1  }
0x5d: {  	s19 =	sadd.s32 $0x10, s19;
	v14 =	vor.u32 s17, v0;
	s17 =	sadd.s32 $0x2, s17;
	[tilespmem:s18+$0x0] =	vst v15  }
0x5e: {  	v15 =	vld [tilespmem:s19+$0x0];
	s17 =	sadd.s32 $0x10, s20  }
0x5f: {  	v16 =	vld [tilespmem:s17+$0x0]  }
0x60: {  	s31 =	sadd.s32 $0x10, s18  }
0x61: {  	v17 =	vld [tilespmem:s31+$0x0];
	_ =	sdelay $0x1  }
0x62: {  	v14 =	vld.idx.msk [tilespmem:v14+s12+$0x0], $0xffff  }
0x63: {  	v15 =	vadd.f32 v15, v16;
	_ =	sdelay $0x1  }
0x64: {  	v15 =	vadd.f32 v17, v15;
	_ =	sdelay $0x1  }
0x65: {  	v15 =	vmul.f32 v15, v14;
	_ =	sdelay $0x1  }
0x66: {  	v11 =	vadd.f32 v15, v11;
	_ =	sdelay $0x1  }
0x67: {  	v11 =	vadd.f32 v11, v11;
	_ =	sdelay $0x1  }
0x68: {  	v11 =	vmul.f32 $1.442695020e+00, v11;
	_ =	sdelay $0x1  }
0x69: {  	(erf) = vpow2.f32 v11;
	_ =	sdelay $0x8  }
0x6a: {  	v11 =	vpop (erf)  }
0x6b: {  	v11 =	vadd.f32 $1.000000000e+00, v11;
	_ =	sdelay $0x1  }
0x6c: {  	(erf) = vrcp.f32 v11;
	_ =	sdelay $0x8  }
0x6d: {  	v11 =	vpop (erf)  }
0x6e: {  	v11 =	vadd.f32 v11, v11;
	_ =	sdelay $0x1  }
0x6f: {  	v11 =	vsub.f32 $1.000000000e+00, v11;
	_ =	sdelay $0x1  }
0x70: {  	v61 =	vperm.xlane v11, v2;
	_ =	sdelay $0x1  }
0x71: {  	v62 =	vperm.xlane v11, v6;
	v13 =	vmul.f32 v61, v13;
	_ =	sdelay $0x1  }
0x72: {  	v63 =	vperm.xlane v11, v7;
	v12 =	vmul.f32 v62, v12;
	v13 =	vadd.f32 $0.0e+00, v13;
	_ =	sdelay $0x1  }
0x73: {  	v11 =	vperm.xlane v11, v8;
	v9 =	vmul.f32 v63, v9;
	v12 =	vadd.f32 v12, v13;
	_ =	sdelay $0x1  }
0x74: {  	v10 =	vmul.f32 v11, v10;
	v9 =	vadd.f32 v9, v12;
	_ =	sdelay $0x1  }
0x75: {  	v9 =	vadd.f32 v10, v9;
	_ =	sdelay $0x1  }
0x76: {  	s16 =	sadd.s32 $0x1, s16;
	v9 =	vmul.f32 v9, v14  }
0x77: {  	p0 =	sne.s32 s16, s10  }
.Ltmp1:
0x78: {  	[tilespmem:s31+$0x0] =	vst v9;
	(pc) =	sbr.rel @p0 .LBB2_1-.Ltmp1, $4  }
0x79: {  	[hbm4b:s9+s2] =	stream.linear.scatter [tilespmem:s15], [sflag:$0x1], $0x6200, $0x38;
	[tilespmem:$0x13270] =	vst v63  }
0x7a: {  	_ =	swait.ge [sflag:s11], $0x6200  }
0x7b: {  	[sflag:s11] =	ssyncset.done $0x0  }
0x7c: {  	[sflag:s11] =	ssyncadd.s32 $0xFFFF9E00  }
0x7d: {  	_ =	sfence.sel $0x180000  }
0x7e: {  	[bflag:$0x0] =	sbarrier.arrive $0xFFFF  }
0x7f: {  	p0 =	sne.s32 s0, $0x0;
	_ =	strace $0x90000050  }
0x80: {  	s0 =	sadd.s32 @!p0 $0x100000, s1;
	[bflag:$0x2] =	sbarrier.arrive $0xFFFF  }
0x81: {  	[sflag:s0] =	ssyncadd.tile.s32 @!p0 $0x1;
	_ =	shalt  }
.Lfunc_end2:
_tile_overlayer_lowered:
.L_overlay_start_2:
0x82: {  	(tag) =	ssettag $0x2  }
0x83: {  	s0 =	rddreg [dreg:$0x0];
	s2 =	stileid.u32  }
0x84: {  	s1 =	rddreg [dreg:$0x1];
	p0 =	sne.s32 s2, $0x0  }
0x85: {  	s3 =	rddreg [dreg:$0x2];
	[bflag:$0x3] =	sbarrier.arrive $0xFFFF;
	s2 =	simm.s32 @!p0 $0x1C01  }
0x86: {  	[timem:s3], [sflag:s2] =	dma.local @!p0 [hbm:s0], s1  }
0x87: {  	s0 =	simm.s32 @!p0 $0x1  }
0x88: {  	_ =	swait.ge @!p0 [sflag:s0], s1  }
0x89: {  	s1 =	ssub.s32 @!p0 $0x0, s1;
	[sflag:s0] =	ssyncset.done @!p0 $0x0  }
0x8a: {  	[sflag:s0] =	ssyncadd.s32 @!p0 s1  }
0x8b: {  	[bflag:$0x3] =	sbarrier.arrive $0xFFFF  }
0x8c: {  	_ =	shalt  }

// kernel: kernel.22.cloned.1.call-start
scs
__scs_entry_jumppad:
0x0: {  	(pc) =	sbr.rel $0x88, $3  }
0x1: {  	(tag) =	ssettag $0x0;
	lr =	simm.s32 $0x1  }
0x2: {  	[smem:$0x3F99] =	sst lr;
	_ =	strace $0xD0000000  }
0x3: {  	_ = 	snop  }
0x4: {  	_ = 	snop  }
0x5: {  	_ = 	snop  }
0x6: {  	_ = 	snop  }
0x7: {  	_ = 	snop  }
__scs_overlays_trampoline_lowered:
0x8: {  	[smem:$0x3FA8] =	sst s0  }
0x9: {  	[smem:$0x3FA9] =	sst s1  }
0xa: {  	[smem:$0x3FAA] =	sst s2  }
0xb: {  	[smem:$0x3FAB] =	sst s3  }
0xc: {  	[smem:$0x3FAC] =	sst s4  }
0xd: {  	[smem:$0x3FAD] =	sst s5  }
0xe: {  	[smem:$0x3FAE] =	sst s6  }
0xf: {  	[smem:$0x3FAF] =	sst s7  }
0x10: {  	[smem:$0x3FB0] =	sst s8  }
0x11: {  	[smem:$0x3FB1] =	sst s9;
	s0 =	simm.s32 @!p0 $0x0  }
0x12: {  	s1 =	sld [smem:$0x3F97];
	s0 =	simm.s32 @p0 $0x1  }
0x13: {  	[smem:$0x3FB2] =	sst s0;
	s0 =	simm.s32 @!p1 $0x0  }
0x14: {  	s2 =	sld [smem:$0x3F96];
	s0 =	simm.s32 @p1 $0x1  }
0x15: {  	[smem:$0x3FB3] =	sst s0;
	s0 =	simm.s32 @!p2 $0x0  }
0x16: {  	s3 =	sld [smem:$0x3FDB];
	s0 =	simm.s32 @p2 $0x1  }
0x17: {  	s4 =	simm.s32 $0x1BF5;
	[smem:$0x3FB5] =	sst s0  }
0x18: {  	s0 =	sld [smem:$0x3F98];
	_ =	swait.ge [sflag:s4], $0x0  }
0x19: {  	s7 =	sld [smem:$0x3F99]  }
0x1a: {  	s8 =	sadd.s32 $0xFFFFE003, lr  }
0x1b: {  	s9 =	sadd.s32 $0xFFFFFEF7, lr;
	s5 =	simm.s32 $0xFFFFFFFF;
	p2 =	slt.u32 s8, $0xFFFFF086  }
0x1c: {  	p1 =	slt.u32 s9, $0xF7A;
	s5 =	simm.s32 @!p2 $0x0  }
0x1d: {  	s5 =	simm.s32 @p1 $0x1;
	p0 =	seq.s32 s7, s2  }
0x1e: {  	s7 =	smul.u32 @!p0 $0xF7A, s2;
	p2 =	seq.s32 @!p0 s5, $0x0  }
0x1f: {  	s9 =	smul.u32 $0xF7A, s1;
	s8 =	simm.s32 @!p0 $0x1BF5;
	p2 =	por !p2, p0  }
0x20: {  	[sflag:s8] =	ssyncset.s32 @!p0 $0xFFFFF086;
	s6 =	sadd.s32 @!p0 s3, s7;
	s7 =	simm.s32 @!p0 $0x108  }
0x21: {  	s3 =	sadd.s32 s3, s9;
	s6 =	sadd.s32 @!p0 $0x88, s6;
	s7 =	simm.s32 @p2 $0x1082  }
0x22: {  	[simem:s7], [sflag:s8] =	dma.local @!p0 [hbm:s6], $0xF7A  }
0x23: {  	s9 =	sor.u32 $0xD0000000, s2;
	s6 =	simm.s32 $0x108;
	_ =	swait.ge @!p0 [sflag:s8], $0x0  }
0x24: {  	s3 =	sadd.s32 $0x88, s3;
	s6 =	simm.s32 @!p1 $0x1082;
	[sflag:s4] =	ssyncset.s32 $0xFFFFF086  }
0x25: {  	[simem:s6], [sflag:s4] =	dma.local [hbm:s3], $0xF7A  }
0x26: {  	[smem:$0x3F99] =	sst s1;
	(tag) =	ssettag s2;
	_ =	strace s9  }
0x27: {  	s1 =	sld [smem:$0x3FA9]  }
0x28: {  	s2 =	sld [smem:$0x3FAA]  }
0x29: {  	s4 =	sld [smem:$0x3FAC]  }
0x2a: {  	p0 =	seq.s32 s5, $0x0;
	s5 =	sld [smem:$0x3FAD]  }
0x2b: {  	s6 =	sld [smem:$0x3FAE]  }
0x2c: {  	s7 =	sld [smem:$0x3FAF]  }
0x2d: {  	s3 =	simm.s32 $0x108;
	s8 =	sld [smem:$0x3FB0]  }
0x2e: {  	s3 =	simm.s32 @!p0 $0x1082;
	s9 =	sld [smem:$0x3FB1]  }
0x2f: {  	lr =	sadd.s32 s0, s3;
	s0 =	sld [smem:$0x3FA8]  }
0x30: {  	s3 =	sld [smem:$0x3FAB]  }
0x31: {  	[smem:$0x3FB4] =	sst s10  }
0x32: {  	s10 =	sld [smem:$0x3FB2];
	_ =	sdelay $0x3  }
0x33: {  	p0 =	seq.s32 s10, $0x1;
	s10 =	sld [smem:$0x3FB4];
	_ =	sdelay $0x3  }
0x34: {  	[smem:$0x3FB4] =	sst s10  }
0x35: {  	s10 =	sld [smem:$0x3FB3];
	_ =	sdelay $0x3  }
0x36: {  	p1 =	seq.s32 s10, $0x1;
	s10 =	sld [smem:$0x3FB4];
	_ =	sdelay $0x3  }
0x37: {  	[smem:$0x3FB4] =	sst s10  }
0x38: {  	s10 =	sld [smem:$0x3FB5]  }
0x39: {  	_ = 	snop;
	(pc) =	sbr.ind lr, $3  }
0x3a: {  	_ = 	snop  }
0x3b: {  	_ = 	snop  }
0x3c: {  	p2 =	seq.s32 s10, $0x1;
	s10 =	sld [smem:$0x3FB4]  }
0x3d: {  	_ =	shalt  }
0x3e: {  	_ =	shalt  }
0x3f: {  	_ =	shalt  }
0x40: {  	_ =	shalt  }
0x41: {  	_ =	shalt  }
0x42: {  	_ =	shalt  }
0x43: {  	_ =	shalt  }
0x44: {  	_ =	shalt  }
0x45: {  	_ =	shalt  }
0x46: {  	_ =	shalt  }
0x47: {  	_ =	shalt  }
0x48: {  	_ =	shalt  }
0x49: {  	_ =	shalt  }
0x4a: {  	_ =	shalt  }
0x4b: {  	_ =	shalt  }
0x4c: {  	_ =	shalt  }
0x4d: {  	_ =	shalt  }
0x4e: {  	_ =	shalt  }
0x4f: {  	_ =	shalt  }
0x50: {  	_ =	shalt  }
0x51: {  	_ =	shalt  }
0x52: {  	_ =	shalt  }
0x53: {  	_ =	shalt  }
0x54: {  	_ =	shalt  }
0x55: {  	_ =	shalt  }
0x56: {  	_ =	shalt  }
0x57: {  	_ =	shalt  }
0x58: {  	_ =	shalt  }
0x59: {  	_ =	shalt  }
0x5a: {  	_ =	shalt  }
0x5b: {  	_ =	shalt  }
0x5c: {  	_ =	shalt  }
0x5d: {  	_ =	shalt  }
0x5e: {  	_ =	shalt  }
0x5f: {  	_ =	shalt  }
0x60: {  	_ =	shalt  }
0x61: {  	_ =	shalt  }
0x62: {  	_ =	shalt  }
0x63: {  	_ =	shalt  }
0x64: {  	_ =	shalt  }
0x65: {  	_ =	shalt  }
0x66: {  	_ =	shalt  }
0x67: {  	_ =	shalt  }
0x68: {  	_ =	shalt  }
0x69: {  	_ =	shalt  }
0x6a: {  	_ =	shalt  }
0x6b: {  	_ =	shalt  }
0x6c: {  	_ =	shalt  }
0x6d: {  	_ =	shalt  }
0x6e: {  	_ =	shalt  }
0x6f: {  	_ =	shalt  }
0x70: {  	_ =	shalt  }
0x71: {  	_ =	shalt  }
0x72: {  	_ =	shalt  }
0x73: {  	_ =	shalt  }
0x74: {  	_ =	shalt  }
0x75: {  	_ =	shalt  }
0x76: {  	_ =	shalt  }
0x77: {  	_ =	shalt  }
0x78: {  	_ =	shalt  }
0x79: {  	_ =	shalt  }
0x7a: {  	_ =	shalt  }
0x7b: {  	_ =	shalt  }
0x7c: {  	_ =	shalt  }
0x7d: {  	_ =	shalt  }
0x7e: {  	_ =	shalt  }
0x7f: {  	_ =	shalt  }
0x80: {  	_ =	shalt  }
0x81: {  	_ =	shalt  }
0x82: {  	_ =	shalt  }
0x83: {  	_ =	shalt  }
0x84: {  	_ =	shalt  }
0x85: {  	_ =	shalt  }
0x86: {  	_ =	shalt  }
0x87: {  	_ =	shalt  }
.Lfunc_end0:
.L_simem_size_0:
called_computation.4_lowered:
.L_overlay_start_0:
0x88: {  	s2 =	sld [smem:$0x3FD9]  }
0x89: {  	s3 =	sld [smem:$0x3FFE];
	_ =	sdelay $0x1  }
0x8a: {  	s1 =	srdreg.scid  }
0x8b: {  	s0 =	sand.u32 $0x1, s1  }
0x8c: {  	s16 =	sshll.u32 s0, $0xA;
	s2 =	sadd.s32 s3, s2  }
0x8d: {  	s2 =	sadd.s32 s2, s16  }
0x8e: {  	[smem:$0x3FC0] =	sst s2  }
0x8f: {  	_ = 	snop  }
0x90: {  	(tm) =	ssettm $0x1  }
0x91: {  	s17 =	sld [smem:$0x3FFB];
	_ =	sdelay $0x3  }
0x92: {  	_ =	strace s17  }
0x93: {  	s2 =	sld [smem:$0x3FFC];
	_ =	sdelay $0x3  }
0x94: {  	_ =	strace s2  }
0x95: {  	s2 =	sld [smem:$0x3FFD];
	_ =	sdelay $0x3  }
0x96: {  	_ =	strace s2  }
0x97: {  	_ =	strace $0x8FFFFFFF  }
0x98: {  	s18 =	sld [smem:$0x3FDB];
	_ =	sdelay $0x1  }
0x99: {  	s19 =	simm.s32 $_scs_section_size  }
0x9a: {  	s4 =	simm.s32 $_size__tile_overlayer_lowered;
	s5 =	simm.s32 $_tile_overlayer_lowered  }
0x9b: {  	s22 =	simm.s32 $0x1BFF;
	s21 =	sshll.u32 s5, $0x1;
	s2 =	sadd.s32 s19, s18  }
0x9c: {  	s6 =	simm.s32 $0x0;
	s20 =	sshll.u32 s4, $0x1;
	s4 =	sadd.s32 s21, s2  }
0x9d: {  	[timem:s6], [sflag:s22] =	dma.local [hbm:s4], s20  }
0x9e: {  	_ =	swait.ge [sflag:s22], s20  }
0x9f: {  	s3 =	ssub.s32 $0x0, s20;
	[sflag:s22] =	ssyncset.done $0x0  }
0xa0: {  	[sflag:s22] =	ssyncadd.s32 s3;
	_ =	sdelay $0x1  }
0xa1: {  	s23 =	simm.s32 $0x1B8B  }
0xa2: {  	_ =	swait.ge [sflag:s23], $0x1  }
0xa3: {  	[sflag:s23] =	ssyncset.done $0x0  }
0xa4: {  	s25 =	simm.s32 $0x1B8E;
	s24 =	sld [smem:$0x3FFE];
	[sflag:s23] =	ssyncadd.s32 $0xFFFFFFFF  }
0xa5: {  	s26 =	simm.s32 $execute0_lowered;
	[smem:$0x3FD2] =	sst s25  }
0xa6: {  	s4 =	sshll.u32 s26, $0x1;
	_ =	strace $0x80000052;
	[dreg:$0x1] =	wrdreg $0xFFFFFFFF  }
0xa7: {  	s28 =	simm.s32 $_size_execute0_lowered;
	s2 =	sadd.s32 s2, s4;
	[dreg:$0x0] =	wrdreg $0x0  }
0xa8: {  	s4 =	sshll.u32 s28, $0x1;
	[dreg:$0x2] =	wrdreg s2  }
0xa9: {  	[dreg:$0x3] =	wrdreg s4  }
0xaa: {  	[dreg:$0x4] =	wrdreg $0xC0  }
0xab: {  	_ =	task [dreg:s6], $0x5FFFF  }
0xac: {  	[dreg:$0x1] =	wrdreg $0xFFFFFFFF  }
0xad: {  	[dreg:$0x0] =	wrdreg $0x60  }
0xae: {  	[dreg:$0x2] =	wrdreg s24  }
0xaf: {  	[dreg:$0x3] =	wrdreg $0x0  }
0xb0: {  	[dreg:$0x4] =	wrdreg $0x9  }
0xb1: {  	_ =	task.clear_ibuf [dreg:s6], $0x5FFFF;
	_ =	strace $0x90000052  }
0xb2: {  	s29 =	simm.s32 $0x9;
	_ =	strace $0x80000054  }
0xb3: {  	_ =	swait.ge [sflag:s29], $0x1  }
0xb4: {  	[sflag:s29] =	ssyncadd.s32 $0xFFFFFFFF  }
0xb5: {  	_ =	strace $0x90000054  }
0xb6: {  	_ =	sfence  }
0xb7: {  	s30 =	sld [smem:$0x0];
	_ =	sdelay $0x2  }
0xb8: {  	s31 =	sshll.u32 s1, $0xD;
	s1 =	sshrl.u32 s1, $0x2  }
0xb9: {  	s3 =	sand.u32 $0x4000, s31;
	s1 =	sadd.s32 s1, s30  }
0xba: {  	s0 =	sor.u32 s3, s0;
	s1 =	sshll.u32 s1, $0x11  }
0xbb: {  	s0 =	sor.u32 s1, s0  }
0xbc: {  	s0 =	sadd.s32 $0x8F2B, s0  }
0xbd: {  	[sflag:s0] =	ssyncadd.remote.s32 $0x1  }
0xbe: {  	_ =	sfence.sel $0xFFFF  }
0xbf: {  	[dreg:$0x0] =	wrdreg $0xFFFFFFFF;
	(pc) =	sbr.abs _section_cstart, $3  }
0xc0: {  	[dreg:$0x1] =	wrdreg $0xFFFFFFFF  }
0xc1: {  	_ =	task.clear_ibuf [dreg:s6], $0x2FFFF;
	_ =	strace $0x9FFFFFFF  }
0xc2: {  	(tm) =	ssettm $0x7FFFFFFF  }
0xc3: {  	_ =	shalt  }
tec
execute0_lowered:
.L_overlay_start_1:
0x0: {  	(tag) =	ssettag $0x1  }
0x1: {  	s0 =	rddreg [dreg:$0x0]  }
0x2: {  	s2 =	rddreg [dreg:$0x1];
	s3 =	simm.s32 $0x0  }
0x3: {  	s13 =	stileid.u32;
	s1 =	srdreg.scid;
	s19 =	simm.s32 $0x4  }
0x4: {  	s20 =	simm.s32 $0xC400;
	s28 =	simm.s32 $0x121C0;
	s29 =	simm.s32 $0x2  }
0x5: {  	s30 =	simm.s32 $0x3;
	s31 =	simm.s32 $0x0;
	[smem:$0x7FF] =	sst s3  }
0x6: {  	s7 =	smul.u32 $0xC400, s13;
	s1 =	sand.u32 $0x1, s1;
	s4 =	sadd.s32 $0x1EBA00, s0  }
0x7: {  	s5 =	sadd.s32 $0x2A00, s0;
	s6 =	sadd.s32 $0xC6000, s0;
	s12 =	smul.u32 $0x61A80, s13  }
0x8: {  	s10 =	sshll.u32 s13, $0x1;
	s22 =	sshll.u32 s13, $0x6;
	s8 =	smul.u32 $0xC4000, s1  }
0x9: {  	s10 =	sor.u32 s1, s10;
	s11 =	ssub.s32 $0x2, s1;
	s1 =	smul.u32 $0x30D40, s1  }
0xa: {  	_ =	strace $0x80000053;
	s9 =	sshrl.u32 s7, $0x3;
	s10 =	smul.u32 $0x30D40, s10  }
0xb: {  	s21 =	sshrl.u32 s11, $0x1;
	s18 =	sadd.s32 s7, s2;
	s9 =	sadd.s32 s9, s0  }
0xc: {  	s8 =	sadd.s32 s7, s8;
	s11 =	ssub.s32 s11, s21;
	s1 =	sadd.s32 s1, s12  }
0xd: {  	s18 =	sshrl.u32 s18, $0x3;
	s21 =	simm.s32 $0xD3A0;
	s8 =	sshrl.u32 s8, $0x3  }
0xe: {  	s23 =	sadd.s32 $0x189600, s9;
	s24 =	sshrl.u32 s10, $0x3;
	s25 =	smax.u32 s11, $0x1  }
0xf: {  	s26 =	sadd.s32 $0x1770, s1;
	s17 =	sadd.s32 $0xFA0, s1;
	[dreg:$0x3] =	wrdreg s23  }
0x10: {  	s0 =	sadd.s32 s8, s0;
	s8 =	sor.u32 $0x1C04, s22;
	[dreg:$0x5] =	wrdreg s25  }
0x11: {  	s11 =	sadd.s32 s5, s24;
	s12 =	sadd.s32 s6, s24;
	s16 =	sshrl.u32 s26, $0x3  }
0x12: {  	s22 =	simm.s32 $0x7D0;
	s23 =	simm.s32 $0xE340;
	s25 =	simm.s32 $0xCBD0  }
0x13: {  	s26 =	simm.s32 $0xDB70;
	s0 =	sadd.s32 $0x1A1E00, s0;
	s15 =	sadd.s32 s16, s6  }
0x14: {  	s16 =	sadd.s32 s16, s5;
	[dreg:$0x4] =	wrdreg s0;
	s0 =	sadd.s32 $0xFA, s24  }
0x15: {  	s24 =	simm.s32 $0x1;
	s13 =	sadd.s32 s5, s0;
	s14 =	sadd.s32 s6, s0  }
.LBB2_1:
0x16: {  	s0 =	rddreg [dreg:$0x3]  }
0x17: {  	[spmem:s18], [sflag:s8] =	dma.local [hbm:s0], $0x1880  }
0x18: {  	_ =	swait.ge [sflag:s19], $0x1880  }
0x19: {  	[sflag:s19] =	ssyncset.done $0x0  }
0x1a: {  	[sflag:s19] =	ssyncadd.s32 $0xFFFFE780  }
0x1b: {  	[bflag:$0x0] =	sbarrier.arrive $0xFFFF  }
0x1c: {  	[tilespmem:s20], [sflag:$0x4] =	stream.linear.gather [hbm4b:s11+s3], $0x7D0, $0x38;
	[tilespmem:$0x16040] =	vst v63  }
0x1d: {  	_ =	swait.ge [sflag:s19], $0x7D0  }
0x1e: {  	[sflag:s19] =	ssyncset.done $0x0  }
0x1f: {  	[sflag:s19] =	ssyncadd.s32 $0xFFFFF830  }
0x20: {  	[tilespmem:s21], [sflag:$0x4] =	stream.linear.gather [hbm4b:s12+s3], $0x7D0, $0x38;
	[tilespmem:$0x16040] =	vst v63  }
0x21: {  	_ =	swait.ge [sflag:s19], $0x7D0  }
0x22: {  	[sflag:s19] =	ssyncset.done $0x0  }
0x23: {  	[sflag:s19] =	ssyncadd.s32 $0xFFFFF830  }
0x24: {  	[tilespmem:s23], [sflag:$0x1] =	stream.indirect.gather [hbm4b:s4+s22], $0x8, s20, s22, $0xb8;
	[tilespmem:$0x16040] =	vst v63  }
0x25: {  	_ =	swait.ge [sflag:s24], $0x3E80  }
0x26: {  	[sflag:s24] =	ssyncset.done $0x0  }
0x27: {  	[sflag:s24] =	ssyncadd.s32 $0xFFFFC180  }
0x28: {  	[spmem:s2] =	stream.indirect.scatter.add.f32 [tilespmem:s23], [sflag:$0x2], $0x8, s21, s22, $0xb8;
	[tilespmem:$0x16040] =	vst v63  }
0x29: {  	_ = 	snop  }
0x2a: {  	[tilespmem:s25], [sflag:$0x4] =	stream.linear.gather [hbm4b:s13+s3], $0x7D0, $0x38;
	[tilespmem:$0x16040] =	vst v63  }
0x2b: {  	_ =	swait.ge [sflag:s19], $0x7D0  }
0x2c: {  	[sflag:s19] =	ssyncset.done $0x0  }
0x2d: {  	[sflag:s19] =	ssyncadd.s32 $0xFFFFF830  }
0x2e: {  	[tilespmem:s26], [sflag:$0x4] =	stream.linear.gather [hbm4b:s14+s3], $0x7D0, $0x38;
	[tilespmem:$0x16040] =	vst v63  }
0x2f: {  	_ =	swait.ge [sflag:s19], $0x7D0  }
0x30: {  	[sflag:s19] =	ssyncset.done $0x0  }
0x31: {  	[sflag:s19] =	ssyncadd.s32 $0xFFFFF830  }
0x32: {  	[tilespmem:s28], [sflag:$0x1] =	stream.indirect.gather [hbm4b:s4+s22], $0x8, s25, s22, $0xb8;
	[tilespmem:$0x16040] =	vst v63  }
0x33: {  	_ =	swait.ge [sflag:s24], $0x3E80  }
0x34: {  	[sflag:s24] =	ssyncset.done $0x0  }
0x35: {  	[sflag:s24] =	ssyncadd.s32 $0xFFFFC180  }
0x36: {  	[spmem:s2] =	stream.indirect.scatter.add.f32 [tilespmem:s28], [sflag:$0x3], $0x8, s26, s22, $0xb8;
	[tilespmem:$0x16040] =	vst v63  }
0x37: {  	_ =	swait.ge [sflag:s29], $0x3E80  }
0x38: {  	s7 =	sshrl.u32 s17, $0x3;
	[sflag:s29] =	ssyncset.done $0x0  }
0x39: {  	s1 =	sadd.s32 s5, s7;
	[sflag:s29] =	ssyncadd.s32 $0xFFFFC180  }
0x3a: {  	[tilespmem:s20], [sflag:$0x4] =	stream.linear.gather [hbm4b:s1+s3], $0x7D0, $0x38;
	[tilespmem:$0x16040] =	vst v63  }
0x3b: {  	_ =	swait.ge [sflag:s19], $0x7D0  }
0x3c: {  	[sflag:s19] =	ssyncset.done $0x0  }
0x3d: {  	s0 =	sadd.s32 s6, s7;
	[sflag:s19] =	ssyncadd.s32 $0xFFFFF830  }
0x3e: {  	[tilespmem:s21], [sflag:$0x4] =	stream.linear.gather [hbm4b:s0+s3], $0x7D0, $0x38;
	[tilespmem:$0x16040] =	vst v63  }
0x3f: {  	_ =	swait.ge [sflag:s19], $0x7D0  }
0x40: {  	[sflag:s19] =	ssyncset.done $0x0  }
0x41: {  	[sflag:s19] =	ssyncadd.s32 $0xFFFFF830  }
0x42: {  	[tilespmem:s23], [sflag:$0x1] =	stream.indirect.gather [hbm4b:s4+s22], $0x8, s20, s22, $0xb8;
	[tilespmem:$0x16040] =	vst v63  }
0x43: {  	_ =	swait.ge [sflag:s24], $0x3E80  }
0x44: {  	[sflag:s24] =	ssyncset.done $0x0  }
0x45: {  	[sflag:s24] =	ssyncadd.s32 $0xFFFFC180  }
0x46: {  	[spmem:s2] =	stream.indirect.scatter.add.f32 [tilespmem:s23], [sflag:$0x2], $0x8, s21, s22, $0xb8;
	[tilespmem:$0x16040] =	vst v63  }
0x47: {  	_ =	swait.ge [sflag:s30], $0x3E80  }
0x48: {  	[sflag:s30] =	ssyncset.done $0x0  }
0x49: {  	s9 =	sadd.s32 $0x0, s16;
	[sflag:s30] =	ssyncadd.s32 $0xFFFFC180  }
0x4a: {  	[tilespmem:s25], [sflag:$0x4] =	stream.linear.gather [hbm4b:s9+s3], $0x7D0, $0x38;
	[tilespmem:$0x16040] =	vst v63  }
0x4b: {  	_ =	swait.ge [sflag:s19], $0x7D0  }
0x4c: {  	[sflag:s19] =	ssyncset.done $0x0  }
0x4d: {  	s10 =	sadd.s32 $0x0, s15;
	[sflag:s19] =	ssyncadd.s32 $0xFFFFF830  }
0x4e: {  	[tilespmem:s26], [sflag:$0x4] =	stream.linear.gather [hbm4b:s10+s3], $0x7D0, $0x38;
	[tilespmem:$0x16040] =	vst v63  }
0x4f: {  	_ =	swait.ge [sflag:s19], $0x7D0  }
0x50: {  	[sflag:s19] =	ssyncset.done $0x0  }
0x51: {  	[sflag:s19] =	ssyncadd.s32 $0xFFFFF830  }
0x52: {  	[tilespmem:s28], [sflag:$0x1] =	stream.indirect.gather [hbm4b:s4+s22], $0x8, s25, s22, $0xb8;
	[tilespmem:$0x16040] =	vst v63  }
0x53: {  	_ =	swait.ge [sflag:s24], $0x3E80  }
0x54: {  	[sflag:s24] =	ssyncset.done $0x0  }
0x55: {  	s1 =	sadd.s32 $0xFA0, s17;
	s0 =	simm.s32 $0x1F4;
	[sflag:s24] =	ssyncadd.s32 $0xFFFFC180  }
.LBB2_2:
0x56: {  	[spmem:s2] =	stream.indirect.scatter.add.f32 [tilespmem:s28], [sflag:$0x3], $0x8, s26, s22, $0xb8;
	[tilespmem:$0x16040] =	vst v63  }
0x57: {  	s7 =	smov.u32 s0  }
0x58: {  	p0 =	sne.s32 s0, $0x5DC0;
	s0 =	sadd.s32 $0x1F4, s0;
	_ =	swait.ge [sflag:s29], $0x3E80  }
0x59: {  	s9 =	sshrl.u32 s1, $0x3;
	[sflag:s29] =	ssyncset.done $0x0  }
0x5a: {  	s10 =	sadd.s32 s5, s9;
	[sflag:s29] =	ssyncadd.s32 $0xFFFFC180  }
0x5b: {  	[tilespmem:s20], [sflag:$0x4] =	stream.linear.gather [hbm4b:s10+s3], $0x7D0, $0x38;
	[tilespmem:$0x16040] =	vst v63  }
0x5c: {  	_ =	swait.ge [sflag:s19], $0x7D0  }
0x5d: {  	[sflag:s19] =	ssyncset.done $0x0  }
0x5e: {  	s9 =	sadd.s32 s6, s9;
	[sflag:s19] =	ssyncadd.s32 $0xFFFFF830  }
0x5f: {  	[tilespmem:s21], [sflag:$0x4] =	stream.linear.gather [hbm4b:s9+s3], $0x7D0, $0x38;
	[tilespmem:$0x16040] =	vst v63  }
0x60: {  	_ =	swait.ge [sflag:s19], $0x7D0  }
0x61: {  	[sflag:s19] =	ssyncset.done $0x0  }
0x62: {  	[sflag:s19] =	ssyncadd.s32 $0xFFFFF830  }
0x63: {  	[tilespmem:s23], [sflag:$0x1] =	stream.indirect.gather [hbm4b:s4+s22], $0x8, s20, s22, $0xb8;
	[tilespmem:$0x16040] =	vst v63  }
0x64: {  	_ =	swait.ge [sflag:s24], $0x3E80  }
0x65: {  	[sflag:s24] =	ssyncset.done $0x0  }
0x66: {  	[sflag:s24] =	ssyncadd.s32 $0xFFFFC180  }
0x67: {  	[spmem:s2] =	stream.indirect.scatter.add.f32 [tilespmem:s23], [sflag:$0x2], $0x8, s21, s22, $0xb8;
	[tilespmem:$0x16040] =	vst v63  }
0x68: {  	_ =	swait.ge [sflag:s30], $0x3E80  }
0x69: {  	[sflag:s30] =	ssyncset.done $0x0  }
0x6a: {  	s9 =	sadd.s32 s7, s16;
	[sflag:s30] =	ssyncadd.s32 $0xFFFFC180  }
0x6b: {  	[tilespmem:s25], [sflag:$0x4] =	stream.linear.gather [hbm4b:s9+s3], $0x7D0, $0x38;
	[tilespmem:$0x16040] =	vst v63  }
0x6c: {  	_ =	swait.ge [sflag:s19], $0x7D0  }
0x6d: {  	[sflag:s19] =	ssyncset.done $0x0  }
0x6e: {  	s7 =	sadd.s32 s7, s15;
	[sflag:s19] =	ssyncadd.s32 $0xFFFFF830  }
0x6f: {  	[tilespmem:s26], [sflag:$0x4] =	stream.linear.gather [hbm4b:s7+s3], $0x7D0, $0x38;
	[tilespmem:$0x16040] =	vst v63  }
0x70: {  	_ =	swait.ge [sflag:s19], $0x7D0  }
0x71: {  	[sflag:s19] =	ssyncset.done $0x0  }
.Ltmp0:
0x72: {  	[sflag:s19] =	ssyncadd.s32 $0xFFFFF830;
	(pc) =	sbr.rel @p0 .LBB2_2-.Ltmp0, $4  }
0x73: {  	[tilespmem:s28], [sflag:$0x1] =	stream.indirect.gather [hbm4b:s4+s22], $0x8, s25, s22, $0xb8;
	[tilespmem:$0x16040] =	vst v63  }
0x74: {  	_ =	swait.ge [sflag:s24], $0x3E80  }
0x75: {  	[sflag:s24] =	ssyncset.done $0x0  }
0x76: {  	s1 =	sadd.s32 $0xFA0, s1;
	[sflag:s24] =	ssyncadd.s32 $0xFFFFC180  }
0x77: {  	[spmem:s2] =	stream.indirect.scatter.add.f32 [tilespmem:s28], [sflag:$0x3], $0x8, s26, s22, $0xb8;
	[tilespmem:$0x16040] =	vst v63  }
0x78: {  	_ =	swait.ge [sflag:s29], $0x3E80  }
0x79: {  	[sflag:s29] =	ssyncset.done $0x0  }
0x7a: {  	[sflag:s29] =	ssyncadd.s32 $0xFFFFC180  }
0x7b: {  	_ =	swait.ge [sflag:s30], $0x3E80  }
0x7c: {  	[sflag:s30] =	ssyncset.done $0x0  }
0x7d: {  	[sflag:s30] =	ssyncadd.s32 $0xFFFFC180  }
0x7e: {  	[bflag:$0x0] =	sbarrier.arrive $0xFFFF  }
0x7f: {  	s0 =	rddreg [dreg:$0x4]  }
0x80: {  	[hbm:s0], [sflag:s8] =	dma.local [spmem:s18], $0x1880  }
0x81: {  	_ =	swait.ge [sflag:s19], $0x1880  }
0x82: {  	s31 =	sadd.s32 $0x1, s31;
	s10 =	rddreg [dreg:$0x5]  }
0x83: {  	p0 =	sne.s32 s31, s10  }
.Ltmp1:
0x84: {  	_ = 	snop;
	(pc) =	sbr.rel @p0 .LBB2_1-.Ltmp1, $3  }
0x85: {  	_ =	sdelay $0x1  }
0x86: {  	[sflag:s19] =	ssyncset.done $0x0  }
0x87: {  	[sflag:s19] =	ssyncadd.s32 $0xFFFFE780  }
0x88: {  	_ =	sfence.sel $0x180000  }
0x89: {  	[bflag:$0x0] =	sbarrier.arrive $0xFFFF  }
0x8a: {  	_ =	strace $0x90000053  }
0x8b: {  	s0 =	stileid.u32;
	[bflag:$0x2] =	sbarrier.arrive $0xFFFF  }
0x8c: {  	p0 =	sne.s32 s0, $0x0;
	s0 =	rddreg [dreg:$0x2]  }
0x8d: {  	s0 =	sadd.s32 @!p0 $0x100000, s0  }
0x8e: {  	[sflag:s0] =	ssyncadd.tile.s32 @!p0 $0x1;
	_ =	shalt  }
.Lfunc_end2:
_tile_overlayer_lowered:
.L_overlay_start_2:
0x8f: {  	(tag) =	ssettag $0x2  }
0x90: {  	s0 =	rddreg [dreg:$0x0];
	s2 =	stileid.u32  }
0x91: {  	s1 =	rddreg [dreg:$0x1];
	p0 =	sne.s32 s2, $0x0  }
0x92: {  	s3 =	rddreg [dreg:$0x2];
	[bflag:$0x3] =	sbarrier.arrive $0xFFFF;
	s2 =	simm.s32 @!p0 $0x1C04  }
0x93: {  	[timem:s3], [sflag:s2] =	dma.local @!p0 [hbm:s0], s1  }
0x94: {  	s0 =	simm.s32 @!p0 $0x4  }
0x95: {  	_ =	swait.ge @!p0 [sflag:s0], s1  }
0x96: {  	s1 =	ssub.s32 @!p0 $0x0, s1;
	[sflag:s0] =	ssyncset.done @!p0 $0x0  }
0x97: {  	[sflag:s0] =	ssyncadd.s32 @!p0 s1  }
0x98: {  	[bflag:$0x3] =	sbarrier.arrive $0xFFFF  }
0x99: {  	_ =	shalt  }

// kernel: kernel.25.cloned.1.call-start
scs
__scs_entry_jumppad:
0x0: {  	(pc) =	sbr.rel $0x88, $3  }
0x1: {  	(tag) =	ssettag $0x0;
	lr =	simm.s32 $0x1  }
0x2: {  	[smem:$0x3F99] =	sst lr;
	_ =	strace $0xD0000000  }
0x3: {  	_ = 	snop  }
0x4: {  	_ = 	snop  }
0x5: {  	_ = 	snop  }
0x6: {  	_ = 	snop  }
0x7: {  	_ = 	snop  }
__scs_overlays_trampoline_lowered:
0x8: {  	[smem:$0x3FA8] =	sst s0  }
0x9: {  	[smem:$0x3FA9] =	sst s1  }
0xa: {  	[smem:$0x3FAA] =	sst s2  }
0xb: {  	[smem:$0x3FAB] =	sst s3  }
0xc: {  	[smem:$0x3FAC] =	sst s4  }
0xd: {  	[smem:$0x3FAD] =	sst s5  }
0xe: {  	[smem:$0x3FAE] =	sst s6  }
0xf: {  	[smem:$0x3FAF] =	sst s7  }
0x10: {  	[smem:$0x3FB0] =	sst s8  }
0x11: {  	[smem:$0x3FB1] =	sst s9;
	s0 =	simm.s32 @!p0 $0x0  }
0x12: {  	s1 =	sld [smem:$0x3F97];
	s0 =	simm.s32 @p0 $0x1  }
0x13: {  	[smem:$0x3FB2] =	sst s0;
	s0 =	simm.s32 @!p1 $0x0  }
0x14: {  	s2 =	sld [smem:$0x3F96];
	s0 =	simm.s32 @p1 $0x1  }
0x15: {  	[smem:$0x3FB3] =	sst s0;
	s0 =	simm.s32 @!p2 $0x0  }
0x16: {  	s3 =	sld [smem:$0x3FDB];
	s0 =	simm.s32 @p2 $0x1  }
0x17: {  	s4 =	simm.s32 $0x1BF5;
	[smem:$0x3FB5] =	sst s0  }
0x18: {  	s0 =	sld [smem:$0x3F98];
	_ =	swait.ge [sflag:s4], $0x0  }
0x19: {  	s7 =	sld [smem:$0x3F99]  }
0x1a: {  	s8 =	sadd.s32 $0xFFFFE003, lr  }
0x1b: {  	s9 =	sadd.s32 $0xFFFFFEF7, lr;
	s5 =	simm.s32 $0xFFFFFFFF;
	p2 =	slt.u32 s8, $0xFFFFF086  }
0x1c: {  	p1 =	slt.u32 s9, $0xF7A;
	s5 =	simm.s32 @!p2 $0x0  }
0x1d: {  	s5 =	simm.s32 @p1 $0x1;
	p0 =	seq.s32 s7, s2  }
0x1e: {  	s7 =	smul.u32 @!p0 $0xF7A, s2;
	p2 =	seq.s32 @!p0 s5, $0x0  }
0x1f: {  	s9 =	smul.u32 $0xF7A, s1;
	s8 =	simm.s32 @!p0 $0x1BF5;
	p2 =	por !p2, p0  }
0x20: {  	[sflag:s8] =	ssyncset.s32 @!p0 $0xFFFFF086;
	s6 =	sadd.s32 @!p0 s3, s7;
	s7 =	simm.s32 @!p0 $0x108  }
0x21: {  	s3 =	sadd.s32 s3, s9;
	s6 =	sadd.s32 @!p0 $0x88, s6;
	s7 =	simm.s32 @p2 $0x1082  }
0x22: {  	[simem:s7], [sflag:s8] =	dma.local @!p0 [hbm:s6], $0xF7A  }
0x23: {  	s9 =	sor.u32 $0xD0000000, s2;
	s6 =	simm.s32 $0x108;
	_ =	swait.ge @!p0 [sflag:s8], $0x0  }
0x24: {  	s3 =	sadd.s32 $0x88, s3;
	s6 =	simm.s32 @!p1 $0x1082;
	[sflag:s4] =	ssyncset.s32 $0xFFFFF086  }
0x25: {  	[simem:s6], [sflag:s4] =	dma.local [hbm:s3], $0xF7A  }
0x26: {  	[smem:$0x3F99] =	sst s1;
	(tag) =	ssettag s2;
	_ =	strace s9  }
0x27: {  	s1 =	sld [smem:$0x3FA9]  }
0x28: {  	s2 =	sld [smem:$0x3FAA]  }
0x29: {  	s4 =	sld [smem:$0x3FAC]  }
0x2a: {  	p0 =	seq.s32 s5, $0x0;
	s5 =	sld [smem:$0x3FAD]  }
0x2b: {  	s6 =	sld [smem:$0x3FAE]  }
0x2c: {  	s7 =	sld [smem:$0x3FAF]  }
0x2d: {  	s3 =	simm.s32 $0x108;
	s8 =	sld [smem:$0x3FB0]  }
0x2e: {  	s3 =	simm.s32 @!p0 $0x1082;
	s9 =	sld [smem:$0x3FB1]  }
0x2f: {  	lr =	sadd.s32 s0, s3;
	s0 =	sld [smem:$0x3FA8]  }
0x30: {  	s3 =	sld [smem:$0x3FAB]  }
0x31: {  	[smem:$0x3FB4] =	sst s10  }
0x32: {  	s10 =	sld [smem:$0x3FB2];
	_ =	sdelay $0x3  }
0x33: {  	p0 =	seq.s32 s10, $0x1;
	s10 =	sld [smem:$0x3FB4];
	_ =	sdelay $0x3  }
0x34: {  	[smem:$0x3FB4] =	sst s10  }
0x35: {  	s10 =	sld [smem:$0x3FB3];
	_ =	sdelay $0x3  }
0x36: {  	p1 =	seq.s32 s10, $0x1;
	s10 =	sld [smem:$0x3FB4];
	_ =	sdelay $0x3  }
0x37: {  	[smem:$0x3FB4] =	sst s10  }
0x38: {  	s10 =	sld [smem:$0x3FB5]  }
0x39: {  	_ = 	snop;
	(pc) =	sbr.ind lr, $3  }
0x3a: {  	_ = 	snop  }
0x3b: {  	_ = 	snop  }
0x3c: {  	p2 =	seq.s32 s10, $0x1;
	s10 =	sld [smem:$0x3FB4]  }
0x3d: {  	_ =	shalt  }
0x3e: {  	_ =	shalt  }
0x3f: {  	_ =	shalt  }
0x40: {  	_ =	shalt  }
0x41: {  	_ =	shalt  }
0x42: {  	_ =	shalt  }
0x43: {  	_ =	shalt  }
0x44: {  	_ =	shalt  }
0x45: {  	_ =	shalt  }
0x46: {  	_ =	shalt  }
0x47: {  	_ =	shalt  }
0x48: {  	_ =	shalt  }
0x49: {  	_ =	shalt  }
0x4a: {  	_ =	shalt  }
0x4b: {  	_ =	shalt  }
0x4c: {  	_ =	shalt  }
0x4d: {  	_ =	shalt  }
0x4e: {  	_ =	shalt  }
0x4f: {  	_ =	shalt  }
0x50: {  	_ =	shalt  }
0x51: {  	_ =	shalt  }
0x52: {  	_ =	shalt  }
0x53: {  	_ =	shalt  }
0x54: {  	_ =	shalt  }
0x55: {  	_ =	shalt  }
0x56: {  	_ =	shalt  }
0x57: {  	_ =	shalt  }
0x58: {  	_ =	shalt  }
0x59: {  	_ =	shalt  }
0x5a: {  	_ =	shalt  }
0x5b: {  	_ =	shalt  }
0x5c: {  	_ =	shalt  }
0x5d: {  	_ =	shalt  }
0x5e: {  	_ =	shalt  }
0x5f: {  	_ =	shalt  }
0x60: {  	_ =	shalt  }
0x61: {  	_ =	shalt  }
0x62: {  	_ =	shalt  }
0x63: {  	_ =	shalt  }
0x64: {  	_ =	shalt  }
0x65: {  	_ =	shalt  }
0x66: {  	_ =	shalt  }
0x67: {  	_ =	shalt  }
0x68: {  	_ =	shalt  }
0x69: {  	_ =	shalt  }
0x6a: {  	_ =	shalt  }
0x6b: {  	_ =	shalt  }
0x6c: {  	_ =	shalt  }
0x6d: {  	_ =	shalt  }
0x6e: {  	_ =	shalt  }
0x6f: {  	_ =	shalt  }
0x70: {  	_ =	shalt  }
0x71: {  	_ =	shalt  }
0x72: {  	_ =	shalt  }
0x73: {  	_ =	shalt  }
0x74: {  	_ =	shalt  }
0x75: {  	_ =	shalt  }
0x76: {  	_ =	shalt  }
0x77: {  	_ =	shalt  }
0x78: {  	_ =	shalt  }
0x79: {  	_ =	shalt  }
0x7a: {  	_ =	shalt  }
0x7b: {  	_ =	shalt  }
0x7c: {  	_ =	shalt  }
0x7d: {  	_ =	shalt  }
0x7e: {  	_ =	shalt  }
0x7f: {  	_ =	shalt  }
0x80: {  	_ =	shalt  }
0x81: {  	_ =	shalt  }
0x82: {  	_ =	shalt  }
0x83: {  	_ =	shalt  }
0x84: {  	_ =	shalt  }
0x85: {  	_ =	shalt  }
0x86: {  	_ =	shalt  }
0x87: {  	_ =	shalt  }
.Lfunc_end0:
.L_simem_size_0:
called_computation.5_lowered:
.L_overlay_start_0:
0x88: {  	s2 =	sld [smem:$0x3FD9]  }
0x89: {  	s3 =	sld [smem:$0x3FFE];
	_ =	sdelay $0x1  }
0x8a: {  	s1 =	srdreg.scid  }
0x8b: {  	s0 =	sand.u32 $0x1, s1  }
0x8c: {  	s17 =	sshll.u32 s0, $0xA;
	s2 =	sadd.s32 s3, s2  }
0x8d: {  	s2 =	sadd.s32 s2, s17  }
0x8e: {  	[smem:$0x3FC0] =	sst s2  }
0x8f: {  	_ = 	snop  }
0x90: {  	s2 =	sld [smem:$0x3FD0];
	(tm) =	ssettm $0x1  }
0x91: {  	s18 =	sld [smem:$0x3FFB];
	_ =	sdelay $0x3  }
0x92: {  	_ =	strace s18  }
0x93: {  	s3 =	sld [smem:$0x3FFC];
	_ =	sdelay $0x3  }
0x94: {  	_ =	strace s3  }
0x95: {  	s3 =	sld [smem:$0x3FFD];
	_ =	sdelay $0x3  }
0x96: {  	_ =	strace s3  }
0x97: {  	_ =	strace $0x8FFFFFFF  }
0x98: {  	s19 =	sld [smem:$0x3FDB];
	_ =	sdelay $0x1  }
0x99: {  	s4 =	simm.s32 $_scs_section_size  }
0x9a: {  	s5 =	simm.s32 $_size__tile_overlayer_lowered;
	s6 =	simm.s32 $_tile_overlayer_lowered  }
0x9b: {  	s22 =	simm.s32 $0x1BFF;
	s21 =	sshll.u32 s6, $0x1;
	s3 =	sadd.s32 s4, s19  }
0x9c: {  	s7 =	simm.s32 $0x0;
	s20 =	sshll.u32 s5, $0x1;
	s5 =	sadd.s32 s21, s3  }
0x9d: {  	[timem:s7], [sflag:s22] =	dma.local [hbm:s5], s20  }
0x9e: {  	_ =	swait.ge [sflag:s22], s20  }
0x9f: {  	s4 =	ssub.s32 $0x0, s20;
	[sflag:s22] =	ssyncset.done $0x0  }
0xa0: {  	[sflag:s22] =	ssyncadd.s32 s4;
	_ =	sdelay $0x1  }
0xa1: {  	s23 =	simm.s32 $0x1B8B  }
0xa2: {  	_ =	swait.ge [sflag:s23], $0x1  }
0xa3: {  	[sflag:s23] =	ssyncset.done $0x0  }
0xa4: {  	s25 =	simm.s32 $0x1B8E;
	s24 =	sld [smem:$0x3FFE];
	[sflag:s23] =	ssyncadd.s32 $0xFFFFFFFF  }
0xa5: {  	s26 =	simm.s32 $execute0_lowered;
	[smem:$0x3FD2] =	sst s25  }
0xa6: {  	s5 =	sshll.u32 s26, $0x1;
	_ =	strace $0x80000055;
	[dreg:$0x1] =	wrdreg $0xFFFFFFFF  }
0xa7: {  	s28 =	simm.s32 $_size_execute0_lowered;
	s3 =	sadd.s32 s3, s5;
	[dreg:$0x0] =	wrdreg $0x0  }
0xa8: {  	s5 =	sshll.u32 s28, $0x1;
	[dreg:$0x2] =	wrdreg s3  }
0xa9: {  	[dreg:$0x3] =	wrdreg s5  }
0xaa: {  	[dreg:$0x4] =	wrdreg $0xC0  }
0xab: {  	_ =	task [dreg:s7], $0x5FFFF  }
0xac: {  	[dreg:$0x1] =	wrdreg $0xFFFFFFFF  }
0xad: {  	[dreg:$0x0] =	wrdreg $0x60  }
0xae: {  	[dreg:$0x2] =	wrdreg s24  }
0xaf: {  	[dreg:$0x3] =	wrdreg s2  }
0xb0: {  	[dreg:$0x4] =	wrdreg $0x9  }
0xb1: {  	_ =	task.clear_ibuf [dreg:s7], $0x5FFFF;
	_ =	strace $0x90000055  }
0xb2: {  	s29 =	simm.s32 $0x9;
	_ =	strace $0x80000057  }
0xb3: {  	_ =	swait.ge [sflag:s29], $0x1  }
0xb4: {  	[sflag:s29] =	ssyncadd.s32 $0xFFFFFFFF  }
0xb5: {  	_ =	strace $0x90000057  }
0xb6: {  	_ =	sfence  }
0xb7: {  	s30 =	sld [smem:$0x0];
	_ =	sdelay $0x2  }
0xb8: {  	s31 =	sshll.u32 s1, $0xD;
	s1 =	sshrl.u32 s1, $0x2  }
0xb9: {  	s3 =	sand.u32 $0x4000, s31;
	s1 =	sadd.s32 s1, s30  }
0xba: {  	s0 =	sor.u32 s3, s0;
	s1 =	sshll.u32 s1, $0x11  }
0xbb: {  	s0 =	sor.u32 s1, s0  }
0xbc: {  	s0 =	sadd.s32 $0x8F2B, s0  }
0xbd: {  	[sflag:s0] =	ssyncadd.remote.s32 $0x1  }
0xbe: {  	_ =	sfence.sel $0xFFFF  }
0xbf: {  	[dreg:$0x0] =	wrdreg $0xFFFFFFFF;
	(pc) =	sbr.abs _section_cstart, $3  }
0xc0: {  	[dreg:$0x1] =	wrdreg $0xFFFFFFFF  }
0xc1: {  	_ =	task.clear_ibuf [dreg:s7], $0x2FFFF;
	_ =	strace $0x9FFFFFFF  }
0xc2: {  	(tm) =	ssettm $0x7FFFFFFF  }
0xc3: {  	_ =	shalt  }
tec
execute0_lowered:
.L_overlay_start_1:
0x0: {  	(tag) =	ssettag $0x1  }
0x1: {  	s1 =	srdreg.scid;
	s5 =	rddreg [dreg:$0x0]  }
0x2: {  	s0 =	stileid.u32;
	s8 =	rddreg [dreg:$0x1];
	s2 =	simm.s32 $0x0  }
0x3: {  	s12 =	simm.s32 $0x12600;
	s13 =	simm.s32 $0x13240;
	s14 =	simm.s32 $0x13260  }
0x4: {  	s15 =	simm.s32 $0xC400;
	s6 =	sand.u32 $0x1, s1;
	s31 =	sshll.u32 s0, $0x1  }
0x5: {  	s16 =	simm.s32 $0x0;
	s1 =	rddreg [dreg:$0x2];
	s7 =	sor.u32 s6, s31  }
0x6: {  	[smem:$0x7FF] =	sst s2;
	s6 =	ssub.s32 $0x2, s6;
	s4 =	smul.u32 $0x6200, s7  }
0x7: {  	v5 =	vlaneseq.u32;
	s3 =	sadd.s32 $0x1D3000, s5;
	s10 =	sshrl.u32 s6, $0x1;
	s11 =	smul.u32 $0x188, s7  }
0x8: {  	v0 =	vshrl.u32 v5, $0x3;
	_ =	strace $0x80000056;
	s10 =	ssub.s32 s6, s10;
	s9 =	sshrl.u32 s4, $0x3  }
0x9: {  	v1 =	vand.u32 $0x7, v5;
	v2 =	vmul.u32 $0x8, v0;
	s4 =	sadd.s32 $0x1D2E00, s5;
	s8 =	sadd.s32 s8, s11;
	s9 =	sadd.s32 s9, s5  }
0xa: {  	v5 =	vor.u32 $0x18, v5;
	v3 =	vor.u32 $0x8, v1;
	v4 =	vor.u32 $0x10, v1;
	s10 =	smax.u32 s10, $0x1;
	s5 =	sadd.s32 $0x1A1E00, s9;
	s6 =	sadd.s32 $0x1BA600, s9  }
0xb: {  	v6 =	vor.u32 $0x1, v2;
	v7 =	vor.u32 $0x2, v2;
	v8 =	vor.u32 $0x3, v2;
	s11 =	simm.s32 $0x1;
	s7 =	sadd.s32 $0x1EBA00, s9;
	s9 =	sadd.s32 $0x204200, s9  }
.LBB2_1:
0xc: {  	[tilespmem:s2], [sflag:$0x1] =	stream.linear.gather [hbm4b:s5+s2], $0x6200, $0x38;
	[tilespmem:$0x13270] =	vst v63  }
0xd: {  	_ =	swait.ge [sflag:s11], $0x6200  }
0xe: {  	[sflag:s11] =	ssyncset.done $0x0  }
0xf: {  	s17 =	simm.s32 $0x6200;
	[sflag:s11] =	ssyncadd.s32 $0xFFFF9E00  }
0x10: {  	[tilespmem:s17], [sflag:$0x1] =	stream.linear.gather [hbm4b:s6+s2], $0x6200, $0x38;
	[tilespmem:$0x13270] =	vst v63  }
0x11: {  	_ =	swait.ge [sflag:s11], $0x6200  }
0x12: {  	[sflag:s11] =	ssyncset.done $0x0  }
0x13: {  	[sflag:s11] =	ssyncadd.s32 $0xFFFF9E00  }
0x14: {  	[tilespmem:s15], [sflag:$0x1] =	stream.linear.gather [hbm4b:s7+s2], $0x6200, $0x38;
	[tilespmem:$0x13270] =	vst v63  }
0x15: {  	_ =	swait.ge [sflag:s11], $0x6200  }
0x16: {  	[sflag:s11] =	ssyncset.done $0x0  }
0x17: {  	[sflag:s11] =	ssyncadd.s32 $0xFFFF9E00  }
0x18: {  	[tilespmem:s12], [sflag:$0x1] =	stream.linear.gather [hbm4b:s8+s2], $0xC40, $0x38;
	[tilespmem:$0x13270] =	vst v63  }
0x19: {  	_ =	swait.ge [sflag:s11], $0xC40  }
0x1a: {  	[sflag:s11] =	ssyncset.done $0x0  }
0x1b: {  	[sflag:s11] =	ssyncadd.s32 $0xFFFFF3C0  }
0x1c: {  	[tilespmem:s13], [sflag:$0x1] =	stream.linear.gather [hbm4b:s3+s2], $0x20, $0x38;
	[tilespmem:$0x13270] =	vst v63  }
0x1d: {  	_ =	swait.ge [sflag:s11], $0x20  }
0x1e: {  	[sflag:s11] =	ssyncset.done $0x0  }
0x1f: {  	[sflag:s11] =	ssyncadd.s32 $0xFFFFFFE0  }
0x20: {  	[tilespmem:s14], [sflag:$0x1] =	stream.linear.gather [hbm4b:s4+s2], $0x10, $0x38;
	[tilespmem:$0x13270] =	vst v63  }
0x21: {  	_ =	swait.ge [sflag:s11], $0x10  }
0x22: {  	[sflag:s11] =	ssyncset.done $0x0  }
0x23: {  	[sflag:s11] =	ssyncadd.s32 $0xFFFFFFF0  }
0x24: {  	v9 =	vor.u32 s2, v0;
	v10 =	vld [tilespmem:s17+$0x0]  }
0x25: {  	v11 =	vld [tilespmem:s2+$0x0];
	_ =	sdelay $0x1  }
0x26: {  	v12 =	vld [tilespmem:s15+$0x0];
	_ =	sdelay $0x1  }
0x27: {  	v14 =	vld.idx.msk [tilespmem:v9+s12+$0x0], $0xffff  }
0x28: {  	v9 =	vadd.f32 v10, v11  }
0x29: {  	v11 =	vld.idx.msk [tilespmem:v1+s14+$0x0], $0xffff  }
0x2a: {  	v9 =	vadd.f32 v12, v9;
	_ =	sdelay $0x1  }
0x2b: {  	v9 =	vmul.f32 v9, v14;
	_ =	sdelay $0x1  }
0x2c: {  	v9 =	vadd.f32 v9, v11;
	_ =	sdelay $0x1  }
0x2d: {  	v9 =	vadd.f32 v9, v9;
	_ =	sdelay $0x1  }
0x2e: {  	v9 =	vmul.f32 $1.442695020e+00, v9;
	_ =	sdelay $0x1  }
0x2f: {  	(erf) = vpow2.f32 v9;
	_ =	sdelay $0x8  }
0x30: {  	v9 =	vpop (erf)  }
0x31: {  	v9 =	vadd.f32 $1.000000000e+00, v9;
	_ =	sdelay $0x1  }
0x32: {  	(erf) = vrcp.f32 v9;
	_ =	sdelay $0x8  }
0x33: {  	v9 =	vpop (erf)  }
0x34: {  	v9 =	vadd.f32 v9, v9  }
0x35: {  	v13 =	vld.idx.msk [tilespmem:v1+s13+$0x0], $0xffff  }
0x36: {  	v15 =	vsub.f32 $1.000000000e+00, v9  }
0x37: {  	v12 =	vld.idx.msk [tilespmem:v3+s13+$0x0], $0xffff  }
0x38: {  	v10 =	vperm.xlane v15, v2  }
0x39: {  	v9 =	vld.idx.msk [tilespmem:v4+s13+$0x0], $0xffff  }
0x3a: {  	v17 =	vperm.xlane v15, v6;
	v16 =	vmul.f32 v10, v13  }
0x3b: {  	v10 =	vld.idx.msk [tilespmem:v5+s13+$0x0], $0xffff  }
0x3c: {  	v18 =	vperm.xlane v15, v7;
	v17 =	vmul.f32 v17, v12;
	v16 =	vadd.f32 $0.0e+00, v16;
	_ =	sdelay $0x1  }
0x3d: {  	v15 =	vperm.xlane v15, v8;
	v63 =	vmul.f32 v18, v9;
	v16 =	vadd.f32 v17, v16;
	_ =	sdelay $0x1  }
0x3e: {  	v15 =	vmul.f32 v15, v10;
	v16 =	vadd.f32 v63, v16;
	_ =	sdelay $0x1  }
0x3f: {  	v15 =	vadd.f32 v15, v16;
	_ =	sdelay $0x1  }
0x40: {  	v15 =	vmul.f32 v15, v14  }
0x41: {  	s18 =	simm.s32 $0x2;
	s19 =	simm.s32 $0x6210  }
0x42: {  	s20 =	simm.s32 $0x0;
	s17 =	simm.s32 $0x4;
	v14 =	vor.u32 s18, v0;
	s18 =	simm.s32 $0xC400;
	[tilespmem:s15+$0x0] =	vst v15  }
.LBB2_2:
0x43: {  	p0 =	sne.s32 s17, $0xC3E;
	v15 =	vld [tilespmem:s19+$0x0];
	s20 =	sadd.s32 $0x10, s20  }
0x44: {  	v16 =	vld [tilespmem:s20+$0x0]  }
0x45: {  	s18 =	sadd.s32 $0x10, s18  }
0x46: {  	v17 =	vld [tilespmem:s18+$0x0]  }
0x47: {  	v14 =	vld.idx.msk [tilespmem:v14+s12+$0x0], $0xffff;
	_ =	sdelay $0x1  }
0x48: {  	v15 =	vadd.f32 v15, v16;
	_ =	sdelay $0x1  }
0x49: {  	v15 =	vadd.f32 v17, v15;
	_ =	sdelay $0x1  }
0x4a: {  	v15 =	vmul.f32 v15, v14;
	_ =	sdelay $0x1  }
0x4b: {  	v15 =	vadd.f32 v15, v11;
	_ =	sdelay $0x1  }
0x4c: {  	v15 =	vadd.f32 v15, v15;
	_ =	sdelay $0x1  }
0x4d: {  	v15 =	vmul.f32 $1.442695020e+00, v15;
	_ =	sdelay $0x1  }
0x4e: {  	(erf) = vpow2.f32 v15;
	_ =	sdelay $0x8  }
0x4f: {  	v15 =	vpop (erf)  }
0x50: {  	v15 =	vadd.f32 $1.000000000e+00, v15;
	_ =	sdelay $0x1  }
0x51: {  	(erf) = vrcp.f32 v15;
	_ =	sdelay $0x8  }
0x52: {  	v15 =	vpop (erf)  }
0x53: {  	v15 =	vadd.f32 v15, v15;
	_ =	sdelay $0x1  }
0x54: {  	v15 =	vsub.f32 $1.000000000e+00, v15;
	_ =	sdelay $0x1  }
0x55: {  	v16 =	vperm.xlane v15, v2;
	_ =	sdelay $0x1  }
0x56: {  	v17 =	vperm.xlane v15, v6;
	v16 =	vmul.f32 v16, v13;
	_ =	sdelay $0x1  }
0x57: {  	v18 =	vperm.xlane v15, v7;
	v17 =	vmul.f32 v17, v12;
	v16 =	vadd.f32 $0.0e+00, v16;
	_ =	sdelay $0x1  }
0x58: {  	v15 =	vperm.xlane v15, v8;
	v16 =	vadd.f32 v17, v16;
	v17 =	vmul.f32 v18, v9;
	_ =	sdelay $0x1  }
0x59: {  	v15 =	vmul.f32 v15, v10;
	v16 =	vadd.f32 v17, v16;
	_ =	sdelay $0x1  }
.Ltmp0:
0x5a: {  	v15 =	vadd.f32 v15, v16;
	(pc) =	sbr.rel @p0 .LBB2_2-.Ltmp0, $3  }
0x5b: {  	_ = 	snop  }
0x5c: {  	v15 =	vmul.f32 v15, v14;
	_ =	sdelay $0x1  }
0x5d: {  	s19 =	sadd.s32 $0x10, s19;
	v14 =	vor.u32 s17, v0;
	s17 =	sadd.s32 $0x2, s17;
	[tilespmem:s18+$0x0] =	vst v15  }
0x5e: {  	v15 =	vld [tilespmem:s19+$0x0];
	s17 =	sadd.s32 $0x10, s20  }
0x5f: {  	v16 =	vld [tilespmem:s17+$0x0]  }
0x60: {  	s31 =	sadd.s32 $0x10, s18  }
0x61: {  	v17 =	vld [tilespmem:s31+$0x0];
	_ =	sdelay $0x1  }
0x62: {  	v14 =	vld.idx.msk [tilespmem:v14+s12+$0x0], $0xffff  }
0x63: {  	v15 =	vadd.f32 v15, v16;
	_ =	sdelay $0x1  }
0x64: {  	v15 =	vadd.f32 v17, v15;
	_ =	sdelay $0x1  }
0x65: {  	v15 =	vmul.f32 v15, v14;
	_ =	sdelay $0x1  }
0x66: {  	v11 =	vadd.f32 v15, v11;
	_ =	sdelay $0x1  }
0x67: {  	v11 =	vadd.f32 v11, v11;
	_ =	sdelay $0x1  }
0x68: {  	v11 =	vmul.f32 $1.442695020e+00, v11;
	_ =	sdelay $0x1  }
0x69: {  	(erf) = vpow2.f32 v11;
	_ =	sdelay $0x8  }
0x6a: {  	v11 =	vpop (erf)  }
0x6b: {  	v11 =	vadd.f32 $1.000000000e+00, v11;
	_ =	sdelay $0x1  }
0x6c: {  	(erf) = vrcp.f32 v11;
	_ =	sdelay $0x8  }
0x6d: {  	v11 =	vpop (erf)  }
0x6e: {  	v11 =	vadd.f32 v11, v11;
	_ =	sdelay $0x1  }
0x6f: {  	v11 =	vsub.f32 $1.000000000e+00, v11;
	_ =	sdelay $0x1  }
0x70: {  	v61 =	vperm.xlane v11, v2;
	_ =	sdelay $0x1  }
0x71: {  	v62 =	vperm.xlane v11, v6;
	v13 =	vmul.f32 v61, v13;
	_ =	sdelay $0x1  }
0x72: {  	v63 =	vperm.xlane v11, v7;
	v12 =	vmul.f32 v62, v12;
	v13 =	vadd.f32 $0.0e+00, v13;
	_ =	sdelay $0x1  }
0x73: {  	v11 =	vperm.xlane v11, v8;
	v9 =	vmul.f32 v63, v9;
	v12 =	vadd.f32 v12, v13;
	_ =	sdelay $0x1  }
0x74: {  	v10 =	vmul.f32 v11, v10;
	v9 =	vadd.f32 v9, v12;
	_ =	sdelay $0x1  }
0x75: {  	v9 =	vadd.f32 v10, v9;
	_ =	sdelay $0x1  }
0x76: {  	s16 =	sadd.s32 $0x1, s16;
	v9 =	vmul.f32 v9, v14  }
0x77: {  	p0 =	sne.s32 s16, s10  }
.Ltmp1:
0x78: {  	[tilespmem:s31+$0x0] =	vst v9;
	(pc) =	sbr.rel @p0 .LBB2_1-.Ltmp1, $4  }
0x79: {  	[hbm4b:s9+s2] =	stream.linear.scatter [tilespmem:s15], [sflag:$0x1], $0x6200, $0x38;
	[tilespmem:$0x13270] =	vst v63  }
0x7a: {  	_ =	swait.ge [sflag:s11], $0x6200  }
0x7b: {  	[sflag:s11] =	ssyncset.done $0x0  }
0x7c: {  	[sflag:s11] =	ssyncadd.s32 $0xFFFF9E00  }
0x7d: {  	_ =	sfence.sel $0x180000  }
0x7e: {  	[bflag:$0x0] =	sbarrier.arrive $0xFFFF  }
0x7f: {  	p0 =	sne.s32 s0, $0x0;
	_ =	strace $0x90000056  }
0x80: {  	s0 =	sadd.s32 @!p0 $0x100000, s1;
	[bflag:$0x2] =	sbarrier.arrive $0xFFFF  }
0x81: {  	[sflag:s0] =	ssyncadd.tile.s32 @!p0 $0x1;
	_ =	shalt  }
.Lfunc_end2:
_tile_overlayer_lowered:
.L_overlay_start_2:
0x82: {  	(tag) =	ssettag $0x2  }
0x83: {  	s0 =	rddreg [dreg:$0x0];
	s2 =	stileid.u32  }
0x84: {  	s1 =	rddreg [dreg:$0x1];
	p0 =	sne.s32 s2, $0x0  }
0x85: {  	s3 =	rddreg [dreg:$0x2];
	[bflag:$0x3] =	sbarrier.arrive $0xFFFF;
	s2 =	simm.s32 @!p0 $0x1C01  }
0x86: {  	[timem:s3], [sflag:s2] =	dma.local @!p0 [hbm:s0], s1  }
0x87: {  	s0 =	simm.s32 @!p0 $0x1  }
0x88: {  	_ =	swait.ge @!p0 [sflag:s0], s1  }
0x89: {  	s1 =	ssub.s32 @!p0 $0x0, s1;
	[sflag:s0] =	ssyncset.done @!p0 $0x0  }
0x8a: {  	[sflag:s0] =	ssyncadd.s32 @!p0 s1  }
0x8b: {  	[bflag:$0x3] =	sbarrier.arrive $0xFFFF  }
0x8c: {  	_ =	shalt  }

// kernel: kernel.28.cloned.1.call-start
scs
__scs_entry_jumppad:
0x0: {  	(pc) =	sbr.rel $0x88, $3  }
0x1: {  	(tag) =	ssettag $0x0;
	lr =	simm.s32 $0x1  }
0x2: {  	[smem:$0x3F99] =	sst lr;
	_ =	strace $0xD0000000  }
0x3: {  	_ = 	snop  }
0x4: {  	_ = 	snop  }
0x5: {  	_ = 	snop  }
0x6: {  	_ = 	snop  }
0x7: {  	_ = 	snop  }
__scs_overlays_trampoline_lowered:
0x8: {  	[smem:$0x3FA8] =	sst s0  }
0x9: {  	[smem:$0x3FA9] =	sst s1  }
0xa: {  	[smem:$0x3FAA] =	sst s2  }
0xb: {  	[smem:$0x3FAB] =	sst s3  }
0xc: {  	[smem:$0x3FAC] =	sst s4  }
0xd: {  	[smem:$0x3FAD] =	sst s5  }
0xe: {  	[smem:$0x3FAE] =	sst s6  }
0xf: {  	[smem:$0x3FAF] =	sst s7  }
0x10: {  	[smem:$0x3FB0] =	sst s8  }
0x11: {  	[smem:$0x3FB1] =	sst s9;
	s0 =	simm.s32 @!p0 $0x0  }
0x12: {  	s1 =	sld [smem:$0x3F97];
	s0 =	simm.s32 @p0 $0x1  }
0x13: {  	[smem:$0x3FB2] =	sst s0;
	s0 =	simm.s32 @!p1 $0x0  }
0x14: {  	s2 =	sld [smem:$0x3F96];
	s0 =	simm.s32 @p1 $0x1  }
0x15: {  	[smem:$0x3FB3] =	sst s0;
	s0 =	simm.s32 @!p2 $0x0  }
0x16: {  	s3 =	sld [smem:$0x3FDB];
	s0 =	simm.s32 @p2 $0x1  }
0x17: {  	s4 =	simm.s32 $0x1BF5;
	[smem:$0x3FB5] =	sst s0  }
0x18: {  	s0 =	sld [smem:$0x3F98];
	_ =	swait.ge [sflag:s4], $0x0  }
0x19: {  	s7 =	sld [smem:$0x3F99]  }
0x1a: {  	s8 =	sadd.s32 $0xFFFFE003, lr  }
0x1b: {  	s9 =	sadd.s32 $0xFFFFFEF7, lr;
	s5 =	simm.s32 $0xFFFFFFFF;
	p2 =	slt.u32 s8, $0xFFFFF086  }
0x1c: {  	p1 =	slt.u32 s9, $0xF7A;
	s5 =	simm.s32 @!p2 $0x0  }
0x1d: {  	s5 =	simm.s32 @p1 $0x1;
	p0 =	seq.s32 s7, s2  }
0x1e: {  	s7 =	smul.u32 @!p0 $0xF7A, s2;
	p2 =	seq.s32 @!p0 s5, $0x0  }
0x1f: {  	s9 =	smul.u32 $0xF7A, s1;
	s8 =	simm.s32 @!p0 $0x1BF5;
	p2 =	por !p2, p0  }
0x20: {  	[sflag:s8] =	ssyncset.s32 @!p0 $0xFFFFF086;
	s6 =	sadd.s32 @!p0 s3, s7;
	s7 =	simm.s32 @!p0 $0x108  }
0x21: {  	s3 =	sadd.s32 s3, s9;
	s6 =	sadd.s32 @!p0 $0x88, s6;
	s7 =	simm.s32 @p2 $0x1082  }
0x22: {  	[simem:s7], [sflag:s8] =	dma.local @!p0 [hbm:s6], $0xF7A  }
0x23: {  	s9 =	sor.u32 $0xD0000000, s2;
	s6 =	simm.s32 $0x108;
	_ =	swait.ge @!p0 [sflag:s8], $0x0  }
0x24: {  	s3 =	sadd.s32 $0x88, s3;
	s6 =	simm.s32 @!p1 $0x1082;
	[sflag:s4] =	ssyncset.s32 $0xFFFFF086  }
0x25: {  	[simem:s6], [sflag:s4] =	dma.local [hbm:s3], $0xF7A  }
0x26: {  	[smem:$0x3F99] =	sst s1;
	(tag) =	ssettag s2;
	_ =	strace s9  }
0x27: {  	s1 =	sld [smem:$0x3FA9]  }
0x28: {  	s2 =	sld [smem:$0x3FAA]  }
0x29: {  	s4 =	sld [smem:$0x3FAC]  }
0x2a: {  	p0 =	seq.s32 s5, $0x0;
	s5 =	sld [smem:$0x3FAD]  }
0x2b: {  	s6 =	sld [smem:$0x3FAE]  }
0x2c: {  	s7 =	sld [smem:$0x3FAF]  }
0x2d: {  	s3 =	simm.s32 $0x108;
	s8 =	sld [smem:$0x3FB0]  }
0x2e: {  	s3 =	simm.s32 @!p0 $0x1082;
	s9 =	sld [smem:$0x3FB1]  }
0x2f: {  	lr =	sadd.s32 s0, s3;
	s0 =	sld [smem:$0x3FA8]  }
0x30: {  	s3 =	sld [smem:$0x3FAB]  }
0x31: {  	[smem:$0x3FB4] =	sst s10  }
0x32: {  	s10 =	sld [smem:$0x3FB2];
	_ =	sdelay $0x3  }
0x33: {  	p0 =	seq.s32 s10, $0x1;
	s10 =	sld [smem:$0x3FB4];
	_ =	sdelay $0x3  }
0x34: {  	[smem:$0x3FB4] =	sst s10  }
0x35: {  	s10 =	sld [smem:$0x3FB3];
	_ =	sdelay $0x3  }
0x36: {  	p1 =	seq.s32 s10, $0x1;
	s10 =	sld [smem:$0x3FB4];
	_ =	sdelay $0x3  }
0x37: {  	[smem:$0x3FB4] =	sst s10  }
0x38: {  	s10 =	sld [smem:$0x3FB5]  }
0x39: {  	_ = 	snop;
	(pc) =	sbr.ind lr, $3  }
0x3a: {  	_ = 	snop  }
0x3b: {  	_ = 	snop  }
0x3c: {  	p2 =	seq.s32 s10, $0x1;
	s10 =	sld [smem:$0x3FB4]  }
0x3d: {  	_ =	shalt  }
0x3e: {  	_ =	shalt  }
0x3f: {  	_ =	shalt  }
0x40: {  	_ =	shalt  }
0x41: {  	_ =	shalt  }
0x42: {  	_ =	shalt  }
0x43: {  	_ =	shalt  }
0x44: {  	_ =	shalt  }
0x45: {  	_ =	shalt  }
0x46: {  	_ =	shalt  }
0x47: {  	_ =	shalt  }
0x48: {  	_ =	shalt  }
0x49: {  	_ =	shalt  }
0x4a: {  	_ =	shalt  }
0x4b: {  	_ =	shalt  }
0x4c: {  	_ =	shalt  }
0x4d: {  	_ =	shalt  }
0x4e: {  	_ =	shalt  }
0x4f: {  	_ =	shalt  }
0x50: {  	_ =	shalt  }
0x51: {  	_ =	shalt  }
0x52: {  	_ =	shalt  }
0x53: {  	_ =	shalt  }
0x54: {  	_ =	shalt  }
0x55: {  	_ =	shalt  }
0x56: {  	_ =	shalt  }
0x57: {  	_ =	shalt  }
0x58: {  	_ =	shalt  }
0x59: {  	_ =	shalt  }
0x5a: {  	_ =	shalt  }
0x5b: {  	_ =	shalt  }
0x5c: {  	_ =	shalt  }
0x5d: {  	_ =	shalt  }
0x5e: {  	_ =	shalt  }
0x5f: {  	_ =	shalt  }
0x60: {  	_ =	shalt  }
0x61: {  	_ =	shalt  }
0x62: {  	_ =	shalt  }
0x63: {  	_ =	shalt  }
0x64: {  	_ =	shalt  }
0x65: {  	_ =	shalt  }
0x66: {  	_ =	shalt  }
0x67: {  	_ =	shalt  }
0x68: {  	_ =	shalt  }
0x69: {  	_ =	shalt  }
0x6a: {  	_ =	shalt  }
0x6b: {  	_ =	shalt  }
0x6c: {  	_ =	shalt  }
0x6d: {  	_ =	shalt  }
0x6e: {  	_ =	shalt  }
0x6f: {  	_ =	shalt  }
0x70: {  	_ =	shalt  }
0x71: {  	_ =	shalt  }
0x72: {  	_ =	shalt  }
0x73: {  	_ =	shalt  }
0x74: {  	_ =	shalt  }
0x75: {  	_ =	shalt  }
0x76: {  	_ =	shalt  }
0x77: {  	_ =	shalt  }
0x78: {  	_ =	shalt  }
0x79: {  	_ =	shalt  }
0x7a: {  	_ =	shalt  }
0x7b: {  	_ =	shalt  }
0x7c: {  	_ =	shalt  }
0x7d: {  	_ =	shalt  }
0x7e: {  	_ =	shalt  }
0x7f: {  	_ =	shalt  }
0x80: {  	_ =	shalt  }
0x81: {  	_ =	shalt  }
0x82: {  	_ =	shalt  }
0x83: {  	_ =	shalt  }
0x84: {  	_ =	shalt  }
0x85: {  	_ =	shalt  }
0x86: {  	_ =	shalt  }
0x87: {  	_ =	shalt  }
.Lfunc_end0:
.L_simem_size_0:
called_computation.6_lowered:
.L_overlay_start_0:
0x88: {  	s2 =	sld [smem:$0x3FD9]  }
0x89: {  	s3 =	sld [smem:$0x3FFE];
	_ =	sdelay $0x1  }
0x8a: {  	s1 =	srdreg.scid  }
0x8b: {  	s0 =	sand.u32 $0x1, s1  }
0x8c: {  	s16 =	sshll.u32 s0, $0xA;
	s2 =	sadd.s32 s3, s2  }
0x8d: {  	s2 =	sadd.s32 s2, s16  }
0x8e: {  	[smem:$0x3FC0] =	sst s2  }
0x8f: {  	_ = 	snop  }
0x90: {  	(tm) =	ssettm $0x1  }
0x91: {  	s17 =	sld [smem:$0x3FFB];
	_ =	sdelay $0x3  }
0x92: {  	_ =	strace s17  }
0x93: {  	s2 =	sld [smem:$0x3FFC];
	_ =	sdelay $0x3  }
0x94: {  	_ =	strace s2  }
0x95: {  	s2 =	sld [smem:$0x3FFD];
	_ =	sdelay $0x3  }
0x96: {  	_ =	strace s2  }
0x97: {  	_ =	strace $0x8FFFFFFF  }
0x98: {  	s18 =	sld [smem:$0x3FDB];
	_ =	sdelay $0x1  }
0x99: {  	s19 =	simm.s32 $_scs_section_size  }
0x9a: {  	s4 =	simm.s32 $_size__tile_overlayer_lowered;
	s5 =	simm.s32 $_tile_overlayer_lowered  }
0x9b: {  	s22 =	simm.s32 $0x1BFF;
	s21 =	sshll.u32 s5, $0x1;
	s2 =	sadd.s32 s19, s18  }
0x9c: {  	s6 =	simm.s32 $0x0;
	s20 =	sshll.u32 s4, $0x1;
	s4 =	sadd.s32 s21, s2  }
0x9d: {  	[timem:s6], [sflag:s22] =	dma.local [hbm:s4], s20  }
0x9e: {  	_ =	swait.ge [sflag:s22], s20  }
0x9f: {  	s3 =	ssub.s32 $0x0, s20;
	[sflag:s22] =	ssyncset.done $0x0  }
0xa0: {  	[sflag:s22] =	ssyncadd.s32 s3;
	_ =	sdelay $0x1  }
0xa1: {  	s23 =	simm.s32 $0x1B8B  }
0xa2: {  	_ =	swait.ge [sflag:s23], $0x1  }
0xa3: {  	[sflag:s23] =	ssyncset.done $0x0  }
0xa4: {  	s25 =	simm.s32 $0x1B8E;
	s24 =	sld [smem:$0x3FFE];
	[sflag:s23] =	ssyncadd.s32 $0xFFFFFFFF  }
0xa5: {  	s26 =	simm.s32 $execute0_lowered;
	[smem:$0x3FD2] =	sst s25  }
0xa6: {  	s4 =	sshll.u32 s26, $0x1;
	_ =	strace $0x80000058;
	[dreg:$0x1] =	wrdreg $0xFFFFFFFF  }
0xa7: {  	s28 =	simm.s32 $_size_execute0_lowered;
	s2 =	sadd.s32 s2, s4;
	[dreg:$0x0] =	wrdreg $0x0  }
0xa8: {  	s4 =	sshll.u32 s28, $0x1;
	[dreg:$0x2] =	wrdreg s2  }
0xa9: {  	[dreg:$0x3] =	wrdreg s4  }
0xaa: {  	[dreg:$0x4] =	wrdreg $0xC0  }
0xab: {  	_ =	task [dreg:s6], $0x5FFFF  }
0xac: {  	[dreg:$0x1] =	wrdreg $0xFFFFFFFF  }
0xad: {  	[dreg:$0x0] =	wrdreg $0x60  }
0xae: {  	[dreg:$0x2] =	wrdreg s24  }
0xaf: {  	[dreg:$0x3] =	wrdreg $0x0  }
0xb0: {  	[dreg:$0x4] =	wrdreg $0x9  }
0xb1: {  	_ =	task.clear_ibuf [dreg:s6], $0x5FFFF;
	_ =	strace $0x90000058  }
0xb2: {  	s29 =	simm.s32 $0x9;
	_ =	strace $0x8000005A  }
0xb3: {  	_ =	swait.ge [sflag:s29], $0x1  }
0xb4: {  	[sflag:s29] =	ssyncadd.s32 $0xFFFFFFFF  }
0xb5: {  	_ =	strace $0x9000005A  }
0xb6: {  	_ =	sfence  }
0xb7: {  	s30 =	sld [smem:$0x0];
	_ =	sdelay $0x2  }
0xb8: {  	s31 =	sshll.u32 s1, $0xD;
	s1 =	sshrl.u32 s1, $0x2  }
0xb9: {  	s3 =	sand.u32 $0x4000, s31;
	s1 =	sadd.s32 s1, s30  }
0xba: {  	s0 =	sor.u32 s3, s0;
	s1 =	sshll.u32 s1, $0x11  }
0xbb: {  	s0 =	sor.u32 s1, s0  }
0xbc: {  	s0 =	sadd.s32 $0x8F2B, s0  }
0xbd: {  	[sflag:s0] =	ssyncadd.remote.s32 $0x1  }
0xbe: {  	_ =	sfence.sel $0xFFFF  }
0xbf: {  	[dreg:$0x0] =	wrdreg $0xFFFFFFFF;
	(pc) =	sbr.abs _section_cstart, $3  }
0xc0: {  	[dreg:$0x1] =	wrdreg $0xFFFFFFFF  }
0xc1: {  	_ =	task.clear_ibuf [dreg:s6], $0x2FFFF;
	_ =	strace $0x9FFFFFFF  }
0xc2: {  	(tm) =	ssettm $0x7FFFFFFF  }
0xc3: {  	_ =	shalt  }
tec
execute0_lowered:
.L_overlay_start_1:
0x0: {  	(tag) =	ssettag $0x1  }
0x1: {  	s0 =	rddreg [dreg:$0x0]  }
0x2: {  	s2 =	rddreg [dreg:$0x1];
	s3 =	simm.s32 $0x0  }
0x3: {  	s13 =	stileid.u32;
	s1 =	srdreg.scid;
	s19 =	simm.s32 $0x4  }
0x4: {  	s20 =	simm.s32 $0xC400;
	s28 =	simm.s32 $0x121C0;
	s29 =	simm.s32 $0x2  }
0x5: {  	s30 =	simm.s32 $0x3;
	s31 =	simm.s32 $0x0;
	[smem:$0x7FF] =	sst s3  }
0x6: {  	s7 =	smul.u32 $0xC400, s13;
	s1 =	sand.u32 $0x1, s1;
	s4 =	sadd.s32 $0x204200, s0  }
0x7: {  	s5 =	sadd.s32 $0x2A00, s0;
	s6 =	sadd.s32 $0xC6000, s0;
	s12 =	smul.u32 $0x61A80, s13  }
0x8: {  	s10 =	sshll.u32 s13, $0x1;
	s22 =	sshll.u32 s13, $0x6;
	s8 =	smul.u32 $0xC4000, s1  }
0x9: {  	s10 =	sor.u32 s1, s10;
	s11 =	ssub.s32 $0x2, s1;
	s1 =	smul.u32 $0x30D40, s1  }
0xa: {  	_ =	strace $0x80000059;
	s9 =	sshrl.u32 s7, $0x3;
	s10 =	smul.u32 $0x30D40, s10  }
0xb: {  	s21 =	sshrl.u32 s11, $0x1;
	s18 =	sadd.s32 s7, s2;
	s9 =	sadd.s32 s9, s0  }
0xc: {  	s8 =	sadd.s32 s7, s8;
	s11 =	ssub.s32 s11, s21;
	s1 =	sadd.s32 s1, s12  }
0xd: {  	s18 =	sshrl.u32 s18, $0x3;
	s21 =	simm.s32 $0xD3A0;
	s8 =	sshrl.u32 s8, $0x3  }
0xe: {  	s23 =	sadd.s32 $0x189600, s9;
	s24 =	sshrl.u32 s10, $0x3;
	s25 =	smax.u32 s11, $0x1  }
0xf: {  	s26 =	sadd.s32 $0x1770, s1;
	s17 =	sadd.s32 $0xFA0, s1;
	[dreg:$0x3] =	wrdreg s23  }
0x10: {  	s0 =	sadd.s32 s8, s0;
	s8 =	sor.u32 $0x1C04, s22;
	[dreg:$0x5] =	wrdreg s25  }
0x11: {  	s11 =	sadd.s32 s5, s24;
	s12 =	sadd.s32 s6, s24;
	s16 =	sshrl.u32 s26, $0x3  }
0x12: {  	s22 =	simm.s32 $0x7D0;
	s23 =	simm.s32 $0xE340;
	s25 =	simm.s32 $0xCBD0  }
0x13: {  	s26 =	simm.s32 $0xDB70;
	s0 =	sadd.s32 $0x1A1E00, s0;
	s15 =	sadd.s32 s16, s6  }
0x14: {  	s16 =	sadd.s32 s16, s5;
	[dreg:$0x4] =	wrdreg s0;
	s0 =	sadd.s32 $0xFA, s24  }
0x15: {  	s24 =	simm.s32 $0x1;
	s13 =	sadd.s32 s5, s0;
	s14 =	sadd.s32 s6, s0  }
.LBB2_1:
0x16: {  	s0 =	rddreg [dreg:$0x3]  }
0x17: {  	[spmem:s18], [sflag:s8] =	dma.local [hbm:s0], $0x1880  }
0x18: {  	_ =	swait.ge [sflag:s19], $0x1880  }
0x19: {  	[sflag:s19] =	ssyncset.done $0x0  }
0x1a: {  	[sflag:s19] =	ssyncadd.s32 $0xFFFFE780  }
0x1b: {  	[bflag:$0x0] =	sbarrier.arrive $0xFFFF  }
0x1c: {  	[tilespmem:s20], [sflag:$0x4] =	stream.linear.gather [hbm4b:s11+s3], $0x7D0, $0x38;
	[tilespmem:$0x16040] =	vst v63  }
0x1d: {  	_ =	swait.ge [sflag:s19], $0x7D0  }
0x1e: {  	[sflag:s19] =	ssyncset.done $0x0  }
0x1f: {  	[sflag:s19] =	ssyncadd.s32 $0xFFFFF830  }
0x20: {  	[tilespmem:s21], [sflag:$0x4] =	stream.linear.gather [hbm4b:s12+s3], $0x7D0, $0x38;
	[tilespmem:$0x16040] =	vst v63  }
0x21: {  	_ =	swait.ge [sflag:s19], $0x7D0  }
0x22: {  	[sflag:s19] =	ssyncset.done $0x0  }
0x23: {  	[sflag:s19] =	ssyncadd.s32 $0xFFFFF830  }
0x24: {  	[tilespmem:s23], [sflag:$0x1] =	stream.indirect.gather [hbm4b:s4+s22], $0x8, s20, s22, $0xb8;
	[tilespmem:$0x16040] =	vst v63  }
0x25: {  	_ =	swait.ge [sflag:s24], $0x3E80  }
0x26: {  	[sflag:s24] =	ssyncset.done $0x0  }
0x27: {  	[sflag:s24] =	ssyncadd.s32 $0xFFFFC180  }
0x28: {  	[spmem:s2] =	stream.indirect.scatter.add.f32 [tilespmem:s23], [sflag:$0x2], $0x8, s21, s22, $0xb8;
	[tilespmem:$0x16040] =	vst v63  }
0x29: {  	_ = 	snop  }
0x2a: {  	[tilespmem:s25], [sflag:$0x4] =	stream.linear.gather [hbm4b:s13+s3], $0x7D0, $0x38;
	[tilespmem:$0x16040] =	vst v63  }
0x2b: {  	_ =	swait.ge [sflag:s19], $0x7D0  }
0x2c: {  	[sflag:s19] =	ssyncset.done $0x0  }
0x2d: {  	[sflag:s19] =	ssyncadd.s32 $0xFFFFF830  }
0x2e: {  	[tilespmem:s26], [sflag:$0x4] =	stream.linear.gather [hbm4b:s14+s3], $0x7D0, $0x38;
	[tilespmem:$0x16040] =	vst v63  }
0x2f: {  	_ =	swait.ge [sflag:s19], $0x7D0  }
0x30: {  	[sflag:s19] =	ssyncset.done $0x0  }
0x31: {  	[sflag:s19] =	ssyncadd.s32 $0xFFFFF830  }
0x32: {  	[tilespmem:s28], [sflag:$0x1] =	stream.indirect.gather [hbm4b:s4+s22], $0x8, s25, s22, $0xb8;
	[tilespmem:$0x16040] =	vst v63  }
0x33: {  	_ =	swait.ge [sflag:s24], $0x3E80  }
0x34: {  	[sflag:s24] =	ssyncset.done $0x0  }
0x35: {  	[sflag:s24] =	ssyncadd.s32 $0xFFFFC180  }
0x36: {  	[spmem:s2] =	stream.indirect.scatter.add.f32 [tilespmem:s28], [sflag:$0x3], $0x8, s26, s22, $0xb8;
	[tilespmem:$0x16040] =	vst v63  }
0x37: {  	_ =	swait.ge [sflag:s29], $0x3E80  }
0x38: {  	s7 =	sshrl.u32 s17, $0x3;
	[sflag:s29] =	ssyncset.done $0x0  }
0x39: {  	s1 =	sadd.s32 s5, s7;
	[sflag:s29] =	ssyncadd.s32 $0xFFFFC180  }
0x3a: {  	[tilespmem:s20], [sflag:$0x4] =	stream.linear.gather [hbm4b:s1+s3], $0x7D0, $0x38;
	[tilespmem:$0x16040] =	vst v63  }
0x3b: {  	_ =	swait.ge [sflag:s19], $0x7D0  }
0x3c: {  	[sflag:s19] =	ssyncset.done $0x0  }
0x3d: {  	s0 =	sadd.s32 s6, s7;
	[sflag:s19] =	ssyncadd.s32 $0xFFFFF830  }
0x3e: {  	[tilespmem:s21], [sflag:$0x4] =	stream.linear.gather [hbm4b:s0+s3], $0x7D0, $0x38;
	[tilespmem:$0x16040] =	vst v63  }
0x3f: {  	_ =	swait.ge [sflag:s19], $0x7D0  }
0x40: {  	[sflag:s19] =	ssyncset.done $0x0  }
0x41: {  	[sflag:s19] =	ssyncadd.s32 $0xFFFFF830  }
0x42: {  	[tilespmem:s23], [sflag:$0x1] =	stream.indirect.gather [hbm4b:s4+s22], $0x8, s20, s22, $0xb8;
	[tilespmem:$0x16040] =	vst v63  }
0x43: {  	_ =	swait.ge [sflag:s24], $0x3E80  }
0x44: {  	[sflag:s24] =	ssyncset.done $0x0  }
0x45: {  	[sflag:s24] =	ssyncadd.s32 $0xFFFFC180  }
0x46: {  	[spmem:s2] =	stream.indirect.scatter.add.f32 [tilespmem:s23], [sflag:$0x2], $0x8, s21, s22, $0xb8;
	[tilespmem:$0x16040] =	vst v63  }
0x47: {  	_ =	swait.ge [sflag:s30], $0x3E80  }
0x48: {  	[sflag:s30] =	ssyncset.done $0x0  }
0x49: {  	s9 =	sadd.s32 $0x0, s16;
	[sflag:s30] =	ssyncadd.s32 $0xFFFFC180  }
0x4a: {  	[tilespmem:s25], [sflag:$0x4] =	stream.linear.gather [hbm4b:s9+s3], $0x7D0, $0x38;
	[tilespmem:$0x16040] =	vst v63  }
0x4b: {  	_ =	swait.ge [sflag:s19], $0x7D0  }
0x4c: {  	[sflag:s19] =	ssyncset.done $0x0  }
0x4d: {  	s10 =	sadd.s32 $0x0, s15;
	[sflag:s19] =	ssyncadd.s32 $0xFFFFF830  }
0x4e: {  	[tilespmem:s26], [sflag:$0x4] =	stream.linear.gather [hbm4b:s10+s3], $0x7D0, $0x38;
	[tilespmem:$0x16040] =	vst v63  }
0x4f: {  	_ =	swait.ge [sflag:s19], $0x7D0  }
0x50: {  	[sflag:s19] =	ssyncset.done $0x0  }
0x51: {  	[sflag:s19] =	ssyncadd.s32 $0xFFFFF830  }
0x52: {  	[tilespmem:s28], [sflag:$0x1] =	stream.indirect.gather [hbm4b:s4+s22], $0x8, s25, s22, $0xb8;
	[tilespmem:$0x16040] =	vst v63  }
0x53: {  	_ =	swait.ge [sflag:s24], $0x3E80  }
0x54: {  	[sflag:s24] =	ssyncset.done $0x0  }
0x55: {  	s1 =	sadd.s32 $0xFA0, s17;
	s0 =	simm.s32 $0x1F4;
	[sflag:s24] =	ssyncadd.s32 $0xFFFFC180  }
.LBB2_2:
0x56: {  	[spmem:s2] =	stream.indirect.scatter.add.f32 [tilespmem:s28], [sflag:$0x3], $0x8, s26, s22, $0xb8;
	[tilespmem:$0x16040] =	vst v63  }
0x57: {  	s7 =	smov.u32 s0  }
0x58: {  	p0 =	sne.s32 s0, $0x5DC0;
	s0 =	sadd.s32 $0x1F4, s0;
	_ =	swait.ge [sflag:s29], $0x3E80  }
0x59: {  	s9 =	sshrl.u32 s1, $0x3;
	[sflag:s29] =	ssyncset.done $0x0  }
0x5a: {  	s10 =	sadd.s32 s5, s9;
	[sflag:s29] =	ssyncadd.s32 $0xFFFFC180  }
0x5b: {  	[tilespmem:s20], [sflag:$0x4] =	stream.linear.gather [hbm4b:s10+s3], $0x7D0, $0x38;
	[tilespmem:$0x16040] =	vst v63  }
0x5c: {  	_ =	swait.ge [sflag:s19], $0x7D0  }
0x5d: {  	[sflag:s19] =	ssyncset.done $0x0  }
0x5e: {  	s9 =	sadd.s32 s6, s9;
	[sflag:s19] =	ssyncadd.s32 $0xFFFFF830  }
0x5f: {  	[tilespmem:s21], [sflag:$0x4] =	stream.linear.gather [hbm4b:s9+s3], $0x7D0, $0x38;
	[tilespmem:$0x16040] =	vst v63  }
0x60: {  	_ =	swait.ge [sflag:s19], $0x7D0  }
0x61: {  	[sflag:s19] =	ssyncset.done $0x0  }
0x62: {  	[sflag:s19] =	ssyncadd.s32 $0xFFFFF830  }
0x63: {  	[tilespmem:s23], [sflag:$0x1] =	stream.indirect.gather [hbm4b:s4+s22], $0x8, s20, s22, $0xb8;
	[tilespmem:$0x16040] =	vst v63  }
0x64: {  	_ =	swait.ge [sflag:s24], $0x3E80  }
0x65: {  	[sflag:s24] =	ssyncset.done $0x0  }
0x66: {  	[sflag:s24] =	ssyncadd.s32 $0xFFFFC180  }
0x67: {  	[spmem:s2] =	stream.indirect.scatter.add.f32 [tilespmem:s23], [sflag:$0x2], $0x8, s21, s22, $0xb8;
	[tilespmem:$0x16040] =	vst v63  }
0x68: {  	_ =	swait.ge [sflag:s30], $0x3E80  }
0x69: {  	[sflag:s30] =	ssyncset.done $0x0  }
0x6a: {  	s9 =	sadd.s32 s7, s16;
	[sflag:s30] =	ssyncadd.s32 $0xFFFFC180  }
0x6b: {  	[tilespmem:s25], [sflag:$0x4] =	stream.linear.gather [hbm4b:s9+s3], $0x7D0, $0x38;
	[tilespmem:$0x16040] =	vst v63  }
0x6c: {  	_ =	swait.ge [sflag:s19], $0x7D0  }
0x6d: {  	[sflag:s19] =	ssyncset.done $0x0  }
0x6e: {  	s7 =	sadd.s32 s7, s15;
	[sflag:s19] =	ssyncadd.s32 $0xFFFFF830  }
0x6f: {  	[tilespmem:s26], [sflag:$0x4] =	stream.linear.gather [hbm4b:s7+s3], $0x7D0, $0x38;
	[tilespmem:$0x16040] =	vst v63  }
0x70: {  	_ =	swait.ge [sflag:s19], $0x7D0  }
0x71: {  	[sflag:s19] =	ssyncset.done $0x0  }
.Ltmp0:
0x72: {  	[sflag:s19] =	ssyncadd.s32 $0xFFFFF830;
	(pc) =	sbr.rel @p0 .LBB2_2-.Ltmp0, $4  }
0x73: {  	[tilespmem:s28], [sflag:$0x1] =	stream.indirect.gather [hbm4b:s4+s22], $0x8, s25, s22, $0xb8;
	[tilespmem:$0x16040] =	vst v63  }
0x74: {  	_ =	swait.ge [sflag:s24], $0x3E80  }
0x75: {  	[sflag:s24] =	ssyncset.done $0x0  }
0x76: {  	s1 =	sadd.s32 $0xFA0, s1;
	[sflag:s24] =	ssyncadd.s32 $0xFFFFC180  }
0x77: {  	[spmem:s2] =	stream.indirect.scatter.add.f32 [tilespmem:s28], [sflag:$0x3], $0x8, s26, s22, $0xb8;
	[tilespmem:$0x16040] =	vst v63  }
0x78: {  	_ =	swait.ge [sflag:s29], $0x3E80  }
0x79: {  	[sflag:s29] =	ssyncset.done $0x0  }
0x7a: {  	[sflag:s29] =	ssyncadd.s32 $0xFFFFC180  }
0x7b: {  	_ =	swait.ge [sflag:s30], $0x3E80  }
0x7c: {  	[sflag:s30] =	ssyncset.done $0x0  }
0x7d: {  	[sflag:s30] =	ssyncadd.s32 $0xFFFFC180  }
0x7e: {  	[bflag:$0x0] =	sbarrier.arrive $0xFFFF  }
0x7f: {  	s0 =	rddreg [dreg:$0x4]  }
0x80: {  	[hbm:s0], [sflag:s8] =	dma.local [spmem:s18], $0x1880  }
0x81: {  	_ =	swait.ge [sflag:s19], $0x1880  }
0x82: {  	s31 =	sadd.s32 $0x1, s31;
	s10 =	rddreg [dreg:$0x5]  }
0x83: {  	p0 =	sne.s32 s31, s10  }
.Ltmp1:
0x84: {  	_ = 	snop;
	(pc) =	sbr.rel @p0 .LBB2_1-.Ltmp1, $3  }
0x85: {  	_ =	sdelay $0x1  }
0x86: {  	[sflag:s19] =	ssyncset.done $0x0  }
0x87: {  	[sflag:s19] =	ssyncadd.s32 $0xFFFFE780  }
0x88: {  	_ =	sfence.sel $0x180000  }
0x89: {  	[bflag:$0x0] =	sbarrier.arrive $0xFFFF  }
0x8a: {  	_ =	strace $0x90000059  }
0x8b: {  	s0 =	stileid.u32;
	[bflag:$0x2] =	sbarrier.arrive $0xFFFF  }
0x8c: {  	p0 =	sne.s32 s0, $0x0;
	s0 =	rddreg [dreg:$0x2]  }
0x8d: {  	s0 =	sadd.s32 @!p0 $0x100000, s0  }
0x8e: {  	[sflag:s0] =	ssyncadd.tile.s32 @!p0 $0x1;
	_ =	shalt  }
.Lfunc_end2:
_tile_overlayer_lowered:
.L_overlay_start_2:
0x8f: {  	(tag) =	ssettag $0x2  }
0x90: {  	s0 =	rddreg [dreg:$0x0];
	s2 =	stileid.u32  }
0x91: {  	s1 =	rddreg [dreg:$0x1];
	p0 =	sne.s32 s2, $0x0  }
0x92: {  	s3 =	rddreg [dreg:$0x2];
	[bflag:$0x3] =	sbarrier.arrive $0xFFFF;
	s2 =	simm.s32 @!p0 $0x1C04  }
0x93: {  	[timem:s3], [sflag:s2] =	dma.local @!p0 [hbm:s0], s1  }
0x94: {  	s0 =	simm.s32 @!p0 $0x4  }
0x95: {  	_ =	swait.ge @!p0 [sflag:s0], s1  }
0x96: {  	s1 =	ssub.s32 @!p0 $0x0, s1;
	[sflag:s0] =	ssyncset.done @!p0 $0x0  }
0x97: {  	[sflag:s0] =	ssyncadd.s32 @!p0 s1  }
0x98: {  	[bflag:$0x3] =	sbarrier.arrive $0xFFFF  }
0x99: {  	_ =	shalt  }

// kernel: kernel.31.cloned.1.call-start
scs
__scs_entry_jumppad:
0x0: {  	(pc) =	sbr.rel $0x88, $3  }
0x1: {  	(tag) =	ssettag $0x0;
	lr =	simm.s32 $0x1  }
0x2: {  	[smem:$0x3F99] =	sst lr;
	_ =	strace $0xD0000000  }
0x3: {  	_ = 	snop  }
0x4: {  	_ = 	snop  }
0x5: {  	_ = 	snop  }
0x6: {  	_ = 	snop  }
0x7: {  	_ = 	snop  }
__scs_overlays_trampoline_lowered:
0x8: {  	[smem:$0x3FA8] =	sst s0  }
0x9: {  	[smem:$0x3FA9] =	sst s1  }
0xa: {  	[smem:$0x3FAA] =	sst s2  }
0xb: {  	[smem:$0x3FAB] =	sst s3  }
0xc: {  	[smem:$0x3FAC] =	sst s4  }
0xd: {  	[smem:$0x3FAD] =	sst s5  }
0xe: {  	[smem:$0x3FAE] =	sst s6  }
0xf: {  	[smem:$0x3FAF] =	sst s7  }
0x10: {  	[smem:$0x3FB0] =	sst s8  }
0x11: {  	[smem:$0x3FB1] =	sst s9;
	s0 =	simm.s32 @!p0 $0x0  }
0x12: {  	s1 =	sld [smem:$0x3F97];
	s0 =	simm.s32 @p0 $0x1  }
0x13: {  	[smem:$0x3FB2] =	sst s0;
	s0 =	simm.s32 @!p1 $0x0  }
0x14: {  	s2 =	sld [smem:$0x3F96];
	s0 =	simm.s32 @p1 $0x1  }
0x15: {  	[smem:$0x3FB3] =	sst s0;
	s0 =	simm.s32 @!p2 $0x0  }
0x16: {  	s3 =	sld [smem:$0x3FDB];
	s0 =	simm.s32 @p2 $0x1  }
0x17: {  	s4 =	simm.s32 $0x1BF5;
	[smem:$0x3FB5] =	sst s0  }
0x18: {  	s0 =	sld [smem:$0x3F98];
	_ =	swait.ge [sflag:s4], $0x0  }
0x19: {  	s7 =	sld [smem:$0x3F99]  }
0x1a: {  	s8 =	sadd.s32 $0xFFFFE003, lr  }
0x1b: {  	s9 =	sadd.s32 $0xFFFFFEF7, lr;
	s5 =	simm.s32 $0xFFFFFFFF;
	p2 =	slt.u32 s8, $0xFFFFF086  }
0x1c: {  	p1 =	slt.u32 s9, $0xF7A;
	s5 =	simm.s32 @!p2 $0x0  }
0x1d: {  	s5 =	simm.s32 @p1 $0x1;
	p0 =	seq.s32 s7, s2  }
0x1e: {  	s7 =	smul.u32 @!p0 $0xF7A, s2;
	p2 =	seq.s32 @!p0 s5, $0x0  }
0x1f: {  	s9 =	smul.u32 $0xF7A, s1;
	s8 =	simm.s32 @!p0 $0x1BF5;
	p2 =	por !p2, p0  }
0x20: {  	[sflag:s8] =	ssyncset.s32 @!p0 $0xFFFFF086;
	s6 =	sadd.s32 @!p0 s3, s7;
	s7 =	simm.s32 @!p0 $0x108  }
0x21: {  	s3 =	sadd.s32 s3, s9;
	s6 =	sadd.s32 @!p0 $0x88, s6;
	s7 =	simm.s32 @p2 $0x1082  }
0x22: {  	[simem:s7], [sflag:s8] =	dma.local @!p0 [hbm:s6], $0xF7A  }
0x23: {  	s9 =	sor.u32 $0xD0000000, s2;
	s6 =	simm.s32 $0x108;
	_ =	swait.ge @!p0 [sflag:s8], $0x0  }
0x24: {  	s3 =	sadd.s32 $0x88, s3;
	s6 =	simm.s32 @!p1 $0x1082;
	[sflag:s4] =	ssyncset.s32 $0xFFFFF086  }
0x25: {  	[simem:s6], [sflag:s4] =	dma.local [hbm:s3], $0xF7A  }
0x26: {  	[smem:$0x3F99] =	sst s1;
	(tag) =	ssettag s2;
	_ =	strace s9  }
0x27: {  	s1 =	sld [smem:$0x3FA9]  }
0x28: {  	s2 =	sld [smem:$0x3FAA]  }
0x29: {  	s4 =	sld [smem:$0x3FAC]  }
0x2a: {  	p0 =	seq.s32 s5, $0x0;
	s5 =	sld [smem:$0x3FAD]  }
0x2b: {  	s6 =	sld [smem:$0x3FAE]  }
0x2c: {  	s7 =	sld [smem:$0x3FAF]  }
0x2d: {  	s3 =	simm.s32 $0x108;
	s8 =	sld [smem:$0x3FB0]  }
0x2e: {  	s3 =	simm.s32 @!p0 $0x1082;
	s9 =	sld [smem:$0x3FB1]  }
0x2f: {  	lr =	sadd.s32 s0, s3;
	s0 =	sld [smem:$0x3FA8]  }
0x30: {  	s3 =	sld [smem:$0x3FAB]  }
0x31: {  	[smem:$0x3FB4] =	sst s10  }
0x32: {  	s10 =	sld [smem:$0x3FB2];
	_ =	sdelay $0x3  }
0x33: {  	p0 =	seq.s32 s10, $0x1;
	s10 =	sld [smem:$0x3FB4];
	_ =	sdelay $0x3  }
0x34: {  	[smem:$0x3FB4] =	sst s10  }
0x35: {  	s10 =	sld [smem:$0x3FB3];
	_ =	sdelay $0x3  }
0x36: {  	p1 =	seq.s32 s10, $0x1;
	s10 =	sld [smem:$0x3FB4];
	_ =	sdelay $0x3  }
0x37: {  	[smem:$0x3FB4] =	sst s10  }
0x38: {  	s10 =	sld [smem:$0x3FB5]  }
0x39: {  	_ = 	snop;
	(pc) =	sbr.ind lr, $3  }
0x3a: {  	_ = 	snop  }
0x3b: {  	_ = 	snop  }
0x3c: {  	p2 =	seq.s32 s10, $0x1;
	s10 =	sld [smem:$0x3FB4]  }
0x3d: {  	_ =	shalt  }
0x3e: {  	_ =	shalt  }
0x3f: {  	_ =	shalt  }
0x40: {  	_ =	shalt  }
0x41: {  	_ =	shalt  }
0x42: {  	_ =	shalt  }
0x43: {  	_ =	shalt  }
0x44: {  	_ =	shalt  }
0x45: {  	_ =	shalt  }
0x46: {  	_ =	shalt  }
0x47: {  	_ =	shalt  }
0x48: {  	_ =	shalt  }
0x49: {  	_ =	shalt  }
0x4a: {  	_ =	shalt  }
0x4b: {  	_ =	shalt  }
0x4c: {  	_ =	shalt  }
0x4d: {  	_ =	shalt  }
0x4e: {  	_ =	shalt  }
0x4f: {  	_ =	shalt  }
0x50: {  	_ =	shalt  }
0x51: {  	_ =	shalt  }
0x52: {  	_ =	shalt  }
0x53: {  	_ =	shalt  }
0x54: {  	_ =	shalt  }
0x55: {  	_ =	shalt  }
0x56: {  	_ =	shalt  }
0x57: {  	_ =	shalt  }
0x58: {  	_ =	shalt  }
0x59: {  	_ =	shalt  }
0x5a: {  	_ =	shalt  }
0x5b: {  	_ =	shalt  }
0x5c: {  	_ =	shalt  }
0x5d: {  	_ =	shalt  }
0x5e: {  	_ =	shalt  }
0x5f: {  	_ =	shalt  }
0x60: {  	_ =	shalt  }
0x61: {  	_ =	shalt  }
0x62: {  	_ =	shalt  }
0x63: {  	_ =	shalt  }
0x64: {  	_ =	shalt  }
0x65: {  	_ =	shalt  }
0x66: {  	_ =	shalt  }
0x67: {  	_ =	shalt  }
0x68: {  	_ =	shalt  }
0x69: {  	_ =	shalt  }
0x6a: {  	_ =	shalt  }
0x6b: {  	_ =	shalt  }
0x6c: {  	_ =	shalt  }
0x6d: {  	_ =	shalt  }
0x6e: {  	_ =	shalt  }
0x6f: {  	_ =	shalt  }
0x70: {  	_ =	shalt  }
0x71: {  	_ =	shalt  }
0x72: {  	_ =	shalt  }
0x73: {  	_ =	shalt  }
0x74: {  	_ =	shalt  }
0x75: {  	_ =	shalt  }
0x76: {  	_ =	shalt  }
0x77: {  	_ =	shalt  }
0x78: {  	_ =	shalt  }
0x79: {  	_ =	shalt  }
0x7a: {  	_ =	shalt  }
0x7b: {  	_ =	shalt  }
0x7c: {  	_ =	shalt  }
0x7d: {  	_ =	shalt  }
0x7e: {  	_ =	shalt  }
0x7f: {  	_ =	shalt  }
0x80: {  	_ =	shalt  }
0x81: {  	_ =	shalt  }
0x82: {  	_ =	shalt  }
0x83: {  	_ =	shalt  }
0x84: {  	_ =	shalt  }
0x85: {  	_ =	shalt  }
0x86: {  	_ =	shalt  }
0x87: {  	_ =	shalt  }
.Lfunc_end0:
.L_simem_size_0:
called_computation.7_lowered:
.L_overlay_start_0:
0x88: {  	s2 =	sld [smem:$0x3FD9]  }
0x89: {  	s3 =	sld [smem:$0x3FFE];
	_ =	sdelay $0x1  }
0x8a: {  	s1 =	srdreg.scid  }
0x8b: {  	s0 =	sand.u32 $0x1, s1  }
0x8c: {  	s17 =	sshll.u32 s0, $0xA;
	s2 =	sadd.s32 s3, s2  }
0x8d: {  	s2 =	sadd.s32 s2, s17  }
0x8e: {  	[smem:$0x3FC0] =	sst s2  }
0x8f: {  	_ = 	snop  }
0x90: {  	s2 =	sld [smem:$0x3FD0];
	(tm) =	ssettm $0x1  }
0x91: {  	s18 =	sld [smem:$0x3FFB];
	_ =	sdelay $0x3  }
0x92: {  	_ =	strace s18  }
0x93: {  	s3 =	sld [smem:$0x3FFC];
	_ =	sdelay $0x3  }
0x94: {  	_ =	strace s3  }
0x95: {  	s3 =	sld [smem:$0x3FFD];
	_ =	sdelay $0x3  }
0x96: {  	_ =	strace s3  }
0x97: {  	_ =	strace $0x8FFFFFFF  }
0x98: {  	s19 =	sld [smem:$0x3FDB];
	_ =	sdelay $0x1  }
0x99: {  	s4 =	simm.s32 $_scs_section_size  }
0x9a: {  	s5 =	simm.s32 $_size__tile_overlayer_lowered;
	s6 =	simm.s32 $_tile_overlayer_lowered  }
0x9b: {  	s22 =	simm.s32 $0x1BFF;
	s21 =	sshll.u32 s6, $0x1;
	s3 =	sadd.s32 s4, s19  }
0x9c: {  	s7 =	simm.s32 $0x0;
	s20 =	sshll.u32 s5, $0x1;
	s5 =	sadd.s32 s21, s3  }
0x9d: {  	[timem:s7], [sflag:s22] =	dma.local [hbm:s5], s20  }
0x9e: {  	_ =	swait.ge [sflag:s22], s20  }
0x9f: {  	s4 =	ssub.s32 $0x0, s20;
	[sflag:s22] =	ssyncset.done $0x0  }
0xa0: {  	[sflag:s22] =	ssyncadd.s32 s4;
	_ =	sdelay $0x1  }
0xa1: {  	s23 =	simm.s32 $0x1B8B  }
0xa2: {  	_ =	swait.ge [sflag:s23], $0x1  }
0xa3: {  	[sflag:s23] =	ssyncset.done $0x0  }
0xa4: {  	s25 =	simm.s32 $0x1B8E;
	s24 =	sld [smem:$0x3FFE];
	[sflag:s23] =	ssyncadd.s32 $0xFFFFFFFF  }
0xa5: {  	s26 =	simm.s32 $execute0_lowered;
	[smem:$0x3FD2] =	sst s25  }
0xa6: {  	s5 =	sshll.u32 s26, $0x1;
	_ =	strace $0x8000005B;
	[dreg:$0x1] =	wrdreg $0xFFFFFFFF  }
0xa7: {  	s28 =	simm.s32 $_size_execute0_lowered;
	s3 =	sadd.s32 s3, s5;
	[dreg:$0x0] =	wrdreg $0x0  }
0xa8: {  	s5 =	sshll.u32 s28, $0x1;
	[dreg:$0x2] =	wrdreg s3  }
0xa9: {  	[dreg:$0x3] =	wrdreg s5  }
0xaa: {  	[dreg:$0x4] =	wrdreg $0xC0  }
0xab: {  	_ =	task [dreg:s7], $0x5FFFF  }
0xac: {  	[dreg:$0x1] =	wrdreg $0xFFFFFFFF  }
0xad: {  	[dreg:$0x0] =	wrdreg $0x60  }
0xae: {  	[dreg:$0x2] =	wrdreg s24  }
0xaf: {  	[dreg:$0x3] =	wrdreg s2  }
0xb0: {  	[dreg:$0x4] =	wrdreg $0x9  }
0xb1: {  	_ =	task.clear_ibuf [dreg:s7], $0x5FFFF;
	_ =	strace $0x9000005B  }
0xb2: {  	s29 =	simm.s32 $0x9;
	_ =	strace $0x8000005D  }
0xb3: {  	_ =	swait.ge [sflag:s29], $0x1  }
0xb4: {  	[sflag:s29] =	ssyncadd.s32 $0xFFFFFFFF  }
0xb5: {  	_ =	strace $0x9000005D  }
0xb6: {  	_ =	sfence  }
0xb7: {  	s30 =	sld [smem:$0x0];
	_ =	sdelay $0x2  }
0xb8: {  	s31 =	sshll.u32 s1, $0xD;
	s1 =	sshrl.u32 s1, $0x2  }
0xb9: {  	s3 =	sand.u32 $0x4000, s31;
	s1 =	sadd.s32 s1, s30  }
0xba: {  	s0 =	sor.u32 s3, s0;
	s1 =	sshll.u32 s1, $0x11  }
0xbb: {  	s0 =	sor.u32 s1, s0  }
0xbc: {  	s0 =	sadd.s32 $0x8F2B, s0  }
0xbd: {  	[sflag:s0] =	ssyncadd.remote.s32 $0x1  }
0xbe: {  	_ =	sfence.sel $0xFFFF  }
0xbf: {  	[dreg:$0x0] =	wrdreg $0xFFFFFFFF;
	(pc) =	sbr.abs _section_cstart, $3  }
0xc0: {  	[dreg:$0x1] =	wrdreg $0xFFFFFFFF  }
0xc1: {  	_ =	task.clear_ibuf [dreg:s7], $0x2FFFF;
	_ =	strace $0x9FFFFFFF  }
0xc2: {  	(tm) =	ssettm $0x7FFFFFFF  }
0xc3: {  	_ =	shalt  }
tec
execute0_lowered:
.L_overlay_start_1:
0x0: {  	(tag) =	ssettag $0x1  }
0x1: {  	s1 =	srdreg.scid;
	s4 =	rddreg [dreg:$0x0]  }
0x2: {  	s0 =	stileid.u32;
	s7 =	rddreg [dreg:$0x1]  }
0x3: {  	s2 =	simm.s32 $0x0;
	s12 =	simm.s32 $0xC400;
	s13 =	simm.s32 $0x12600  }
0x4: {  	s14 =	simm.s32 $0x14AC0;
	s3 =	sand.u32 $0x1, s1;
	s31 =	sshll.u32 s0, $0x1  }
0x5: {  	s15 =	simm.s32 $0x13240;
	s1 =	rddreg [dreg:$0x2];
	s5 =	sor.u32 s3, s31  }
0x6: {  	s16 =	simm.s32 $0x0;
	[smem:$0x7FF] =	sst s2;
	s6 =	smul.u32 $0x6200, s5  }
0x7: {  	_ =	strace $0x8000005C;
	s9 =	ssub.s32 $0x2, s3;
	s8 =	smul.u32 $0x310, s5  }
0x8: {  	s3 =	sadd.s32 $0x1D2E00, s4;
	s10 =	sshrl.u32 s9, $0x1;
	s11 =	smul.u32 $0x188, s5  }
0x9: {  	s9 =	ssub.s32 s9, s10;
	s10 =	simm.s32 $0x1;
	s6 =	sshrl.u32 s6, $0x3  }
0xa: {  	s8 =	sadd.s32 s8, s4;
	s7 =	sadd.s32 s7, s11;
	s6 =	sadd.s32 s6, s4  }
0xb: {  	v1 =	vlaneseq.u32;
	s11 =	simm.s32 $0x6200;
	s8 =	sadd.s32 $0x1D3000, s8;
	s4 =	sadd.s32 $0x1A1E00, s6  }
0xc: {  	v0 =	vand.u32 $0x1, v1;
	v1 =	vshrl.u32 v1, $0x1;
	s9 =	smax.u32 s9, $0x1;
	s5 =	sadd.s32 $0x1BA600, s6;
	s6 =	sadd.s32 $0x204200, s6  }
.LBB2_1:
0xd: {  	[tilespmem:s2], [sflag:$0x1] =	stream.linear.gather [hbm4b:s4+s2], $0x6200, $0x38;
	[tilespmem:$0x14AD0] =	vst v63  }
0xe: {  	_ =	swait.ge [sflag:s10], $0x6200  }
0xf: {  	[sflag:s10] =	ssyncset.done $0x0  }
0x10: {  	[sflag:s10] =	ssyncadd.s32 $0xFFFF9E00  }
0x11: {  	[tilespmem:s11], [sflag:$0x1] =	stream.linear.gather [hbm4b:s5+s2], $0x6200, $0x38;
	[tilespmem:$0x14AD0] =	vst v63  }
0x12: {  	_ =	swait.ge [sflag:s10], $0x6200  }
0x13: {  	[sflag:s10] =	ssyncset.done $0x0  }
0x14: {  	[sflag:s10] =	ssyncadd.s32 $0xFFFF9E00  }
0x15: {  	[tilespmem:s12], [sflag:$0x1] =	stream.linear.gather [hbm4b:s6+s2], $0x6200, $0x38;
	[tilespmem:$0x14AD0] =	vst v63  }
0x16: {  	_ =	swait.ge [sflag:s10], $0x6200  }
0x17: {  	[sflag:s10] =	ssyncset.done $0x0  }
0x18: {  	[sflag:s10] =	ssyncadd.s32 $0xFFFF9E00  }
0x19: {  	[tilespmem:s13], [sflag:$0x1] =	stream.linear.gather [hbm4b:s7+s2], $0xC40, $0x38;
	[tilespmem:$0x14AD0] =	vst v63  }
0x1a: {  	v2 =	vor.u32 s2, v1;
	_ =	swait.ge [sflag:s10], $0xC40  }
0x1b: {  	v3 =	vshll.u32 v2, $0x3;
	[sflag:s10] =	ssyncset.done $0x0  }
0x1c: {  	v3 =	vor.u32 v0, v3;
	[sflag:s10] =	ssyncadd.s32 $0xFFFFF3C0  }
0x1d: {  	[tilespmem:s14], [sflag:$0x1] =	stream.linear.gather [hbm4b:s3+s2], $0x10, $0x38;
	[tilespmem:$0x14AD0] =	vst v63  }
0x1e: {  	_ =	swait.ge [sflag:s10], $0x10  }
0x1f: {  	[sflag:s10] =	ssyncset.done $0x0  }
0x20: {  	[sflag:s10] =	ssyncadd.s32 $0xFFFFFFF0  }
0x21: {  	v4 =	vld.idx.msk [tilespmem:v3+s11+$0x0], $0xffff  }
0x22: {  	v5 =	vld.idx.msk [tilespmem:v3+s2+$0x0], $0xffff;
	_ =	sdelay $0x1  }
0x23: {  	v3 =	vld.idx.msk [tilespmem:v3+s12+$0x0], $0xffff;
	_ =	sdelay $0x1  }
0x24: {  	v6 =	vld.idx.msk [tilespmem:v2+s13+$0x0], $0xffff  }
0x25: {  	v4 =	vadd.f32 v4, v5  }
0x26: {  	s17 =	simm.s32 $0x8;
	v2 =	vld.idx.msk [tilespmem:v0+s14+$0x0], $0xffff  }
0x27: {  	v5 =	vor.u32 s17, v1;
	v3 =	vadd.f32 v3, v4  }
0x28: {  	v4 =	vshll.u32 v5, $0x3  }
0x29: {  	v4 =	vor.u32 v0, v4;
	v3 =	vmul.f32 v3, v6;
	_ =	sdelay $0x1  }
0x2a: {  	v3 =	vadd.f32 v3, v2;
	_ =	sdelay $0x1  }
0x2b: {  	[tilespmem:s15+$0x0] =	vst v3  }
0x2c: {  	v3 =	vld.idx.msk [tilespmem:v4+s11+$0x0], $0xffff  }
0x2d: {  	v6 =	vld.idx.msk [tilespmem:v4+s2+$0x0], $0xffff;
	_ =	sdelay $0x1  }
0x2e: {  	v7 =	vld.idx.msk [tilespmem:v4+s12+$0x0], $0xffff;
	_ =	sdelay $0x1  }
0x2f: {  	v4 =	vld.idx.msk [tilespmem:v5+s13+$0x0], $0xffff  }
0x30: {  	v6 =	vadd.f32 v3, v6  }
0x31: {  	s31 =	simm.s32 $0x10  }
0x32: {  	v3 =	vor.u32 s31, v1;
	v5 =	vadd.f32 v7, v6  }
0x33: {  	s18 =	simm.s32 $0x18;
	s17 =	simm.s32 $0x13240;
	v6 =	vshll.u32 v3, $0x3  }
.LBB2_2:
0x34: {  	p0 =	sne.s32 s18, $0xC38;
	v6 =	vor.u32 v0, v6;
	v4 =	vmul.f32 v5, v4;
	_ =	sdelay $0x1  }
0x35: {  	v4 =	vadd.f32 v4, v2  }
0x36: {  	s17 =	sadd.s32 $0x10, s17  }
0x37: {  	[tilespmem:s17+$0x0] =	vst v4  }
0x38: {  	v5 =	vld.idx.msk [tilespmem:v6+s11+$0x0], $0xffff  }
0x39: {  	v7 =	vld.idx.msk [tilespmem:v6+s2+$0x0], $0xffff;
	_ =	sdelay $0x1  }
0x3a: {  	v6 =	vld.idx.msk [tilespmem:v6+s12+$0x0], $0xffff;
	_ =	sdelay $0x1  }
0x3b: {  	v4 =	vld.idx.msk [tilespmem:v3+s13+$0x0], $0xffff  }
.Ltmp0:
0x3c: {  	(pc) =	sbr.rel @p0 .LBB2_2-.Ltmp0, $3  }
0x3d: {  	v5 =	vadd.f32 v5, v7;
	_ =	sdelay $0x1  }
0x3e: {  	v3 =	vor.u32 s18, v1;
	v5 =	vadd.f32 v6, v5  }
0x3f: {  	s18 =	sadd.s32 $0x8, s18;
	v6 =	vshll.u32 v3, $0x3  }
0x40: {  	v6 =	vor.u32 v0, v6;
	v4 =	vmul.f32 v5, v4;
	_ =	sdelay $0x1  }
0x41: {  	v4 =	vadd.f32 v4, v2  }
0x42: {  	s17 =	sadd.s32 $0x10, s17  }
0x43: {  	[tilespmem:s17+$0x0] =	vst v4  }
0x44: {  	v4 =	vld.idx.msk [tilespmem:v6+s11+$0x0], $0xffff  }
0x45: {  	v63 =	vld.idx.msk [tilespmem:v6+s2+$0x0], $0xffff;
	_ =	sdelay $0x1  }
0x46: {  	v6 =	vld.idx.msk [tilespmem:v6+s12+$0x0], $0xffff;
	_ =	sdelay $0x1  }
0x47: {  	v3 =	vld.idx.msk [tilespmem:v3+s13+$0x0], $0xffff  }
0x48: {  	v4 =	vadd.f32 v4, v63;
	_ =	sdelay $0x1  }
0x49: {  	v4 =	vadd.f32 v6, v4;
	_ =	sdelay $0x1  }
0x4a: {  	v3 =	vmul.f32 v4, v3;
	_ =	sdelay $0x1  }
0x4b: {  	s16 =	sadd.s32 $0x1, s16;
	v2 =	vadd.f32 v3, v2  }
0x4c: {  	p0 =	sne.s32 s16, s9;
	s17 =	sadd.s32 $0x10, s17  }
.Ltmp1:
0x4d: {  	[tilespmem:s17+$0x0] =	vst v2;
	(pc) =	sbr.rel @p0 .LBB2_1-.Ltmp1, $4  }
0x4e: {  	[hbm4b:s8+s2] =	stream.linear.scatter [tilespmem:s15], [sflag:$0x1], $0x1880, $0x38;
	[tilespmem:$0x14AD0] =	vst v63  }
0x4f: {  	_ =	swait.ge [sflag:s10], $0x1880  }
0x50: {  	[sflag:s10] =	ssyncset.done $0x0  }
0x51: {  	[sflag:s10] =	ssyncadd.s32 $0xFFFFE780  }
0x52: {  	_ =	sfence.sel $0x180000  }
0x53: {  	[bflag:$0x0] =	sbarrier.arrive $0xFFFF  }
0x54: {  	p0 =	sne.s32 s0, $0x0;
	_ =	strace $0x9000005C  }
0x55: {  	s0 =	sadd.s32 @!p0 $0x100000, s1;
	[bflag:$0x2] =	sbarrier.arrive $0xFFFF  }
0x56: {  	[sflag:s0] =	ssyncadd.tile.s32 @!p0 $0x1;
	_ =	shalt  }
.Lfunc_end2:
_tile_overlayer_lowered:
.L_overlay_start_2:
0x57: {  	(tag) =	ssettag $0x2  }
0x58: {  	s0 =	rddreg [dreg:$0x0];
	s2 =	stileid.u32  }
0x59: {  	s1 =	rddreg [dreg:$0x1];
	p0 =	sne.s32 s2, $0x0  }
0x5a: {  	s3 =	rddreg [dreg:$0x2];
	[bflag:$0x3] =	sbarrier.arrive $0xFFFF;
	s2 =	simm.s32 @!p0 $0x1C01  }
0x5b: {  	[timem:s3], [sflag:s2] =	dma.local @!p0 [hbm:s0], s1  }
0x5c: {  	s0 =	simm.s32 @!p0 $0x1  }
0x5d: {  	_ =	swait.ge @!p0 [sflag:s0], s1  }
0x5e: {  	s1 =	ssub.s32 @!p0 $0x0, s1;
	[sflag:s0] =	ssyncset.done @!p0 $0x0  }
0x5f: {  	[sflag:s0] =	ssyncadd.s32 @!p0 s1  }
0x60: {  	[bflag:$0x3] =	sbarrier.arrive $0xFFFF  }
0x61: {  	_ =	shalt  }

</sc_bundles>
